<compile_context>
chip_gen: v7x
topology: tpu7x:2x2x1
jax: 0.10.2.dev20260603
libtpu: 0.0.44.dev20260713+nightly
codegen_flags: <defaults>
</compile_context>

<pallas_src>
import jax
import jax.numpy as jnp
from jax import lax
from jax.experimental import pallas as pl
from jax.experimental.pallas import tpu as pltpu
from jax.experimental.pallas import tpu_sc as plsc

B = 16384
D = 16
V = 100000

_INFO = plsc.get_sparse_core_info()
_NC = _INFO.num_cores
_NS = _INFO.num_subcores
_NW = _NC * _NS
_BPW = B // _NW
_Q = 128
_NQ = _BPW // _Q
_NSTEP = 2 * _NQ
_NBUF = 6


def _body(contrib_table, recip_table, contrib_idx, recip_idx,
          xr_out, xc_out,
          idx_rv, idx_cv,
          b0, b1, b2, b3, b4, b5,
          sem_ir, sem_ic, sem_gr, sem_gc, sem_wr, sem_wc):
    wid = lax.axis_index("s") * _NC + lax.axis_index("c")
    base = wid * _BPW
    sl = pl.ds(base, _BPW)
    ir = pltpu.async_copy(recip_idx.at[sl], idx_rv, sem_ir)
    ic = pltpu.async_copy(contrib_idx.at[sl], idx_cv, sem_ic)
    ir.wait()
    ic.wait()

    bufs = (b0, b1, b2, b3, b4, b5)
    tabs = (recip_table, contrib_table)
    idxs = (idx_rv, idx_cv)
    outs = (xr_out, xc_out)
    gsems = (sem_gr, sem_gc)
    wsems = (sem_wr, sem_wc)

    def issue(k):
        t, q, buf = k % 2, k // 2, bufs[k % _NBUF]
        tab, idx_v = tabs[t], idxs[t]

        def grp(g, _):
            j0 = q * _Q + g * 16
            v = idx_v[pl.ds(j0, 16)]
            for l in range(16):
                pltpu.async_copy(tab.at[pl.ds(v[l], 1)],
                                 buf.at[pl.ds(g * 16 + l, 1)], gsems[t])
            return 0

        lax.fori_loop(0, _Q // 16, grp, 0)

    def drain_write(k):
        t, q, buf = k % 2, k // 2, bufs[k % _NBUF]
        o = pl.ds(base + q * _Q, _Q)
        pltpu.make_async_copy(outs[t].at[o], buf, gsems[t]).wait()
        return pltpu.async_copy(buf, outs[t].at[o], wsems[t])

    wh = [None] * _NSTEP
    for k in range(_NSTEP):
        if k >= _NBUF:
            d = k - _NBUF
            wh[d] = drain_write(d)
            wh[d].wait()
        issue(k)
    for d in range(_NSTEP):
        if wh[d] is None:
            wh[d] = drain_write(d)
    for d in range(_NSTEP - _NBUF, _NSTEP):
        wh[d].wait()


@jax.jit
def kernel(contrib_table, recip_table, contrib_idx, recip_idx):
    mesh = plsc.VectorSubcoreMesh(core_axis_name="c", subcore_axis_name="s")
    xr, xc = pl.kernel(
        _body,
        mesh=mesh,
        out_type=(
            jax.ShapeDtypeStruct((B, D), jnp.float32),
            jax.ShapeDtypeStruct((B, D), jnp.float32),
        ),
        scratch_types=[
            pltpu.VMEM((_BPW,), jnp.int32),
            pltpu.VMEM((_BPW,), jnp.int32),
            pltpu.VMEM((_Q, D), jnp.float32),
            pltpu.VMEM((_Q, D), jnp.float32),
            pltpu.VMEM((_Q, D), jnp.float32),
            pltpu.VMEM((_Q, D), jnp.float32),
            pltpu.VMEM((_Q, D), jnp.float32),
            pltpu.VMEM((_Q, D), jnp.float32),
            pltpu.SemaphoreType.DMA,
            pltpu.SemaphoreType.DMA,
            pltpu.SemaphoreType.DMA,
            pltpu.SemaphoreType.DMA,
            pltpu.SemaphoreType.DMA,
            pltpu.SemaphoreType.DMA,
        ],
        compiler_params=pltpu.CompilerParams(needs_layout_passes=False),
    )(contrib_table, recip_table, contrib_idx, recip_idx)
    return xr, xc

# --- scband reference (transcript-rebuilt; emitter-appended) ---
"""Pipeline reference for scband-contributor-model-88347477278809 (READ-ONLY COPY).

The authoritative reference and input builder live on the scoring server;
editing this copy changes nothing except your own understanding.
"""

import jax, jax.numpy as jnp
import numpy as np

B = 16384
VC = 100000  # number of contributors
VR = 100000  # number of recipients
D = 16       # embedding_dim


def setup_inputs(seed: int = 0) -> dict:
    key = jax.random.key(seed)
    k1, k2, k3, k4 = jax.random.split(key, 4)
    # Learned parameters: the ParameterDict of per-contributor / per-recipient
    # embedding vectors is materialized as two dense embedding tables
    # (torch.randn * 0.01 init, matching the original module).
    contrib_table = jax.random.normal(k1, (VC, D), dtype=jnp.float32) * 0.01
    recip_table = jax.random.normal(k2, (VR, D), dtype=jnp.float32) * 0.01
    # Forward args: string/id keys become integer indices into the tables.
    contrib_idx = jax.random.randint(k3, (B,), 0, VC, dtype=jnp.int32)
    recip_idx = jax.random.randint(k4, (B,), 0, VR, dtype=jnp.int32)
    return {
        "contrib_table": contrib_table,
        "recip_table": recip_table,
        "contrib_idx": contrib_idx,
        "recip_idx": recip_idx,
    }


def reference(contrib_table, recip_table, contrib_idx, recip_idx):
    # contributor_recipient_forward: row-gather from each embedding table.
    # (Original loops over python keys filling xc/xr row by row; the vectorized
    # equivalent is a plain embedding gather per index.)
    xc = jnp.take(contrib_table, contrib_idx, axis=0)  # [B, D]
    xr = jnp.take(recip_table, recip_idx, axis=0)      # [B, D]
    return (xr, xc)

if __name__ == "__main__":
    import jax
    _d = setup_inputs()
    print(jax.jit(kernel)(*tuple(_d.values())))

</pallas_src>

<mosaic_0001>
#map = affine_map<(d0, d1) -> (0, 0)>
#map1 = affine_map<(d0, d1) -> (0)>
module attributes {stable_mosaic.version = 14 : i64} {
  func.func @_body(%arg0: i32, %arg1: i32, %arg2: memref<100000x16xf32, #tpu.memory_space<hbm>>, %arg3: memref<100000x16xf32, #tpu.memory_space<hbm>>, %arg4: memref<16384xi32, #tpu.memory_space<hbm>>, %arg5: memref<16384xi32, #tpu.memory_space<hbm>>, %arg6: memref<16384x16xf32, #tpu.memory_space<hbm>>, %arg7: memref<16384x16xf32, #tpu.memory_space<hbm>>, %arg8: memref<512xi32, #tpu.memory_space<vmem>>, %arg9: memref<512xi32, #tpu.memory_space<vmem>>, %arg10: memref<128x16xf32, #tpu.memory_space<vmem>>, %arg11: memref<128x16xf32, #tpu.memory_space<vmem>>, %arg12: memref<128x16xf32, #tpu.memory_space<vmem>>, %arg13: memref<128x16xf32, #tpu.memory_space<vmem>>, %arg14: memref<128x16xf32, #tpu.memory_space<vmem>>, %arg15: memref<128x16xf32, #tpu.memory_space<vmem>>, %arg16: memref<!tpu.dma_semaphore, #tpu.memory_space<semaphore_mem>>, %arg17: memref<!tpu.dma_semaphore, #tpu.memory_space<semaphore_mem>>, %arg18: memref<!tpu.dma_semaphore, #tpu.memory_space<semaphore_mem>>, %arg19: memref<!tpu.dma_semaphore, #tpu.memory_space<semaphore_mem>>, %arg20: memref<!tpu.dma_semaphore, #tpu.memory_space<semaphore_mem>>, %arg21: memref<!tpu.dma_semaphore, #tpu.memory_space<semaphore_mem>>) attributes {dimension_semantics = [#tpu.dimension_semantics<core_parallel>, #tpu.dimension_semantics<subcore_parallel>], iteration_bounds = array<i64: 2, 16>, scalar_prefetch = 0 : i64, scratch_operands = 14 : i64, tpu.core_type = #tpu.core_type<sc_vector_subcore>, window_params = [{transform_indices = #map}, {transform_indices = #map}, {transform_indices = #map1}, {transform_indices = #map1}, {transform_indices = #map}, {transform_indices = #map}]} {
    %mul3A = arith.constant 2 : i32
    %mul3A_0 = arith.muli %arg1, %mul3A : i32
    %add3A = arith.addi %mul3A_0, %arg0 : i32
    %mul3A_1 = arith.constant 512 : i32
    %mul3A_2 = arith.muli %add3A, %mul3A_1 : i32
    %dma_start3A = tpu.memref_slice %arg5[%mul3A_2] : memref<16384xi32, #tpu.memory_space<hbm>> -> memref<512xi32, #tpu.memory_space<hbm>>
    %dma_start3A_3 = tpu.memref_slice %arg5[%mul3A_2] : memref<16384xi32, #tpu.memory_space<hbm>> -> memref<512xi32, #tpu.memory_space<hbm>>
    tpu.enqueue_dma source(%dma_start3A_3 : memref<512xi32, #tpu.memory_space<hbm>>) target(%arg8 : memref<512xi32, #tpu.memory_space<vmem>>) target_semaphore(%arg16 : memref<!tpu.dma_semaphore, #tpu.memory_space<semaphore_mem>>)
    %dma_start3A_4 = tpu.memref_slice %arg4[%mul3A_2] : memref<16384xi32, #tpu.memory_space<hbm>> -> memref<512xi32, #tpu.memory_space<hbm>>
    %dma_start3A_5 = tpu.memref_slice %arg4[%mul3A_2] : memref<16384xi32, #tpu.memory_space<hbm>> -> memref<512xi32, #tpu.memory_space<hbm>>
    tpu.enqueue_dma source(%dma_start3A_5 : memref<512xi32, #tpu.memory_space<hbm>>) target(%arg9 : memref<512xi32, #tpu.memory_space<vmem>>) target_semaphore(%arg17 : memref<!tpu.dma_semaphore, #tpu.memory_space<semaphore_mem>>)
    %dma_wait3A = tpu.memref_slice %arg5[%mul3A_2] : memref<16384xi32, #tpu.memory_space<hbm>> -> memref<512xi32, #tpu.memory_space<hbm>>
    %dma_wait3A_6 = tpu.memref_slice %arg5[%mul3A_2] : memref<16384xi32, #tpu.memory_space<hbm>> -> memref<512xi32, #tpu.memory_space<hbm>>
    tpu.wait_dma2 semaphore(%arg16 : memref<!tpu.dma_semaphore, #tpu.memory_space<semaphore_mem>>) src(%dma_wait3A_6 : memref<512xi32, #tpu.memory_space<hbm>>) dst(%arg8 : memref<512xi32, #tpu.memory_space<vmem>>)
    %dma_wait3A_7 = tpu.memref_slice %arg4[%mul3A_2] : memref<16384xi32, #tpu.memory_space<hbm>> -> memref<512xi32, #tpu.memory_space<hbm>>
    %dma_wait3A_8 = tpu.memref_slice %arg4[%mul3A_2] : memref<16384xi32, #tpu.memory_space<hbm>> -> memref<512xi32, #tpu.memory_space<hbm>>
    tpu.wait_dma2 semaphore(%arg17 : memref<!tpu.dma_semaphore, #tpu.memory_space<semaphore_mem>>) src(%dma_wait3A_8 : memref<512xi32, #tpu.memory_space<hbm>>) dst(%arg9 : memref<512xi32, #tpu.memory_space<vmem>>)
    %scan3A = arith.constant 0 : i32
    %scan3A_9 = arith.constant 0 : i32
    %scan3A_10 = arith.constant 8 : i32
    %scan3A_11 = arith.addi %scan3A_9, %scan3A_10 : i32
    %scan3A_12 = arith.constant 1 : i32
    %scan3A_13 = scf.for %scan3A_176 = %scan3A_9 to %scan3A_11 step %scan3A_12 iter_args(%scan3A_177 = %scan3A) -> (i32)  : i32 {
      %mul3A_178 = arith.constant 16 : i32
      %mul3A_179 = arith.muli %scan3A_176, %mul3A_178 : i32
      %add3A_180 = arith.constant 0 : i32
      %add3A_181 = arith.addi %add3A_180, %mul3A_179 : i32
      %get3A = arith.index_cast %add3A_181 : i32 to index
      %get3A_182 = tpu.vector_load %arg8[%get3A] {strides = array<i32>} : memref<512xi32, #tpu.memory_space<vmem>>, vector<16xi32>,
      %slice3A = vector.extract_strided_slice %get3A_182 {offsets = [0], sizes = [1], strides = [1]} : vector<16xi32> to vector<1xi32>
      %squeeze3A = vector.extract %slice3A[0] : i32 from vector<1xi32>
      %mul3A_183 = arith.constant 16 : i32
      %mul3A_184 = arith.muli %scan3A_176, %mul3A_183 : i32
      %add3A_185 = arith.constant 0 : i32
      %add3A_186 = arith.addi %mul3A_184, %add3A_185 : i32
      %dma_start3A_187 = arith.constant 0 : i32
      %dma_start3A_188 = tpu.memref_slice %arg10[%add3A_186, %dma_start3A_187] : memref<128x16xf32, #tpu.memory_space<vmem>> -> memref<1x16xf32, #tpu.memory_space<vmem>>
      %dma_start3A_189 = arith.constant 0 : i32
      %dma_start3A_190 = tpu.memref_slice %arg3[%squeeze3A, %dma_start3A_189] : memref<100000x16xf32, #tpu.memory_space<hbm>> -> memref<1x16xf32, #tpu.memory_space<hbm>>
      %dma_start3A_191 = arith.constant 0 : i32
      %dma_start3A_192 = tpu.memref_slice %arg10[%add3A_186, %dma_start3A_191] : memref<128x16xf32, #tpu.memory_space<vmem>> -> memref<1x16xf32, #tpu.memory_space<vmem>>
      %dma_start3A_193 = arith.constant 0 : i32
      %dma_start3A_194 = tpu.memref_slice %arg3[%squeeze3A, %dma_start3A_193] : memref<100000x16xf32, #tpu.memory_space<hbm>> -> memref<1x16xf32, #tpu.memory_space<hbm>>
      tpu.enqueue_dma source(%dma_start3A_194 : memref<1x16xf32, #tpu.memory_space<hbm>>) target(%dma_start3A_192 : memref<1x16xf32, #tpu.memory_space<vmem>>) target_semaphore(%arg18 : memref<!tpu.dma_semaphore, #tpu.memory_space<semaphore_mem>>)
      %slice3A_195 = vector.extract_strided_slice %get3A_182 {offsets = [1], sizes = [1], strides = [1]} : vector<16xi32> to vector<1xi32>
      %squeeze3A_196 = vector.extract %slice3A_195[0] : i32 from vector<1xi32>
      %mul3A_197 = arith.constant 16 : i32
      %mul3A_198 = arith.muli %scan3A_176, %mul3A_197 : i32
      %add3A_199 = arith.constant 1 : i32
      %add3A_200 = arith.addi %mul3A_198, %add3A_199 : i32
      %dma_start3A_201 = arith.constant 0 : i32
      %dma_start3A_202 = tpu.memref_slice %arg10[%add3A_200, %dma_start3A_201] : memref<128x16xf32, #tpu.memory_space<vmem>> -> memref<1x16xf32, #tpu.memory_space<vmem>>
      %dma_start3A_203 = arith.constant 0 : i32
      %dma_start3A_204 = tpu.memref_slice %arg3[%squeeze3A_196, %dma_start3A_203] : memref<100000x16xf32, #tpu.memory_space<hbm>> -> memref<1x16xf32, #tpu.memory_space<hbm>>
      %dma_start3A_205 = arith.constant 0 : i32
      %dma_start3A_206 = tpu.memref_slice %arg10[%add3A_200, %dma_start3A_205] : memref<128x16xf32, #tpu.memory_space<vmem>> -> memref<1x16xf32, #tpu.memory_space<vmem>>
      %dma_start3A_207 = arith.constant 0 : i32
      %dma_start3A_208 = tpu.memref_slice %arg3[%squeeze3A_196, %dma_start3A_207] : memref<100000x16xf32, #tpu.memory_space<hbm>> -> memref<1x16xf32, #tpu.memory_space<hbm>>
      tpu.enqueue_dma source(%dma_start3A_208 : memref<1x16xf32, #tpu.memory_space<hbm>>) target(%dma_start3A_206 : memref<1x16xf32, #tpu.memory_space<vmem>>) target_semaphore(%arg18 : memref<!tpu.dma_semaphore, #tpu.memory_space<semaphore_mem>>)
      %slice3A_209 = vector.extract_strided_slice %get3A_182 {offsets = [2], sizes = [1], strides = [1]} : vector<16xi32> to vector<1xi32>
      %squeeze3A_210 = vector.extract %slice3A_209[0] : i32 from vector<1xi32>
      %mul3A_211 = arith.constant 16 : i32
      %mul3A_212 = arith.muli %scan3A_176, %mul3A_211 : i32
      %add3A_213 = arith.constant 2 : i32
      %add3A_214 = arith.addi %mul3A_212, %add3A_213 : i32
      %dma_start3A_215 = arith.constant 0 : i32
      %dma_start3A_216 = tpu.memref_slice %arg10[%add3A_214, %dma_start3A_215] : memref<128x16xf32, #tpu.memory_space<vmem>> -> memref<1x16xf32, #tpu.memory_space<vmem>>
      %dma_start3A_217 = arith.constant 0 : i32
      %dma_start3A_218 = tpu.memref_slice %arg3[%squeeze3A_210, %dma_start3A_217] : memref<100000x16xf32, #tpu.memory_space<hbm>> -> memref<1x16xf32, #tpu.memory_space<hbm>>
      %dma_start3A_219 = arith.constant 0 : i32
      %dma_start3A_220 = tpu.memref_slice %arg10[%add3A_214, %dma_start3A_219] : memref<128x16xf32, #tpu.memory_space<vmem>> -> memref<1x16xf32, #tpu.memory_space<vmem>>
      %dma_start3A_221 = arith.constant 0 : i32
      %dma_start3A_222 = tpu.memref_slice %arg3[%squeeze3A_210, %dma_start3A_221] : memref<100000x16xf32, #tpu.memory_space<hbm>> -> memref<1x16xf32, #tpu.memory_space<hbm>>
      tpu.enqueue_dma source(%dma_start3A_222 : memref<1x16xf32, #tpu.memory_space<hbm>>) target(%dma_start3A_220 : memref<1x16xf32, #tpu.memory_space<vmem>>) target_semaphore(%arg18 : memref<!tpu.dma_semaphore, #tpu.memory_space<semaphore_mem>>)
      %slice3A_223 = vector.extract_strided_slice %get3A_182 {offsets = [3], sizes = [1], strides = [1]} : vector<16xi32> to vector<1xi32>
      %squeeze3A_224 = vector.extract %slice3A_223[0] : i32 from vector<1xi32>
      %mul3A_225 = arith.constant 16 : i32
      %mul3A_226 = arith.muli %scan3A_176, %mul3A_225 : i32
      %add3A_227 = arith.constant 3 : i32
      %add3A_228 = arith.addi %mul3A_226, %add3A_227 : i32
      %dma_start3A_229 = arith.constant 0 : i32
      %dma_start3A_230 = tpu.memref_slice %arg10[%add3A_228, %dma_start3A_229] : memref<128x16xf32, #tpu.memory_space<vmem>> -> memref<1x16xf32, #tpu.memory_space<vmem>>
      %dma_start3A_231 = arith.constant 0 : i32
      %dma_start3A_232 = tpu.memref_slice %arg3[%squeeze3A_224, %dma_start3A_231] : memref<100000x16xf32, #tpu.memory_space<hbm>> -> memref<1x16xf32, #tpu.memory_space<hbm>>
      %dma_start3A_233 = arith.constant 0 : i32
      %dma_start3A_234 = tpu.memref_slice %arg10[%add3A_228, %dma_start3A_233] : memref<128x16xf32, #tpu.memory_space<vmem>> -> memref<1x16xf32, #tpu.memory_space<vmem>>
      %dma_start3A_235 = arith.constant 0 : i32
      %dma_start3A_236 = tpu.memref_slice %arg3[%squeeze3A_224, %dma_start3A_235] : memref<100000x16xf32, #tpu.memory_space<hbm>> -> memref<1x16xf32, #tpu.memory_space<hbm>>
      tpu.enqueue_dma source(%dma_start3A_236 : memref<1x16xf32, #tpu.memory_space<hbm>>) target(%dma_start3A_234 : memref<1x16xf32, #tpu.memory_space<vmem>>) target_semaphore(%arg18 : memref<!tpu.dma_semaphore, #tpu.memory_space<semaphore_mem>>)
      %slice3A_237 = vector.extract_strided_slice %get3A_182 {offsets = [4], sizes = [1], strides = [1]} : vector<16xi32> to vector<1xi32>
      %squeeze3A_238 = vector.extract %slice3A_237[0] : i32 from vector<1xi32>
      %mul3A_239 = arith.constant 16 : i32
      %mul3A_240 = arith.muli %scan3A_176, %mul3A_239 : i32
      %add3A_241 = arith.constant 4 : i32
      %add3A_242 = arith.addi %mul3A_240, %add3A_241 : i32
      %dma_start3A_243 = arith.constant 0 : i32
      %dma_start3A_244 = tpu.memref_slice %arg10[%add3A_242, %dma_start3A_243] : memref<128x16xf32, #tpu.memory_space<vmem>> -> memref<1x16xf32, #tpu.memory_space<vmem>>
      %dma_start3A_245 = arith.constant 0 : i32
      %dma_start3A_246 = tpu.memref_slice %arg3[%squeeze3A_238, %dma_start3A_245] : memref<100000x16xf32, #tpu.memory_space<hbm>> -> memref<1x16xf32, #tpu.memory_space<hbm>>
      %dma_start3A_247 = arith.constant 0 : i32
      %dma_start3A_248 = tpu.memref_slice %arg10[%add3A_242, %dma_start3A_247] : memref<128x16xf32, #tpu.memory_space<vmem>> -> memref<1x16xf32, #tpu.memory_space<vmem>>
      %dma_start3A_249 = arith.constant 0 : i32
      %dma_start3A_250 = tpu.memref_slice %arg3[%squeeze3A_238, %dma_start3A_249] : memref<100000x16xf32, #tpu.memory_space<hbm>> -> memref<1x16xf32, #tpu.memory_space<hbm>>
      tpu.enqueue_dma source(%dma_start3A_250 : memref<1x16xf32, #tpu.memory_space<hbm>>) target(%dma_start3A_248 : memref<1x16xf32, #tpu.memory_space<vmem>>) target_semaphore(%arg18 : memref<!tpu.dma_semaphore, #tpu.memory_space<semaphore_mem>>)
      %slice3A_251 = vector.extract_strided_slice %get3A_182 {offsets = [5], sizes = [1], strides = [1]} : vector<16xi32> to vector<1xi32>
      %squeeze3A_252 = vector.extract %slice3A_251[0] : i32 from vector<1xi32>
      %mul3A_253 = arith.constant 16 : i32
      %mul3A_254 = arith.muli %scan3A_176, %mul3A_253 : i32
      %add3A_255 = arith.constant 5 : i32
      %add3A_256 = arith.addi %mul3A_254, %add3A_255 : i32
      %dma_start3A_257 = arith.constant 0 : i32
      %dma_start3A_258 = tpu.memref_slice %arg10[%add3A_256, %dma_start3A_257] : memref<128x16xf32, #tpu.memory_space<vmem>> -> memref<1x16xf32, #tpu.memory_space<vmem>>
      %dma_start3A_259 = arith.constant 0 : i32
      %dma_start3A_260 = tpu.memref_slice %arg3[%squeeze3A_252, %dma_start3A_259] : memref<100000x16xf32, #tpu.memory_space<hbm>> -> memref<1x16xf32, #tpu.memory_space<hbm>>
      %dma_start3A_261 = arith.constant 0 : i32
      %dma_start3A_262 = tpu.memref_slice %arg10[%add3A_256, %dma_start3A_261] : memref<128x16xf32, #tpu.memory_space<vmem>> -> memref<1x16xf32, #tpu.memory_space<vmem>>
      %dma_start3A_263 = arith.constant 0 : i32
      %dma_start3A_264 = tpu.memref_slice %arg3[%squeeze3A_252, %dma_start3A_263] : memref<100000x16xf32, #tpu.memory_space<hbm>> -> memref<1x16xf32, #tpu.memory_space<hbm>>
      tpu.enqueue_dma source(%dma_start3A_264 : memref<1x16xf32, #tpu.memory_space<hbm>>) target(%dma_start3A_262 : memref<1x16xf32, #tpu.memory_space<vmem>>) target_semaphore(%arg18 : memref<!tpu.dma_semaphore, #tpu.memory_space<semaphore_mem>>)
      %slice3A_265 = vector.extract_strided_slice %get3A_182 {offsets = [6], sizes = [1], strides = [1]} : vector<16xi32> to vector<1xi32>
      %squeeze3A_266 = vector.extract %slice3A_265[0] : i32 from vector<1xi32>
      %mul3A_267 = arith.constant 16 : i32
      %mul3A_268 = arith.muli %scan3A_176, %mul3A_267 : i32
      %add3A_269 = arith.constant 6 : i32
      %add3A_270 = arith.addi %mul3A_268, %add3A_269 : i32
      %dma_start3A_271 = arith.constant 0 : i32
      %dma_start3A_272 = tpu.memref_slice %arg10[%add3A_270, %dma_start3A_271] : memref<128x16xf32, #tpu.memory_space<vmem>> -> memref<1x16xf32, #tpu.memory_space<vmem>>
      %dma_start3A_273 = arith.constant 0 : i32
      %dma_start3A_274 = tpu.memref_slice %arg3[%squeeze3A_266, %dma_start3A_273] : memref<100000x16xf32, #tpu.memory_space<hbm>> -> memref<1x16xf32, #tpu.memory_space<hbm>>
      %dma_start3A_275 = arith.constant 0 : i32
      %dma_start3A_276 = tpu.memref_slice %arg10[%add3A_270, %dma_start3A_275] : memref<128x16xf32, #tpu.memory_space<vmem>> -> memref<1x16xf32, #tpu.memory_space<vmem>>
      %dma_start3A_277 = arith.constant 0 : i32
      %dma_start3A_278 = tpu.memref_slice %arg3[%squeeze3A_266, %dma_start3A_277] : memref<100000x16xf32, #tpu.memory_space<hbm>> -> memref<1x16xf32, #tpu.memory_space<hbm>>
      tpu.enqueue_dma source(%dma_start3A_278 : memref<1x16xf32, #tpu.memory_space<hbm>>) target(%dma_start3A_276 : memref<1x16xf32, #tpu.memory_space<vmem>>) target_semaphore(%arg18 : memref<!tpu.dma_semaphore, #tpu.memory_space<semaphore_mem>>)
      %slice3A_279 = vector.extract_strided_slice %get3A_182 {offsets = [7], sizes = [1], strides = [1]} : vector<16xi32> to vector<1xi32>
      %squeeze3A_280 = vector.extract %slice3A_279[0] : i32 from vector<1xi32>
      %mul3A_281 = arith.constant 16 : i32
      %mul3A_282 = arith.muli %scan3A_176, %mul3A_281 : i32
      %add3A_283 = arith.constant 7 : i32
      %add3A_284 = arith.addi %mul3A_282, %add3A_283 : i32
      %dma_start3A_285 = arith.constant 0 : i32
      %dma_start3A_286 = tpu.memref_slice %arg10[%add3A_284, %dma_start3A_285] : memref<128x16xf32, #tpu.memory_space<vmem>> -> memref<1x16xf32, #tpu.memory_space<vmem>>
      %dma_start3A_287 = arith.constant 0 : i32
      %dma_start3A_288 = tpu.memref_slice %arg3[%squeeze3A_280, %dma_start3A_287] : memref<100000x16xf32, #tpu.memory_space<hbm>> -> memref<1x16xf32, #tpu.memory_space<hbm>>
      %dma_start3A_289 = arith.constant 0 : i32
      %dma_start3A_290 = tpu.memref_slice %arg10[%add3A_284, %dma_start3A_289] : memref<128x16xf32, #tpu.memory_space<vmem>> -> memref<1x16xf32, #tpu.memory_space<vmem>>
      %dma_start3A_291 = arith.constant 0 : i32
      %dma_start3A_292 = tpu.memref_slice %arg3[%squeeze3A_280, %dma_start3A_291] : memref<100000x16xf32, #tpu.memory_space<hbm>> -> memref<1x16xf32, #tpu.memory_space<hbm>>
      tpu.enqueue_dma source(%dma_start3A_292 : memref<1x16xf32, #tpu.memory_space<hbm>>) target(%dma_start3A_290 : memref<1x16xf32, #tpu.memory_space<vmem>>) target_semaphore(%arg18 : memref<!tpu.dma_semaphore, #tpu.memory_space<semaphore_mem>>)
      %slice3A_293 = vector.extract_strided_slice %get3A_182 {offsets = [8], sizes = [1], strides = [1]} : vector<16xi32> to vector<1xi32>
      %squeeze3A_294 = vector.extract %slice3A_293[0] : i32 from vector<1xi32>
      %mul3A_295 = arith.constant 16 : i32
      %mul3A_296 = arith.muli %scan3A_176, %mul3A_295 : i32
      %add3A_297 = arith.constant 8 : i32
      %add3A_298 = arith.addi %mul3A_296, %add3A_297 : i32
      %dma_start3A_299 = arith.constant 0 : i32
      %dma_start3A_300 = tpu.memref_slice %arg10[%add3A_298, %dma_start3A_299] : memref<128x16xf32, #tpu.memory_space<vmem>> -> memref<1x16xf32, #tpu.memory_space<vmem>>
      %dma_start3A_301 = arith.constant 0 : i32
      %dma_start3A_302 = tpu.memref_slice %arg3[%squeeze3A_294, %dma_start3A_301] : memref<100000x16xf32, #tpu.memory_space<hbm>> -> memref<1x16xf32, #tpu.memory_space<hbm>>
      %dma_start3A_303 = arith.constant 0 : i32
      %dma_start3A_304 = tpu.memref_slice %arg10[%add3A_298, %dma_start3A_303] : memref<128x16xf32, #tpu.memory_space<vmem>> -> memref<1x16xf32, #tpu.memory_space<vmem>>
      %dma_start3A_305 = arith.constant 0 : i32
      %dma_start3A_306 = tpu.memref_slice %arg3[%squeeze3A_294, %dma_start3A_305] : memref<100000x16xf32, #tpu.memory_space<hbm>> -> memref<1x16xf32, #tpu.memory_space<hbm>>
      tpu.enqueue_dma source(%dma_start3A_306 : memref<1x16xf32, #tpu.memory_space<hbm>>) target(%dma_start3A_304 : memref<1x16xf32, #tpu.memory_space<vmem>>) target_semaphore(%arg18 : memref<!tpu.dma_semaphore, #tpu.memory_space<semaphore_mem>>)
      %slice3A_307 = vector.extract_strided_slice %get3A_182 {offsets = [9], sizes = [1], strides = [1]} : vector<16xi32> to vector<1xi32>
      %squeeze3A_308 = vector.extract %slice3A_307[0] : i32 from vector<1xi32>
      %mul3A_309 = arith.constant 16 : i32
      %mul3A_310 = arith.muli %scan3A_176, %mul3A_309 : i32
      %add3A_311 = arith.constant 9 : i32
      %add3A_312 = arith.addi %mul3A_310, %add3A_311 : i32
      %dma_start3A_313 = arith.constant 0 : i32
      %dma_start3A_314 = tpu.memref_slice %arg10[%add3A_312, %dma_start3A_313] : memref<128x16xf32, #tpu.memory_space<vmem>> -> memref<1x16xf32, #tpu.memory_space<vmem>>
      %dma_start3A_315 = arith.constant 0 : i32
      %dma_start3A_316 = tpu.memref_slice %arg3[%squeeze3A_308, %dma_start3A_315] : memref<100000x16xf32, #tpu.memory_space<hbm>> -> memref<1x16xf32, #tpu.memory_space<hbm>>
      %dma_start3A_317 = arith.constant 0 : i32
      %dma_start3A_318 = tpu.memref_slice %arg10[%add3A_312, %dma_start3A_317] : memref<128x16xf32, #tpu.memory_space<vmem>> -> memref<1x16xf32, #tpu.memory_space<vmem>>
      %dma_start3A_319 = arith.constant 0 : i32
      %dma_start3A_320 = tpu.memref_slice %arg3[%squeeze3A_308, %dma_start3A_319] : memref<100000x16xf32, #tpu.memory_space<hbm>> -> memref<1x16xf32, #tpu.memory_space<hbm>>
      tpu.enqueue_dma source(%dma_start3A_320 : memref<1x16xf32, #tpu.memory_space<hbm>>) target(%dma_start3A_318 : memref<1x16xf32, #tpu.memory_space<vmem>>) target_semaphore(%arg18 : memref<!tpu.dma_semaphore, #tpu.memory_space<semaphore_mem>>)
      %slice3A_321 = vector.extract_strided_slice %get3A_182 {offsets = [10], sizes = [1], strides = [1]} : vector<16xi32> to vector<1xi32>
      %squeeze3A_322 = vector.extract %slice3A_321[0] : i32 from vector<1xi32>
      %mul3A_323 = arith.constant 16 : i32
      %mul3A_324 = arith.muli %scan3A_176, %mul3A_323 : i32
      %add3A_325 = arith.constant 10 : i32
      %add3A_326 = arith.addi %mul3A_324, %add3A_325 : i32
      %dma_start3A_327 = arith.constant 0 : i32
      %dma_start3A_328 = tpu.memref_slice %arg10[%add3A_326, %dma_start3A_327] : memref<128x16xf32, #tpu.memory_space<vmem>> -> memref<1x16xf32, #tpu.memory_space<vmem>>
      %dma_start3A_329 = arith.constant 0 : i32
      %dma_start3A_330 = tpu.memref_slice %arg3[%squeeze3A_322, %dma_start3A_329] : memref<100000x16xf32, #tpu.memory_space<hbm>> -> memref<1x16xf32, #tpu.memory_space<hbm>>
      %dma_start3A_331 = arith.constant 0 : i32
      %dma_start3A_332 = tpu.memref_slice %arg10[%add3A_326, %dma_start3A_331] : memref<128x16xf32, #tpu.memory_space<vmem>> -> memref<1x16xf32, #tpu.memory_space<vmem>>
      %dma_start3A_333 = arith.constant 0 : i32
      %dma_start3A_334 = tpu.memref_slice %arg3[%squeeze3A_322, %dma_start3A_333] : memref<100000x16xf32, #tpu.memory_space<hbm>> -> memref<1x16xf32, #tpu.memory_space<hbm>>
      tpu.enqueue_dma source(%dma_start3A_334 : memref<1x16xf32, #tpu.memory_space<hbm>>) target(%dma_start3A_332 : memref<1x16xf32, #tpu.memory_space<vmem>>) target_semaphore(%arg18 : memref<!tpu.dma_semaphore, #tpu.memory_space<semaphore_mem>>)
      %slice3A_335 = vector.extract_strided_slice %get3A_182 {offsets = [11], sizes = [1], strides = [1]} : vector<16xi32> to vector<1xi32>
      %squeeze3A_336 = vector.extract %slice3A_335[0] : i32 from vector<1xi32>
      %mul3A_337 = arith.constant 16 : i32
      %mul3A_338 = arith.muli %scan3A_176, %mul3A_337 : i32
      %add3A_339 = arith.constant 11 : i32
      %add3A_340 = arith.addi %mul3A_338, %add3A_339 : i32
      %dma_start3A_341 = arith.constant 0 : i32
      %dma_start3A_342 = tpu.memref_slice %arg10[%add3A_340, %dma_start3A_341] : memref<128x16xf32, #tpu.memory_space<vmem>> -> memref<1x16xf32, #tpu.memory_space<vmem>>
      %dma_start3A_343 = arith.constant 0 : i32
      %dma_start3A_344 = tpu.memref_slice %arg3[%squeeze3A_336, %dma_start3A_343] : memref<100000x16xf32, #tpu.memory_space<hbm>> -> memref<1x16xf32, #tpu.memory_space<hbm>>
      %dma_start3A_345 = arith.constant 0 : i32
      %dma_start3A_346 = tpu.memref_slice %arg10[%add3A_340, %dma_start3A_345] : memref<128x16xf32, #tpu.memory_space<vmem>> -> memref<1x16xf32, #tpu.memory_space<vmem>>
      %dma_start3A_347 = arith.constant 0 : i32
      %dma_start3A_348 = tpu.memref_slice %arg3[%squeeze3A_336, %dma_start3A_347] : memref<100000x16xf32, #tpu.memory_space<hbm>> -> memref<1x16xf32, #tpu.memory_space<hbm>>
      tpu.enqueue_dma source(%dma_start3A_348 : memref<1x16xf32, #tpu.memory_space<hbm>>) target(%dma_start3A_346 : memref<1x16xf32, #tpu.memory_space<vmem>>) target_semaphore(%arg18 : memref<!tpu.dma_semaphore, #tpu.memory_space<semaphore_mem>>)
      %slice3A_349 = vector.extract_strided_slice %get3A_182 {offsets = [12], sizes = [1], strides = [1]} : vector<16xi32> to vector<1xi32>
      %squeeze3A_350 = vector.extract %slice3A_349[0] : i32 from vector<1xi32>
      %mul3A_351 = arith.constant 16 : i32
      %mul3A_352 = arith.muli %scan3A_176, %mul3A_351 : i32
      %add3A_353 = arith.constant 12 : i32
      %add3A_354 = arith.addi %mul3A_352, %add3A_353 : i32
      %dma_start3A_355 = arith.constant 0 : i32
      %dma_start3A_356 = tpu.memref_slice %arg10[%add3A_354, %dma_start3A_355] : memref<128x16xf32, #tpu.memory_space<vmem>> -> memref<1x16xf32, #tpu.memory_space<vmem>>
      %dma_start3A_357 = arith.constant 0 : i32
      %dma_start3A_358 = tpu.memref_slice %arg3[%squeeze3A_350, %dma_start3A_357] : memref<100000x16xf32, #tpu.memory_space<hbm>> -> memref<1x16xf32, #tpu.memory_space<hbm>>
      %dma_start3A_359 = arith.constant 0 : i32
      %dma_start3A_360 = tpu.memref_slice %arg10[%add3A_354, %dma_start3A_359] : memref<128x16xf32, #tpu.memory_space<vmem>> -> memref<1x16xf32, #tpu.memory_space<vmem>>
      %dma_start3A_361 = arith.constant 0 : i32
      %dma_start3A_362 = tpu.memref_slice %arg3[%squeeze3A_350, %dma_start3A_361] : memref<100000x16xf32, #tpu.memory_space<hbm>> -> memref<1x16xf32, #tpu.memory_space<hbm>>
      tpu.enqueue_dma source(%dma_start3A_362 : memref<1x16xf32, #tpu.memory_space<hbm>>) target(%dma_start3A_360 : memref<1x16xf32, #tpu.memory_space<vmem>>) target_semaphore(%arg18 : memref<!tpu.dma_semaphore, #tpu.memory_space<semaphore_mem>>)
      %slice3A_363 = vector.extract_strided_slice %get3A_182 {offsets = [13], sizes = [1], strides = [1]} : vector<16xi32> to vector<1xi32>
      %squeeze3A_364 = vector.extract %slice3A_363[0] : i32 from vector<1xi32>
      %mul3A_365 = arith.constant 16 : i32
      %mul3A_366 = arith.muli %scan3A_176, %mul3A_365 : i32
      %add3A_367 = arith.constant 13 : i32
      %add3A_368 = arith.addi %mul3A_366, %add3A_367 : i32
      %dma_start3A_369 = arith.constant 0 : i32
      %dma_start3A_370 = tpu.memref_slice %arg10[%add3A_368, %dma_start3A_369] : memref<128x16xf32, #tpu.memory_space<vmem>> -> memref<1x16xf32, #tpu.memory_space<vmem>>
      %dma_start3A_371 = arith.constant 0 : i32
      %dma_start3A_372 = tpu.memref_slice %arg3[%squeeze3A_364, %dma_start3A_371] : memref<100000x16xf32, #tpu.memory_space<hbm>> -> memref<1x16xf32, #tpu.memory_space<hbm>>
      %dma_start3A_373 = arith.constant 0 : i32
      %dma_start3A_374 = tpu.memref_slice %arg10[%add3A_368, %dma_start3A_373] : memref<128x16xf32, #tpu.memory_space<vmem>> -> memref<1x16xf32, #tpu.memory_space<vmem>>
      %dma_start3A_375 = arith.constant 0 : i32
      %dma_start3A_376 = tpu.memref_slice %arg3[%squeeze3A_364, %dma_start3A_375] : memref<100000x16xf32, #tpu.memory_space<hbm>> -> memref<1x16xf32, #tpu.memory_space<hbm>>
      tpu.enqueue_dma source(%dma_start3A_376 : memref<1x16xf32, #tpu.memory_space<hbm>>) target(%dma_start3A_374 : memref<1x16xf32, #tpu.memory_space<vmem>>) target_semaphore(%arg18 : memref<!tpu.dma_semaphore, #tpu.memory_space<semaphore_mem>>)
      %slice3A_377 = vector.extract_strided_slice %get3A_182 {offsets = [14], sizes = [1], strides = [1]} : vector<16xi32> to vector<1xi32>
      %squeeze3A_378 = vector.extract %slice3A_377[0] : i32 from vector<1xi32>
      %mul3A_379 = arith.constant 16 : i32
      %mul3A_380 = arith.muli %scan3A_176, %mul3A_379 : i32
      %add3A_381 = arith.constant 14 : i32
      %add3A_382 = arith.addi %mul3A_380, %add3A_381 : i32
      %dma_start3A_383 = arith.constant 0 : i32
      %dma_start3A_384 = tpu.memref_slice %arg10[%add3A_382, %dma_start3A_383] : memref<128x16xf32, #tpu.memory_space<vmem>> -> memref<1x16xf32, #tpu.memory_space<vmem>>
      %dma_start3A_385 = arith.constant 0 : i32
      %dma_start3A_386 = tpu.memref_slice %arg3[%squeeze3A_378, %dma_start3A_385] : memref<100000x16xf32, #tpu.memory_space<hbm>> -> memref<1x16xf32, #tpu.memory_space<hbm>>
      %dma_start3A_387 = arith.constant 0 : i32
      %dma_start3A_388 = tpu.memref_slice %arg10[%add3A_382, %dma_start3A_387] : memref<128x16xf32, #tpu.memory_space<vmem>> -> memref<1x16xf32, #tpu.memory_space<vmem>>
      %dma_start3A_389 = arith.constant 0 : i32
      %dma_start3A_390 = tpu.memref_slice %arg3[%squeeze3A_378, %dma_start3A_389] : memref<100000x16xf32, #tpu.memory_space<hbm>> -> memref<1x16xf32, #tpu.memory_space<hbm>>
      tpu.enqueue_dma source(%dma_start3A_390 : memref<1x16xf32, #tpu.memory_space<hbm>>) target(%dma_start3A_388 : memref<1x16xf32, #tpu.memory_space<vmem>>) target_semaphore(%arg18 : memref<!tpu.dma_semaphore, #tpu.memory_space<semaphore_mem>>)
      %slice3A_391 = vector.extract_strided_slice %get3A_182 {offsets = [15], sizes = [1], strides = [1]} : vector<16xi32> to vector<1xi32>
      %squeeze3A_392 = vector.extract %slice3A_391[0] : i32 from vector<1xi32>
      %mul3A_393 = arith.constant 16 : i32
      %mul3A_394 = arith.muli %scan3A_176, %mul3A_393 : i32
      %add3A_395 = arith.constant 15 : i32
      %add3A_396 = arith.addi %mul3A_394, %add3A_395 : i32
      %dma_start3A_397 = arith.constant 0 : i32
      %dma_start3A_398 = tpu.memref_slice %arg10[%add3A_396, %dma_start3A_397] : memref<128x16xf32, #tpu.memory_space<vmem>> -> memref<1x16xf32, #tpu.memory_space<vmem>>
      %dma_start3A_399 = arith.constant 0 : i32
      %dma_start3A_400 = tpu.memref_slice %arg3[%squeeze3A_392, %dma_start3A_399] : memref<100000x16xf32, #tpu.memory_space<hbm>> -> memref<1x16xf32, #tpu.memory_space<hbm>>
      %dma_start3A_401 = arith.constant 0 : i32
      %dma_start3A_402 = tpu.memref_slice %arg10[%add3A_396, %dma_start3A_401] : memref<128x16xf32, #tpu.memory_space<vmem>> -> memref<1x16xf32, #tpu.memory_space<vmem>>
      %dma_start3A_403 = arith.constant 0 : i32
      %dma_start3A_404 = tpu.memref_slice %arg3[%squeeze3A_392, %dma_start3A_403] : memref<100000x16xf32, #tpu.memory_space<hbm>> -> memref<1x16xf32, #tpu.memory_space<hbm>>
      tpu.enqueue_dma source(%dma_start3A_404 : memref<1x16xf32, #tpu.memory_space<hbm>>) target(%dma_start3A_402 : memref<1x16xf32, #tpu.memory_space<vmem>>) target_semaphore(%arg18 : memref<!tpu.dma_semaphore, #tpu.memory_space<semaphore_mem>>)
      %scan3A_405 = arith.constant 0 : i32
      scf.yield %scan3A_405 : i32
    }
    %scan3A_14 = arith.constant 8 : i32
    %scan3A_15 = arith.constant 0 : i32
    %scan3A_16 = arith.constant 0 : i32
    %scan3A_17 = arith.constant 8 : i32
    %scan3A_18 = arith.addi %scan3A_16, %scan3A_17 : i32
    %scan3A_19 = arith.constant 1 : i32
    %scan3A_20 = scf.for %scan3A_176 = %scan3A_16 to %scan3A_18 step %scan3A_19 iter_args(%scan3A_177 = %scan3A_15) -> (i32)  : i32 {
      %mul3A_178 = arith.constant 16 : i32
      %mul3A_179 = arith.muli %scan3A_176, %mul3A_178 : i32
      %add3A_180 = arith.constant 0 : i32
      %add3A_181 = arith.addi %add3A_180, %mul3A_179 : i32
      %get3A = arith.index_cast %add3A_181 : i32 to index
      %get3A_182 = tpu.vector_load %arg9[%get3A] {strides = array<i32>} : memref<512xi32, #tpu.memory_space<vmem>>, vector<16xi32>,
      %slice3A = vector.extract_strided_slice %get3A_182 {offsets = [0], sizes = [1], strides = [1]} : vector<16xi32> to vector<1xi32>
      %squeeze3A = vector.extract %slice3A[0] : i32 from vector<1xi32>
      %mul3A_183 = arith.constant 16 : i32
      %mul3A_184 = arith.muli %scan3A_176, %mul3A_183 : i32
      %add3A_185 = arith.constant 0 : i32
      %add3A_186 = arith.addi %mul3A_184, %add3A_185 : i32
      %dma_start3A_187 = arith.constant 0 : i32
      %dma_start3A_188 = tpu.memref_slice %arg11[%add3A_186, %dma_start3A_187] : memref<128x16xf32, #tpu.memory_space<vmem>> -> memref<1x16xf32, #tpu.memory_space<vmem>>
      %dma_start3A_189 = arith.constant 0 : i32
      %dma_start3A_190 = tpu.memref_slice %arg2[%squeeze3A, %dma_start3A_189] : memref<100000x16xf32, #tpu.memory_space<hbm>> -> memref<1x16xf32, #tpu.memory_space<hbm>>
      %dma_start3A_191 = arith.constant 0 : i32
      %dma_start3A_192 = tpu.memref_slice %arg11[%add3A_186, %dma_start3A_191] : memref<128x16xf32, #tpu.memory_space<vmem>> -> memref<1x16xf32, #tpu.memory_space<vmem>>
      %dma_start3A_193 = arith.constant 0 : i32
      %dma_start3A_194 = tpu.memref_slice %arg2[%squeeze3A, %dma_start3A_193] : memref<100000x16xf32, #tpu.memory_space<hbm>> -> memref<1x16xf32, #tpu.memory_space<hbm>>
      tpu.enqueue_dma source(%dma_start3A_194 : memref<1x16xf32, #tpu.memory_space<hbm>>) target(%dma_start3A_192 : memref<1x16xf32, #tpu.memory_space<vmem>>) target_semaphore(%arg19 : memref<!tpu.dma_semaphore, #tpu.memory_space<semaphore_mem>>)
      %slice3A_195 = vector.extract_strided_slice %get3A_182 {offsets = [1], sizes = [1], strides = [1]} : vector<16xi32> to vector<1xi32>
      %squeeze3A_196 = vector.extract %slice3A_195[0] : i32 from vector<1xi32>
      %mul3A_197 = arith.constant 16 : i32
      %mul3A_198 = arith.muli %scan3A_176, %mul3A_197 : i32
      %add3A_199 = arith.constant 1 : i32
      %add3A_200 = arith.addi %mul3A_198, %add3A_199 : i32
      %dma_start3A_201 = arith.constant 0 : i32
      %dma_start3A_202 = tpu.memref_slice %arg11[%add3A_200, %dma_start3A_201] : memref<128x16xf32, #tpu.memory_space<vmem>> -> memref<1x16xf32, #tpu.memory_space<vmem>>
      %dma_start3A_203 = arith.constant 0 : i32
      %dma_start3A_204 = tpu.memref_slice %arg2[%squeeze3A_196, %dma_start3A_203] : memref<100000x16xf32, #tpu.memory_space<hbm>> -> memref<1x16xf32, #tpu.memory_space<hbm>>
      %dma_start3A_205 = arith.constant 0 : i32
      %dma_start3A_206 = tpu.memref_slice %arg11[%add3A_200, %dma_start3A_205] : memref<128x16xf32, #tpu.memory_space<vmem>> -> memref<1x16xf32, #tpu.memory_space<vmem>>
      %dma_start3A_207 = arith.constant 0 : i32
      %dma_start3A_208 = tpu.memref_slice %arg2[%squeeze3A_196, %dma_start3A_207] : memref<100000x16xf32, #tpu.memory_space<hbm>> -> memref<1x16xf32, #tpu.memory_space<hbm>>
      tpu.enqueue_dma source(%dma_start3A_208 : memref<1x16xf32, #tpu.memory_space<hbm>>) target(%dma_start3A_206 : memref<1x16xf32, #tpu.memory_space<vmem>>) target_semaphore(%arg19 : memref<!tpu.dma_semaphore, #tpu.memory_space<semaphore_mem>>)
      %slice3A_209 = vector.extract_strided_slice %get3A_182 {offsets = [2], sizes = [1], strides = [1]} : vector<16xi32> to vector<1xi32>
      %squeeze3A_210 = vector.extract %slice3A_209[0] : i32 from vector<1xi32>
      %mul3A_211 = arith.constant 16 : i32
      %mul3A_212 = arith.muli %scan3A_176, %mul3A_211 : i32
      %add3A_213 = arith.constant 2 : i32
      %add3A_214 = arith.addi %mul3A_212, %add3A_213 : i32
      %dma_start3A_215 = arith.constant 0 : i32
      %dma_start3A_216 = tpu.memref_slice %arg11[%add3A_214, %dma_start3A_215] : memref<128x16xf32, #tpu.memory_space<vmem>> -> memref<1x16xf32, #tpu.memory_space<vmem>>
      %dma_start3A_217 = arith.constant 0 : i32
      %dma_start3A_218 = tpu.memref_slice %arg2[%squeeze3A_210, %dma_start3A_217] : memref<100000x16xf32, #tpu.memory_space<hbm>> -> memref<1x16xf32, #tpu.memory_space<hbm>>
      %dma_start3A_219 = arith.constant 0 : i32
      %dma_start3A_220 = tpu.memref_slice %arg11[%add3A_214, %dma_start3A_219] : memref<128x16xf32, #tpu.memory_space<vmem>> -> memref<1x16xf32, #tpu.memory_space<vmem>>
      %dma_start3A_221 = arith.constant 0 : i32
      %dma_start3A_222 = tpu.memref_slice %arg2[%squeeze3A_210, %dma_start3A_221] : memref<100000x16xf32, #tpu.memory_space<hbm>> -> memref<1x16xf32, #tpu.memory_space<hbm>>
      tpu.enqueue_dma source(%dma_start3A_222 : memref<1x16xf32, #tpu.memory_space<hbm>>) target(%dma_start3A_220 : memref<1x16xf32, #tpu.memory_space<vmem>>) target_semaphore(%arg19 : memref<!tpu.dma_semaphore, #tpu.memory_space<semaphore_mem>>)
      %slice3A_223 = vector.extract_strided_slice %get3A_182 {offsets = [3], sizes = [1], strides = [1]} : vector<16xi32> to vector<1xi32>
      %squeeze3A_224 = vector.extract %slice3A_223[0] : i32 from vector<1xi32>
      %mul3A_225 = arith.constant 16 : i32
      %mul3A_226 = arith.muli %scan3A_176, %mul3A_225 : i32
      %add3A_227 = arith.constant 3 : i32
      %add3A_228 = arith.addi %mul3A_226, %add3A_227 : i32
      %dma_start3A_229 = arith.constant 0 : i32
      %dma_start3A_230 = tpu.memref_slice %arg11[%add3A_228, %dma_start3A_229] : memref<128x16xf32, #tpu.memory_space<vmem>> -> memref<1x16xf32, #tpu.memory_space<vmem>>
      %dma_start3A_231 = arith.constant 0 : i32
      %dma_start3A_232 = tpu.memref_slice %arg2[%squeeze3A_224, %dma_start3A_231] : memref<100000x16xf32, #tpu.memory_space<hbm>> -> memref<1x16xf32, #tpu.memory_space<hbm>>
      %dma_start3A_233 = arith.constant 0 : i32
      %dma_start3A_234 = tpu.memref_slice %arg11[%add3A_228, %dma_start3A_233] : memref<128x16xf32, #tpu.memory_space<vmem>> -> memref<1x16xf32, #tpu.memory_space<vmem>>
      %dma_start3A_235 = arith.constant 0 : i32
      %dma_start3A_236 = tpu.memref_slice %arg2[%squeeze3A_224, %dma_start3A_235] : memref<100000x16xf32, #tpu.memory_space<hbm>> -> memref<1x16xf32, #tpu.memory_space<hbm>>
      tpu.enqueue_dma source(%dma_start3A_236 : memref<1x16xf32, #tpu.memory_space<hbm>>) target(%dma_start3A_234 : memref<1x16xf32, #tpu.memory_space<vmem>>) target_semaphore(%arg19 : memref<!tpu.dma_semaphore, #tpu.memory_space<semaphore_mem>>)
      %slice3A_237 = vector.extract_strided_slice %get3A_182 {offsets = [4], sizes = [1], strides = [1]} : vector<16xi32> to vector<1xi32>
      %squeeze3A_238 = vector.extract %slice3A_237[0] : i32 from vector<1xi32>
      %mul3A_239 = arith.constant 16 : i32
      %mul3A_240 = arith.muli %scan3A_176, %mul3A_239 : i32
      %add3A_241 = arith.constant 4 : i32
      %add3A_242 = arith.addi %mul3A_240, %add3A_241 : i32
      %dma_start3A_243 = arith.constant 0 : i32
      %dma_start3A_244 = tpu.memref_slice %arg11[%add3A_242, %dma_start3A_243] : memref<128x16xf32, #tpu.memory_space<vmem>> -> memref<1x16xf32, #tpu.memory_space<vmem>>
      %dma_start3A_245 = arith.constant 0 : i32
      %dma_start3A_246 = tpu.memref_slice %arg2[%squeeze3A_238, %dma_start3A_245] : memref<100000x16xf32, #tpu.memory_space<hbm>> -> memref<1x16xf32, #tpu.memory_space<hbm>>
      %dma_start3A_247 = arith.constant 0 : i32
      %dma_start3A_248 = tpu.memref_slice %arg11[%add3A_242, %dma_start3A_247] : memref<128x16xf32, #tpu.memory_space<vmem>> -> memref<1x16xf32, #tpu.memory_space<vmem>>
      %dma_start3A_249 = arith.constant 0 : i32
      %dma_start3A_250 = tpu.memref_slice %arg2[%squeeze3A_238, %dma_start3A_249] : memref<100000x16xf32, #tpu.memory_space<hbm>> -> memref<1x16xf32, #tpu.memory_space<hbm>>
      tpu.enqueue_dma source(%dma_start3A_250 : memref<1x16xf32, #tpu.memory_space<hbm>>) target(%dma_start3A_248 : memref<1x16xf32, #tpu.memory_space<vmem>>) target_semaphore(%arg19 : memref<!tpu.dma_semaphore, #tpu.memory_space<semaphore_mem>>)
      %slice3A_251 = vector.extract_strided_slice %get3A_182 {offsets = [5], sizes = [1], strides = [1]} : vector<16xi32> to vector<1xi32>
      %squeeze3A_252 = vector.extract %slice3A_251[0] : i32 from vector<1xi32>
      %mul3A_253 = arith.constant 16 : i32
      %mul3A_254 = arith.muli %scan3A_176, %mul3A_253 : i32
      %add3A_255 = arith.constant 5 : i32
      %add3A_256 = arith.addi %mul3A_254, %add3A_255 : i32
      %dma_start3A_257 = arith.constant 0 : i32
      %dma_start3A_258 = tpu.memref_slice %arg11[%add3A_256, %dma_start3A_257] : memref<128x16xf32, #tpu.memory_space<vmem>> -> memref<1x16xf32, #tpu.memory_space<vmem>>
      %dma_start3A_259 = arith.constant 0 : i32
      %dma_start3A_260 = tpu.memref_slice %arg2[%squeeze3A_252, %dma_start3A_259] : memref<100000x16xf32, #tpu.memory_space<hbm>> -> memref<1x16xf32, #tpu.memory_space<hbm>>
      %dma_start3A_261 = arith.constant 0 : i32
      %dma_start3A_262 = tpu.memref_slice %arg11[%add3A_256, %dma_start3A_261] : memref<128x16xf32, #tpu.memory_space<vmem>> -> memref<1x16xf32, #tpu.memory_space<vmem>>
      %dma_start3A_263 = arith.constant 0 : i32
      %dma_start3A_264 = tpu.memref_slice %arg2[%squeeze3A_252, %dma_start3A_263] : memref<100000x16xf32, #tpu.memory_space<hbm>> -> memref<1x16xf32, #tpu.memory_space<hbm>>
      tpu.enqueue_dma source(%dma_start3A_264 : memref<1x16xf32, #tpu.memory_space<hbm>>) target(%dma_start3A_262 : memref<1x16xf32, #tpu.memory_space<vmem>>) target_semaphore(%arg19 : memref<!tpu.dma_semaphore, #tpu.memory_space<semaphore_mem>>)
      %slice3A_265 = vector.extract_strided_slice %get3A_182 {offsets = [6], sizes = [1], strides = [1]} : vector<16xi32> to vector<1xi32>
      %squeeze3A_266 = vector.extract %slice3A_265[0] : i32 from vector<1xi32>
      %mul3A_267 = arith.constant 16 : i32
      %mul3A_268 = arith.muli %scan3A_176, %mul3A_267 : i32
      %add3A_269 = arith.constant 6 : i32
      %add3A_270 = arith.addi %mul3A_268, %add3A_269 : i32
      %dma_start3A_271 = arith.constant 0 : i32
      %dma_start3A_272 = tpu.memref_slice %arg11[%add3A_270, %dma_start3A_271] : memref<128x16xf32, #tpu.memory_space<vmem>> -> memref<1x16xf32, #tpu.memory_space<vmem>>
      %dma_start3A_273 = arith.constant 0 : i32
      %dma_start3A_274 = tpu.memref_slice %arg2[%squeeze3A_266, %dma_start3A_273] : memref<100000x16xf32, #tpu.memory_space<hbm>> -> memref<1x16xf32, #tpu.memory_space<hbm>>
      %dma_start3A_275 = arith.constant 0 : i32
      %dma_start3A_276 = tpu.memref_slice %arg11[%add3A_270, %dma_start3A_275] : memref<128x16xf32, #tpu.memory_space<vmem>> -> memref<1x16xf32, #tpu.memory_space<vmem>>
      %dma_start3A_277 = arith.constant 0 : i32
      %dma_start3A_278 = tpu.memref_slice %arg2[%squeeze3A_266, %dma_start3A_277] : memref<100000x16xf32, #tpu.memory_space<hbm>> -> memref<1x16xf32, #tpu.memory_space<hbm>>
      tpu.enqueue_dma source(%dma_start3A_278 : memref<1x16xf32, #tpu.memory_space<hbm>>) target(%dma_start3A_276 : memref<1x16xf32, #tpu.memory_space<vmem>>) target_semaphore(%arg19 : memref<!tpu.dma_semaphore, #tpu.memory_space<semaphore_mem>>)
      %slice3A_279 = vector.extract_strided_slice %get3A_182 {offsets = [7], sizes = [1], strides = [1]} : vector<16xi32> to vector<1xi32>
      %squeeze3A_280 = vector.extract %slice3A_279[0] : i32 from vector<1xi32>
      %mul3A_281 = arith.constant 16 : i32
      %mul3A_282 = arith.muli %scan3A_176, %mul3A_281 : i32
      %add3A_283 = arith.constant 7 : i32
      %add3A_284 = arith.addi %mul3A_282, %add3A_283 : i32
      %dma_start3A_285 = arith.constant 0 : i32
      %dma_start3A_286 = tpu.memref_slice %arg11[%add3A_284, %dma_start3A_285] : memref<128x16xf32, #tpu.memory_space<vmem>> -> memref<1x16xf32, #tpu.memory_space<vmem>>
      %dma_start3A_287 = arith.constant 0 : i32
      %dma_start3A_288 = tpu.memref_slice %arg2[%squeeze3A_280, %dma_start3A_287] : memref<100000x16xf32, #tpu.memory_space<hbm>> -> memref<1x16xf32, #tpu.memory_space<hbm>>
      %dma_start3A_289 = arith.constant 0 : i32
      %dma_start3A_290 = tpu.memref_slice %arg11[%add3A_284, %dma_start3A_289] : memref<128x16xf32, #tpu.memory_space<vmem>> -> memref<1x16xf32, #tpu.memory_space<vmem>>
      %dma_start3A_291 = arith.constant 0 : i32
      %dma_start3A_292 = tpu.memref_slice %arg2[%squeeze3A_280, %dma_start3A_291] : memref<100000x16xf32, #tpu.memory_space<hbm>> -> memref<1x16xf32, #tpu.memory_space<hbm>>
      tpu.enqueue_dma source(%dma_start3A_292 : memref<1x16xf32, #tpu.memory_space<hbm>>) target(%dma_start3A_290 : memref<1x16xf32, #tpu.memory_space<vmem>>) target_semaphore(%arg19 : memref<!tpu.dma_semaphore, #tpu.memory_space<semaphore_mem>>)
      %slice3A_293 = vector.extract_strided_slice %get3A_182 {offsets = [8], sizes = [1], strides = [1]} : vector<16xi32> to vector<1xi32>
      %squeeze3A_294 = vector.extract %slice3A_293[0] : i32 from vector<1xi32>
      %mul3A_295 = arith.constant 16 : i32
      %mul3A_296 = arith.muli %scan3A_176, %mul3A_295 : i32
      %add3A_297 = arith.constant 8 : i32
      %add3A_298 = arith.addi %mul3A_296, %add3A_297 : i32
      %dma_start3A_299 = arith.constant 0 : i32
      %dma_start3A_300 = tpu.memref_slice %arg11[%add3A_298, %dma_start3A_299] : memref<128x16xf32, #tpu.memory_space<vmem>> -> memref<1x16xf32, #tpu.memory_space<vmem>>
      %dma_start3A_301 = arith.constant 0 : i32
      %dma_start3A_302 = tpu.memref_slice %arg2[%squeeze3A_294, %dma_start3A_301] : memref<100000x16xf32, #tpu.memory_space<hbm>> -> memref<1x16xf32, #tpu.memory_space<hbm>>
      %dma_start3A_303 = arith.constant 0 : i32
      %dma_start3A_304 = tpu.memref_slice %arg11[%add3A_298, %dma_start3A_303] : memref<128x16xf32, #tpu.memory_space<vmem>> -> memref<1x16xf32, #tpu.memory_space<vmem>>
      %dma_start3A_305 = arith.constant 0 : i32
      %dma_start3A_306 = tpu.memref_slice %arg2[%squeeze3A_294, %dma_start3A_305] : memref<100000x16xf32, #tpu.memory_space<hbm>> -> memref<1x16xf32, #tpu.memory_space<hbm>>
      tpu.enqueue_dma source(%dma_start3A_306 : memref<1x16xf32, #tpu.memory_space<hbm>>) target(%dma_start3A_304 : memref<1x16xf32, #tpu.memory_space<vmem>>) target_semaphore(%arg19 : memref<!tpu.dma_semaphore, #tpu.memory_space<semaphore_mem>>)
      %slice3A_307 = vector.extract_strided_slice %get3A_182 {offsets = [9], sizes = [1], strides = [1]} : vector<16xi32> to vector<1xi32>
      %squeeze3A_308 = vector.extract %slice3A_307[0] : i32 from vector<1xi32>
      %mul3A_309 = arith.constant 16 : i32
      %mul3A_310 = arith.muli %scan3A_176, %mul3A_309 : i32
      %add3A_311 = arith.constant 9 : i32
      %add3A_312 = arith.addi %mul3A_310, %add3A_311 : i32
      %dma_start3A_313 = arith.constant 0 : i32
      %dma_start3A_314 = tpu.memref_slice %arg11[%add3A_312, %dma_start3A_313] : memref<128x16xf32, #tpu.memory_space<vmem>> -> memref<1x16xf32, #tpu.memory_space<vmem>>
      %dma_start3A_315 = arith.constant 0 : i32
      %dma_start3A_316 = tpu.memref_slice %arg2[%squeeze3A_308, %dma_start3A_315] : memref<100000x16xf32, #tpu.memory_space<hbm>> -> memref<1x16xf32, #tpu.memory_space<hbm>>
      %dma_start3A_317 = arith.constant 0 : i32
      %dma_start3A_318 = tpu.memref_slice %arg11[%add3A_312, %dma_start3A_317] : memref<128x16xf32, #tpu.memory_space<vmem>> -> memref<1x16xf32, #tpu.memory_space<vmem>>
      %dma_start3A_319 = arith.constant 0 : i32
      %dma_start3A_320 = tpu.memref_slice %arg2[%squeeze3A_308, %dma_start3A_319] : memref<100000x16xf32, #tpu.memory_space<hbm>> -> memref<1x16xf32, #tpu.memory_space<hbm>>
      tpu.enqueue_dma source(%dma_start3A_320 : memref<1x16xf32, #tpu.memory_space<hbm>>) target(%dma_start3A_318 : memref<1x16xf32, #tpu.memory_space<vmem>>) target_semaphore(%arg19 : memref<!tpu.dma_semaphore, #tpu.memory_space<semaphore_mem>>)
      %slice3A_321 = vector.extract_strided_slice %get3A_182 {offsets = [10], sizes = [1], strides = [1]} : vector<16xi32> to vector<1xi32>
      %squeeze3A_322 = vector.extract %slice3A_321[0] : i32 from vector<1xi32>
      %mul3A_323 = arith.constant 16 : i32
      %mul3A_324 = arith.muli %scan3A_176, %mul3A_323 : i32
      %add3A_325 = arith.constant 10 : i32
      %add3A_326 = arith.addi %mul3A_324, %add3A_325 : i32
      %dma_start3A_327 = arith.constant 0 : i32
      %dma_start3A_328 = tpu.memref_slice %arg11[%add3A_326, %dma_start3A_327] : memref<128x16xf32, #tpu.memory_space<vmem>> -> memref<1x16xf32, #tpu.memory_space<vmem>>
      %dma_start3A_329 = arith.constant 0 : i32
      %dma_start3A_330 = tpu.memref_slice %arg2[%squeeze3A_322, %dma_start3A_329] : memref<100000x16xf32, #tpu.memory_space<hbm>> -> memref<1x16xf32, #tpu.memory_space<hbm>>
      %dma_start3A_331 = arith.constant 0 : i32
      %dma_start3A_332 = tpu.memref_slice %arg11[%add3A_326, %dma_start3A_331] : memref<128x16xf32, #tpu.memory_space<vmem>> -> memref<1x16xf32, #tpu.memory_space<vmem>>
      %dma_start3A_333 = arith.constant 0 : i32
      %dma_start3A_334 = tpu.memref_slice %arg2[%squeeze3A_322, %dma_start3A_333] : memref<100000x16xf32, #tpu.memory_space<hbm>> -> memref<1x16xf32, #tpu.memory_space<hbm>>
      tpu.enqueue_dma source(%dma_start3A_334 : memref<1x16xf32, #tpu.memory_space<hbm>>) target(%dma_start3A_332 : memref<1x16xf32, #tpu.memory_space<vmem>>) target_semaphore(%arg19 : memref<!tpu.dma_semaphore, #tpu.memory_space<semaphore_mem>>)
      %slice3A_335 = vector.extract_strided_slice %get3A_182 {offsets = [11], sizes = [1], strides = [1]} : vector<16xi32> to vector<1xi32>
      %squeeze3A_336 = vector.extract %slice3A_335[0] : i32 from vector<1xi32>
      %mul3A_337 = arith.constant 16 : i32
      %mul3A_338 = arith.muli %scan3A_176, %mul3A_337 : i32
      %add3A_339 = arith.constant 11 : i32
      %add3A_340 = arith.addi %mul3A_338, %add3A_339 : i32
      %dma_start3A_341 = arith.constant 0 : i32
      %dma_start3A_342 = tpu.memref_slice %arg11[%add3A_340, %dma_start3A_341] : memref<128x16xf32, #tpu.memory_space<vmem>> -> memref<1x16xf32, #tpu.memory_space<vmem>>
      %dma_start3A_343 = arith.constant 0 : i32
      %dma_start3A_344 = tpu.memref_slice %arg2[%squeeze3A_336, %dma_start3A_343] : memref<100000x16xf32, #tpu.memory_space<hbm>> -> memref<1x16xf32, #tpu.memory_space<hbm>>
      %dma_start3A_345 = arith.constant 0 : i32
      %dma_start3A_346 = tpu.memref_slice %arg11[%add3A_340, %dma_start3A_345] : memref<128x16xf32, #tpu.memory_space<vmem>> -> memref<1x16xf32, #tpu.memory_space<vmem>>
      %dma_start3A_347 = arith.constant 0 : i32
      %dma_start3A_348 = tpu.memref_slice %arg2[%squeeze3A_336, %dma_start3A_347] : memref<100000x16xf32, #tpu.memory_space<hbm>> -> memref<1x16xf32, #tpu.memory_space<hbm>>
      tpu.enqueue_dma source(%dma_start3A_348 : memref<1x16xf32, #tpu.memory_space<hbm>>) target(%dma_start3A_346 : memref<1x16xf32, #tpu.memory_space<vmem>>) target_semaphore(%arg19 : memref<!tpu.dma_semaphore, #tpu.memory_space<semaphore_mem>>)
      %slice3A_349 = vector.extract_strided_slice %get3A_182 {offsets = [12], sizes = [1], strides = [1]} : vector<16xi32> to vector<1xi32>
      %squeeze3A_350 = vector.extract %slice3A_349[0] : i32 from vector<1xi32>
      %mul3A_351 = arith.constant 16 : i32
      %mul3A_352 = arith.muli %scan3A_176, %mul3A_351 : i32
      %add3A_353 = arith.constant 12 : i32
      %add3A_354 = arith.addi %mul3A_352, %add3A_353 : i32
      %dma_start3A_355 = arith.constant 0 : i32
      %dma_start3A_356 = tpu.memref_slice %arg11[%add3A_354, %dma_start3A_355] : memref<128x16xf32, #tpu.memory_space<vmem>> -> memref<1x16xf32, #tpu.memory_space<vmem>>
      %dma_start3A_357 = arith.constant 0 : i32
      %dma_start3A_358 = tpu.memref_slice %arg2[%squeeze3A_350, %dma_start3A_357] : memref<100000x16xf32, #tpu.memory_space<hbm>> -> memref<1x16xf32, #tpu.memory_space<hbm>>
      %dma_start3A_359 = arith.constant 0 : i32
      %dma_start3A_360 = tpu.memref_slice %arg11[%add3A_354, %dma_start3A_359] : memref<128x16xf32, #tpu.memory_space<vmem>> -> memref<1x16xf32, #tpu.memory_space<vmem>>
      %dma_start3A_361 = arith.constant 0 : i32
      %dma_start3A_362 = tpu.memref_slice %arg2[%squeeze3A_350, %dma_start3A_361] : memref<100000x16xf32, #tpu.memory_space<hbm>> -> memref<1x16xf32, #tpu.memory_space<hbm>>
      tpu.enqueue_dma source(%dma_start3A_362 : memref<1x16xf32, #tpu.memory_space<hbm>>) target(%dma_start3A_360 : memref<1x16xf32, #tpu.memory_space<vmem>>) target_semaphore(%arg19 : memref<!tpu.dma_semaphore, #tpu.memory_space<semaphore_mem>>)
      %slice3A_363 = vector.extract_strided_slice %get3A_182 {offsets = [13], sizes = [1], strides = [1]} : vector<16xi32> to vector<1xi32>
      %squeeze3A_364 = vector.extract %slice3A_363[0] : i32 from vector<1xi32>
      %mul3A_365 = arith.constant 16 : i32
      %mul3A_366 = arith.muli %scan3A_176, %mul3A_365 : i32
      %add3A_367 = arith.constant 13 : i32
      %add3A_368 = arith.addi %mul3A_366, %add3A_367 : i32
      %dma_start3A_369 = arith.constant 0 : i32
      %dma_start3A_370 = tpu.memref_slice %arg11[%add3A_368, %dma_start3A_369] : memref<128x16xf32, #tpu.memory_space<vmem>> -> memref<1x16xf32, #tpu.memory_space<vmem>>
      %dma_start3A_371 = arith.constant 0 : i32
      %dma_start3A_372 = tpu.memref_slice %arg2[%squeeze3A_364, %dma_start3A_371] : memref<100000x16xf32, #tpu.memory_space<hbm>> -> memref<1x16xf32, #tpu.memory_space<hbm>>
      %dma_start3A_373 = arith.constant 0 : i32
      %dma_start3A_374 = tpu.memref_slice %arg11[%add3A_368, %dma_start3A_373] : memref<128x16xf32, #tpu.memory_space<vmem>> -> memref<1x16xf32, #tpu.memory_space<vmem>>
      %dma_start3A_375 = arith.constant 0 : i32
      %dma_start3A_376 = tpu.memref_slice %arg2[%squeeze3A_364, %dma_start3A_375] : memref<100000x16xf32, #tpu.memory_space<hbm>> -> memref<1x16xf32, #tpu.memory_space<hbm>>
      tpu.enqueue_dma source(%dma_start3A_376 : memref<1x16xf32, #tpu.memory_space<hbm>>) target(%dma_start3A_374 : memref<1x16xf32, #tpu.memory_space<vmem>>) target_semaphore(%arg19 : memref<!tpu.dma_semaphore, #tpu.memory_space<semaphore_mem>>)
      %slice3A_377 = vector.extract_strided_slice %get3A_182 {offsets = [14], sizes = [1], strides = [1]} : vector<16xi32> to vector<1xi32>
      %squeeze3A_378 = vector.extract %slice3A_377[0] : i32 from vector<1xi32>
      %mul3A_379 = arith.constant 16 : i32
      %mul3A_380 = arith.muli %scan3A_176, %mul3A_379 : i32
      %add3A_381 = arith.constant 14 : i32
      %add3A_382 = arith.addi %mul3A_380, %add3A_381 : i32
      %dma_start3A_383 = arith.constant 0 : i32
      %dma_start3A_384 = tpu.memref_slice %arg11[%add3A_382, %dma_start3A_383] : memref<128x16xf32, #tpu.memory_space<vmem>> -> memref<1x16xf32, #tpu.memory_space<vmem>>
      %dma_start3A_385 = arith.constant 0 : i32
      %dma_start3A_386 = tpu.memref_slice %arg2[%squeeze3A_378, %dma_start3A_385] : memref<100000x16xf32, #tpu.memory_space<hbm>> -> memref<1x16xf32, #tpu.memory_space<hbm>>
      %dma_start3A_387 = arith.constant 0 : i32
      %dma_start3A_388 = tpu.memref_slice %arg11[%add3A_382, %dma_start3A_387] : memref<128x16xf32, #tpu.memory_space<vmem>> -> memref<1x16xf32, #tpu.memory_space<vmem>>
      %dma_start3A_389 = arith.constant 0 : i32
      %dma_start3A_390 = tpu.memref_slice %arg2[%squeeze3A_378, %dma_start3A_389] : memref<100000x16xf32, #tpu.memory_space<hbm>> -> memref<1x16xf32, #tpu.memory_space<hbm>>
      tpu.enqueue_dma source(%dma_start3A_390 : memref<1x16xf32, #tpu.memory_space<hbm>>) target(%dma_start3A_388 : memref<1x16xf32, #tpu.memory_space<vmem>>) target_semaphore(%arg19 : memref<!tpu.dma_semaphore, #tpu.memory_space<semaphore_mem>>)
      %slice3A_391 = vector.extract_strided_slice %get3A_182 {offsets = [15], sizes = [1], strides = [1]} : vector<16xi32> to vector<1xi32>
      %squeeze3A_392 = vector.extract %slice3A_391[0] : i32 from vector<1xi32>
      %mul3A_393 = arith.constant 16 : i32
      %mul3A_394 = arith.muli %scan3A_176, %mul3A_393 : i32
      %add3A_395 = arith.constant 15 : i32
      %add3A_396 = arith.addi %mul3A_394, %add3A_395 : i32
      %dma_start3A_397 = arith.constant 0 : i32
      %dma_start3A_398 = tpu.memref_slice %arg11[%add3A_396, %dma_start3A_397] : memref<128x16xf32, #tpu.memory_space<vmem>> -> memref<1x16xf32, #tpu.memory_space<vmem>>
      %dma_start3A_399 = arith.constant 0 : i32
      %dma_start3A_400 = tpu.memref_slice %arg2[%squeeze3A_392, %dma_start3A_399] : memref<100000x16xf32, #tpu.memory_space<hbm>> -> memref<1x16xf32, #tpu.memory_space<hbm>>
      %dma_start3A_401 = arith.constant 0 : i32
      %dma_start3A_402 = tpu.memref_slice %arg11[%add3A_396, %dma_start3A_401] : memref<128x16xf32, #tpu.memory_space<vmem>> -> memref<1x16xf32, #tpu.memory_space<vmem>>
      %dma_start3A_403 = arith.constant 0 : i32
      %dma_start3A_404 = tpu.memref_slice %arg2[%squeeze3A_392, %dma_start3A_403] : memref<100000x16xf32, #tpu.memory_space<hbm>> -> memref<1x16xf32, #tpu.memory_space<hbm>>
      tpu.enqueue_dma source(%dma_start3A_404 : memref<1x16xf32, #tpu.memory_space<hbm>>) target(%dma_start3A_402 : memref<1x16xf32, #tpu.memory_space<vmem>>) target_semaphore(%arg19 : memref<!tpu.dma_semaphore, #tpu.memory_space<semaphore_mem>>)
      %scan3A_405 = arith.constant 0 : i32
      scf.yield %scan3A_405 : i32
    }
    %scan3A_21 = arith.constant 8 : i32
    %scan3A_22 = arith.constant 0 : i32
    %scan3A_23 = arith.constant 0 : i32
    %scan3A_24 = arith.constant 8 : i32
    %scan3A_25 = arith.addi %scan3A_23, %scan3A_24 : i32
    %scan3A_26 = arith.constant 1 : i32
    %scan3A_27 = scf.for %scan3A_176 = %scan3A_23 to %scan3A_25 step %scan3A_26 iter_args(%scan3A_177 = %scan3A_22) -> (i32)  : i32 {
      %mul3A_178 = arith.constant 16 : i32
      %mul3A_179 = arith.muli %scan3A_176, %mul3A_178 : i32
      %add3A_180 = arith.constant 128 : i32
      %add3A_181 = arith.addi %add3A_180, %mul3A_179 : i32
      %get3A = arith.index_cast %add3A_181 : i32 to index
      %get3A_182 = tpu.vector_load %arg8[%get3A] {strides = array<i32>} : memref<512xi32, #tpu.memory_space<vmem>>, vector<16xi32>,
      %slice3A = vector.extract_strided_slice %get3A_182 {offsets = [0], sizes = [1], strides = [1]} : vector<16xi32> to vector<1xi32>
      %squeeze3A = vector.extract %slice3A[0] : i32 from vector<1xi32>
      %mul3A_183 = arith.constant 16 : i32
      %mul3A_184 = arith.muli %scan3A_176, %mul3A_183 : i32
      %add3A_185 = arith.constant 0 : i32
      %add3A_186 = arith.addi %mul3A_184, %add3A_185 : i32
      %dma_start3A_187 = arith.constant 0 : i32
      %dma_start3A_188 = tpu.memref_slice %arg12[%add3A_186, %dma_start3A_187] : memref<128x16xf32, #tpu.memory_space<vmem>> -> memref<1x16xf32, #tpu.memory_space<vmem>>
      %dma_start3A_189 = arith.constant 0 : i32
      %dma_start3A_190 = tpu.memref_slice %arg3[%squeeze3A, %dma_start3A_189] : memref<100000x16xf32, #tpu.memory_space<hbm>> -> memref<1x16xf32, #tpu.memory_space<hbm>>
      %dma_start3A_191 = arith.constant 0 : i32
      %dma_start3A_192 = tpu.memref_slice %arg12[%add3A_186, %dma_start3A_191] : memref<128x16xf32, #tpu.memory_space<vmem>> -> memref<1x16xf32, #tpu.memory_space<vmem>>
      %dma_start3A_193 = arith.constant 0 : i32
      %dma_start3A_194 = tpu.memref_slice %arg3[%squeeze3A, %dma_start3A_193] : memref<100000x16xf32, #tpu.memory_space<hbm>> -> memref<1x16xf32, #tpu.memory_space<hbm>>
      tpu.enqueue_dma source(%dma_start3A_194 : memref<1x16xf32, #tpu.memory_space<hbm>>) target(%dma_start3A_192 : memref<1x16xf32, #tpu.memory_space<vmem>>) target_semaphore(%arg18 : memref<!tpu.dma_semaphore, #tpu.memory_space<semaphore_mem>>)
      %slice3A_195 = vector.extract_strided_slice %get3A_182 {offsets = [1], sizes = [1], strides = [1]} : vector<16xi32> to vector<1xi32>
      %squeeze3A_196 = vector.extract %slice3A_195[0] : i32 from vector<1xi32>
      %mul3A_197 = arith.constant 16 : i32
      %mul3A_198 = arith.muli %scan3A_176, %mul3A_197 : i32
      %add3A_199 = arith.constant 1 : i32
      %add3A_200 = arith.addi %mul3A_198, %add3A_199 : i32
      %dma_start3A_201 = arith.constant 0 : i32
      %dma_start3A_202 = tpu.memref_slice %arg12[%add3A_200, %dma_start3A_201] : memref<128x16xf32, #tpu.memory_space<vmem>> -> memref<1x16xf32, #tpu.memory_space<vmem>>
      %dma_start3A_203 = arith.constant 0 : i32
      %dma_start3A_204 = tpu.memref_slice %arg3[%squeeze3A_196, %dma_start3A_203] : memref<100000x16xf32, #tpu.memory_space<hbm>> -> memref<1x16xf32, #tpu.memory_space<hbm>>
      %dma_start3A_205 = arith.constant 0 : i32
      %dma_start3A_206 = tpu.memref_slice %arg12[%add3A_200, %dma_start3A_205] : memref<128x16xf32, #tpu.memory_space<vmem>> -> memref<1x16xf32, #tpu.memory_space<vmem>>
      %dma_start3A_207 = arith.constant 0 : i32
      %dma_start3A_208 = tpu.memref_slice %arg3[%squeeze3A_196, %dma_start3A_207] : memref<100000x16xf32, #tpu.memory_space<hbm>> -> memref<1x16xf32, #tpu.memory_space<hbm>>
      tpu.enqueue_dma source(%dma_start3A_208 : memref<1x16xf32, #tpu.memory_space<hbm>>) target(%dma_start3A_206 : memref<1x16xf32, #tpu.memory_space<vmem>>) target_semaphore(%arg18 : memref<!tpu.dma_semaphore, #tpu.memory_space<semaphore_mem>>)
      %slice3A_209 = vector.extract_strided_slice %get3A_182 {offsets = [2], sizes = [1], strides = [1]} : vector<16xi32> to vector<1xi32>
      %squeeze3A_210 = vector.extract %slice3A_209[0] : i32 from vector<1xi32>
      %mul3A_211 = arith.constant 16 : i32
      %mul3A_212 = arith.muli %scan3A_176, %mul3A_211 : i32
      %add3A_213 = arith.constant 2 : i32
      %add3A_214 = arith.addi %mul3A_212, %add3A_213 : i32
      %dma_start3A_215 = arith.constant 0 : i32
      %dma_start3A_216 = tpu.memref_slice %arg12[%add3A_214, %dma_start3A_215] : memref<128x16xf32, #tpu.memory_space<vmem>> -> memref<1x16xf32, #tpu.memory_space<vmem>>
      %dma_start3A_217 = arith.constant 0 : i32
      %dma_start3A_218 = tpu.memref_slice %arg3[%squeeze3A_210, %dma_start3A_217] : memref<100000x16xf32, #tpu.memory_space<hbm>> -> memref<1x16xf32, #tpu.memory_space<hbm>>
      %dma_start3A_219 = arith.constant 0 : i32
      %dma_start3A_220 = tpu.memref_slice %arg12[%add3A_214, %dma_start3A_219] : memref<128x16xf32, #tpu.memory_space<vmem>> -> memref<1x16xf32, #tpu.memory_space<vmem>>
      %dma_start3A_221 = arith.constant 0 : i32
      %dma_start3A_222 = tpu.memref_slice %arg3[%squeeze3A_210, %dma_start3A_221] : memref<100000x16xf32, #tpu.memory_space<hbm>> -> memref<1x16xf32, #tpu.memory_space<hbm>>
      tpu.enqueue_dma source(%dma_start3A_222 : memref<1x16xf32, #tpu.memory_space<hbm>>) target(%dma_start3A_220 : memref<1x16xf32, #tpu.memory_space<vmem>>) target_semaphore(%arg18 : memref<!tpu.dma_semaphore, #tpu.memory_space<semaphore_mem>>)
      %slice3A_223 = vector.extract_strided_slice %get3A_182 {offsets = [3], sizes = [1], strides = [1]} : vector<16xi32> to vector<1xi32>
      %squeeze3A_224 = vector.extract %slice3A_223[0] : i32 from vector<1xi32>
      %mul3A_225 = arith.constant 16 : i32
      %mul3A_226 = arith.muli %scan3A_176, %mul3A_225 : i32
      %add3A_227 = arith.constant 3 : i32
      %add3A_228 = arith.addi %mul3A_226, %add3A_227 : i32
      %dma_start3A_229 = arith.constant 0 : i32
      %dma_start3A_230 = tpu.memref_slice %arg12[%add3A_228, %dma_start3A_229] : memref<128x16xf32, #tpu.memory_space<vmem>> -> memref<1x16xf32, #tpu.memory_space<vmem>>
      %dma_start3A_231 = arith.constant 0 : i32
      %dma_start3A_232 = tpu.memref_slice %arg3[%squeeze3A_224, %dma_start3A_231] : memref<100000x16xf32, #tpu.memory_space<hbm>> -> memref<1x16xf32, #tpu.memory_space<hbm>>
      %dma_start3A_233 = arith.constant 0 : i32
      %dma_start3A_234 = tpu.memref_slice %arg12[%add3A_228, %dma_start3A_233] : memref<128x16xf32, #tpu.memory_space<vmem>> -> memref<1x16xf32, #tpu.memory_space<vmem>>
      %dma_start3A_235 = arith.constant 0 : i32
      %dma_start3A_236 = tpu.memref_slice %arg3[%squeeze3A_224, %dma_start3A_235] : memref<100000x16xf32, #tpu.memory_space<hbm>> -> memref<1x16xf32, #tpu.memory_space<hbm>>
      tpu.enqueue_dma source(%dma_start3A_236 : memref<1x16xf32, #tpu.memory_space<hbm>>) target(%dma_start3A_234 : memref<1x16xf32, #tpu.memory_space<vmem>>) target_semaphore(%arg18 : memref<!tpu.dma_semaphore, #tpu.memory_space<semaphore_mem>>)
      %slice3A_237 = vector.extract_strided_slice %get3A_182 {offsets = [4], sizes = [1], strides = [1]} : vector<16xi32> to vector<1xi32>
      %squeeze3A_238 = vector.extract %slice3A_237[0] : i32 from vector<1xi32>
      %mul3A_239 = arith.constant 16 : i32
      %mul3A_240 = arith.muli %scan3A_176, %mul3A_239 : i32
      %add3A_241 = arith.constant 4 : i32
      %add3A_242 = arith.addi %mul3A_240, %add3A_241 : i32
      %dma_start3A_243 = arith.constant 0 : i32
      %dma_start3A_244 = tpu.memref_slice %arg12[%add3A_242, %dma_start3A_243] : memref<128x16xf32, #tpu.memory_space<vmem>> -> memref<1x16xf32, #tpu.memory_space<vmem>>
      %dma_start3A_245 = arith.constant 0 : i32
      %dma_start3A_246 = tpu.memref_slice %arg3[%squeeze3A_238, %dma_start3A_245] : memref<100000x16xf32, #tpu.memory_space<hbm>> -> memref<1x16xf32, #tpu.memory_space<hbm>>
      %dma_start3A_247 = arith.constant 0 : i32
      %dma_start3A_248 = tpu.memref_slice %arg12[%add3A_242, %dma_start3A_247] : memref<128x16xf32, #tpu.memory_space<vmem>> -> memref<1x16xf32, #tpu.memory_space<vmem>>
      %dma_start3A_249 = arith.constant 0 : i32
      %dma_start3A_250 = tpu.memref_slice %arg3[%squeeze3A_238, %dma_start3A_249] : memref<100000x16xf32, #tpu.memory_space<hbm>> -> memref<1x16xf32, #tpu.memory_space<hbm>>
      tpu.enqueue_dma source(%dma_start3A_250 : memref<1x16xf32, #tpu.memory_space<hbm>>) target(%dma_start3A_248 : memref<1x16xf32, #tpu.memory_space<vmem>>) target_semaphore(%arg18 : memref<!tpu.dma_semaphore, #tpu.memory_space<semaphore_mem>>)
      %slice3A_251 = vector.extract_strided_slice %get3A_182 {offsets = [5], sizes = [1], strides = [1]} : vector<16xi32> to vector<1xi32>
      %squeeze3A_252 = vector.extract %slice3A_251[0] : i32 from vector<1xi32>
      %mul3A_253 = arith.constant 16 : i32
      %mul3A_254 = arith.muli %scan3A_176, %mul3A_253 : i32
      %add3A_255 = arith.constant 5 : i32
      %add3A_256 = arith.addi %mul3A_254, %add3A_255 : i32
      %dma_start3A_257 = arith.constant 0 : i32
      %dma_start3A_258 = tpu.memref_slice %arg12[%add3A_256, %dma_start3A_257] : memref<128x16xf32, #tpu.memory_space<vmem>> -> memref<1x16xf32, #tpu.memory_space<vmem>>
      %dma_start3A_259 = arith.constant 0 : i32
      %dma_start3A_260 = tpu.memref_slice %arg3[%squeeze3A_252, %dma_start3A_259] : memref<100000x16xf32, #tpu.memory_space<hbm>> -> memref<1x16xf32, #tpu.memory_space<hbm>>
      %dma_start3A_261 = arith.constant 0 : i32
      %dma_start3A_262 = tpu.memref_slice %arg12[%add3A_256, %dma_start3A_261] : memref<128x16xf32, #tpu.memory_space<vmem>> -> memref<1x16xf32, #tpu.memory_space<vmem>>
      %dma_start3A_263 = arith.constant 0 : i32
      %dma_start3A_264 = tpu.memref_slice %arg3[%squeeze3A_252, %dma_start3A_263] : memref<100000x16xf32, #tpu.memory_space<hbm>> -> memref<1x16xf32, #tpu.memory_space<hbm>>
      tpu.enqueue_dma source(%dma_start3A_264 : memref<1x16xf32, #tpu.memory_space<hbm>>) target(%dma_start3A_262 : memref<1x16xf32, #tpu.memory_space<vmem>>) target_semaphore(%arg18 : memref<!tpu.dma_semaphore, #tpu.memory_space<semaphore_mem>>)
      %slice3A_265 = vector.extract_strided_slice %get3A_182 {offsets = [6], sizes = [1], strides = [1]} : vector<16xi32> to vector<1xi32>
      %squeeze3A_266 = vector.extract %slice3A_265[0] : i32 from vector<1xi32>
      %mul3A_267 = arith.constant 16 : i32
      %mul3A_268 = arith.muli %scan3A_176, %mul3A_267 : i32
      %add3A_269 = arith.constant 6 : i32
      %add3A_270 = arith.addi %mul3A_268, %add3A_269 : i32
      %dma_start3A_271 = arith.constant 0 : i32
      %dma_start3A_272 = tpu.memref_slice %arg12[%add3A_270, %dma_start3A_271] : memref<128x16xf32, #tpu.memory_space<vmem>> -> memref<1x16xf32, #tpu.memory_space<vmem>>
      %dma_start3A_273 = arith.constant 0 : i32
      %dma_start3A_274 = tpu.memref_slice %arg3[%squeeze3A_266, %dma_start3A_273] : memref<100000x16xf32, #tpu.memory_space<hbm>> -> memref<1x16xf32, #tpu.memory_space<hbm>>
      %dma_start3A_275 = arith.constant 0 : i32
      %dma_start3A_276 = tpu.memref_slice %arg12[%add3A_270, %dma_start3A_275] : memref<128x16xf32, #tpu.memory_space<vmem>> -> memref<1x16xf32, #tpu.memory_space<vmem>>
      %dma_start3A_277 = arith.constant 0 : i32
      %dma_start3A_278 = tpu.memref_slice %arg3[%squeeze3A_266, %dma_start3A_277] : memref<100000x16xf32, #tpu.memory_space<hbm>> -> memref<1x16xf32, #tpu.memory_space<hbm>>
      tpu.enqueue_dma source(%dma_start3A_278 : memref<1x16xf32, #tpu.memory_space<hbm>>) target(%dma_start3A_276 : memref<1x16xf32, #tpu.memory_space<vmem>>) target_semaphore(%arg18 : memref<!tpu.dma_semaphore, #tpu.memory_space<semaphore_mem>>)
      %slice3A_279 = vector.extract_strided_slice %get3A_182 {offsets = [7], sizes = [1], strides = [1]} : vector<16xi32> to vector<1xi32>
      %squeeze3A_280 = vector.extract %slice3A_279[0] : i32 from vector<1xi32>
      %mul3A_281 = arith.constant 16 : i32
      %mul3A_282 = arith.muli %scan3A_176, %mul3A_281 : i32
      %add3A_283 = arith.constant 7 : i32
      %add3A_284 = arith.addi %mul3A_282, %add3A_283 : i32
      %dma_start3A_285 = arith.constant 0 : i32
      %dma_start3A_286 = tpu.memref_slice %arg12[%add3A_284, %dma_start3A_285] : memref<128x16xf32, #tpu.memory_space<vmem>> -> memref<1x16xf32, #tpu.memory_space<vmem>>
      %dma_start3A_287 = arith.constant 0 : i32
      %dma_start3A_288 = tpu.memref_slice %arg3[%squeeze3A_280, %dma_start3A_287] : memref<100000x16xf32, #tpu.memory_space<hbm>> -> memref<1x16xf32, #tpu.memory_space<hbm>>
      %dma_start3A_289 = arith.constant 0 : i32
      %dma_start3A_290 = tpu.memref_slice %arg12[%add3A_284, %dma_start3A_289] : memref<128x16xf32, #tpu.memory_space<vmem>> -> memref<1x16xf32, #tpu.memory_space<vmem>>
      %dma_start3A_291 = arith.constant 0 : i32
      %dma_start3A_292 = tpu.memref_slice %arg3[%squeeze3A_280, %dma_start3A_291] : memref<100000x16xf32, #tpu.memory_space<hbm>> -> memref<1x16xf32, #tpu.memory_space<hbm>>
      tpu.enqueue_dma source(%dma_start3A_292 : memref<1x16xf32, #tpu.memory_space<hbm>>) target(%dma_start3A_290 : memref<1x16xf32, #tpu.memory_space<vmem>>) target_semaphore(%arg18 : memref<!tpu.dma_semaphore, #tpu.memory_space<semaphore_mem>>)
      %slice3A_293 = vector.extract_strided_slice %get3A_182 {offsets = [8], sizes = [1], strides = [1]} : vector<16xi32> to vector<1xi32>
      %squeeze3A_294 = vector.extract %slice3A_293[0] : i32 from vector<1xi32>
      %mul3A_295 = arith.constant 16 : i32
      %mul3A_296 = arith.muli %scan3A_176, %mul3A_295 : i32
      %add3A_297 = arith.constant 8 : i32
      %add3A_298 = arith.addi %mul3A_296, %add3A_297 : i32
      %dma_start3A_299 = arith.constant 0 : i32
      %dma_start3A_300 = tpu.memref_slice %arg12[%add3A_298, %dma_start3A_299] : memref<128x16xf32, #tpu.memory_space<vmem>> -> memref<1x16xf32, #tpu.memory_space<vmem>>
      %dma_start3A_301 = arith.constant 0 : i32
      %dma_start3A_302 = tpu.memref_slice %arg3[%squeeze3A_294, %dma_start3A_301] : memref<100000x16xf32, #tpu.memory_space<hbm>> -> memref<1x16xf32, #tpu.memory_space<hbm>>
      %dma_start3A_303 = arith.constant 0 : i32
      %dma_start3A_304 = tpu.memref_slice %arg12[%add3A_298, %dma_start3A_303] : memref<128x16xf32, #tpu.memory_space<vmem>> -> memref<1x16xf32, #tpu.memory_space<vmem>>
      %dma_start3A_305 = arith.constant 0 : i32
      %dma_start3A_306 = tpu.memref_slice %arg3[%squeeze3A_294, %dma_start3A_305] : memref<100000x16xf32, #tpu.memory_space<hbm>> -> memref<1x16xf32, #tpu.memory_space<hbm>>
      tpu.enqueue_dma source(%dma_start3A_306 : memref<1x16xf32, #tpu.memory_space<hbm>>) target(%dma_start3A_304 : memref<1x16xf32, #tpu.memory_space<vmem>>) target_semaphore(%arg18 : memref<!tpu.dma_semaphore, #tpu.memory_space<semaphore_mem>>)
      %slice3A_307 = vector.extract_strided_slice %get3A_182 {offsets = [9], sizes = [1], strides = [1]} : vector<16xi32> to vector<1xi32>
      %squeeze3A_308 = vector.extract %slice3A_307[0] : i32 from vector<1xi32>
      %mul3A_309 = arith.constant 16 : i32
      %mul3A_310 = arith.muli %scan3A_176, %mul3A_309 : i32
      %add3A_311 = arith.constant 9 : i32
      %add3A_312 = arith.addi %mul3A_310, %add3A_311 : i32
      %dma_start3A_313 = arith.constant 0 : i32
      %dma_start3A_314 = tpu.memref_slice %arg12[%add3A_312, %dma_start3A_313] : memref<128x16xf32, #tpu.memory_space<vmem>> -> memref<1x16xf32, #tpu.memory_space<vmem>>
      %dma_start3A_315 = arith.constant 0 : i32
      %dma_start3A_316 = tpu.memref_slice %arg3[%squeeze3A_308, %dma_start3A_315] : memref<100000x16xf32, #tpu.memory_space<hbm>> -> memref<1x16xf32, #tpu.memory_space<hbm>>
      %dma_start3A_317 = arith.constant 0 : i32
      %dma_start3A_318 = tpu.memref_slice %arg12[%add3A_312, %dma_start3A_317] : memref<128x16xf32, #tpu.memory_space<vmem>> -> memref<1x16xf32, #tpu.memory_space<vmem>>
      %dma_start3A_319 = arith.constant 0 : i32
      %dma_start3A_320 = tpu.memref_slice %arg3[%squeeze3A_308, %dma_start3A_319] : memref<100000x16xf32, #tpu.memory_space<hbm>> -> memref<1x16xf32, #tpu.memory_space<hbm>>
      tpu.enqueue_dma source(%dma_start3A_320 : memref<1x16xf32, #tpu.memory_space<hbm>>) target(%dma_start3A_318 : memref<1x16xf32, #tpu.memory_space<vmem>>) target_semaphore(%arg18 : memref<!tpu.dma_semaphore, #tpu.memory_space<semaphore_mem>>)
      %slice3A_321 = vector.extract_strided_slice %get3A_182 {offsets = [10], sizes = [1], strides = [1]} : vector<16xi32> to vector<1xi32>
      %squeeze3A_322 = vector.extract %slice3A_321[0] : i32 from vector<1xi32>
      %mul3A_323 = arith.constant 16 : i32
      %mul3A_324 = arith.muli %scan3A_176, %mul3A_323 : i32
      %add3A_325 = arith.constant 10 : i32
      %add3A_326 = arith.addi %mul3A_324, %add3A_325 : i32
      %dma_start3A_327 = arith.constant 0 : i32
      %dma_start3A_328 = tpu.memref_slice %arg12[%add3A_326, %dma_start3A_327] : memref<128x16xf32, #tpu.memory_space<vmem>> -> memref<1x16xf32, #tpu.memory_space<vmem>>
      %dma_start3A_329 = arith.constant 0 : i32
      %dma_start3A_330 = tpu.memref_slice %arg3[%squeeze3A_322, %dma_start3A_329] : memref<100000x16xf32, #tpu.memory_space<hbm>> -> memref<1x16xf32, #tpu.memory_space<hbm>>
      %dma_start3A_331 = arith.constant 0 : i32
      %dma_start3A_332 = tpu.memref_slice %arg12[%add3A_326, %dma_start3A_331] : memref<128x16xf32, #tpu.memory_space<vmem>> -> memref<1x16xf32, #tpu.memory_space<vmem>>
      %dma_start3A_333 = arith.constant 0 : i32
      %dma_start3A_334 = tpu.memref_slice %arg3[%squeeze3A_322, %dma_start3A_333] : memref<100000x16xf32, #tpu.memory_space<hbm>> -> memref<1x16xf32, #tpu.memory_space<hbm>>
      tpu.enqueue_dma source(%dma_start3A_334 : memref<1x16xf32, #tpu.memory_space<hbm>>) target(%dma_start3A_332 : memref<1x16xf32, #tpu.memory_space<vmem>>) target_semaphore(%arg18 : memref<!tpu.dma_semaphore, #tpu.memory_space<semaphore_mem>>)
      %slice3A_335 = vector.extract_strided_slice %get3A_182 {offsets = [11], sizes = [1], strides = [1]} : vector<16xi32> to vector<1xi32>
      %squeeze3A_336 = vector.extract %slice3A_335[0] : i32 from vector<1xi32>
      %mul3A_337 = arith.constant 16 : i32
      %mul3A_338 = arith.muli %scan3A_176, %mul3A_337 : i32
      %add3A_339 = arith.constant 11 : i32
      %add3A_340 = arith.addi %mul3A_338, %add3A_339 : i32
      %dma_start3A_341 = arith.constant 0 : i32
      %dma_start3A_342 = tpu.memref_slice %arg12[%add3A_340, %dma_start3A_341] : memref<128x16xf32, #tpu.memory_space<vmem>> -> memref<1x16xf32, #tpu.memory_space<vmem>>
      %dma_start3A_343 = arith.constant 0 : i32
      %dma_start3A_344 = tpu.memref_slice %arg3[%squeeze3A_336, %dma_start3A_343] : memref<100000x16xf32, #tpu.memory_space<hbm>> -> memref<1x16xf32, #tpu.memory_space<hbm>>
      %dma_start3A_345 = arith.constant 0 : i32
      %dma_start3A_346 = tpu.memref_slice %arg12[%add3A_340, %dma_start3A_345] : memref<128x16xf32, #tpu.memory_space<vmem>> -> memref<1x16xf32, #tpu.memory_space<vmem>>
      %dma_start3A_347 = arith.constant 0 : i32
      %dma_start3A_348 = tpu.memref_slice %arg3[%squeeze3A_336, %dma_start3A_347] : memref<100000x16xf32, #tpu.memory_space<hbm>> -> memref<1x16xf32, #tpu.memory_space<hbm>>
      tpu.enqueue_dma source(%dma_start3A_348 : memref<1x16xf32, #tpu.memory_space<hbm>>) target(%dma_start3A_346 : memref<1x16xf32, #tpu.memory_space<vmem>>) target_semaphore(%arg18 : memref<!tpu.dma_semaphore, #tpu.memory_space<semaphore_mem>>)
      %slice3A_349 = vector.extract_strided_slice %get3A_182 {offsets = [12], sizes = [1], strides = [1]} : vector<16xi32> to vector<1xi32>
      %squeeze3A_350 = vector.extract %slice3A_349[0] : i32 from vector<1xi32>
      %mul3A_351 = arith.constant 16 : i32
      %mul3A_352 = arith.muli %scan3A_176, %mul3A_351 : i32
      %add3A_353 = arith.constant 12 : i32
      %add3A_354 = arith.addi %mul3A_352, %add3A_353 : i32
      %dma_start3A_355 = arith.constant 0 : i32
      %dma_start3A_356 = tpu.memref_slice %arg12[%add3A_354, %dma_start3A_355] : memref<128x16xf32, #tpu.memory_space<vmem>> -> memref<1x16xf32, #tpu.memory_space<vmem>>
      %dma_start3A_357 = arith.constant 0 : i32
      %dma_start3A_358 = tpu.memref_slice %arg3[%squeeze3A_350, %dma_start3A_357] : memref<100000x16xf32, #tpu.memory_space<hbm>> -> memref<1x16xf32, #tpu.memory_space<hbm>>
      %dma_start3A_359 = arith.constant 0 : i32
      %dma_start3A_360 = tpu.memref_slice %arg12[%add3A_354, %dma_start3A_359] : memref<128x16xf32, #tpu.memory_space<vmem>> -> memref<1x16xf32, #tpu.memory_space<vmem>>
      %dma_start3A_361 = arith.constant 0 : i32
      %dma_start3A_362 = tpu.memref_slice %arg3[%squeeze3A_350, %dma_start3A_361] : memref<100000x16xf32, #tpu.memory_space<hbm>> -> memref<1x16xf32, #tpu.memory_space<hbm>>
      tpu.enqueue_dma source(%dma_start3A_362 : memref<1x16xf32, #tpu.memory_space<hbm>>) target(%dma_start3A_360 : memref<1x16xf32, #tpu.memory_space<vmem>>) target_semaphore(%arg18 : memref<!tpu.dma_semaphore, #tpu.memory_space<semaphore_mem>>)
      %slice3A_363 = vector.extract_strided_slice %get3A_182 {offsets = [13], sizes = [1], strides = [1]} : vector<16xi32> to vector<1xi32>
      %squeeze3A_364 = vector.extract %slice3A_363[0] : i32 from vector<1xi32>
      %mul3A_365 = arith.constant 16 : i32
      %mul3A_366 = arith.muli %scan3A_176, %mul3A_365 : i32
      %add3A_367 = arith.constant 13 : i32
      %add3A_368 = arith.addi %mul3A_366, %add3A_367 : i32
      %dma_start3A_369 = arith.constant 0 : i32
      %dma_start3A_370 = tpu.memref_slice %arg12[%add3A_368, %dma_start3A_369] : memref<128x16xf32, #tpu.memory_space<vmem>> -> memref<1x16xf32, #tpu.memory_space<vmem>>
      %dma_start3A_371 = arith.constant 0 : i32
      %dma_start3A_372 = tpu.memref_slice %arg3[%squeeze3A_364, %dma_start3A_371] : memref<100000x16xf32, #tpu.memory_space<hbm>> -> memref<1x16xf32, #tpu.memory_space<hbm>>
      %dma_start3A_373 = arith.constant 0 : i32
      %dma_start3A_374 = tpu.memref_slice %arg12[%add3A_368, %dma_start3A_373] : memref<128x16xf32, #tpu.memory_space<vmem>> -> memref<1x16xf32, #tpu.memory_space<vmem>>
      %dma_start3A_375 = arith.constant 0 : i32
      %dma_start3A_376 = tpu.memref_slice %arg3[%squeeze3A_364, %dma_start3A_375] : memref<100000x16xf32, #tpu.memory_space<hbm>> -> memref<1x16xf32, #tpu.memory_space<hbm>>
      tpu.enqueue_dma source(%dma_start3A_376 : memref<1x16xf32, #tpu.memory_space<hbm>>) target(%dma_start3A_374 : memref<1x16xf32, #tpu.memory_space<vmem>>) target_semaphore(%arg18 : memref<!tpu.dma_semaphore, #tpu.memory_space<semaphore_mem>>)
      %slice3A_377 = vector.extract_strided_slice %get3A_182 {offsets = [14], sizes = [1], strides = [1]} : vector<16xi32> to vector<1xi32>
      %squeeze3A_378 = vector.extract %slice3A_377[0] : i32 from vector<1xi32>
      %mul3A_379 = arith.constant 16 : i32
      %mul3A_380 = arith.muli %scan3A_176, %mul3A_379 : i32
      %add3A_381 = arith.constant 14 : i32
      %add3A_382 = arith.addi %mul3A_380, %add3A_381 : i32
      %dma_start3A_383 = arith.constant 0 : i32
      %dma_start3A_384 = tpu.memref_slice %arg12[%add3A_382, %dma_start3A_383] : memref<128x16xf32, #tpu.memory_space<vmem>> -> memref<1x16xf32, #tpu.memory_space<vmem>>
      %dma_start3A_385 = arith.constant 0 : i32
      %dma_start3A_386 = tpu.memref_slice %arg3[%squeeze3A_378, %dma_start3A_385] : memref<100000x16xf32, #tpu.memory_space<hbm>> -> memref<1x16xf32, #tpu.memory_space<hbm>>
      %dma_start3A_387 = arith.constant 0 : i32
      %dma_start3A_388 = tpu.memref_slice %arg12[%add3A_382, %dma_start3A_387] : memref<128x16xf32, #tpu.memory_space<vmem>> -> memref<1x16xf32, #tpu.memory_space<vmem>>
      %dma_start3A_389 = arith.constant 0 : i32
      %dma_start3A_390 = tpu.memref_slice %arg3[%squeeze3A_378, %dma_start3A_389] : memref<100000x16xf32, #tpu.memory_space<hbm>> -> memref<1x16xf32, #tpu.memory_space<hbm>>
      tpu.enqueue_dma source(%dma_start3A_390 : memref<1x16xf32, #tpu.memory_space<hbm>>) target(%dma_start3A_388 : memref<1x16xf32, #tpu.memory_space<vmem>>) target_semaphore(%arg18 : memref<!tpu.dma_semaphore, #tpu.memory_space<semaphore_mem>>)
      %slice3A_391 = vector.extract_strided_slice %get3A_182 {offsets = [15], sizes = [1], strides = [1]} : vector<16xi32> to vector<1xi32>
      %squeeze3A_392 = vector.extract %slice3A_391[0] : i32 from vector<1xi32>
      %mul3A_393 = arith.constant 16 : i32
      %mul3A_394 = arith.muli %scan3A_176, %mul3A_393 : i32
      %add3A_395 = arith.constant 15 : i32
      %add3A_396 = arith.addi %mul3A_394, %add3A_395 : i32
      %dma_start3A_397 = arith.constant 0 : i32
      %dma_start3A_398 = tpu.memref_slice %arg12[%add3A_396, %dma_start3A_397] : memref<128x16xf32, #tpu.memory_space<vmem>> -> memref<1x16xf32, #tpu.memory_space<vmem>>
      %dma_start3A_399 = arith.constant 0 : i32
      %dma_start3A_400 = tpu.memref_slice %arg3[%squeeze3A_392, %dma_start3A_399] : memref<100000x16xf32, #tpu.memory_space<hbm>> -> memref<1x16xf32, #tpu.memory_space<hbm>>
      %dma_start3A_401 = arith.constant 0 : i32
      %dma_start3A_402 = tpu.memref_slice %arg12[%add3A_396, %dma_start3A_401] : memref<128x16xf32, #tpu.memory_space<vmem>> -> memref<1x16xf32, #tpu.memory_space<vmem>>
      %dma_start3A_403 = arith.constant 0 : i32
      %dma_start3A_404 = tpu.memref_slice %arg3[%squeeze3A_392, %dma_start3A_403] : memref<100000x16xf32, #tpu.memory_space<hbm>> -> memref<1x16xf32, #tpu.memory_space<hbm>>
      tpu.enqueue_dma source(%dma_start3A_404 : memref<1x16xf32, #tpu.memory_space<hbm>>) target(%dma_start3A_402 : memref<1x16xf32, #tpu.memory_space<vmem>>) target_semaphore(%arg18 : memref<!tpu.dma_semaphore, #tpu.memory_space<semaphore_mem>>)
      %scan3A_405 = arith.constant 0 : i32
      scf.yield %scan3A_405 : i32
    }
    %scan3A_28 = arith.constant 8 : i32
    %scan3A_29 = arith.constant 0 : i32
    %scan3A_30 = arith.constant 0 : i32
    %scan3A_31 = arith.constant 8 : i32
    %scan3A_32 = arith.addi %scan3A_30, %scan3A_31 : i32
    %scan3A_33 = arith.constant 1 : i32
    %scan3A_34 = scf.for %scan3A_176 = %scan3A_30 to %scan3A_32 step %scan3A_33 iter_args(%scan3A_177 = %scan3A_29) -> (i32)  : i32 {
      %mul3A_178 = arith.constant 16 : i32
      %mul3A_179 = arith.muli %scan3A_176, %mul3A_178 : i32
      %add3A_180 = arith.constant 128 : i32
      %add3A_181 = arith.addi %add3A_180, %mul3A_179 : i32
      %get3A = arith.index_cast %add3A_181 : i32 to index
      %get3A_182 = tpu.vector_load %arg9[%get3A] {strides = array<i32>} : memref<512xi32, #tpu.memory_space<vmem>>, vector<16xi32>,
      %slice3A = vector.extract_strided_slice %get3A_182 {offsets = [0], sizes = [1], strides = [1]} : vector<16xi32> to vector<1xi32>
      %squeeze3A = vector.extract %slice3A[0] : i32 from vector<1xi32>
      %mul3A_183 = arith.constant 16 : i32
      %mul3A_184 = arith.muli %scan3A_176, %mul3A_183 : i32
      %add3A_185 = arith.constant 0 : i32
      %add3A_186 = arith.addi %mul3A_184, %add3A_185 : i32
      %dma_start3A_187 = arith.constant 0 : i32
      %dma_start3A_188 = tpu.memref_slice %arg13[%add3A_186, %dma_start3A_187] : memref<128x16xf32, #tpu.memory_space<vmem>> -> memref<1x16xf32, #tpu.memory_space<vmem>>
      %dma_start3A_189 = arith.constant 0 : i32
      %dma_start3A_190 = tpu.memref_slice %arg2[%squeeze3A, %dma_start3A_189] : memref<100000x16xf32, #tpu.memory_space<hbm>> -> memref<1x16xf32, #tpu.memory_space<hbm>>
      %dma_start3A_191 = arith.constant 0 : i32
      %dma_start3A_192 = tpu.memref_slice %arg13[%add3A_186, %dma_start3A_191] : memref<128x16xf32, #tpu.memory_space<vmem>> -> memref<1x16xf32, #tpu.memory_space<vmem>>
      %dma_start3A_193 = arith.constant 0 : i32
      %dma_start3A_194 = tpu.memref_slice %arg2[%squeeze3A, %dma_start3A_193] : memref<100000x16xf32, #tpu.memory_space<hbm>> -> memref<1x16xf32, #tpu.memory_space<hbm>>
      tpu.enqueue_dma source(%dma_start3A_194 : memref<1x16xf32, #tpu.memory_space<hbm>>) target(%dma_start3A_192 : memref<1x16xf32, #tpu.memory_space<vmem>>) target_semaphore(%arg19 : memref<!tpu.dma_semaphore, #tpu.memory_space<semaphore_mem>>)
      %slice3A_195 = vector.extract_strided_slice %get3A_182 {offsets = [1], sizes = [1], strides = [1]} : vector<16xi32> to vector<1xi32>
      %squeeze3A_196 = vector.extract %slice3A_195[0] : i32 from vector<1xi32>
      %mul3A_197 = arith.constant 16 : i32
      %mul3A_198 = arith.muli %scan3A_176, %mul3A_197 : i32
      %add3A_199 = arith.constant 1 : i32
      %add3A_200 = arith.addi %mul3A_198, %add3A_199 : i32
      %dma_start3A_201 = arith.constant 0 : i32
      %dma_start3A_202 = tpu.memref_slice %arg13[%add3A_200, %dma_start3A_201] : memref<128x16xf32, #tpu.memory_space<vmem>> -> memref<1x16xf32, #tpu.memory_space<vmem>>
      %dma_start3A_203 = arith.constant 0 : i32
      %dma_start3A_204 = tpu.memref_slice %arg2[%squeeze3A_196, %dma_start3A_203] : memref<100000x16xf32, #tpu.memory_space<hbm>> -> memref<1x16xf32, #tpu.memory_space<hbm>>
      %dma_start3A_205 = arith.constant 0 : i32
      %dma_start3A_206 = tpu.memref_slice %arg13[%add3A_200, %dma_start3A_205] : memref<128x16xf32, #tpu.memory_space<vmem>> -> memref<1x16xf32, #tpu.memory_space<vmem>>
      %dma_start3A_207 = arith.constant 0 : i32
      %dma_start3A_208 = tpu.memref_slice %arg2[%squeeze3A_196, %dma_start3A_207] : memref<100000x16xf32, #tpu.memory_space<hbm>> -> memref<1x16xf32, #tpu.memory_space<hbm>>
      tpu.enqueue_dma source(%dma_start3A_208 : memref<1x16xf32, #tpu.memory_space<hbm>>) target(%dma_start3A_206 : memref<1x16xf32, #tpu.memory_space<vmem>>) target_semaphore(%arg19 : memref<!tpu.dma_semaphore, #tpu.memory_space<semaphore_mem>>)
      %slice3A_209 = vector.extract_strided_slice %get3A_182 {offsets = [2], sizes = [1], strides = [1]} : vector<16xi32> to vector<1xi32>
      %squeeze3A_210 = vector.extract %slice3A_209[0] : i32 from vector<1xi32>
      %mul3A_211 = arith.constant 16 : i32
      %mul3A_212 = arith.muli %scan3A_176, %mul3A_211 : i32
      %add3A_213 = arith.constant 2 : i32
      %add3A_214 = arith.addi %mul3A_212, %add3A_213 : i32
      %dma_start3A_215 = arith.constant 0 : i32
      %dma_start3A_216 = tpu.memref_slice %arg13[%add3A_214, %dma_start3A_215] : memref<128x16xf32, #tpu.memory_space<vmem>> -> memref<1x16xf32, #tpu.memory_space<vmem>>
      %dma_start3A_217 = arith.constant 0 : i32
      %dma_start3A_218 = tpu.memref_slice %arg2[%squeeze3A_210, %dma_start3A_217] : memref<100000x16xf32, #tpu.memory_space<hbm>> -> memref<1x16xf32, #tpu.memory_space<hbm>>
      %dma_start3A_219 = arith.constant 0 : i32
      %dma_start3A_220 = tpu.memref_slice %arg13[%add3A_214, %dma_start3A_219] : memref<128x16xf32, #tpu.memory_space<vmem>> -> memref<1x16xf32, #tpu.memory_space<vmem>>
      %dma_start3A_221 = arith.constant 0 : i32
      %dma_start3A_222 = tpu.memref_slice %arg2[%squeeze3A_210, %dma_start3A_221] : memref<100000x16xf32, #tpu.memory_space<hbm>> -> memref<1x16xf32, #tpu.memory_space<hbm>>
      tpu.enqueue_dma source(%dma_start3A_222 : memref<1x16xf32, #tpu.memory_space<hbm>>) target(%dma_start3A_220 : memref<1x16xf32, #tpu.memory_space<vmem>>) target_semaphore(%arg19 : memref<!tpu.dma_semaphore, #tpu.memory_space<semaphore_mem>>)
      %slice3A_223 = vector.extract_strided_slice %get3A_182 {offsets = [3], sizes = [1], strides = [1]} : vector<16xi32> to vector<1xi32>
      %squeeze3A_224 = vector.extract %slice3A_223[0] : i32 from vector<1xi32>
      %mul3A_225 = arith.constant 16 : i32
      %mul3A_226 = arith.muli %scan3A_176, %mul3A_225 : i32
      %add3A_227 = arith.constant 3 : i32
      %add3A_228 = arith.addi %mul3A_226, %add3A_227 : i32
      %dma_start3A_229 = arith.constant 0 : i32
      %dma_start3A_230 = tpu.memref_slice %arg13[%add3A_228, %dma_start3A_229] : memref<128x16xf32, #tpu.memory_space<vmem>> -> memref<1x16xf32, #tpu.memory_space<vmem>>
      %dma_start3A_231 = arith.constant 0 : i32
      %dma_start3A_232 = tpu.memref_slice %arg2[%squeeze3A_224, %dma_start3A_231] : memref<100000x16xf32, #tpu.memory_space<hbm>> -> memref<1x16xf32, #tpu.memory_space<hbm>>
      %dma_start3A_233 = arith.constant 0 : i32
      %dma_start3A_234 = tpu.memref_slice %arg13[%add3A_228, %dma_start3A_233] : memref<128x16xf32, #tpu.memory_space<vmem>> -> memref<1x16xf32, #tpu.memory_space<vmem>>
      %dma_start3A_235 = arith.constant 0 : i32
      %dma_start3A_236 = tpu.memref_slice %arg2[%squeeze3A_224, %dma_start3A_235] : memref<100000x16xf32, #tpu.memory_space<hbm>> -> memref<1x16xf32, #tpu.memory_space<hbm>>
      tpu.enqueue_dma source(%dma_start3A_236 : memref<1x16xf32, #tpu.memory_space<hbm>>) target(%dma_start3A_234 : memref<1x16xf32, #tpu.memory_space<vmem>>) target_semaphore(%arg19 : memref<!tpu.dma_semaphore, #tpu.memory_space<semaphore_mem>>)
      %slice3A_237 = vector.extract_strided_slice %get3A_182 {offsets = [4], sizes = [1], strides = [1]} : vector<16xi32> to vector<1xi32>
      %squeeze3A_238 = vector.extract %slice3A_237[0] : i32 from vector<1xi32>
      %mul3A_239 = arith.constant 16 : i32
      %mul3A_240 = arith.muli %scan3A_176, %mul3A_239 : i32
      %add3A_241 = arith.constant 4 : i32
      %add3A_242 = arith.addi %mul3A_240, %add3A_241 : i32
      %dma_start3A_243 = arith.constant 0 : i32
      %dma_start3A_244 = tpu.memref_slice %arg13[%add3A_242, %dma_start3A_243] : memref<128x16xf32, #tpu.memory_space<vmem>> -> memref<1x16xf32, #tpu.memory_space<vmem>>
      %dma_start3A_245 = arith.constant 0 : i32
      %dma_start3A_246 = tpu.memref_slice %arg2[%squeeze3A_238, %dma_start3A_245] : memref<100000x16xf32, #tpu.memory_space<hbm>> -> memref<1x16xf32, #tpu.memory_space<hbm>>
      %dma_start3A_247 = arith.constant 0 : i32
      %dma_start3A_248 = tpu.memref_slice %arg13[%add3A_242, %dma_start3A_247] : memref<128x16xf32, #tpu.memory_space<vmem>> -> memref<1x16xf32, #tpu.memory_space<vmem>>
      %dma_start3A_249 = arith.constant 0 : i32
      %dma_start3A_250 = tpu.memref_slice %arg2[%squeeze3A_238, %dma_start3A_249] : memref<100000x16xf32, #tpu.memory_space<hbm>> -> memref<1x16xf32, #tpu.memory_space<hbm>>
      tpu.enqueue_dma source(%dma_start3A_250 : memref<1x16xf32, #tpu.memory_space<hbm>>) target(%dma_start3A_248 : memref<1x16xf32, #tpu.memory_space<vmem>>) target_semaphore(%arg19 : memref<!tpu.dma_semaphore, #tpu.memory_space<semaphore_mem>>)
      %slice3A_251 = vector.extract_strided_slice %get3A_182 {offsets = [5], sizes = [1], strides = [1]} : vector<16xi32> to vector<1xi32>
      %squeeze3A_252 = vector.extract %slice3A_251[0] : i32 from vector<1xi32>
      %mul3A_253 = arith.constant 16 : i32
      %mul3A_254 = arith.muli %scan3A_176, %mul3A_253 : i32
      %add3A_255 = arith.constant 5 : i32
      %add3A_256 = arith.addi %mul3A_254, %add3A_255 : i32
      %dma_start3A_257 = arith.constant 0 : i32
      %dma_start3A_258 = tpu.memref_slice %arg13[%add3A_256, %dma_start3A_257] : memref<128x16xf32, #tpu.memory_space<vmem>> -> memref<1x16xf32, #tpu.memory_space<vmem>>
      %dma_start3A_259 = arith.constant 0 : i32
      %dma_start3A_260 = tpu.memref_slice %arg2[%squeeze3A_252, %dma_start3A_259] : memref<100000x16xf32, #tpu.memory_space<hbm>> -> memref<1x16xf32, #tpu.memory_space<hbm>>
      %dma_start3A_261 = arith.constant 0 : i32
      %dma_start3A_262 = tpu.memref_slice %arg13[%add3A_256, %dma_start3A_261] : memref<128x16xf32, #tpu.memory_space<vmem>> -> memref<1x16xf32, #tpu.memory_space<vmem>>
      %dma_start3A_263 = arith.constant 0 : i32
      %dma_start3A_264 = tpu.memref_slice %arg2[%squeeze3A_252, %dma_start3A_263] : memref<100000x16xf32, #tpu.memory_space<hbm>> -> memref<1x16xf32, #tpu.memory_space<hbm>>
      tpu.enqueue_dma source(%dma_start3A_264 : memref<1x16xf32, #tpu.memory_space<hbm>>) target(%dma_start3A_262 : memref<1x16xf32, #tpu.memory_space<vmem>>) target_semaphore(%arg19 : memref<!tpu.dma_semaphore, #tpu.memory_space<semaphore_mem>>)
      %slice3A_265 = vector.extract_strided_slice %get3A_182 {offsets = [6], sizes = [1], strides = [1]} : vector<16xi32> to vector<1xi32>
      %squeeze3A_266 = vector.extract %slice3A_265[0] : i32 from vector<1xi32>
      %mul3A_267 = arith.constant 16 : i32
      %mul3A_268 = arith.muli %scan3A_176, %mul3A_267 : i32
      %add3A_269 = arith.constant 6 : i32
      %add3A_270 = arith.addi %mul3A_268, %add3A_269 : i32
      %dma_start3A_271 = arith.constant 0 : i32
      %dma_start3A_272 = tpu.memref_slice %arg13[%add3A_270, %dma_start3A_271] : memref<128x16xf32, #tpu.memory_space<vmem>> -> memref<1x16xf32, #tpu.memory_space<vmem>>
      %dma_start3A_273 = arith.constant 0 : i32
      %dma_start3A_274 = tpu.memref_slice %arg2[%squeeze3A_266, %dma_start3A_273] : memref<100000x16xf32, #tpu.memory_space<hbm>> -> memref<1x16xf32, #tpu.memory_space<hbm>>
      %dma_start3A_275 = arith.constant 0 : i32
      %dma_start3A_276 = tpu.memref_slice %arg13[%add3A_270, %dma_start3A_275] : memref<128x16xf32, #tpu.memory_space<vmem>> -> memref<1x16xf32, #tpu.memory_space<vmem>>
      %dma_start3A_277 = arith.constant 0 : i32
      %dma_start3A_278 = tpu.memref_slice %arg2[%squeeze3A_266, %dma_start3A_277] : memref<100000x16xf32, #tpu.memory_space<hbm>> -> memref<1x16xf32, #tpu.memory_space<hbm>>
      tpu.enqueue_dma source(%dma_start3A_278 : memref<1x16xf32, #tpu.memory_space<hbm>>) target(%dma_start3A_276 : memref<1x16xf32, #tpu.memory_space<vmem>>) target_semaphore(%arg19 : memref<!tpu.dma_semaphore, #tpu.memory_space<semaphore_mem>>)
      %slice3A_279 = vector.extract_strided_slice %get3A_182 {offsets = [7], sizes = [1], strides = [1]} : vector<16xi32> to vector<1xi32>
      %squeeze3A_280 = vector.extract %slice3A_279[0] : i32 from vector<1xi32>
      %mul3A_281 = arith.constant 16 : i32
      %mul3A_282 = arith.muli %scan3A_176, %mul3A_281 : i32
      %add3A_283 = arith.constant 7 : i32
      %add3A_284 = arith.addi %mul3A_282, %add3A_283 : i32
      %dma_start3A_285 = arith.constant 0 : i32
      %dma_start3A_286 = tpu.memref_slice %arg13[%add3A_284, %dma_start3A_285] : memref<128x16xf32, #tpu.memory_space<vmem>> -> memref<1x16xf32, #tpu.memory_space<vmem>>
      %dma_start3A_287 = arith.constant 0 : i32
      %dma_start3A_288 = tpu.memref_slice %arg2[%squeeze3A_280, %dma_start3A_287] : memref<100000x16xf32, #tpu.memory_space<hbm>> -> memref<1x16xf32, #tpu.memory_space<hbm>>
      %dma_start3A_289 = arith.constant 0 : i32
      %dma_start3A_290 = tpu.memref_slice %arg13[%add3A_284, %dma_start3A_289] : memref<128x16xf32, #tpu.memory_space<vmem>> -> memref<1x16xf32, #tpu.memory_space<vmem>>
      %dma_start3A_291 = arith.constant 0 : i32
      %dma_start3A_292 = tpu.memref_slice %arg2[%squeeze3A_280, %dma_start3A_291] : memref<100000x16xf32, #tpu.memory_space<hbm>> -> memref<1x16xf32, #tpu.memory_space<hbm>>
      tpu.enqueue_dma source(%dma_start3A_292 : memref<1x16xf32, #tpu.memory_space<hbm>>) target(%dma_start3A_290 : memref<1x16xf32, #tpu.memory_space<vmem>>) target_semaphore(%arg19 : memref<!tpu.dma_semaphore, #tpu.memory_space<semaphore_mem>>)
      %slice3A_293 = vector.extract_strided_slice %get3A_182 {offsets = [8], sizes = [1], strides = [1]} : vector<16xi32> to vector<1xi32>
      %squeeze3A_294 = vector.extract %slice3A_293[0] : i32 from vector<1xi32>
      %mul3A_295 = arith.constant 16 : i32
      %mul3A_296 = arith.muli %scan3A_176, %mul3A_295 : i32
      %add3A_297 = arith.constant 8 : i32
      %add3A_298 = arith.addi %mul3A_296, %add3A_297 : i32
      %dma_start3A_299 = arith.constant 0 : i32
      %dma_start3A_300 = tpu.memref_slice %arg13[%add3A_298, %dma_start3A_299] : memref<128x16xf32, #tpu.memory_space<vmem>> -> memref<1x16xf32, #tpu.memory_space<vmem>>
      %dma_start3A_301 = arith.constant 0 : i32
      %dma_start3A_302 = tpu.memref_slice %arg2[%squeeze3A_294, %dma_start3A_301] : memref<100000x16xf32, #tpu.memory_space<hbm>> -> memref<1x16xf32, #tpu.memory_space<hbm>>
      %dma_start3A_303 = arith.constant 0 : i32
      %dma_start3A_304 = tpu.memref_slice %arg13[%add3A_298, %dma_start3A_303] : memref<128x16xf32, #tpu.memory_space<vmem>> -> memref<1x16xf32, #tpu.memory_space<vmem>>
      %dma_start3A_305 = arith.constant 0 : i32
      %dma_start3A_306 = tpu.memref_slice %arg2[%squeeze3A_294, %dma_start3A_305] : memref<100000x16xf32, #tpu.memory_space<hbm>> -> memref<1x16xf32, #tpu.memory_space<hbm>>
      tpu.enqueue_dma source(%dma_start3A_306 : memref<1x16xf32, #tpu.memory_space<hbm>>) target(%dma_start3A_304 : memref<1x16xf32, #tpu.memory_space<vmem>>) target_semaphore(%arg19 : memref<!tpu.dma_semaphore, #tpu.memory_space<semaphore_mem>>)
      %slice3A_307 = vector.extract_strided_slice %get3A_182 {offsets = [9], sizes = [1], strides = [1]} : vector<16xi32> to vector<1xi32>
      %squeeze3A_308 = vector.extract %slice3A_307[0] : i32 from vector<1xi32>
      %mul3A_309 = arith.constant 16 : i32
      %mul3A_310 = arith.muli %scan3A_176, %mul3A_309 : i32
      %add3A_311 = arith.constant 9 : i32
      %add3A_312 = arith.addi %mul3A_310, %add3A_311 : i32
      %dma_start3A_313 = arith.constant 0 : i32
      %dma_start3A_314 = tpu.memref_slice %arg13[%add3A_312, %dma_start3A_313] : memref<128x16xf32, #tpu.memory_space<vmem>> -> memref<1x16xf32, #tpu.memory_space<vmem>>
      %dma_start3A_315 = arith.constant 0 : i32
      %dma_start3A_316 = tpu.memref_slice %arg2[%squeeze3A_308, %dma_start3A_315] : memref<100000x16xf32, #tpu.memory_space<hbm>> -> memref<1x16xf32, #tpu.memory_space<hbm>>
      %dma_start3A_317 = arith.constant 0 : i32
      %dma_start3A_318 = tpu.memref_slice %arg13[%add3A_312, %dma_start3A_317] : memref<128x16xf32, #tpu.memory_space<vmem>> -> memref<1x16xf32, #tpu.memory_space<vmem>>
      %dma_start3A_319 = arith.constant 0 : i32
      %dma_start3A_320 = tpu.memref_slice %arg2[%squeeze3A_308, %dma_start3A_319] : memref<100000x16xf32, #tpu.memory_space<hbm>> -> memref<1x16xf32, #tpu.memory_space<hbm>>
      tpu.enqueue_dma source(%dma_start3A_320 : memref<1x16xf32, #tpu.memory_space<hbm>>) target(%dma_start3A_318 : memref<1x16xf32, #tpu.memory_space<vmem>>) target_semaphore(%arg19 : memref<!tpu.dma_semaphore, #tpu.memory_space<semaphore_mem>>)
      %slice3A_321 = vector.extract_strided_slice %get3A_182 {offsets = [10], sizes = [1], strides = [1]} : vector<16xi32> to vector<1xi32>
      %squeeze3A_322 = vector.extract %slice3A_321[0] : i32 from vector<1xi32>
      %mul3A_323 = arith.constant 16 : i32
      %mul3A_324 = arith.muli %scan3A_176, %mul3A_323 : i32
      %add3A_325 = arith.constant 10 : i32
      %add3A_326 = arith.addi %mul3A_324, %add3A_325 : i32
      %dma_start3A_327 = arith.constant 0 : i32
      %dma_start3A_328 = tpu.memref_slice %arg13[%add3A_326, %dma_start3A_327] : memref<128x16xf32, #tpu.memory_space<vmem>> -> memref<1x16xf32, #tpu.memory_space<vmem>>
      %dma_start3A_329 = arith.constant 0 : i32
      %dma_start3A_330 = tpu.memref_slice %arg2[%squeeze3A_322, %dma_start3A_329] : memref<100000x16xf32, #tpu.memory_space<hbm>> -> memref<1x16xf32, #tpu.memory_space<hbm>>
      %dma_start3A_331 = arith.constant 0 : i32
      %dma_start3A_332 = tpu.memref_slice %arg13[%add3A_326, %dma_start3A_331] : memref<128x16xf32, #tpu.memory_space<vmem>> -> memref<1x16xf32, #tpu.memory_space<vmem>>
      %dma_start3A_333 = arith.constant 0 : i32
      %dma_start3A_334 = tpu.memref_slice %arg2[%squeeze3A_322, %dma_start3A_333] : memref<100000x16xf32, #tpu.memory_space<hbm>> -> memref<1x16xf32, #tpu.memory_space<hbm>>
      tpu.enqueue_dma source(%dma_start3A_334 : memref<1x16xf32, #tpu.memory_space<hbm>>) target(%dma_start3A_332 : memref<1x16xf32, #tpu.memory_space<vmem>>) target_semaphore(%arg19 : memref<!tpu.dma_semaphore, #tpu.memory_space<semaphore_mem>>)
      %slice3A_335 = vector.extract_strided_slice %get3A_182 {offsets = [11], sizes = [1], strides = [1]} : vector<16xi32> to vector<1xi32>
      %squeeze3A_336 = vector.extract %slice3A_335[0] : i32 from vector<1xi32>
      %mul3A_337 = arith.constant 16 : i32
      %mul3A_338 = arith.muli %scan3A_176, %mul3A_337 : i32
      %add3A_339 = arith.constant 11 : i32
      %add3A_340 = arith.addi %mul3A_338, %add3A_339 : i32
      %dma_start3A_341 = arith.constant 0 : i32
      %dma_start3A_342 = tpu.memref_slice %arg13[%add3A_340, %dma_start3A_341] : memref<128x16xf32, #tpu.memory_space<vmem>> -> memref<1x16xf32, #tpu.memory_space<vmem>>
      %dma_start3A_343 = arith.constant 0 : i32
      %dma_start3A_344 = tpu.memref_slice %arg2[%squeeze3A_336, %dma_start3A_343] : memref<100000x16xf32, #tpu.memory_space<hbm>> -> memref<1x16xf32, #tpu.memory_space<hbm>>
      %dma_start3A_345 = arith.constant 0 : i32
      %dma_start3A_346 = tpu.memref_slice %arg13[%add3A_340, %dma_start3A_345] : memref<128x16xf32, #tpu.memory_space<vmem>> -> memref<1x16xf32, #tpu.memory_space<vmem>>
      %dma_start3A_347 = arith.constant 0 : i32
      %dma_start3A_348 = tpu.memref_slice %arg2[%squeeze3A_336, %dma_start3A_347] : memref<100000x16xf32, #tpu.memory_space<hbm>> -> memref<1x16xf32, #tpu.memory_space<hbm>>
      tpu.enqueue_dma source(%dma_start3A_348 : memref<1x16xf32, #tpu.memory_space<hbm>>) target(%dma_start3A_346 : memref<1x16xf32, #tpu.memory_space<vmem>>) target_semaphore(%arg19 : memref<!tpu.dma_semaphore, #tpu.memory_space<semaphore_mem>>)
      %slice3A_349 = vector.extract_strided_slice %get3A_182 {offsets = [12], sizes = [1], strides = [1]} : vector<16xi32> to vector<1xi32>
      %squeeze3A_350 = vector.extract %slice3A_349[0] : i32 from vector<1xi32>
      %mul3A_351 = arith.constant 16 : i32
      %mul3A_352 = arith.muli %scan3A_176, %mul3A_351 : i32
      %add3A_353 = arith.constant 12 : i32
      %add3A_354 = arith.addi %mul3A_352, %add3A_353 : i32
      %dma_start3A_355 = arith.constant 0 : i32
      %dma_start3A_356 = tpu.memref_slice %arg13[%add3A_354, %dma_start3A_355] : memref<128x16xf32, #tpu.memory_space<vmem>> -> memref<1x16xf32, #tpu.memory_space<vmem>>
      %dma_start3A_357 = arith.constant 0 : i32
      %dma_start3A_358 = tpu.memref_slice %arg2[%squeeze3A_350, %dma_start3A_357] : memref<100000x16xf32, #tpu.memory_space<hbm>> -> memref<1x16xf32, #tpu.memory_space<hbm>>
      %dma_start3A_359 = arith.constant 0 : i32
      %dma_start3A_360 = tpu.memref_slice %arg13[%add3A_354, %dma_start3A_359] : memref<128x16xf32, #tpu.memory_space<vmem>> -> memref<1x16xf32, #tpu.memory_space<vmem>>
      %dma_start3A_361 = arith.constant 0 : i32
      %dma_start3A_362 = tpu.memref_slice %arg2[%squeeze3A_350, %dma_start3A_361] : memref<100000x16xf32, #tpu.memory_space<hbm>> -> memref<1x16xf32, #tpu.memory_space<hbm>>
      tpu.enqueue_dma source(%dma_start3A_362 : memref<1x16xf32, #tpu.memory_space<hbm>>) target(%dma_start3A_360 : memref<1x16xf32, #tpu.memory_space<vmem>>) target_semaphore(%arg19 : memref<!tpu.dma_semaphore, #tpu.memory_space<semaphore_mem>>)
      %slice3A_363 = vector.extract_strided_slice %get3A_182 {offsets = [13], sizes = [1], strides = [1]} : vector<16xi32> to vector<1xi32>
      %squeeze3A_364 = vector.extract %slice3A_363[0] : i32 from vector<1xi32>
      %mul3A_365 = arith.constant 16 : i32
      %mul3A_366 = arith.muli %scan3A_176, %mul3A_365 : i32
      %add3A_367 = arith.constant 13 : i32
      %add3A_368 = arith.addi %mul3A_366, %add3A_367 : i32
      %dma_start3A_369 = arith.constant 0 : i32
      %dma_start3A_370 = tpu.memref_slice %arg13[%add3A_368, %dma_start3A_369] : memref<128x16xf32, #tpu.memory_space<vmem>> -> memref<1x16xf32, #tpu.memory_space<vmem>>
      %dma_start3A_371 = arith.constant 0 : i32
      %dma_start3A_372 = tpu.memref_slice %arg2[%squeeze3A_364, %dma_start3A_371] : memref<100000x16xf32, #tpu.memory_space<hbm>> -> memref<1x16xf32, #tpu.memory_space<hbm>>
      %dma_start3A_373 = arith.constant 0 : i32
      %dma_start3A_374 = tpu.memref_slice %arg13[%add3A_368, %dma_start3A_373] : memref<128x16xf32, #tpu.memory_space<vmem>> -> memref<1x16xf32, #tpu.memory_space<vmem>>
      %dma_start3A_375 = arith.constant 0 : i32
      %dma_start3A_376 = tpu.memref_slice %arg2[%squeeze3A_364, %dma_start3A_375] : memref<100000x16xf32, #tpu.memory_space<hbm>> -> memref<1x16xf32, #tpu.memory_space<hbm>>
      tpu.enqueue_dma source(%dma_start3A_376 : memref<1x16xf32, #tpu.memory_space<hbm>>) target(%dma_start3A_374 : memref<1x16xf32, #tpu.memory_space<vmem>>) target_semaphore(%arg19 : memref<!tpu.dma_semaphore, #tpu.memory_space<semaphore_mem>>)
      %slice3A_377 = vector.extract_strided_slice %get3A_182 {offsets = [14], sizes = [1], strides = [1]} : vector<16xi32> to vector<1xi32>
      %squeeze3A_378 = vector.extract %slice3A_377[0] : i32 from vector<1xi32>
      %mul3A_379 = arith.constant 16 : i32
      %mul3A_380 = arith.muli %scan3A_176, %mul3A_379 : i32
      %add3A_381 = arith.constant 14 : i32
      %add3A_382 = arith.addi %mul3A_380, %add3A_381 : i32
      %dma_start3A_383 = arith.constant 0 : i32
      %dma_start3A_384 = tpu.memref_slice %arg13[%add3A_382, %dma_start3A_383] : memref<128x16xf32, #tpu.memory_space<vmem>> -> memref<1x16xf32, #tpu.memory_space<vmem>>
      %dma_start3A_385 = arith.constant 0 : i32
      %dma_start3A_386 = tpu.memref_slice %arg2[%squeeze3A_378, %dma_start3A_385] : memref<100000x16xf32, #tpu.memory_space<hbm>> -> memref<1x16xf32, #tpu.memory_space<hbm>>
      %dma_start3A_387 = arith.constant 0 : i32
      %dma_start3A_388 = tpu.memref_slice %arg13[%add3A_382, %dma_start3A_387] : memref<128x16xf32, #tpu.memory_space<vmem>> -> memref<1x16xf32, #tpu.memory_space<vmem>>
      %dma_start3A_389 = arith.constant 0 : i32
      %dma_start3A_390 = tpu.memref_slice %arg2[%squeeze3A_378, %dma_start3A_389] : memref<100000x16xf32, #tpu.memory_space<hbm>> -> memref<1x16xf32, #tpu.memory_space<hbm>>
      tpu.enqueue_dma source(%dma_start3A_390 : memref<1x16xf32, #tpu.memory_space<hbm>>) target(%dma_start3A_388 : memref<1x16xf32, #tpu.memory_space<vmem>>) target_semaphore(%arg19 : memref<!tpu.dma_semaphore, #tpu.memory_space<semaphore_mem>>)
      %slice3A_391 = vector.extract_strided_slice %get3A_182 {offsets = [15], sizes = [1], strides = [1]} : vector<16xi32> to vector<1xi32>
      %squeeze3A_392 = vector.extract %slice3A_391[0] : i32 from vector<1xi32>
      %mul3A_393 = arith.constant 16 : i32
      %mul3A_394 = arith.muli %scan3A_176, %mul3A_393 : i32
      %add3A_395 = arith.constant 15 : i32
      %add3A_396 = arith.addi %mul3A_394, %add3A_395 : i32
      %dma_start3A_397 = arith.constant 0 : i32
      %dma_start3A_398 = tpu.memref_slice %arg13[%add3A_396, %dma_start3A_397] : memref<128x16xf32, #tpu.memory_space<vmem>> -> memref<1x16xf32, #tpu.memory_space<vmem>>
      %dma_start3A_399 = arith.constant 0 : i32
      %dma_start3A_400 = tpu.memref_slice %arg2[%squeeze3A_392, %dma_start3A_399] : memref<100000x16xf32, #tpu.memory_space<hbm>> -> memref<1x16xf32, #tpu.memory_space<hbm>>
      %dma_start3A_401 = arith.constant 0 : i32
      %dma_start3A_402 = tpu.memref_slice %arg13[%add3A_396, %dma_start3A_401] : memref<128x16xf32, #tpu.memory_space<vmem>> -> memref<1x16xf32, #tpu.memory_space<vmem>>
      %dma_start3A_403 = arith.constant 0 : i32
      %dma_start3A_404 = tpu.memref_slice %arg2[%squeeze3A_392, %dma_start3A_403] : memref<100000x16xf32, #tpu.memory_space<hbm>> -> memref<1x16xf32, #tpu.memory_space<hbm>>
      tpu.enqueue_dma source(%dma_start3A_404 : memref<1x16xf32, #tpu.memory_space<hbm>>) target(%dma_start3A_402 : memref<1x16xf32, #tpu.memory_space<vmem>>) target_semaphore(%arg19 : memref<!tpu.dma_semaphore, #tpu.memory_space<semaphore_mem>>)
      %scan3A_405 = arith.constant 0 : i32
      scf.yield %scan3A_405 : i32
    }
    %scan3A_35 = arith.constant 8 : i32
    %scan3A_36 = arith.constant 0 : i32
    %scan3A_37 = arith.constant 0 : i32
    %scan3A_38 = arith.constant 8 : i32
    %scan3A_39 = arith.addi %scan3A_37, %scan3A_38 : i32
    %scan3A_40 = arith.constant 1 : i32
    %scan3A_41 = scf.for %scan3A_176 = %scan3A_37 to %scan3A_39 step %scan3A_40 iter_args(%scan3A_177 = %scan3A_36) -> (i32)  : i32 {
      %mul3A_178 = arith.constant 16 : i32
      %mul3A_179 = arith.muli %scan3A_176, %mul3A_178 : i32
      %add3A_180 = arith.constant 256 : i32
      %add3A_181 = arith.addi %add3A_180, %mul3A_179 : i32
      %get3A = arith.index_cast %add3A_181 : i32 to index
      %get3A_182 = tpu.vector_load %arg8[%get3A] {strides = array<i32>} : memref<512xi32, #tpu.memory_space<vmem>>, vector<16xi32>,
      %slice3A = vector.extract_strided_slice %get3A_182 {offsets = [0], sizes = [1], strides = [1]} : vector<16xi32> to vector<1xi32>
      %squeeze3A = vector.extract %slice3A[0] : i32 from vector<1xi32>
      %mul3A_183 = arith.constant 16 : i32
      %mul3A_184 = arith.muli %scan3A_176, %mul3A_183 : i32
      %add3A_185 = arith.constant 0 : i32
      %add3A_186 = arith.addi %mul3A_184, %add3A_185 : i32
      %dma_start3A_187 = arith.constant 0 : i32
      %dma_start3A_188 = tpu.memref_slice %arg14[%add3A_186, %dma_start3A_187] : memref<128x16xf32, #tpu.memory_space<vmem>> -> memref<1x16xf32, #tpu.memory_space<vmem>>
      %dma_start3A_189 = arith.constant 0 : i32
      %dma_start3A_190 = tpu.memref_slice %arg3[%squeeze3A, %dma_start3A_189] : memref<100000x16xf32, #tpu.memory_space<hbm>> -> memref<1x16xf32, #tpu.memory_space<hbm>>
      %dma_start3A_191 = arith.constant 0 : i32
      %dma_start3A_192 = tpu.memref_slice %arg14[%add3A_186, %dma_start3A_191] : memref<128x16xf32, #tpu.memory_space<vmem>> -> memref<1x16xf32, #tpu.memory_space<vmem>>
      %dma_start3A_193 = arith.constant 0 : i32
      %dma_start3A_194 = tpu.memref_slice %arg3[%squeeze3A, %dma_start3A_193] : memref<100000x16xf32, #tpu.memory_space<hbm>> -> memref<1x16xf32, #tpu.memory_space<hbm>>
      tpu.enqueue_dma source(%dma_start3A_194 : memref<1x16xf32, #tpu.memory_space<hbm>>) target(%dma_start3A_192 : memref<1x16xf32, #tpu.memory_space<vmem>>) target_semaphore(%arg18 : memref<!tpu.dma_semaphore, #tpu.memory_space<semaphore_mem>>)
      %slice3A_195 = vector.extract_strided_slice %get3A_182 {offsets = [1], sizes = [1], strides = [1]} : vector<16xi32> to vector<1xi32>
      %squeeze3A_196 = vector.extract %slice3A_195[0] : i32 from vector<1xi32>
      %mul3A_197 = arith.constant 16 : i32
      %mul3A_198 = arith.muli %scan3A_176, %mul3A_197 : i32
      %add3A_199 = arith.constant 1 : i32
      %add3A_200 = arith.addi %mul3A_198, %add3A_199 : i32
      %dma_start3A_201 = arith.constant 0 : i32
      %dma_start3A_202 = tpu.memref_slice %arg14[%add3A_200, %dma_start3A_201] : memref<128x16xf32, #tpu.memory_space<vmem>> -> memref<1x16xf32, #tpu.memory_space<vmem>>
      %dma_start3A_203 = arith.constant 0 : i32
      %dma_start3A_204 = tpu.memref_slice %arg3[%squeeze3A_196, %dma_start3A_203] : memref<100000x16xf32, #tpu.memory_space<hbm>> -> memref<1x16xf32, #tpu.memory_space<hbm>>
      %dma_start3A_205 = arith.constant 0 : i32
      %dma_start3A_206 = tpu.memref_slice %arg14[%add3A_200, %dma_start3A_205] : memref<128x16xf32, #tpu.memory_space<vmem>> -> memref<1x16xf32, #tpu.memory_space<vmem>>
      %dma_start3A_207 = arith.constant 0 : i32
      %dma_start3A_208 = tpu.memref_slice %arg3[%squeeze3A_196, %dma_start3A_207] : memref<100000x16xf32, #tpu.memory_space<hbm>> -> memref<1x16xf32, #tpu.memory_space<hbm>>
      tpu.enqueue_dma source(%dma_start3A_208 : memref<1x16xf32, #tpu.memory_space<hbm>>) target(%dma_start3A_206 : memref<1x16xf32, #tpu.memory_space<vmem>>) target_semaphore(%arg18 : memref<!tpu.dma_semaphore, #tpu.memory_space<semaphore_mem>>)
      %slice3A_209 = vector.extract_strided_slice %get3A_182 {offsets = [2], sizes = [1], strides = [1]} : vector<16xi32> to vector<1xi32>
      %squeeze3A_210 = vector.extract %slice3A_209[0] : i32 from vector<1xi32>
      %mul3A_211 = arith.constant 16 : i32
      %mul3A_212 = arith.muli %scan3A_176, %mul3A_211 : i32
      %add3A_213 = arith.constant 2 : i32
      %add3A_214 = arith.addi %mul3A_212, %add3A_213 : i32
      %dma_start3A_215 = arith.constant 0 : i32
      %dma_start3A_216 = tpu.memref_slice %arg14[%add3A_214, %dma_start3A_215] : memref<128x16xf32, #tpu.memory_space<vmem>> -> memref<1x16xf32, #tpu.memory_space<vmem>>
      %dma_start3A_217 = arith.constant 0 : i32
      %dma_start3A_218 = tpu.memref_slice %arg3[%squeeze3A_210, %dma_start3A_217] : memref<100000x16xf32, #tpu.memory_space<hbm>> -> memref<1x16xf32, #tpu.memory_space<hbm>>
      %dma_start3A_219 = arith.constant 0 : i32
      %dma_start3A_220 = tpu.memref_slice %arg14[%add3A_214, %dma_start3A_219] : memref<128x16xf32, #tpu.memory_space<vmem>> -> memref<1x16xf32, #tpu.memory_space<vmem>>
      %dma_start3A_221 = arith.constant 0 : i32
      %dma_start3A_222 = tpu.memref_slice %arg3[%squeeze3A_210, %dma_start3A_221] : memref<100000x16xf32, #tpu.memory_space<hbm>> -> memref<1x16xf32, #tpu.memory_space<hbm>>
      tpu.enqueue_dma source(%dma_start3A_222 : memref<1x16xf32, #tpu.memory_space<hbm>>) target(%dma_start3A_220 : memref<1x16xf32, #tpu.memory_space<vmem>>) target_semaphore(%arg18 : memref<!tpu.dma_semaphore, #tpu.memory_space<semaphore_mem>>)
      %slice3A_223 = vector.extract_strided_slice %get3A_182 {offsets = [3], sizes = [1], strides = [1]} : vector<16xi32> to vector<1xi32>
      %squeeze3A_224 = vector.extract %slice3A_223[0] : i32 from vector<1xi32>
      %mul3A_225 = arith.constant 16 : i32
      %mul3A_226 = arith.muli %scan3A_176, %mul3A_225 : i32
      %add3A_227 = arith.constant 3 : i32
      %add3A_228 = arith.addi %mul3A_226, %add3A_227 : i32
      %dma_start3A_229 = arith.constant 0 : i32
      %dma_start3A_230 = tpu.memref_slice %arg14[%add3A_228, %dma_start3A_229] : memref<128x16xf32, #tpu.memory_space<vmem>> -> memref<1x16xf32, #tpu.memory_space<vmem>>
      %dma_start3A_231 = arith.constant 0 : i32
      %dma_start3A_232 = tpu.memref_slice %arg3[%squeeze3A_224, %dma_start3A_231] : memref<100000x16xf32, #tpu.memory_space<hbm>> -> memref<1x16xf32, #tpu.memory_space<hbm>>
      %dma_start3A_233 = arith.constant 0 : i32
      %dma_start3A_234 = tpu.memref_slice %arg14[%add3A_228, %dma_start3A_233] : memref<128x16xf32, #tpu.memory_space<vmem>> -> memref<1x16xf32, #tpu.memory_space<vmem>>
      %dma_start3A_235 = arith.constant 0 : i32
      %dma_start3A_236 = tpu.memref_slice %arg3[%squeeze3A_224, %dma_start3A_235] : memref<100000x16xf32, #tpu.memory_space<hbm>> -> memref<1x16xf32, #tpu.memory_space<hbm>>
      tpu.enqueue_dma source(%dma_start3A_236 : memref<1x16xf32, #tpu.memory_space<hbm>>) target(%dma_start3A_234 : memref<1x16xf32, #tpu.memory_space<vmem>>) target_semaphore(%arg18 : memref<!tpu.dma_semaphore, #tpu.memory_space<semaphore_mem>>)
      %slice3A_237 = vector.extract_strided_slice %get3A_182 {offsets = [4], sizes = [1], strides = [1]} : vector<16xi32> to vector<1xi32>
      %squeeze3A_238 = vector.extract %slice3A_237[0] : i32 from vector<1xi32>
      %mul3A_239 = arith.constant 16 : i32
      %mul3A_240 = arith.muli %scan3A_176, %mul3A_239 : i32
      %add3A_241 = arith.constant 4 : i32
      %add3A_242 = arith.addi %mul3A_240, %add3A_241 : i32
      %dma_start3A_243 = arith.constant 0 : i32
      %dma_start3A_244 = tpu.memref_slice %arg14[%add3A_242, %dma_start3A_243] : memref<128x16xf32, #tpu.memory_space<vmem>> -> memref<1x16xf32, #tpu.memory_space<vmem>>
      %dma_start3A_245 = arith.constant 0 : i32
      %dma_start3A_246 = tpu.memref_slice %arg3[%squeeze3A_238, %dma_start3A_245] : memref<100000x16xf32, #tpu.memory_space<hbm>> -> memref<1x16xf32, #tpu.memory_space<hbm>>
      %dma_start3A_247 = arith.constant 0 : i32
      %dma_start3A_248 = tpu.memref_slice %arg14[%add3A_242, %dma_start3A_247] : memref<128x16xf32, #tpu.memory_space<vmem>> -> memref<1x16xf32, #tpu.memory_space<vmem>>
      %dma_start3A_249 = arith.constant 0 : i32
      %dma_start3A_250 = tpu.memref_slice %arg3[%squeeze3A_238, %dma_start3A_249] : memref<100000x16xf32, #tpu.memory_space<hbm>> -> memref<1x16xf32, #tpu.memory_space<hbm>>
      tpu.enqueue_dma source(%dma_start3A_250 : memref<1x16xf32, #tpu.memory_space<hbm>>) target(%dma_start3A_248 : memref<1x16xf32, #tpu.memory_space<vmem>>) target_semaphore(%arg18 : memref<!tpu.dma_semaphore, #tpu.memory_space<semaphore_mem>>)
      %slice3A_251 = vector.extract_strided_slice %get3A_182 {offsets = [5], sizes = [1], strides = [1]} : vector<16xi32> to vector<1xi32>
      %squeeze3A_252 = vector.extract %slice3A_251[0] : i32 from vector<1xi32>
      %mul3A_253 = arith.constant 16 : i32
      %mul3A_254 = arith.muli %scan3A_176, %mul3A_253 : i32
      %add3A_255 = arith.constant 5 : i32
      %add3A_256 = arith.addi %mul3A_254, %add3A_255 : i32
      %dma_start3A_257 = arith.constant 0 : i32
      %dma_start3A_258 = tpu.memref_slice %arg14[%add3A_256, %dma_start3A_257] : memref<128x16xf32, #tpu.memory_space<vmem>> -> memref<1x16xf32, #tpu.memory_space<vmem>>
      %dma_start3A_259 = arith.constant 0 : i32
      %dma_start3A_260 = tpu.memref_slice %arg3[%squeeze3A_252, %dma_start3A_259] : memref<100000x16xf32, #tpu.memory_space<hbm>> -> memref<1x16xf32, #tpu.memory_space<hbm>>
      %dma_start3A_261 = arith.constant 0 : i32
      %dma_start3A_262 = tpu.memref_slice %arg14[%add3A_256, %dma_start3A_261] : memref<128x16xf32, #tpu.memory_space<vmem>> -> memref<1x16xf32, #tpu.memory_space<vmem>>
      %dma_start3A_263 = arith.constant 0 : i32
      %dma_start3A_264 = tpu.memref_slice %arg3[%squeeze3A_252, %dma_start3A_263] : memref<100000x16xf32, #tpu.memory_space<hbm>> -> memref<1x16xf32, #tpu.memory_space<hbm>>
      tpu.enqueue_dma source(%dma_start3A_264 : memref<1x16xf32, #tpu.memory_space<hbm>>) target(%dma_start3A_262 : memref<1x16xf32, #tpu.memory_space<vmem>>) target_semaphore(%arg18 : memref<!tpu.dma_semaphore, #tpu.memory_space<semaphore_mem>>)
      %slice3A_265 = vector.extract_strided_slice %get3A_182 {offsets = [6], sizes = [1], strides = [1]} : vector<16xi32> to vector<1xi32>
      %squeeze3A_266 = vector.extract %slice3A_265[0] : i32 from vector<1xi32>
      %mul3A_267 = arith.constant 16 : i32
      %mul3A_268 = arith.muli %scan3A_176, %mul3A_267 : i32
      %add3A_269 = arith.constant 6 : i32
      %add3A_270 = arith.addi %mul3A_268, %add3A_269 : i32
      %dma_start3A_271 = arith.constant 0 : i32
      %dma_start3A_272 = tpu.memref_slice %arg14[%add3A_270, %dma_start3A_271] : memref<128x16xf32, #tpu.memory_space<vmem>> -> memref<1x16xf32, #tpu.memory_space<vmem>>
      %dma_start3A_273 = arith.constant 0 : i32
      %dma_start3A_274 = tpu.memref_slice %arg3[%squeeze3A_266, %dma_start3A_273] : memref<100000x16xf32, #tpu.memory_space<hbm>> -> memref<1x16xf32, #tpu.memory_space<hbm>>
      %dma_start3A_275 = arith.constant 0 : i32
      %dma_start3A_276 = tpu.memref_slice %arg14[%add3A_270, %dma_start3A_275] : memref<128x16xf32, #tpu.memory_space<vmem>> -> memref<1x16xf32, #tpu.memory_space<vmem>>
      %dma_start3A_277 = arith.constant 0 : i32
      %dma_start3A_278 = tpu.memref_slice %arg3[%squeeze3A_266, %dma_start3A_277] : memref<100000x16xf32, #tpu.memory_space<hbm>> -> memref<1x16xf32, #tpu.memory_space<hbm>>
      tpu.enqueue_dma source(%dma_start3A_278 : memref<1x16xf32, #tpu.memory_space<hbm>>) target(%dma_start3A_276 : memref<1x16xf32, #tpu.memory_space<vmem>>) target_semaphore(%arg18 : memref<!tpu.dma_semaphore, #tpu.memory_space<semaphore_mem>>)
      %slice3A_279 = vector.extract_strided_slice %get3A_182 {offsets = [7], sizes = [1], strides = [1]} : vector<16xi32> to vector<1xi32>
      %squeeze3A_280 = vector.extract %slice3A_279[0] : i32 from vector<1xi32>
      %mul3A_281 = arith.constant 16 : i32
      %mul3A_282 = arith.muli %scan3A_176, %mul3A_281 : i32
      %add3A_283 = arith.constant 7 : i32
      %add3A_284 = arith.addi %mul3A_282, %add3A_283 : i32
      %dma_start3A_285 = arith.constant 0 : i32
      %dma_start3A_286 = tpu.memref_slice %arg14[%add3A_284, %dma_start3A_285] : memref<128x16xf32, #tpu.memory_space<vmem>> -> memref<1x16xf32, #tpu.memory_space<vmem>>
      %dma_start3A_287 = arith.constant 0 : i32
      %dma_start3A_288 = tpu.memref_slice %arg3[%squeeze3A_280, %dma_start3A_287] : memref<100000x16xf32, #tpu.memory_space<hbm>> -> memref<1x16xf32, #tpu.memory_space<hbm>>
      %dma_start3A_289 = arith.constant 0 : i32
      %dma_start3A_290 = tpu.memref_slice %arg14[%add3A_284, %dma_start3A_289] : memref<128x16xf32, #tpu.memory_space<vmem>> -> memref<1x16xf32, #tpu.memory_space<vmem>>
      %dma_start3A_291 = arith.constant 0 : i32
      %dma_start3A_292 = tpu.memref_slice %arg3[%squeeze3A_280, %dma_start3A_291] : memref<100000x16xf32, #tpu.memory_space<hbm>> -> memref<1x16xf32, #tpu.memory_space<hbm>>
      tpu.enqueue_dma source(%dma_start3A_292 : memref<1x16xf32, #tpu.memory_space<hbm>>) target(%dma_start3A_290 : memref<1x16xf32, #tpu.memory_space<vmem>>) target_semaphore(%arg18 : memref<!tpu.dma_semaphore, #tpu.memory_space<semaphore_mem>>)
      %slice3A_293 = vector.extract_strided_slice %get3A_182 {offsets = [8], sizes = [1], strides = [1]} : vector<16xi32> to vector<1xi32>
      %squeeze3A_294 = vector.extract %slice3A_293[0] : i32 from vector<1xi32>
      %mul3A_295 = arith.constant 16 : i32
      %mul3A_296 = arith.muli %scan3A_176, %mul3A_295 : i32
      %add3A_297 = arith.constant 8 : i32
      %add3A_298 = arith.addi %mul3A_296, %add3A_297 : i32
      %dma_start3A_299 = arith.constant 0 : i32
      %dma_start3A_300 = tpu.memref_slice %arg14[%add3A_298, %dma_start3A_299] : memref<128x16xf32, #tpu.memory_space<vmem>> -> memref<1x16xf32, #tpu.memory_space<vmem>>
      %dma_start3A_301 = arith.constant 0 : i32
      %dma_start3A_302 = tpu.memref_slice %arg3[%squeeze3A_294, %dma_start3A_301] : memref<100000x16xf32, #tpu.memory_space<hbm>> -> memref<1x16xf32, #tpu.memory_space<hbm>>
      %dma_start3A_303 = arith.constant 0 : i32
      %dma_start3A_304 = tpu.memref_slice %arg14[%add3A_298, %dma_start3A_303] : memref<128x16xf32, #tpu.memory_space<vmem>> -> memref<1x16xf32, #tpu.memory_space<vmem>>
      %dma_start3A_305 = arith.constant 0 : i32
      %dma_start3A_306 = tpu.memref_slice %arg3[%squeeze3A_294, %dma_start3A_305] : memref<100000x16xf32, #tpu.memory_space<hbm>> -> memref<1x16xf32, #tpu.memory_space<hbm>>
      tpu.enqueue_dma source(%dma_start3A_306 : memref<1x16xf32, #tpu.memory_space<hbm>>) target(%dma_start3A_304 : memref<1x16xf32, #tpu.memory_space<vmem>>) target_semaphore(%arg18 : memref<!tpu.dma_semaphore, #tpu.memory_space<semaphore_mem>>)
      %slice3A_307 = vector.extract_strided_slice %get3A_182 {offsets = [9], sizes = [1], strides = [1]} : vector<16xi32> to vector<1xi32>
      %squeeze3A_308 = vector.extract %slice3A_307[0] : i32 from vector<1xi32>
      %mul3A_309 = arith.constant 16 : i32
      %mul3A_310 = arith.muli %scan3A_176, %mul3A_309 : i32
      %add3A_311 = arith.constant 9 : i32
      %add3A_312 = arith.addi %mul3A_310, %add3A_311 : i32
      %dma_start3A_313 = arith.constant 0 : i32
      %dma_start3A_314 = tpu.memref_slice %arg14[%add3A_312, %dma_start3A_313] : memref<128x16xf32, #tpu.memory_space<vmem>> -> memref<1x16xf32, #tpu.memory_space<vmem>>
      %dma_start3A_315 = arith.constant 0 : i32
      %dma_start3A_316 = tpu.memref_slice %arg3[%squeeze3A_308, %dma_start3A_315] : memref<100000x16xf32, #tpu.memory_space<hbm>> -> memref<1x16xf32, #tpu.memory_space<hbm>>
      %dma_start3A_317 = arith.constant 0 : i32
      %dma_start3A_318 = tpu.memref_slice %arg14[%add3A_312, %dma_start3A_317] : memref<128x16xf32, #tpu.memory_space<vmem>> -> memref<1x16xf32, #tpu.memory_space<vmem>>
      %dma_start3A_319 = arith.constant 0 : i32
      %dma_start3A_320 = tpu.memref_slice %arg3[%squeeze3A_308, %dma_start3A_319] : memref<100000x16xf32, #tpu.memory_space<hbm>> -> memref<1x16xf32, #tpu.memory_space<hbm>>
      tpu.enqueue_dma source(%dma_start3A_320 : memref<1x16xf32, #tpu.memory_space<hbm>>) target(%dma_start3A_318 : memref<1x16xf32, #tpu.memory_space<vmem>>) target_semaphore(%arg18 : memref<!tpu.dma_semaphore, #tpu.memory_space<semaphore_mem>>)
      %slice3A_321 = vector.extract_strided_slice %get3A_182 {offsets = [10], sizes = [1], strides = [1]} : vector<16xi32> to vector<1xi32>
      %squeeze3A_322 = vector.extract %slice3A_321[0] : i32 from vector<1xi32>
      %mul3A_323 = arith.constant 16 : i32
      %mul3A_324 = arith.muli %scan3A_176, %mul3A_323 : i32
      %add3A_325 = arith.constant 10 : i32
      %add3A_326 = arith.addi %mul3A_324, %add3A_325 : i32
      %dma_start3A_327 = arith.constant 0 : i32
      %dma_start3A_328 = tpu.memref_slice %arg14[%add3A_326, %dma_start3A_327] : memref<128x16xf32, #tpu.memory_space<vmem>> -> memref<1x16xf32, #tpu.memory_space<vmem>>
      %dma_start3A_329 = arith.constant 0 : i32
      %dma_start3A_330 = tpu.memref_slice %arg3[%squeeze3A_322, %dma_start3A_329] : memref<100000x16xf32, #tpu.memory_space<hbm>> -> memref<1x16xf32, #tpu.memory_space<hbm>>
      %dma_start3A_331 = arith.constant 0 : i32
      %dma_start3A_332 = tpu.memref_slice %arg14[%add3A_326, %dma_start3A_331] : memref<128x16xf32, #tpu.memory_space<vmem>> -> memref<1x16xf32, #tpu.memory_space<vmem>>
      %dma_start3A_333 = arith.constant 0 : i32
      %dma_start3A_334 = tpu.memref_slice %arg3[%squeeze3A_322, %dma_start3A_333] : memref<100000x16xf32, #tpu.memory_space<hbm>> -> memref<1x16xf32, #tpu.memory_space<hbm>>
      tpu.enqueue_dma source(%dma_start3A_334 : memref<1x16xf32, #tpu.memory_space<hbm>>) target(%dma_start3A_332 : memref<1x16xf32, #tpu.memory_space<vmem>>) target_semaphore(%arg18 : memref<!tpu.dma_semaphore, #tpu.memory_space<semaphore_mem>>)
      %slice3A_335 = vector.extract_strided_slice %get3A_182 {offsets = [11], sizes = [1], strides = [1]} : vector<16xi32> to vector<1xi32>
      %squeeze3A_336 = vector.extract %slice3A_335[0] : i32 from vector<1xi32>
      %mul3A_337 = arith.constant 16 : i32
      %mul3A_338 = arith.muli %scan3A_176, %mul3A_337 : i32
      %add3A_339 = arith.constant 11 : i32
      %add3A_340 = arith.addi %mul3A_338, %add3A_339 : i32
      %dma_start3A_341 = arith.constant 0 : i32
      %dma_start3A_342 = tpu.memref_slice %arg14[%add3A_340, %dma_start3A_341] : memref<128x16xf32, #tpu.memory_space<vmem>> -> memref<1x16xf32, #tpu.memory_space<vmem>>
      %dma_start3A_343 = arith.constant 0 : i32
      %dma_start3A_344 = tpu.memref_slice %arg3[%squeeze3A_336, %dma_start3A_343] : memref<100000x16xf32, #tpu.memory_space<hbm>> -> memref<1x16xf32, #tpu.memory_space<hbm>>
      %dma_start3A_345 = arith.constant 0 : i32
      %dma_start3A_346 = tpu.memref_slice %arg14[%add3A_340, %dma_start3A_345] : memref<128x16xf32, #tpu.memory_space<vmem>> -> memref<1x16xf32, #tpu.memory_space<vmem>>
      %dma_start3A_347 = arith.constant 0 : i32
      %dma_start3A_348 = tpu.memref_slice %arg3[%squeeze3A_336, %dma_start3A_347] : memref<100000x16xf32, #tpu.memory_space<hbm>> -> memref<1x16xf32, #tpu.memory_space<hbm>>
      tpu.enqueue_dma source(%dma_start3A_348 : memref<1x16xf32, #tpu.memory_space<hbm>>) target(%dma_start3A_346 : memref<1x16xf32, #tpu.memory_space<vmem>>) target_semaphore(%arg18 : memref<!tpu.dma_semaphore, #tpu.memory_space<semaphore_mem>>)
      %slice3A_349 = vector.extract_strided_slice %get3A_182 {offsets = [12], sizes = [1], strides = [1]} : vector<16xi32> to vector<1xi32>
      %squeeze3A_350 = vector.extract %slice3A_349[0] : i32 from vector<1xi32>
      %mul3A_351 = arith.constant 16 : i32
      %mul3A_352 = arith.muli %scan3A_176, %mul3A_351 : i32
      %add3A_353 = arith.constant 12 : i32
      %add3A_354 = arith.addi %mul3A_352, %add3A_353 : i32
      %dma_start3A_355 = arith.constant 0 : i32
      %dma_start3A_356 = tpu.memref_slice %arg14[%add3A_354, %dma_start3A_355] : memref<128x16xf32, #tpu.memory_space<vmem>> -> memref<1x16xf32, #tpu.memory_space<vmem>>
      %dma_start3A_357 = arith.constant 0 : i32
      %dma_start3A_358 = tpu.memref_slice %arg3[%squeeze3A_350, %dma_start3A_357] : memref<100000x16xf32, #tpu.memory_space<hbm>> -> memref<1x16xf32, #tpu.memory_space<hbm>>
      %dma_start3A_359 = arith.constant 0 : i32
      %dma_start3A_360 = tpu.memref_slice %arg14[%add3A_354, %dma_start3A_359] : memref<128x16xf32, #tpu.memory_space<vmem>> -> memref<1x16xf32, #tpu.memory_space<vmem>>
      %dma_start3A_361 = arith.constant 0 : i32
      %dma_start3A_362 = tpu.memref_slice %arg3[%squeeze3A_350, %dma_start3A_361] : memref<100000x16xf32, #tpu.memory_space<hbm>> -> memref<1x16xf32, #tpu.memory_space<hbm>>
      tpu.enqueue_dma source(%dma_start3A_362 : memref<1x16xf32, #tpu.memory_space<hbm>>) target(%dma_start3A_360 : memref<1x16xf32, #tpu.memory_space<vmem>>) target_semaphore(%arg18 : memref<!tpu.dma_semaphore, #tpu.memory_space<semaphore_mem>>)
      %slice3A_363 = vector.extract_strided_slice %get3A_182 {offsets = [13], sizes = [1], strides = [1]} : vector<16xi32> to vector<1xi32>
      %squeeze3A_364 = vector.extract %slice3A_363[0] : i32 from vector<1xi32>
      %mul3A_365 = arith.constant 16 : i32
      %mul3A_366 = arith.muli %scan3A_176, %mul3A_365 : i32
      %add3A_367 = arith.constant 13 : i32
      %add3A_368 = arith.addi %mul3A_366, %add3A_367 : i32
      %dma_start3A_369 = arith.constant 0 : i32
      %dma_start3A_370 = tpu.memref_slice %arg14[%add3A_368, %dma_start3A_369] : memref<128x16xf32, #tpu.memory_space<vmem>> -> memref<1x16xf32, #tpu.memory_space<vmem>>
      %dma_start3A_371 = arith.constant 0 : i32
      %dma_start3A_372 = tpu.memref_slice %arg3[%squeeze3A_364, %dma_start3A_371] : memref<100000x16xf32, #tpu.memory_space<hbm>> -> memref<1x16xf32, #tpu.memory_space<hbm>>
      %dma_start3A_373 = arith.constant 0 : i32
      %dma_start3A_374 = tpu.memref_slice %arg14[%add3A_368, %dma_start3A_373] : memref<128x16xf32, #tpu.memory_space<vmem>> -> memref<1x16xf32, #tpu.memory_space<vmem>>
      %dma_start3A_375 = arith.constant 0 : i32
      %dma_start3A_376 = tpu.memref_slice %arg3[%squeeze3A_364, %dma_start3A_375] : memref<100000x16xf32, #tpu.memory_space<hbm>> -> memref<1x16xf32, #tpu.memory_space<hbm>>
      tpu.enqueue_dma source(%dma_start3A_376 : memref<1x16xf32, #tpu.memory_space<hbm>>) target(%dma_start3A_374 : memref<1x16xf32, #tpu.memory_space<vmem>>) target_semaphore(%arg18 : memref<!tpu.dma_semaphore, #tpu.memory_space<semaphore_mem>>)
      %slice3A_377 = vector.extract_strided_slice %get3A_182 {offsets = [14], sizes = [1], strides = [1]} : vector<16xi32> to vector<1xi32>
      %squeeze3A_378 = vector.extract %slice3A_377[0] : i32 from vector<1xi32>
      %mul3A_379 = arith.constant 16 : i32
      %mul3A_380 = arith.muli %scan3A_176, %mul3A_379 : i32
      %add3A_381 = arith.constant 14 : i32
      %add3A_382 = arith.addi %mul3A_380, %add3A_381 : i32
      %dma_start3A_383 = arith.constant 0 : i32
      %dma_start3A_384 = tpu.memref_slice %arg14[%add3A_382, %dma_start3A_383] : memref<128x16xf32, #tpu.memory_space<vmem>> -> memref<1x16xf32, #tpu.memory_space<vmem>>
      %dma_start3A_385 = arith.constant 0 : i32
      %dma_start3A_386 = tpu.memref_slice %arg3[%squeeze3A_378, %dma_start3A_385] : memref<100000x16xf32, #tpu.memory_space<hbm>> -> memref<1x16xf32, #tpu.memory_space<hbm>>
      %dma_start3A_387 = arith.constant 0 : i32
      %dma_start3A_388 = tpu.memref_slice %arg14[%add3A_382, %dma_start3A_387] : memref<128x16xf32, #tpu.memory_space<vmem>> -> memref<1x16xf32, #tpu.memory_space<vmem>>
      %dma_start3A_389 = arith.constant 0 : i32
      %dma_start3A_390 = tpu.memref_slice %arg3[%squeeze3A_378, %dma_start3A_389] : memref<100000x16xf32, #tpu.memory_space<hbm>> -> memref<1x16xf32, #tpu.memory_space<hbm>>
      tpu.enqueue_dma source(%dma_start3A_390 : memref<1x16xf32, #tpu.memory_space<hbm>>) target(%dma_start3A_388 : memref<1x16xf32, #tpu.memory_space<vmem>>) target_semaphore(%arg18 : memref<!tpu.dma_semaphore, #tpu.memory_space<semaphore_mem>>)
      %slice3A_391 = vector.extract_strided_slice %get3A_182 {offsets = [15], sizes = [1], strides = [1]} : vector<16xi32> to vector<1xi32>
      %squeeze3A_392 = vector.extract %slice3A_391[0] : i32 from vector<1xi32>
      %mul3A_393 = arith.constant 16 : i32
      %mul3A_394 = arith.muli %scan3A_176, %mul3A_393 : i32
      %add3A_395 = arith.constant 15 : i32
      %add3A_396 = arith.addi %mul3A_394, %add3A_395 : i32
      %dma_start3A_397 = arith.constant 0 : i32
      %dma_start3A_398 = tpu.memref_slice %arg14[%add3A_396, %dma_start3A_397] : memref<128x16xf32, #tpu.memory_space<vmem>> -> memref<1x16xf32, #tpu.memory_space<vmem>>
      %dma_start3A_399 = arith.constant 0 : i32
      %dma_start3A_400 = tpu.memref_slice %arg3[%squeeze3A_392, %dma_start3A_399] : memref<100000x16xf32, #tpu.memory_space<hbm>> -> memref<1x16xf32, #tpu.memory_space<hbm>>
      %dma_start3A_401 = arith.constant 0 : i32
      %dma_start3A_402 = tpu.memref_slice %arg14[%add3A_396, %dma_start3A_401] : memref<128x16xf32, #tpu.memory_space<vmem>> -> memref<1x16xf32, #tpu.memory_space<vmem>>
      %dma_start3A_403 = arith.constant 0 : i32
      %dma_start3A_404 = tpu.memref_slice %arg3[%squeeze3A_392, %dma_start3A_403] : memref<100000x16xf32, #tpu.memory_space<hbm>> -> memref<1x16xf32, #tpu.memory_space<hbm>>
      tpu.enqueue_dma source(%dma_start3A_404 : memref<1x16xf32, #tpu.memory_space<hbm>>) target(%dma_start3A_402 : memref<1x16xf32, #tpu.memory_space<vmem>>) target_semaphore(%arg18 : memref<!tpu.dma_semaphore, #tpu.memory_space<semaphore_mem>>)
      %scan3A_405 = arith.constant 0 : i32
      scf.yield %scan3A_405 : i32
    }
    %scan3A_42 = arith.constant 8 : i32
    %scan3A_43 = arith.constant 0 : i32
    %scan3A_44 = arith.constant 0 : i32
    %scan3A_45 = arith.constant 8 : i32
    %scan3A_46 = arith.addi %scan3A_44, %scan3A_45 : i32
    %scan3A_47 = arith.constant 1 : i32
    %scan3A_48 = scf.for %scan3A_176 = %scan3A_44 to %scan3A_46 step %scan3A_47 iter_args(%scan3A_177 = %scan3A_43) -> (i32)  : i32 {
      %mul3A_178 = arith.constant 16 : i32
      %mul3A_179 = arith.muli %scan3A_176, %mul3A_178 : i32
      %add3A_180 = arith.constant 256 : i32
      %add3A_181 = arith.addi %add3A_180, %mul3A_179 : i32
      %get3A = arith.index_cast %add3A_181 : i32 to index
      %get3A_182 = tpu.vector_load %arg9[%get3A] {strides = array<i32>} : memref<512xi32, #tpu.memory_space<vmem>>, vector<16xi32>,
      %slice3A = vector.extract_strided_slice %get3A_182 {offsets = [0], sizes = [1], strides = [1]} : vector<16xi32> to vector<1xi32>
      %squeeze3A = vector.extract %slice3A[0] : i32 from vector<1xi32>
      %mul3A_183 = arith.constant 16 : i32
      %mul3A_184 = arith.muli %scan3A_176, %mul3A_183 : i32
      %add3A_185 = arith.constant 0 : i32
      %add3A_186 = arith.addi %mul3A_184, %add3A_185 : i32
      %dma_start3A_187 = arith.constant 0 : i32
      %dma_start3A_188 = tpu.memref_slice %arg15[%add3A_186, %dma_start3A_187] : memref<128x16xf32, #tpu.memory_space<vmem>> -> memref<1x16xf32, #tpu.memory_space<vmem>>
      %dma_start3A_189 = arith.constant 0 : i32
      %dma_start3A_190 = tpu.memref_slice %arg2[%squeeze3A, %dma_start3A_189] : memref<100000x16xf32, #tpu.memory_space<hbm>> -> memref<1x16xf32, #tpu.memory_space<hbm>>
      %dma_start3A_191 = arith.constant 0 : i32
      %dma_start3A_192 = tpu.memref_slice %arg15[%add3A_186, %dma_start3A_191] : memref<128x16xf32, #tpu.memory_space<vmem>> -> memref<1x16xf32, #tpu.memory_space<vmem>>
      %dma_start3A_193 = arith.constant 0 : i32
      %dma_start3A_194 = tpu.memref_slice %arg2[%squeeze3A, %dma_start3A_193] : memref<100000x16xf32, #tpu.memory_space<hbm>> -> memref<1x16xf32, #tpu.memory_space<hbm>>
      tpu.enqueue_dma source(%dma_start3A_194 : memref<1x16xf32, #tpu.memory_space<hbm>>) target(%dma_start3A_192 : memref<1x16xf32, #tpu.memory_space<vmem>>) target_semaphore(%arg19 : memref<!tpu.dma_semaphore, #tpu.memory_space<semaphore_mem>>)
      %slice3A_195 = vector.extract_strided_slice %get3A_182 {offsets = [1], sizes = [1], strides = [1]} : vector<16xi32> to vector<1xi32>
      %squeeze3A_196 = vector.extract %slice3A_195[0] : i32 from vector<1xi32>
      %mul3A_197 = arith.constant 16 : i32
      %mul3A_198 = arith.muli %scan3A_176, %mul3A_197 : i32
      %add3A_199 = arith.constant 1 : i32
      %add3A_200 = arith.addi %mul3A_198, %add3A_199 : i32
      %dma_start3A_201 = arith.constant 0 : i32
      %dma_start3A_202 = tpu.memref_slice %arg15[%add3A_200, %dma_start3A_201] : memref<128x16xf32, #tpu.memory_space<vmem>> -> memref<1x16xf32, #tpu.memory_space<vmem>>
      %dma_start3A_203 = arith.constant 0 : i32
      %dma_start3A_204 = tpu.memref_slice %arg2[%squeeze3A_196, %dma_start3A_203] : memref<100000x16xf32, #tpu.memory_space<hbm>> -> memref<1x16xf32, #tpu.memory_space<hbm>>
      %dma_start3A_205 = arith.constant 0 : i32
      %dma_start3A_206 = tpu.memref_slice %arg15[%add3A_200, %dma_start3A_205] : memref<128x16xf32, #tpu.memory_space<vmem>> -> memref<1x16xf32, #tpu.memory_space<vmem>>
      %dma_start3A_207 = arith.constant 0 : i32
      %dma_start3A_208 = tpu.memref_slice %arg2[%squeeze3A_196, %dma_start3A_207] : memref<100000x16xf32, #tpu.memory_space<hbm>> -> memref<1x16xf32, #tpu.memory_space<hbm>>
      tpu.enqueue_dma source(%dma_start3A_208 : memref<1x16xf32, #tpu.memory_space<hbm>>) target(%dma_start3A_206 : memref<1x16xf32, #tpu.memory_space<vmem>>) target_semaphore(%arg19 : memref<!tpu.dma_semaphore, #tpu.memory_space<semaphore_mem>>)
      %slice3A_209 = vector.extract_strided_slice %get3A_182 {offsets = [2], sizes = [1], strides = [1]} : vector<16xi32> to vector<1xi32>
      %squeeze3A_210 = vector.extract %slice3A_209[0] : i32 from vector<1xi32>
      %mul3A_211 = arith.constant 16 : i32
      %mul3A_212 = arith.muli %scan3A_176, %mul3A_211 : i32
      %add3A_213 = arith.constant 2 : i32
      %add3A_214 = arith.addi %mul3A_212, %add3A_213 : i32
      %dma_start3A_215 = arith.constant 0 : i32
      %dma_start3A_216 = tpu.memref_slice %arg15[%add3A_214, %dma_start3A_215] : memref<128x16xf32, #tpu.memory_space<vmem>> -> memref<1x16xf32, #tpu.memory_space<vmem>>
      %dma_start3A_217 = arith.constant 0 : i32
      %dma_start3A_218 = tpu.memref_slice %arg2[%squeeze3A_210, %dma_start3A_217] : memref<100000x16xf32, #tpu.memory_space<hbm>> -> memref<1x16xf32, #tpu.memory_space<hbm>>
      %dma_start3A_219 = arith.constant 0 : i32
      %dma_start3A_220 = tpu.memref_slice %arg15[%add3A_214, %dma_start3A_219] : memref<128x16xf32, #tpu.memory_space<vmem>> -> memref<1x16xf32, #tpu.memory_space<vmem>>
      %dma_start3A_221 = arith.constant 0 : i32
      %dma_start3A_222 = tpu.memref_slice %arg2[%squeeze3A_210, %dma_start3A_221] : memref<100000x16xf32, #tpu.memory_space<hbm>> -> memref<1x16xf32, #tpu.memory_space<hbm>>
      tpu.enqueue_dma source(%dma_start3A_222 : memref<1x16xf32, #tpu.memory_space<hbm>>) target(%dma_start3A_220 : memref<1x16xf32, #tpu.memory_space<vmem>>) target_semaphore(%arg19 : memref<!tpu.dma_semaphore, #tpu.memory_space<semaphore_mem>>)
      %slice3A_223 = vector.extract_strided_slice %get3A_182 {offsets = [3], sizes = [1], strides = [1]} : vector<16xi32> to vector<1xi32>
      %squeeze3A_224 = vector.extract %slice3A_223[0] : i32 from vector<1xi32>
      %mul3A_225 = arith.constant 16 : i32
      %mul3A_226 = arith.muli %scan3A_176, %mul3A_225 : i32
      %add3A_227 = arith.constant 3 : i32
      %add3A_228 = arith.addi %mul3A_226, %add3A_227 : i32
      %dma_start3A_229 = arith.constant 0 : i32
      %dma_start3A_230 = tpu.memref_slice %arg15[%add3A_228, %dma_start3A_229] : memref<128x16xf32, #tpu.memory_space<vmem>> -> memref<1x16xf32, #tpu.memory_space<vmem>>
      %dma_start3A_231 = arith.constant 0 : i32
      %dma_start3A_232 = tpu.memref_slice %arg2[%squeeze3A_224, %dma_start3A_231] : memref<100000x16xf32, #tpu.memory_space<hbm>> -> memref<1x16xf32, #tpu.memory_space<hbm>>
      %dma_start3A_233 = arith.constant 0 : i32
      %dma_start3A_234 = tpu.memref_slice %arg15[%add3A_228, %dma_start3A_233] : memref<128x16xf32, #tpu.memory_space<vmem>> -> memref<1x16xf32, #tpu.memory_space<vmem>>
      %dma_start3A_235 = arith.constant 0 : i32
      %dma_start3A_236 = tpu.memref_slice %arg2[%squeeze3A_224, %dma_start3A_235] : memref<100000x16xf32, #tpu.memory_space<hbm>> -> memref<1x16xf32, #tpu.memory_space<hbm>>
      tpu.enqueue_dma source(%dma_start3A_236 : memref<1x16xf32, #tpu.memory_space<hbm>>) target(%dma_start3A_234 : memref<1x16xf32, #tpu.memory_space<vmem>>) target_semaphore(%arg19 : memref<!tpu.dma_semaphore, #tpu.memory_space<semaphore_mem>>)
      %slice3A_237 = vector.extract_strided_slice %get3A_182 {offsets = [4], sizes = [1], strides = [1]} : vector<16xi32> to vector<1xi32>
      %squeeze3A_238 = vector.extract %slice3A_237[0] : i32 from vector<1xi32>
      %mul3A_239 = arith.constant 16 : i32
      %mul3A_240 = arith.muli %scan3A_176, %mul3A_239 : i32
      %add3A_241 = arith.constant 4 : i32
      %add3A_242 = arith.addi %mul3A_240, %add3A_241 : i32
      %dma_start3A_243 = arith.constant 0 : i32
      %dma_start3A_244 = tpu.memref_slice %arg15[%add3A_242, %dma_start3A_243] : memref<128x16xf32, #tpu.memory_space<vmem>> -> memref<1x16xf32, #tpu.memory_space<vmem>>
      %dma_start3A_245 = arith.constant 0 : i32
      %dma_start3A_246 = tpu.memref_slice %arg2[%squeeze3A_238, %dma_start3A_245] : memref<100000x16xf32, #tpu.memory_space<hbm>> -> memref<1x16xf32, #tpu.memory_space<hbm>>
      %dma_start3A_247 = arith.constant 0 : i32
      %dma_start3A_248 = tpu.memref_slice %arg15[%add3A_242, %dma_start3A_247] : memref<128x16xf32, #tpu.memory_space<vmem>> -> memref<1x16xf32, #tpu.memory_space<vmem>>
      %dma_start3A_249 = arith.constant 0 : i32
      %dma_start3A_250 = tpu.memref_slice %arg2[%squeeze3A_238, %dma_start3A_249] : memref<100000x16xf32, #tpu.memory_space<hbm>> -> memref<1x16xf32, #tpu.memory_space<hbm>>
      tpu.enqueue_dma source(%dma_start3A_250 : memref<1x16xf32, #tpu.memory_space<hbm>>) target(%dma_start3A_248 : memref<1x16xf32, #tpu.memory_space<vmem>>) target_semaphore(%arg19 : memref<!tpu.dma_semaphore, #tpu.memory_space<semaphore_mem>>)
      %slice3A_251 = vector.extract_strided_slice %get3A_182 {offsets = [5], sizes = [1], strides = [1]} : vector<16xi32> to vector<1xi32>
      %squeeze3A_252 = vector.extract %slice3A_251[0] : i32 from vector<1xi32>
      %mul3A_253 = arith.constant 16 : i32
      %mul3A_254 = arith.muli %scan3A_176, %mul3A_253 : i32
      %add3A_255 = arith.constant 5 : i32
      %add3A_256 = arith.addi %mul3A_254, %add3A_255 : i32
      %dma_start3A_257 = arith.constant 0 : i32
      %dma_start3A_258 = tpu.memref_slice %arg15[%add3A_256, %dma_start3A_257] : memref<128x16xf32, #tpu.memory_space<vmem>> -> memref<1x16xf32, #tpu.memory_space<vmem>>
      %dma_start3A_259 = arith.constant 0 : i32
      %dma_start3A_260 = tpu.memref_slice %arg2[%squeeze3A_252, %dma_start3A_259] : memref<100000x16xf32, #tpu.memory_space<hbm>> -> memref<1x16xf32, #tpu.memory_space<hbm>>
      %dma_start3A_261 = arith.constant 0 : i32
      %dma_start3A_262 = tpu.memref_slice %arg15[%add3A_256, %dma_start3A_261] : memref<128x16xf32, #tpu.memory_space<vmem>> -> memref<1x16xf32, #tpu.memory_space<vmem>>
      %dma_start3A_263 = arith.constant 0 : i32
      %dma_start3A_264 = tpu.memref_slice %arg2[%squeeze3A_252, %dma_start3A_263] : memref<100000x16xf32, #tpu.memory_space<hbm>> -> memref<1x16xf32, #tpu.memory_space<hbm>>
      tpu.enqueue_dma source(%dma_start3A_264 : memref<1x16xf32, #tpu.memory_space<hbm>>) target(%dma_start3A_262 : memref<1x16xf32, #tpu.memory_space<vmem>>) target_semaphore(%arg19 : memref<!tpu.dma_semaphore, #tpu.memory_space<semaphore_mem>>)
      %slice3A_265 = vector.extract_strided_slice %get3A_182 {offsets = [6], sizes = [1], strides = [1]} : vector<16xi32> to vector<1xi32>
      %squeeze3A_266 = vector.extract %slice3A_265[0] : i32 from vector<1xi32>
      %mul3A_267 = arith.constant 16 : i32
      %mul3A_268 = arith.muli %scan3A_176, %mul3A_267 : i32
      %add3A_269 = arith.constant 6 : i32
      %add3A_270 = arith.addi %mul3A_268, %add3A_269 : i32
      %dma_start3A_271 = arith.constant 0 : i32
      %dma_start3A_272 = tpu.memref_slice %arg15[%add3A_270, %dma_start3A_271] : memref<128x16xf32, #tpu.memory_space<vmem>> -> memref<1x16xf32, #tpu.memory_space<vmem>>
      %dma_start3A_273 = arith.constant 0 : i32
      %dma_start3A_274 = tpu.memref_slice %arg2[%squeeze3A_266, %dma_start3A_273] : memref<100000x16xf32, #tpu.memory_space<hbm>> -> memref<1x16xf32, #tpu.memory_space<hbm>>
      %dma_start3A_275 = arith.constant 0 : i32
      %dma_start3A_276 = tpu.memref_slice %arg15[%add3A_270, %dma_start3A_275] : memref<128x16xf32, #tpu.memory_space<vmem>> -> memref<1x16xf32, #tpu.memory_space<vmem>>
      %dma_start3A_277 = arith.constant 0 : i32
      %dma_start3A_278 = tpu.memref_slice %arg2[%squeeze3A_266, %dma_start3A_277] : memref<100000x16xf32, #tpu.memory_space<hbm>> -> memref<1x16xf32, #tpu.memory_space<hbm>>
      tpu.enqueue_dma source(%dma_start3A_278 : memref<1x16xf32, #tpu.memory_space<hbm>>) target(%dma_start3A_276 : memref<1x16xf32, #tpu.memory_space<vmem>>) target_semaphore(%arg19 : memref<!tpu.dma_semaphore, #tpu.memory_space<semaphore_mem>>)
      %slice3A_279 = vector.extract_strided_slice %get3A_182 {offsets = [7], sizes = [1], strides = [1]} : vector<16xi32> to vector<1xi32>
      %squeeze3A_280 = vector.extract %slice3A_279[0] : i32 from vector<1xi32>
      %mul3A_281 = arith.constant 16 : i32
      %mul3A_282 = arith.muli %scan3A_176, %mul3A_281 : i32
      %add3A_283 = arith.constant 7 : i32
      %add3A_284 = arith.addi %mul3A_282, %add3A_283 : i32
      %dma_start3A_285 = arith.constant 0 : i32
      %dma_start3A_286 = tpu.memref_slice %arg15[%add3A_284, %dma_start3A_285] : memref<128x16xf32, #tpu.memory_space<vmem>> -> memref<1x16xf32, #tpu.memory_space<vmem>>
      %dma_start3A_287 = arith.constant 0 : i32
      %dma_start3A_288 = tpu.memref_slice %arg2[%squeeze3A_280, %dma_start3A_287] : memref<100000x16xf32, #tpu.memory_space<hbm>> -> memref<1x16xf32, #tpu.memory_space<hbm>>
      %dma_start3A_289 = arith.constant 0 : i32
      %dma_start3A_290 = tpu.memref_slice %arg15[%add3A_284, %dma_start3A_289] : memref<128x16xf32, #tpu.memory_space<vmem>> -> memref<1x16xf32, #tpu.memory_space<vmem>>
      %dma_start3A_291 = arith.constant 0 : i32
      %dma_start3A_292 = tpu.memref_slice %arg2[%squeeze3A_280, %dma_start3A_291] : memref<100000x16xf32, #tpu.memory_space<hbm>> -> memref<1x16xf32, #tpu.memory_space<hbm>>
      tpu.enqueue_dma source(%dma_start3A_292 : memref<1x16xf32, #tpu.memory_space<hbm>>) target(%dma_start3A_290 : memref<1x16xf32, #tpu.memory_space<vmem>>) target_semaphore(%arg19 : memref<!tpu.dma_semaphore, #tpu.memory_space<semaphore_mem>>)
      %slice3A_293 = vector.extract_strided_slice %get3A_182 {offsets = [8], sizes = [1], strides = [1]} : vector<16xi32> to vector<1xi32>
      %squeeze3A_294 = vector.extract %slice3A_293[0] : i32 from vector<1xi32>
      %mul3A_295 = arith.constant 16 : i32
      %mul3A_296 = arith.muli %scan3A_176, %mul3A_295 : i32
      %add3A_297 = arith.constant 8 : i32
      %add3A_298 = arith.addi %mul3A_296, %add3A_297 : i32
      %dma_start3A_299 = arith.constant 0 : i32
      %dma_start3A_300 = tpu.memref_slice %arg15[%add3A_298, %dma_start3A_299] : memref<128x16xf32, #tpu.memory_space<vmem>> -> memref<1x16xf32, #tpu.memory_space<vmem>>
      %dma_start3A_301 = arith.constant 0 : i32
      %dma_start3A_302 = tpu.memref_slice %arg2[%squeeze3A_294, %dma_start3A_301] : memref<100000x16xf32, #tpu.memory_space<hbm>> -> memref<1x16xf32, #tpu.memory_space<hbm>>
      %dma_start3A_303 = arith.constant 0 : i32
      %dma_start3A_304 = tpu.memref_slice %arg15[%add3A_298, %dma_start3A_303] : memref<128x16xf32, #tpu.memory_space<vmem>> -> memref<1x16xf32, #tpu.memory_space<vmem>>
      %dma_start3A_305 = arith.constant 0 : i32
      %dma_start3A_306 = tpu.memref_slice %arg2[%squeeze3A_294, %dma_start3A_305] : memref<100000x16xf32, #tpu.memory_space<hbm>> -> memref<1x16xf32, #tpu.memory_space<hbm>>
      tpu.enqueue_dma source(%dma_start3A_306 : memref<1x16xf32, #tpu.memory_space<hbm>>) target(%dma_start3A_304 : memref<1x16xf32, #tpu.memory_space<vmem>>) target_semaphore(%arg19 : memref<!tpu.dma_semaphore, #tpu.memory_space<semaphore_mem>>)
      %slice3A_307 = vector.extract_strided_slice %get3A_182 {offsets = [9], sizes = [1], strides = [1]} : vector<16xi32> to vector<1xi32>
      %squeeze3A_308 = vector.extract %slice3A_307[0] : i32 from vector<1xi32>
      %mul3A_309 = arith.constant 16 : i32
      %mul3A_310 = arith.muli %scan3A_176, %mul3A_309 : i32
      %add3A_311 = arith.constant 9 : i32
      %add3A_312 = arith.addi %mul3A_310, %add3A_311 : i32
      %dma_start3A_313 = arith.constant 0 : i32
      %dma_start3A_314 = tpu.memref_slice %arg15[%add3A_312, %dma_start3A_313] : memref<128x16xf32, #tpu.memory_space<vmem>> -> memref<1x16xf32, #tpu.memory_space<vmem>>
      %dma_start3A_315 = arith.constant 0 : i32
      %dma_start3A_316 = tpu.memref_slice %arg2[%squeeze3A_308, %dma_start3A_315] : memref<100000x16xf32, #tpu.memory_space<hbm>> -> memref<1x16xf32, #tpu.memory_space<hbm>>
      %dma_start3A_317 = arith.constant 0 : i32
      %dma_start3A_318 = tpu.memref_slice %arg15[%add3A_312, %dma_start3A_317] : memref<128x16xf32, #tpu.memory_space<vmem>> -> memref<1x16xf32, #tpu.memory_space<vmem>>
      %dma_start3A_319 = arith.constant 0 : i32
      %dma_start3A_320 = tpu.memref_slice %arg2[%squeeze3A_308, %dma_start3A_319] : memref<100000x16xf32, #tpu.memory_space<hbm>> -> memref<1x16xf32, #tpu.memory_space<hbm>>
      tpu.enqueue_dma source(%dma_start3A_320 : memref<1x16xf32, #tpu.memory_space<hbm>>) target(%dma_start3A_318 : memref<1x16xf32, #tpu.memory_space<vmem>>) target_semaphore(%arg19 : memref<!tpu.dma_semaphore, #tpu.memory_space<semaphore_mem>>)
      %slice3A_321 = vector.extract_strided_slice %get3A_182 {offsets = [10], sizes = [1], strides = [1]} : vector<16xi32> to vector<1xi32>
      %squeeze3A_322 = vector.extract %slice3A_321[0] : i32 from vector<1xi32>
      %mul3A_323 = arith.constant 16 : i32
      %mul3A_324 = arith.muli %scan3A_176, %mul3A_323 : i32
      %add3A_325 = arith.constant 10 : i32
      %add3A_326 = arith.addi %mul3A_324, %add3A_325 : i32
      %dma_start3A_327 = arith.constant 0 : i32
      %dma_start3A_328 = tpu.memref_slice %arg15[%add3A_326, %dma_start3A_327] : memref<128x16xf32, #tpu.memory_space<vmem>> -> memref<1x16xf32, #tpu.memory_space<vmem>>
      %dma_start3A_329 = arith.constant 0 : i32
      %dma_start3A_330 = tpu.memref_slice %arg2[%squeeze3A_322, %dma_start3A_329] : memref<100000x16xf32, #tpu.memory_space<hbm>> -> memref<1x16xf32, #tpu.memory_space<hbm>>
      %dma_start3A_331 = arith.constant 0 : i32
      %dma_start3A_332 = tpu.memref_slice %arg15[%add3A_326, %dma_start3A_331] : memref<128x16xf32, #tpu.memory_space<vmem>> -> memref<1x16xf32, #tpu.memory_space<vmem>>
      %dma_start3A_333 = arith.constant 0 : i32
      %dma_start3A_334 = tpu.memref_slice %arg2[%squeeze3A_322, %dma_start3A_333] : memref<100000x16xf32, #tpu.memory_space<hbm>> -> memref<1x16xf32, #tpu.memory_space<hbm>>
      tpu.enqueue_dma source(%dma_start3A_334 : memref<1x16xf32, #tpu.memory_space<hbm>>) target(%dma_start3A_332 : memref<1x16xf32, #tpu.memory_space<vmem>>) target_semaphore(%arg19 : memref<!tpu.dma_semaphore, #tpu.memory_space<semaphore_mem>>)
      %slice3A_335 = vector.extract_strided_slice %get3A_182 {offsets = [11], sizes = [1], strides = [1]} : vector<16xi32> to vector<1xi32>
      %squeeze3A_336 = vector.extract %slice3A_335[0] : i32 from vector<1xi32>
      %mul3A_337 = arith.constant 16 : i32
      %mul3A_338 = arith.muli %scan3A_176, %mul3A_337 : i32
      %add3A_339 = arith.constant 11 : i32
      %add3A_340 = arith.addi %mul3A_338, %add3A_339 : i32
      %dma_start3A_341 = arith.constant 0 : i32
      %dma_start3A_342 = tpu.memref_slice %arg15[%add3A_340, %dma_start3A_341] : memref<128x16xf32, #tpu.memory_space<vmem>> -> memref<1x16xf32, #tpu.memory_space<vmem>>
      %dma_start3A_343 = arith.constant 0 : i32
      %dma_start3A_344 = tpu.memref_slice %arg2[%squeeze3A_336, %dma_start3A_343] : memref<100000x16xf32, #tpu.memory_space<hbm>> -> memref<1x16xf32, #tpu.memory_space<hbm>>
      %dma_start3A_345 = arith.constant 0 : i32
      %dma_start3A_346 = tpu.memref_slice %arg15[%add3A_340, %dma_start3A_345] : memref<128x16xf32, #tpu.memory_space<vmem>> -> memref<1x16xf32, #tpu.memory_space<vmem>>
      %dma_start3A_347 = arith.constant 0 : i32
      %dma_start3A_348 = tpu.memref_slice %arg2[%squeeze3A_336, %dma_start3A_347] : memref<100000x16xf32, #tpu.memory_space<hbm>> -> memref<1x16xf32, #tpu.memory_space<hbm>>
      tpu.enqueue_dma source(%dma_start3A_348 : memref<1x16xf32, #tpu.memory_space<hbm>>) target(%dma_start3A_346 : memref<1x16xf32, #tpu.memory_space<vmem>>) target_semaphore(%arg19 : memref<!tpu.dma_semaphore, #tpu.memory_space<semaphore_mem>>)
      %slice3A_349 = vector.extract_strided_slice %get3A_182 {offsets = [12], sizes = [1], strides = [1]} : vector<16xi32> to vector<1xi32>
      %squeeze3A_350 = vector.extract %slice3A_349[0] : i32 from vector<1xi32>
      %mul3A_351 = arith.constant 16 : i32
      %mul3A_352 = arith.muli %scan3A_176, %mul3A_351 : i32
      %add3A_353 = arith.constant 12 : i32
      %add3A_354 = arith.addi %mul3A_352, %add3A_353 : i32
      %dma_start3A_355 = arith.constant 0 : i32
      %dma_start3A_356 = tpu.memref_slice %arg15[%add3A_354, %dma_start3A_355] : memref<128x16xf32, #tpu.memory_space<vmem>> -> memref<1x16xf32, #tpu.memory_space<vmem>>
      %dma_start3A_357 = arith.constant 0 : i32
      %dma_start3A_358 = tpu.memref_slice %arg2[%squeeze3A_350, %dma_start3A_357] : memref<100000x16xf32, #tpu.memory_space<hbm>> -> memref<1x16xf32, #tpu.memory_space<hbm>>
      %dma_start3A_359 = arith.constant 0 : i32
      %dma_start3A_360 = tpu.memref_slice %arg15[%add3A_354, %dma_start3A_359] : memref<128x16xf32, #tpu.memory_space<vmem>> -> memref<1x16xf32, #tpu.memory_space<vmem>>
      %dma_start3A_361 = arith.constant 0 : i32
      %dma_start3A_362 = tpu.memref_slice %arg2[%squeeze3A_350, %dma_start3A_361] : memref<100000x16xf32, #tpu.memory_space<hbm>> -> memref<1x16xf32, #tpu.memory_space<hbm>>
      tpu.enqueue_dma source(%dma_start3A_362 : memref<1x16xf32, #tpu.memory_space<hbm>>) target(%dma_start3A_360 : memref<1x16xf32, #tpu.memory_space<vmem>>) target_semaphore(%arg19 : memref<!tpu.dma_semaphore, #tpu.memory_space<semaphore_mem>>)
      %slice3A_363 = vector.extract_strided_slice %get3A_182 {offsets = [13], sizes = [1], strides = [1]} : vector<16xi32> to vector<1xi32>
      %squeeze3A_364 = vector.extract %slice3A_363[0] : i32 from vector<1xi32>
      %mul3A_365 = arith.constant 16 : i32
      %mul3A_366 = arith.muli %scan3A_176, %mul3A_365 : i32
      %add3A_367 = arith.constant 13 : i32
      %add3A_368 = arith.addi %mul3A_366, %add3A_367 : i32
      %dma_start3A_369 = arith.constant 0 : i32
      %dma_start3A_370 = tpu.memref_slice %arg15[%add3A_368, %dma_start3A_369] : memref<128x16xf32, #tpu.memory_space<vmem>> -> memref<1x16xf32, #tpu.memory_space<vmem>>
      %dma_start3A_371 = arith.constant 0 : i32
      %dma_start3A_372 = tpu.memref_slice %arg2[%squeeze3A_364, %dma_start3A_371] : memref<100000x16xf32, #tpu.memory_space<hbm>> -> memref<1x16xf32, #tpu.memory_space<hbm>>
      %dma_start3A_373 = arith.constant 0 : i32
      %dma_start3A_374 = tpu.memref_slice %arg15[%add3A_368, %dma_start3A_373] : memref<128x16xf32, #tpu.memory_space<vmem>> -> memref<1x16xf32, #tpu.memory_space<vmem>>
      %dma_start3A_375 = arith.constant 0 : i32
      %dma_start3A_376 = tpu.memref_slice %arg2[%squeeze3A_364, %dma_start3A_375] : memref<100000x16xf32, #tpu.memory_space<hbm>> -> memref<1x16xf32, #tpu.memory_space<hbm>>
      tpu.enqueue_dma source(%dma_start3A_376 : memref<1x16xf32, #tpu.memory_space<hbm>>) target(%dma_start3A_374 : memref<1x16xf32, #tpu.memory_space<vmem>>) target_semaphore(%arg19 : memref<!tpu.dma_semaphore, #tpu.memory_space<semaphore_mem>>)
      %slice3A_377 = vector.extract_strided_slice %get3A_182 {offsets = [14], sizes = [1], strides = [1]} : vector<16xi32> to vector<1xi32>
      %squeeze3A_378 = vector.extract %slice3A_377[0] : i32 from vector<1xi32>
      %mul3A_379 = arith.constant 16 : i32
      %mul3A_380 = arith.muli %scan3A_176, %mul3A_379 : i32
      %add3A_381 = arith.constant 14 : i32
      %add3A_382 = arith.addi %mul3A_380, %add3A_381 : i32
      %dma_start3A_383 = arith.constant 0 : i32
      %dma_start3A_384 = tpu.memref_slice %arg15[%add3A_382, %dma_start3A_383] : memref<128x16xf32, #tpu.memory_space<vmem>> -> memref<1x16xf32, #tpu.memory_space<vmem>>
      %dma_start3A_385 = arith.constant 0 : i32
      %dma_start3A_386 = tpu.memref_slice %arg2[%squeeze3A_378, %dma_start3A_385] : memref<100000x16xf32, #tpu.memory_space<hbm>> -> memref<1x16xf32, #tpu.memory_space<hbm>>
      %dma_start3A_387 = arith.constant 0 : i32
      %dma_start3A_388 = tpu.memref_slice %arg15[%add3A_382, %dma_start3A_387] : memref<128x16xf32, #tpu.memory_space<vmem>> -> memref<1x16xf32, #tpu.memory_space<vmem>>
      %dma_start3A_389 = arith.constant 0 : i32
      %dma_start3A_390 = tpu.memref_slice %arg2[%squeeze3A_378, %dma_start3A_389] : memref<100000x16xf32, #tpu.memory_space<hbm>> -> memref<1x16xf32, #tpu.memory_space<hbm>>
      tpu.enqueue_dma source(%dma_start3A_390 : memref<1x16xf32, #tpu.memory_space<hbm>>) target(%dma_start3A_388 : memref<1x16xf32, #tpu.memory_space<vmem>>) target_semaphore(%arg19 : memref<!tpu.dma_semaphore, #tpu.memory_space<semaphore_mem>>)
      %slice3A_391 = vector.extract_strided_slice %get3A_182 {offsets = [15], sizes = [1], strides = [1]} : vector<16xi32> to vector<1xi32>
      %squeeze3A_392 = vector.extract %slice3A_391[0] : i32 from vector<1xi32>
      %mul3A_393 = arith.constant 16 : i32
      %mul3A_394 = arith.muli %scan3A_176, %mul3A_393 : i32
      %add3A_395 = arith.constant 15 : i32
      %add3A_396 = arith.addi %mul3A_394, %add3A_395 : i32
      %dma_start3A_397 = arith.constant 0 : i32
      %dma_start3A_398 = tpu.memref_slice %arg15[%add3A_396, %dma_start3A_397] : memref<128x16xf32, #tpu.memory_space<vmem>> -> memref<1x16xf32, #tpu.memory_space<vmem>>
      %dma_start3A_399 = arith.constant 0 : i32
      %dma_start3A_400 = tpu.memref_slice %arg2[%squeeze3A_392, %dma_start3A_399] : memref<100000x16xf32, #tpu.memory_space<hbm>> -> memref<1x16xf32, #tpu.memory_space<hbm>>
      %dma_start3A_401 = arith.constant 0 : i32
      %dma_start3A_402 = tpu.memref_slice %arg15[%add3A_396, %dma_start3A_401] : memref<128x16xf32, #tpu.memory_space<vmem>> -> memref<1x16xf32, #tpu.memory_space<vmem>>
      %dma_start3A_403 = arith.constant 0 : i32
      %dma_start3A_404 = tpu.memref_slice %arg2[%squeeze3A_392, %dma_start3A_403] : memref<100000x16xf32, #tpu.memory_space<hbm>> -> memref<1x16xf32, #tpu.memory_space<hbm>>
      tpu.enqueue_dma source(%dma_start3A_404 : memref<1x16xf32, #tpu.memory_space<hbm>>) target(%dma_start3A_402 : memref<1x16xf32, #tpu.memory_space<vmem>>) target_semaphore(%arg19 : memref<!tpu.dma_semaphore, #tpu.memory_space<semaphore_mem>>)
      %scan3A_405 = arith.constant 0 : i32
      scf.yield %scan3A_405 : i32
    }
    %scan3A_49 = arith.constant 8 : i32
    %add3A_50 = arith.constant 0 : i32
    %add3A_51 = arith.addi %mul3A_2, %add3A_50 : i32
    %dma_wait3A_52 = arith.constant 0 : i32
    %dma_wait3A_53 = tpu.memref_slice %arg6[%add3A_51, %dma_wait3A_52] : memref<16384x16xf32, #tpu.memory_space<hbm>> -> memref<128x16xf32, #tpu.memory_space<hbm>>
    %dma_wait3A_54 = arith.constant 0 : i32
    %dma_wait3A_55 = tpu.memref_slice %arg6[%add3A_51, %dma_wait3A_54] : memref<16384x16xf32, #tpu.memory_space<hbm>> -> memref<128x16xf32, #tpu.memory_space<hbm>>
    tpu.wait_dma2 semaphore(%arg18 : memref<!tpu.dma_semaphore, #tpu.memory_space<semaphore_mem>>) src(%dma_wait3A_55 : memref<128x16xf32, #tpu.memory_space<hbm>>) dst(%arg10 : memref<128x16xf32, #tpu.memory_space<vmem>>)
    %dma_start3A_56 = arith.constant 0 : i32
    %dma_start3A_57 = tpu.memref_slice %arg6[%add3A_51, %dma_start3A_56] : memref<16384x16xf32, #tpu.memory_space<hbm>> -> memref<128x16xf32, #tpu.memory_space<hbm>>
    %dma_start3A_58 = arith.constant 0 : i32
    %dma_start3A_59 = tpu.memref_slice %arg6[%add3A_51, %dma_start3A_58] : memref<16384x16xf32, #tpu.memory_space<hbm>> -> memref<128x16xf32, #tpu.memory_space<hbm>>
    tpu.enqueue_dma source(%arg10 : memref<128x16xf32, #tpu.memory_space<vmem>>) target(%dma_start3A_59 : memref<128x16xf32, #tpu.memory_space<hbm>>) target_semaphore(%arg20 : memref<!tpu.dma_semaphore, #tpu.memory_space<semaphore_mem>>)
    %dma_wait3A_60 = arith.constant 0 : i32
    %dma_wait3A_61 = tpu.memref_slice %arg6[%add3A_51, %dma_wait3A_60] : memref<16384x16xf32, #tpu.memory_space<hbm>> -> memref<128x16xf32, #tpu.memory_space<hbm>>
    %dma_wait3A_62 = arith.constant 0 : i32
    %dma_wait3A_63 = tpu.memref_slice %arg6[%add3A_51, %dma_wait3A_62] : memref<16384x16xf32, #tpu.memory_space<hbm>> -> memref<128x16xf32, #tpu.memory_space<hbm>>
    tpu.wait_dma2 semaphore(%arg20 : memref<!tpu.dma_semaphore, #tpu.memory_space<semaphore_mem>>) src(%arg10 : memref<128x16xf32, #tpu.memory_space<vmem>>) dst(%dma_wait3A_63 : memref<128x16xf32, #tpu.memory_space<hbm>>)
    %scan3A_64 = arith.constant 0 : i32
    %scan3A_65 = arith.constant 0 : i32
    %scan3A_66 = arith.constant 8 : i32
    %scan3A_67 = arith.addi %scan3A_65, %scan3A_66 : i32
    %scan3A_68 = arith.constant 1 : i32
    %scan3A_69 = scf.for %scan3A_176 = %scan3A_65 to %scan3A_67 step %scan3A_68 iter_args(%scan3A_177 = %scan3A_64) -> (i32)  : i32 {
      %mul3A_178 = arith.constant 16 : i32
      %mul3A_179 = arith.muli %scan3A_176, %mul3A_178 : i32
      %add3A_180 = arith.constant 384 : i32
      %add3A_181 = arith.addi %add3A_180, %mul3A_179 : i32
      %get3A = arith.index_cast %add3A_181 : i32 to index
      %get3A_182 = tpu.vector_load %arg8[%get3A] {strides = array<i32>} : memref<512xi32, #tpu.memory_space<vmem>>, vector<16xi32>,
      %slice3A = vector.extract_strided_slice %get3A_182 {offsets = [0], sizes = [1], strides = [1]} : vector<16xi32> to vector<1xi32>
      %squeeze3A = vector.extract %slice3A[0] : i32 from vector<1xi32>
      %mul3A_183 = arith.constant 16 : i32
      %mul3A_184 = arith.muli %scan3A_176, %mul3A_183 : i32
      %add3A_185 = arith.constant 0 : i32
      %add3A_186 = arith.addi %mul3A_184, %add3A_185 : i32
      %dma_start3A_187 = arith.constant 0 : i32
      %dma_start3A_188 = tpu.memref_slice %arg10[%add3A_186, %dma_start3A_187] : memref<128x16xf32, #tpu.memory_space<vmem>> -> memref<1x16xf32, #tpu.memory_space<vmem>>
      %dma_start3A_189 = arith.constant 0 : i32
      %dma_start3A_190 = tpu.memref_slice %arg3[%squeeze3A, %dma_start3A_189] : memref<100000x16xf32, #tpu.memory_space<hbm>> -> memref<1x16xf32, #tpu.memory_space<hbm>>
      %dma_start3A_191 = arith.constant 0 : i32
      %dma_start3A_192 = tpu.memref_slice %arg10[%add3A_186, %dma_start3A_191] : memref<128x16xf32, #tpu.memory_space<vmem>> -> memref<1x16xf32, #tpu.memory_space<vmem>>
      %dma_start3A_193 = arith.constant 0 : i32
      %dma_start3A_194 = tpu.memref_slice %arg3[%squeeze3A, %dma_start3A_193] : memref<100000x16xf32, #tpu.memory_space<hbm>> -> memref<1x16xf32, #tpu.memory_space<hbm>>
      tpu.enqueue_dma source(%dma_start3A_194 : memref<1x16xf32, #tpu.memory_space<hbm>>) target(%dma_start3A_192 : memref<1x16xf32, #tpu.memory_space<vmem>>) target_semaphore(%arg18 : memref<!tpu.dma_semaphore, #tpu.memory_space<semaphore_mem>>)
      %slice3A_195 = vector.extract_strided_slice %get3A_182 {offsets = [1], sizes = [1], strides = [1]} : vector<16xi32> to vector<1xi32>
      %squeeze3A_196 = vector.extract %slice3A_195[0] : i32 from vector<1xi32>
      %mul3A_197 = arith.constant 16 : i32
      %mul3A_198 = arith.muli %scan3A_176, %mul3A_197 : i32
      %add3A_199 = arith.constant 1 : i32
      %add3A_200 = arith.addi %mul3A_198, %add3A_199 : i32
      %dma_start3A_201 = arith.constant 0 : i32
      %dma_start3A_202 = tpu.memref_slice %arg10[%add3A_200, %dma_start3A_201] : memref<128x16xf32, #tpu.memory_space<vmem>> -> memref<1x16xf32, #tpu.memory_space<vmem>>
      %dma_start3A_203 = arith.constant 0 : i32
      %dma_start3A_204 = tpu.memref_slice %arg3[%squeeze3A_196, %dma_start3A_203] : memref<100000x16xf32, #tpu.memory_space<hbm>> -> memref<1x16xf32, #tpu.memory_space<hbm>>
      %dma_start3A_205 = arith.constant 0 : i32
      %dma_start3A_206 = tpu.memref_slice %arg10[%add3A_200, %dma_start3A_205] : memref<128x16xf32, #tpu.memory_space<vmem>> -> memref<1x16xf32, #tpu.memory_space<vmem>>
      %dma_start3A_207 = arith.constant 0 : i32
      %dma_start3A_208 = tpu.memref_slice %arg3[%squeeze3A_196, %dma_start3A_207] : memref<100000x16xf32, #tpu.memory_space<hbm>> -> memref<1x16xf32, #tpu.memory_space<hbm>>
      tpu.enqueue_dma source(%dma_start3A_208 : memref<1x16xf32, #tpu.memory_space<hbm>>) target(%dma_start3A_206 : memref<1x16xf32, #tpu.memory_space<vmem>>) target_semaphore(%arg18 : memref<!tpu.dma_semaphore, #tpu.memory_space<semaphore_mem>>)
      %slice3A_209 = vector.extract_strided_slice %get3A_182 {offsets = [2], sizes = [1], strides = [1]} : vector<16xi32> to vector<1xi32>
      %squeeze3A_210 = vector.extract %slice3A_209[0] : i32 from vector<1xi32>
      %mul3A_211 = arith.constant 16 : i32
      %mul3A_212 = arith.muli %scan3A_176, %mul3A_211 : i32
      %add3A_213 = arith.constant 2 : i32
      %add3A_214 = arith.addi %mul3A_212, %add3A_213 : i32
      %dma_start3A_215 = arith.constant 0 : i32
      %dma_start3A_216 = tpu.memref_slice %arg10[%add3A_214, %dma_start3A_215] : memref<128x16xf32, #tpu.memory_space<vmem>> -> memref<1x16xf32, #tpu.memory_space<vmem>>
      %dma_start3A_217 = arith.constant 0 : i32
      %dma_start3A_218 = tpu.memref_slice %arg3[%squeeze3A_210, %dma_start3A_217] : memref<100000x16xf32, #tpu.memory_space<hbm>> -> memref<1x16xf32, #tpu.memory_space<hbm>>
      %dma_start3A_219 = arith.constant 0 : i32
      %dma_start3A_220 = tpu.memref_slice %arg10[%add3A_214, %dma_start3A_219] : memref<128x16xf32, #tpu.memory_space<vmem>> -> memref<1x16xf32, #tpu.memory_space<vmem>>
      %dma_start3A_221 = arith.constant 0 : i32
      %dma_start3A_222 = tpu.memref_slice %arg3[%squeeze3A_210, %dma_start3A_221] : memref<100000x16xf32, #tpu.memory_space<hbm>> -> memref<1x16xf32, #tpu.memory_space<hbm>>
      tpu.enqueue_dma source(%dma_start3A_222 : memref<1x16xf32, #tpu.memory_space<hbm>>) target(%dma_start3A_220 : memref<1x16xf32, #tpu.memory_space<vmem>>) target_semaphore(%arg18 : memref<!tpu.dma_semaphore, #tpu.memory_space<semaphore_mem>>)
      %slice3A_223 = vector.extract_strided_slice %get3A_182 {offsets = [3], sizes = [1], strides = [1]} : vector<16xi32> to vector<1xi32>
      %squeeze3A_224 = vector.extract %slice3A_223[0] : i32 from vector<1xi32>
      %mul3A_225 = arith.constant 16 : i32
      %mul3A_226 = arith.muli %scan3A_176, %mul3A_225 : i32
      %add3A_227 = arith.constant 3 : i32
      %add3A_228 = arith.addi %mul3A_226, %add3A_227 : i32
      %dma_start3A_229 = arith.constant 0 : i32
      %dma_start3A_230 = tpu.memref_slice %arg10[%add3A_228, %dma_start3A_229] : memref<128x16xf32, #tpu.memory_space<vmem>> -> memref<1x16xf32, #tpu.memory_space<vmem>>
      %dma_start3A_231 = arith.constant 0 : i32
      %dma_start3A_232 = tpu.memref_slice %arg3[%squeeze3A_224, %dma_start3A_231] : memref<100000x16xf32, #tpu.memory_space<hbm>> -> memref<1x16xf32, #tpu.memory_space<hbm>>
      %dma_start3A_233 = arith.constant 0 : i32
      %dma_start3A_234 = tpu.memref_slice %arg10[%add3A_228, %dma_start3A_233] : memref<128x16xf32, #tpu.memory_space<vmem>> -> memref<1x16xf32, #tpu.memory_space<vmem>>
      %dma_start3A_235 = arith.constant 0 : i32
      %dma_start3A_236 = tpu.memref_slice %arg3[%squeeze3A_224, %dma_start3A_235] : memref<100000x16xf32, #tpu.memory_space<hbm>> -> memref<1x16xf32, #tpu.memory_space<hbm>>
      tpu.enqueue_dma source(%dma_start3A_236 : memref<1x16xf32, #tpu.memory_space<hbm>>) target(%dma_start3A_234 : memref<1x16xf32, #tpu.memory_space<vmem>>) target_semaphore(%arg18 : memref<!tpu.dma_semaphore, #tpu.memory_space<semaphore_mem>>)
      %slice3A_237 = vector.extract_strided_slice %get3A_182 {offsets = [4], sizes = [1], strides = [1]} : vector<16xi32> to vector<1xi32>
      %squeeze3A_238 = vector.extract %slice3A_237[0] : i32 from vector<1xi32>
      %mul3A_239 = arith.constant 16 : i32
      %mul3A_240 = arith.muli %scan3A_176, %mul3A_239 : i32
      %add3A_241 = arith.constant 4 : i32
      %add3A_242 = arith.addi %mul3A_240, %add3A_241 : i32
      %dma_start3A_243 = arith.constant 0 : i32
      %dma_start3A_244 = tpu.memref_slice %arg10[%add3A_242, %dma_start3A_243] : memref<128x16xf32, #tpu.memory_space<vmem>> -> memref<1x16xf32, #tpu.memory_space<vmem>>
      %dma_start3A_245 = arith.constant 0 : i32
      %dma_start3A_246 = tpu.memref_slice %arg3[%squeeze3A_238, %dma_start3A_245] : memref<100000x16xf32, #tpu.memory_space<hbm>> -> memref<1x16xf32, #tpu.memory_space<hbm>>
      %dma_start3A_247 = arith.constant 0 : i32
      %dma_start3A_248 = tpu.memref_slice %arg10[%add3A_242, %dma_start3A_247] : memref<128x16xf32, #tpu.memory_space<vmem>> -> memref<1x16xf32, #tpu.memory_space<vmem>>
      %dma_start3A_249 = arith.constant 0 : i32
      %dma_start3A_250 = tpu.memref_slice %arg3[%squeeze3A_238, %dma_start3A_249] : memref<100000x16xf32, #tpu.memory_space<hbm>> -> memref<1x16xf32, #tpu.memory_space<hbm>>
      tpu.enqueue_dma source(%dma_start3A_250 : memref<1x16xf32, #tpu.memory_space<hbm>>) target(%dma_start3A_248 : memref<1x16xf32, #tpu.memory_space<vmem>>) target_semaphore(%arg18 : memref<!tpu.dma_semaphore, #tpu.memory_space<semaphore_mem>>)
      %slice3A_251 = vector.extract_strided_slice %get3A_182 {offsets = [5], sizes = [1], strides = [1]} : vector<16xi32> to vector<1xi32>
      %squeeze3A_252 = vector.extract %slice3A_251[0] : i32 from vector<1xi32>
      %mul3A_253 = arith.constant 16 : i32
      %mul3A_254 = arith.muli %scan3A_176, %mul3A_253 : i32
      %add3A_255 = arith.constant 5 : i32
      %add3A_256 = arith.addi %mul3A_254, %add3A_255 : i32
      %dma_start3A_257 = arith.constant 0 : i32
      %dma_start3A_258 = tpu.memref_slice %arg10[%add3A_256, %dma_start3A_257] : memref<128x16xf32, #tpu.memory_space<vmem>> -> memref<1x16xf32, #tpu.memory_space<vmem>>
      %dma_start3A_259 = arith.constant 0 : i32
      %dma_start3A_260 = tpu.memref_slice %arg3[%squeeze3A_252, %dma_start3A_259] : memref<100000x16xf32, #tpu.memory_space<hbm>> -> memref<1x16xf32, #tpu.memory_space<hbm>>
      %dma_start3A_261 = arith.constant 0 : i32
      %dma_start3A_262 = tpu.memref_slice %arg10[%add3A_256, %dma_start3A_261] : memref<128x16xf32, #tpu.memory_space<vmem>> -> memref<1x16xf32, #tpu.memory_space<vmem>>
      %dma_start3A_263 = arith.constant 0 : i32
      %dma_start3A_264 = tpu.memref_slice %arg3[%squeeze3A_252, %dma_start3A_263] : memref<100000x16xf32, #tpu.memory_space<hbm>> -> memref<1x16xf32, #tpu.memory_space<hbm>>
      tpu.enqueue_dma source(%dma_start3A_264 : memref<1x16xf32, #tpu.memory_space<hbm>>) target(%dma_start3A_262 : memref<1x16xf32, #tpu.memory_space<vmem>>) target_semaphore(%arg18 : memref<!tpu.dma_semaphore, #tpu.memory_space<semaphore_mem>>)
      %slice3A_265 = vector.extract_strided_slice %get3A_182 {offsets = [6], sizes = [1], strides = [1]} : vector<16xi32> to vector<1xi32>
      %squeeze3A_266 = vector.extract %slice3A_265[0] : i32 from vector<1xi32>
      %mul3A_267 = arith.constant 16 : i32
      %mul3A_268 = arith.muli %scan3A_176, %mul3A_267 : i32
      %add3A_269 = arith.constant 6 : i32
      %add3A_270 = arith.addi %mul3A_268, %add3A_269 : i32
      %dma_start3A_271 = arith.constant 0 : i32
      %dma_start3A_272 = tpu.memref_slice %arg10[%add3A_270, %dma_start3A_271] : memref<128x16xf32, #tpu.memory_space<vmem>> -> memref<1x16xf32, #tpu.memory_space<vmem>>
      %dma_start3A_273 = arith.constant 0 : i32
      %dma_start3A_274 = tpu.memref_slice %arg3[%squeeze3A_266, %dma_start3A_273] : memref<100000x16xf32, #tpu.memory_space<hbm>> -> memref<1x16xf32, #tpu.memory_space<hbm>>
      %dma_start3A_275 = arith.constant 0 : i32
      %dma_start3A_276 = tpu.memref_slice %arg10[%add3A_270, %dma_start3A_275] : memref<128x16xf32, #tpu.memory_space<vmem>> -> memref<1x16xf32, #tpu.memory_space<vmem>>
      %dma_start3A_277 = arith.constant 0 : i32
      %dma_start3A_278 = tpu.memref_slice %arg3[%squeeze3A_266, %dma_start3A_277] : memref<100000x16xf32, #tpu.memory_space<hbm>> -> memref<1x16xf32, #tpu.memory_space<hbm>>
      tpu.enqueue_dma source(%dma_start3A_278 : memref<1x16xf32, #tpu.memory_space<hbm>>) target(%dma_start3A_276 : memref<1x16xf32, #tpu.memory_space<vmem>>) target_semaphore(%arg18 : memref<!tpu.dma_semaphore, #tpu.memory_space<semaphore_mem>>)
      %slice3A_279 = vector.extract_strided_slice %get3A_182 {offsets = [7], sizes = [1], strides = [1]} : vector<16xi32> to vector<1xi32>
      %squeeze3A_280 = vector.extract %slice3A_279[0] : i32 from vector<1xi32>
      %mul3A_281 = arith.constant 16 : i32
      %mul3A_282 = arith.muli %scan3A_176, %mul3A_281 : i32
      %add3A_283 = arith.constant 7 : i32
      %add3A_284 = arith.addi %mul3A_282, %add3A_283 : i32
      %dma_start3A_285 = arith.constant 0 : i32
      %dma_start3A_286 = tpu.memref_slice %arg10[%add3A_284, %dma_start3A_285] : memref<128x16xf32, #tpu.memory_space<vmem>> -> memref<1x16xf32, #tpu.memory_space<vmem>>
      %dma_start3A_287 = arith.constant 0 : i32
      %dma_start3A_288 = tpu.memref_slice %arg3[%squeeze3A_280, %dma_start3A_287] : memref<100000x16xf32, #tpu.memory_space<hbm>> -> memref<1x16xf32, #tpu.memory_space<hbm>>
      %dma_start3A_289 = arith.constant 0 : i32
      %dma_start3A_290 = tpu.memref_slice %arg10[%add3A_284, %dma_start3A_289] : memref<128x16xf32, #tpu.memory_space<vmem>> -> memref<1x16xf32, #tpu.memory_space<vmem>>
      %dma_start3A_291 = arith.constant 0 : i32
      %dma_start3A_292 = tpu.memref_slice %arg3[%squeeze3A_280, %dma_start3A_291] : memref<100000x16xf32, #tpu.memory_space<hbm>> -> memref<1x16xf32, #tpu.memory_space<hbm>>
      tpu.enqueue_dma source(%dma_start3A_292 : memref<1x16xf32, #tpu.memory_space<hbm>>) target(%dma_start3A_290 : memref<1x16xf32, #tpu.memory_space<vmem>>) target_semaphore(%arg18 : memref<!tpu.dma_semaphore, #tpu.memory_space<semaphore_mem>>)
      %slice3A_293 = vector.extract_strided_slice %get3A_182 {offsets = [8], sizes = [1], strides = [1]} : vector<16xi32> to vector<1xi32>
      %squeeze3A_294 = vector.extract %slice3A_293[0] : i32 from vector<1xi32>
      %mul3A_295 = arith.constant 16 : i32
      %mul3A_296 = arith.muli %scan3A_176, %mul3A_295 : i32
      %add3A_297 = arith.constant 8 : i32
      %add3A_298 = arith.addi %mul3A_296, %add3A_297 : i32
      %dma_start3A_299 = arith.constant 0 : i32
      %dma_start3A_300 = tpu.memref_slice %arg10[%add3A_298, %dma_start3A_299] : memref<128x16xf32, #tpu.memory_space<vmem>> -> memref<1x16xf32, #tpu.memory_space<vmem>>
      %dma_start3A_301 = arith.constant 0 : i32
      %dma_start3A_302 = tpu.memref_slice %arg3[%squeeze3A_294, %dma_start3A_301] : memref<100000x16xf32, #tpu.memory_space<hbm>> -> memref<1x16xf32, #tpu.memory_space<hbm>>
      %dma_start3A_303 = arith.constant 0 : i32
      %dma_start3A_304 = tpu.memref_slice %arg10[%add3A_298, %dma_start3A_303] : memref<128x16xf32, #tpu.memory_space<vmem>> -> memref<1x16xf32, #tpu.memory_space<vmem>>
      %dma_start3A_305 = arith.constant 0 : i32
      %dma_start3A_306 = tpu.memref_slice %arg3[%squeeze3A_294, %dma_start3A_305] : memref<100000x16xf32, #tpu.memory_space<hbm>> -> memref<1x16xf32, #tpu.memory_space<hbm>>
      tpu.enqueue_dma source(%dma_start3A_306 : memref<1x16xf32, #tpu.memory_space<hbm>>) target(%dma_start3A_304 : memref<1x16xf32, #tpu.memory_space<vmem>>) target_semaphore(%arg18 : memref<!tpu.dma_semaphore, #tpu.memory_space<semaphore_mem>>)
      %slice3A_307 = vector.extract_strided_slice %get3A_182 {offsets = [9], sizes = [1], strides = [1]} : vector<16xi32> to vector<1xi32>
      %squeeze3A_308 = vector.extract %slice3A_307[0] : i32 from vector<1xi32>
      %mul3A_309 = arith.constant 16 : i32
      %mul3A_310 = arith.muli %scan3A_176, %mul3A_309 : i32
      %add3A_311 = arith.constant 9 : i32
      %add3A_312 = arith.addi %mul3A_310, %add3A_311 : i32
      %dma_start3A_313 = arith.constant 0 : i32
      %dma_start3A_314 = tpu.memref_slice %arg10[%add3A_312, %dma_start3A_313] : memref<128x16xf32, #tpu.memory_space<vmem>> -> memref<1x16xf32, #tpu.memory_space<vmem>>
      %dma_start3A_315 = arith.constant 0 : i32
      %dma_start3A_316 = tpu.memref_slice %arg3[%squeeze3A_308, %dma_start3A_315] : memref<100000x16xf32, #tpu.memory_space<hbm>> -> memref<1x16xf32, #tpu.memory_space<hbm>>
      %dma_start3A_317 = arith.constant 0 : i32
      %dma_start3A_318 = tpu.memref_slice %arg10[%add3A_312, %dma_start3A_317] : memref<128x16xf32, #tpu.memory_space<vmem>> -> memref<1x16xf32, #tpu.memory_space<vmem>>
      %dma_start3A_319 = arith.constant 0 : i32
      %dma_start3A_320 = tpu.memref_slice %arg3[%squeeze3A_308, %dma_start3A_319] : memref<100000x16xf32, #tpu.memory_space<hbm>> -> memref<1x16xf32, #tpu.memory_space<hbm>>
      tpu.enqueue_dma source(%dma_start3A_320 : memref<1x16xf32, #tpu.memory_space<hbm>>) target(%dma_start3A_318 : memref<1x16xf32, #tpu.memory_space<vmem>>) target_semaphore(%arg18 : memref<!tpu.dma_semaphore, #tpu.memory_space<semaphore_mem>>)
      %slice3A_321 = vector.extract_strided_slice %get3A_182 {offsets = [10], sizes = [1], strides = [1]} : vector<16xi32> to vector<1xi32>
      %squeeze3A_322 = vector.extract %slice3A_321[0] : i32 from vector<1xi32>
      %mul3A_323 = arith.constant 16 : i32
      %mul3A_324 = arith.muli %scan3A_176, %mul3A_323 : i32
      %add3A_325 = arith.constant 10 : i32
      %add3A_326 = arith.addi %mul3A_324, %add3A_325 : i32
      %dma_start3A_327 = arith.constant 0 : i32
      %dma_start3A_328 = tpu.memref_slice %arg10[%add3A_326, %dma_start3A_327] : memref<128x16xf32, #tpu.memory_space<vmem>> -> memref<1x16xf32, #tpu.memory_space<vmem>>
      %dma_start3A_329 = arith.constant 0 : i32
      %dma_start3A_330 = tpu.memref_slice %arg3[%squeeze3A_322, %dma_start3A_329] : memref<100000x16xf32, #tpu.memory_space<hbm>> -> memref<1x16xf32, #tpu.memory_space<hbm>>
      %dma_start3A_331 = arith.constant 0 : i32
      %dma_start3A_332 = tpu.memref_slice %arg10[%add3A_326, %dma_start3A_331] : memref<128x16xf32, #tpu.memory_space<vmem>> -> memref<1x16xf32, #tpu.memory_space<vmem>>
      %dma_start3A_333 = arith.constant 0 : i32
      %dma_start3A_334 = tpu.memref_slice %arg3[%squeeze3A_322, %dma_start3A_333] : memref<100000x16xf32, #tpu.memory_space<hbm>> -> memref<1x16xf32, #tpu.memory_space<hbm>>
      tpu.enqueue_dma source(%dma_start3A_334 : memref<1x16xf32, #tpu.memory_space<hbm>>) target(%dma_start3A_332 : memref<1x16xf32, #tpu.memory_space<vmem>>) target_semaphore(%arg18 : memref<!tpu.dma_semaphore, #tpu.memory_space<semaphore_mem>>)
      %slice3A_335 = vector.extract_strided_slice %get3A_182 {offsets = [11], sizes = [1], strides = [1]} : vector<16xi32> to vector<1xi32>
      %squeeze3A_336 = vector.extract %slice3A_335[0] : i32 from vector<1xi32>
      %mul3A_337 = arith.constant 16 : i32
      %mul3A_338 = arith.muli %scan3A_176, %mul3A_337 : i32
      %add3A_339 = arith.constant 11 : i32
      %add3A_340 = arith.addi %mul3A_338, %add3A_339 : i32
      %dma_start3A_341 = arith.constant 0 : i32
      %dma_start3A_342 = tpu.memref_slice %arg10[%add3A_340, %dma_start3A_341] : memref<128x16xf32, #tpu.memory_space<vmem>> -> memref<1x16xf32, #tpu.memory_space<vmem>>
      %dma_start3A_343 = arith.constant 0 : i32
      %dma_start3A_344 = tpu.memref_slice %arg3[%squeeze3A_336, %dma_start3A_343] : memref<100000x16xf32, #tpu.memory_space<hbm>> -> memref<1x16xf32, #tpu.memory_space<hbm>>
      %dma_start3A_345 = arith.constant 0 : i32
      %dma_start3A_346 = tpu.memref_slice %arg10[%add3A_340, %dma_start3A_345] : memref<128x16xf32, #tpu.memory_space<vmem>> -> memref<1x16xf32, #tpu.memory_space<vmem>>
      %dma_start3A_347 = arith.constant 0 : i32
      %dma_start3A_348 = tpu.memref_slice %arg3[%squeeze3A_336, %dma_start3A_347] : memref<100000x16xf32, #tpu.memory_space<hbm>> -> memref<1x16xf32, #tpu.memory_space<hbm>>
      tpu.enqueue_dma source(%dma_start3A_348 : memref<1x16xf32, #tpu.memory_space<hbm>>) target(%dma_start3A_346 : memref<1x16xf32, #tpu.memory_space<vmem>>) target_semaphore(%arg18 : memref<!tpu.dma_semaphore, #tpu.memory_space<semaphore_mem>>)
      %slice3A_349 = vector.extract_strided_slice %get3A_182 {offsets = [12], sizes = [1], strides = [1]} : vector<16xi32> to vector<1xi32>
      %squeeze3A_350 = vector.extract %slice3A_349[0] : i32 from vector<1xi32>
      %mul3A_351 = arith.constant 16 : i32
      %mul3A_352 = arith.muli %scan3A_176, %mul3A_351 : i32
      %add3A_353 = arith.constant 12 : i32
      %add3A_354 = arith.addi %mul3A_352, %add3A_353 : i32
      %dma_start3A_355 = arith.constant 0 : i32
      %dma_start3A_356 = tpu.memref_slice %arg10[%add3A_354, %dma_start3A_355] : memref<128x16xf32, #tpu.memory_space<vmem>> -> memref<1x16xf32, #tpu.memory_space<vmem>>
      %dma_start3A_357 = arith.constant 0 : i32
      %dma_start3A_358 = tpu.memref_slice %arg3[%squeeze3A_350, %dma_start3A_357] : memref<100000x16xf32, #tpu.memory_space<hbm>> -> memref<1x16xf32, #tpu.memory_space<hbm>>
      %dma_start3A_359 = arith.constant 0 : i32
      %dma_start3A_360 = tpu.memref_slice %arg10[%add3A_354, %dma_start3A_359] : memref<128x16xf32, #tpu.memory_space<vmem>> -> memref<1x16xf32, #tpu.memory_space<vmem>>
      %dma_start3A_361 = arith.constant 0 : i32
      %dma_start3A_362 = tpu.memref_slice %arg3[%squeeze3A_350, %dma_start3A_361] : memref<100000x16xf32, #tpu.memory_space<hbm>> -> memref<1x16xf32, #tpu.memory_space<hbm>>
      tpu.enqueue_dma source(%dma_start3A_362 : memref<1x16xf32, #tpu.memory_space<hbm>>) target(%dma_start3A_360 : memref<1x16xf32, #tpu.memory_space<vmem>>) target_semaphore(%arg18 : memref<!tpu.dma_semaphore, #tpu.memory_space<semaphore_mem>>)
      %slice3A_363 = vector.extract_strided_slice %get3A_182 {offsets = [13], sizes = [1], strides = [1]} : vector<16xi32> to vector<1xi32>
      %squeeze3A_364 = vector.extract %slice3A_363[0] : i32 from vector<1xi32>
      %mul3A_365 = arith.constant 16 : i32
      %mul3A_366 = arith.muli %scan3A_176, %mul3A_365 : i32
      %add3A_367 = arith.constant 13 : i32
      %add3A_368 = arith.addi %mul3A_366, %add3A_367 : i32
      %dma_start3A_369 = arith.constant 0 : i32
      %dma_start3A_370 = tpu.memref_slice %arg10[%add3A_368, %dma_start3A_369] : memref<128x16xf32, #tpu.memory_space<vmem>> -> memref<1x16xf32, #tpu.memory_space<vmem>>
      %dma_start3A_371 = arith.constant 0 : i32
      %dma_start3A_372 = tpu.memref_slice %arg3[%squeeze3A_364, %dma_start3A_371] : memref<100000x16xf32, #tpu.memory_space<hbm>> -> memref<1x16xf32, #tpu.memory_space<hbm>>
      %dma_start3A_373 = arith.constant 0 : i32
      %dma_start3A_374 = tpu.memref_slice %arg10[%add3A_368, %dma_start3A_373] : memref<128x16xf32, #tpu.memory_space<vmem>> -> memref<1x16xf32, #tpu.memory_space<vmem>>
      %dma_start3A_375 = arith.constant 0 : i32
      %dma_start3A_376 = tpu.memref_slice %arg3[%squeeze3A_364, %dma_start3A_375] : memref<100000x16xf32, #tpu.memory_space<hbm>> -> memref<1x16xf32, #tpu.memory_space<hbm>>
      tpu.enqueue_dma source(%dma_start3A_376 : memref<1x16xf32, #tpu.memory_space<hbm>>) target(%dma_start3A_374 : memref<1x16xf32, #tpu.memory_space<vmem>>) target_semaphore(%arg18 : memref<!tpu.dma_semaphore, #tpu.memory_space<semaphore_mem>>)
      %slice3A_377 = vector.extract_strided_slice %get3A_182 {offsets = [14], sizes = [1], strides = [1]} : vector<16xi32> to vector<1xi32>
      %squeeze3A_378 = vector.extract %slice3A_377[0] : i32 from vector<1xi32>
      %mul3A_379 = arith.constant 16 : i32
      %mul3A_380 = arith.muli %scan3A_176, %mul3A_379 : i32
      %add3A_381 = arith.constant 14 : i32
      %add3A_382 = arith.addi %mul3A_380, %add3A_381 : i32
      %dma_start3A_383 = arith.constant 0 : i32
      %dma_start3A_384 = tpu.memref_slice %arg10[%add3A_382, %dma_start3A_383] : memref<128x16xf32, #tpu.memory_space<vmem>> -> memref<1x16xf32, #tpu.memory_space<vmem>>
      %dma_start3A_385 = arith.constant 0 : i32
      %dma_start3A_386 = tpu.memref_slice %arg3[%squeeze3A_378, %dma_start3A_385] : memref<100000x16xf32, #tpu.memory_space<hbm>> -> memref<1x16xf32, #tpu.memory_space<hbm>>
      %dma_start3A_387 = arith.constant 0 : i32
      %dma_start3A_388 = tpu.memref_slice %arg10[%add3A_382, %dma_start3A_387] : memref<128x16xf32, #tpu.memory_space<vmem>> -> memref<1x16xf32, #tpu.memory_space<vmem>>
      %dma_start3A_389 = arith.constant 0 : i32
      %dma_start3A_390 = tpu.memref_slice %arg3[%squeeze3A_378, %dma_start3A_389] : memref<100000x16xf32, #tpu.memory_space<hbm>> -> memref<1x16xf32, #tpu.memory_space<hbm>>
      tpu.enqueue_dma source(%dma_start3A_390 : memref<1x16xf32, #tpu.memory_space<hbm>>) target(%dma_start3A_388 : memref<1x16xf32, #tpu.memory_space<vmem>>) target_semaphore(%arg18 : memref<!tpu.dma_semaphore, #tpu.memory_space<semaphore_mem>>)
      %slice3A_391 = vector.extract_strided_slice %get3A_182 {offsets = [15], sizes = [1], strides = [1]} : vector<16xi32> to vector<1xi32>
      %squeeze3A_392 = vector.extract %slice3A_391[0] : i32 from vector<1xi32>
      %mul3A_393 = arith.constant 16 : i32
      %mul3A_394 = arith.muli %scan3A_176, %mul3A_393 : i32
      %add3A_395 = arith.constant 15 : i32
      %add3A_396 = arith.addi %mul3A_394, %add3A_395 : i32
      %dma_start3A_397 = arith.constant 0 : i32
      %dma_start3A_398 = tpu.memref_slice %arg10[%add3A_396, %dma_start3A_397] : memref<128x16xf32, #tpu.memory_space<vmem>> -> memref<1x16xf32, #tpu.memory_space<vmem>>
      %dma_start3A_399 = arith.constant 0 : i32
      %dma_start3A_400 = tpu.memref_slice %arg3[%squeeze3A_392, %dma_start3A_399] : memref<100000x16xf32, #tpu.memory_space<hbm>> -> memref<1x16xf32, #tpu.memory_space<hbm>>
      %dma_start3A_401 = arith.constant 0 : i32
      %dma_start3A_402 = tpu.memref_slice %arg10[%add3A_396, %dma_start3A_401] : memref<128x16xf32, #tpu.memory_space<vmem>> -> memref<1x16xf32, #tpu.memory_space<vmem>>
      %dma_start3A_403 = arith.constant 0 : i32
      %dma_start3A_404 = tpu.memref_slice %arg3[%squeeze3A_392, %dma_start3A_403] : memref<100000x16xf32, #tpu.memory_space<hbm>> -> memref<1x16xf32, #tpu.memory_space<hbm>>
      tpu.enqueue_dma source(%dma_start3A_404 : memref<1x16xf32, #tpu.memory_space<hbm>>) target(%dma_start3A_402 : memref<1x16xf32, #tpu.memory_space<vmem>>) target_semaphore(%arg18 : memref<!tpu.dma_semaphore, #tpu.memory_space<semaphore_mem>>)
      %scan3A_405 = arith.constant 0 : i32
      scf.yield %scan3A_405 : i32
    }
    %scan3A_70 = arith.constant 8 : i32
    %add3A_71 = arith.constant 0 : i32
    %add3A_72 = arith.addi %mul3A_2, %add3A_71 : i32
    %dma_wait3A_73 = arith.constant 0 : i32
    %dma_wait3A_74 = tpu.memref_slice %arg7[%add3A_72, %dma_wait3A_73] : memref<16384x16xf32, #tpu.memory_space<hbm>> -> memref<128x16xf32, #tpu.memory_space<hbm>>
    %dma_wait3A_75 = arith.constant 0 : i32
    %dma_wait3A_76 = tpu.memref_slice %arg7[%add3A_72, %dma_wait3A_75] : memref<16384x16xf32, #tpu.memory_space<hbm>> -> memref<128x16xf32, #tpu.memory_space<hbm>>
    tpu.wait_dma2 semaphore(%arg19 : memref<!tpu.dma_semaphore, #tpu.memory_space<semaphore_mem>>) src(%dma_wait3A_76 : memref<128x16xf32, #tpu.memory_space<hbm>>) dst(%arg11 : memref<128x16xf32, #tpu.memory_space<vmem>>)
    %dma_start3A_77 = arith.constant 0 : i32
    %dma_start3A_78 = tpu.memref_slice %arg7[%add3A_72, %dma_start3A_77] : memref<16384x16xf32, #tpu.memory_space<hbm>> -> memref<128x16xf32, #tpu.memory_space<hbm>>
    %dma_start3A_79 = arith.constant 0 : i32
    %dma_start3A_80 = tpu.memref_slice %arg7[%add3A_72, %dma_start3A_79] : memref<16384x16xf32, #tpu.memory_space<hbm>> -> memref<128x16xf32, #tpu.memory_space<hbm>>
    tpu.enqueue_dma source(%arg11 : memref<128x16xf32, #tpu.memory_space<vmem>>) target(%dma_start3A_80 : memref<128x16xf32, #tpu.memory_space<hbm>>) target_semaphore(%arg21 : memref<!tpu.dma_semaphore, #tpu.memory_space<semaphore_mem>>)
    %dma_wait3A_81 = arith.constant 0 : i32
    %dma_wait3A_82 = tpu.memref_slice %arg7[%add3A_72, %dma_wait3A_81] : memref<16384x16xf32, #tpu.memory_space<hbm>> -> memref<128x16xf32, #tpu.memory_space<hbm>>
    %dma_wait3A_83 = arith.constant 0 : i32
    %dma_wait3A_84 = tpu.memref_slice %arg7[%add3A_72, %dma_wait3A_83] : memref<16384x16xf32, #tpu.memory_space<hbm>> -> memref<128x16xf32, #tpu.memory_space<hbm>>
    tpu.wait_dma2 semaphore(%arg21 : memref<!tpu.dma_semaphore, #tpu.memory_space<semaphore_mem>>) src(%arg11 : memref<128x16xf32, #tpu.memory_space<vmem>>) dst(%dma_wait3A_84 : memref<128x16xf32, #tpu.memory_space<hbm>>)
    %scan3A_85 = arith.constant 0 : i32
    %scan3A_86 = arith.constant 0 : i32
    %scan3A_87 = arith.constant 8 : i32
    %scan3A_88 = arith.addi %scan3A_86, %scan3A_87 : i32
    %scan3A_89 = arith.constant 1 : i32
    %scan3A_90 = scf.for %scan3A_176 = %scan3A_86 to %scan3A_88 step %scan3A_89 iter_args(%scan3A_177 = %scan3A_85) -> (i32)  : i32 {
      %mul3A_178 = arith.constant 16 : i32
      %mul3A_179 = arith.muli %scan3A_176, %mul3A_178 : i32
      %add3A_180 = arith.constant 384 : i32
      %add3A_181 = arith.addi %add3A_180, %mul3A_179 : i32
      %get3A = arith.index_cast %add3A_181 : i32 to index
      %get3A_182 = tpu.vector_load %arg9[%get3A] {strides = array<i32>} : memref<512xi32, #tpu.memory_space<vmem>>, vector<16xi32>,
      %slice3A = vector.extract_strided_slice %get3A_182 {offsets = [0], sizes = [1], strides = [1]} : vector<16xi32> to vector<1xi32>
      %squeeze3A = vector.extract %slice3A[0] : i32 from vector<1xi32>
      %mul3A_183 = arith.constant 16 : i32
      %mul3A_184 = arith.muli %scan3A_176, %mul3A_183 : i32
      %add3A_185 = arith.constant 0 : i32
      %add3A_186 = arith.addi %mul3A_184, %add3A_185 : i32
      %dma_start3A_187 = arith.constant 0 : i32
      %dma_start3A_188 = tpu.memref_slice %arg11[%add3A_186, %dma_start3A_187] : memref<128x16xf32, #tpu.memory_space<vmem>> -> memref<1x16xf32, #tpu.memory_space<vmem>>
      %dma_start3A_189 = arith.constant 0 : i32
      %dma_start3A_190 = tpu.memref_slice %arg2[%squeeze3A, %dma_start3A_189] : memref<100000x16xf32, #tpu.memory_space<hbm>> -> memref<1x16xf32, #tpu.memory_space<hbm>>
      %dma_start3A_191 = arith.constant 0 : i32
      %dma_start3A_192 = tpu.memref_slice %arg11[%add3A_186, %dma_start3A_191] : memref<128x16xf32, #tpu.memory_space<vmem>> -> memref<1x16xf32, #tpu.memory_space<vmem>>
      %dma_start3A_193 = arith.constant 0 : i32
      %dma_start3A_194 = tpu.memref_slice %arg2[%squeeze3A, %dma_start3A_193] : memref<100000x16xf32, #tpu.memory_space<hbm>> -> memref<1x16xf32, #tpu.memory_space<hbm>>
      tpu.enqueue_dma source(%dma_start3A_194 : memref<1x16xf32, #tpu.memory_space<hbm>>) target(%dma_start3A_192 : memref<1x16xf32, #tpu.memory_space<vmem>>) target_semaphore(%arg19 : memref<!tpu.dma_semaphore, #tpu.memory_space<semaphore_mem>>)
      %slice3A_195 = vector.extract_strided_slice %get3A_182 {offsets = [1], sizes = [1], strides = [1]} : vector<16xi32> to vector<1xi32>
      %squeeze3A_196 = vector.extract %slice3A_195[0] : i32 from vector<1xi32>
      %mul3A_197 = arith.constant 16 : i32
      %mul3A_198 = arith.muli %scan3A_176, %mul3A_197 : i32
      %add3A_199 = arith.constant 1 : i32
      %add3A_200 = arith.addi %mul3A_198, %add3A_199 : i32
      %dma_start3A_201 = arith.constant 0 : i32
      %dma_start3A_202 = tpu.memref_slice %arg11[%add3A_200, %dma_start3A_201] : memref<128x16xf32, #tpu.memory_space<vmem>> -> memref<1x16xf32, #tpu.memory_space<vmem>>
      %dma_start3A_203 = arith.constant 0 : i32
      %dma_start3A_204 = tpu.memref_slice %arg2[%squeeze3A_196, %dma_start3A_203] : memref<100000x16xf32, #tpu.memory_space<hbm>> -> memref<1x16xf32, #tpu.memory_space<hbm>>
      %dma_start3A_205 = arith.constant 0 : i32
      %dma_start3A_206 = tpu.memref_slice %arg11[%add3A_200, %dma_start3A_205] : memref<128x16xf32, #tpu.memory_space<vmem>> -> memref<1x16xf32, #tpu.memory_space<vmem>>
      %dma_start3A_207 = arith.constant 0 : i32
      %dma_start3A_208 = tpu.memref_slice %arg2[%squeeze3A_196, %dma_start3A_207] : memref<100000x16xf32, #tpu.memory_space<hbm>> -> memref<1x16xf32, #tpu.memory_space<hbm>>
      tpu.enqueue_dma source(%dma_start3A_208 : memref<1x16xf32, #tpu.memory_space<hbm>>) target(%dma_start3A_206 : memref<1x16xf32, #tpu.memory_space<vmem>>) target_semaphore(%arg19 : memref<!tpu.dma_semaphore, #tpu.memory_space<semaphore_mem>>)
      %slice3A_209 = vector.extract_strided_slice %get3A_182 {offsets = [2], sizes = [1], strides = [1]} : vector<16xi32> to vector<1xi32>
      %squeeze3A_210 = vector.extract %slice3A_209[0] : i32 from vector<1xi32>
      %mul3A_211 = arith.constant 16 : i32
      %mul3A_212 = arith.muli %scan3A_176, %mul3A_211 : i32
      %add3A_213 = arith.constant 2 : i32
      %add3A_214 = arith.addi %mul3A_212, %add3A_213 : i32
      %dma_start3A_215 = arith.constant 0 : i32
      %dma_start3A_216 = tpu.memref_slice %arg11[%add3A_214, %dma_start3A_215] : memref<128x16xf32, #tpu.memory_space<vmem>> -> memref<1x16xf32, #tpu.memory_space<vmem>>
      %dma_start3A_217 = arith.constant 0 : i32
      %dma_start3A_218 = tpu.memref_slice %arg2[%squeeze3A_210, %dma_start3A_217] : memref<100000x16xf32, #tpu.memory_space<hbm>> -> memref<1x16xf32, #tpu.memory_space<hbm>>
      %dma_start3A_219 = arith.constant 0 : i32
      %dma_start3A_220 = tpu.memref_slice %arg11[%add3A_214, %dma_start3A_219] : memref<128x16xf32, #tpu.memory_space<vmem>> -> memref<1x16xf32, #tpu.memory_space<vmem>>
      %dma_start3A_221 = arith.constant 0 : i32
      %dma_start3A_222 = tpu.memref_slice %arg2[%squeeze3A_210, %dma_start3A_221] : memref<100000x16xf32, #tpu.memory_space<hbm>> -> memref<1x16xf32, #tpu.memory_space<hbm>>
      tpu.enqueue_dma source(%dma_start3A_222 : memref<1x16xf32, #tpu.memory_space<hbm>>) target(%dma_start3A_220 : memref<1x16xf32, #tpu.memory_space<vmem>>) target_semaphore(%arg19 : memref<!tpu.dma_semaphore, #tpu.memory_space<semaphore_mem>>)
      %slice3A_223 = vector.extract_strided_slice %get3A_182 {offsets = [3], sizes = [1], strides = [1]} : vector<16xi32> to vector<1xi32>
      %squeeze3A_224 = vector.extract %slice3A_223[0] : i32 from vector<1xi32>
      %mul3A_225 = arith.constant 16 : i32
      %mul3A_226 = arith.muli %scan3A_176, %mul3A_225 : i32
      %add3A_227 = arith.constant 3 : i32
      %add3A_228 = arith.addi %mul3A_226, %add3A_227 : i32
      %dma_start3A_229 = arith.constant 0 : i32
      %dma_start3A_230 = tpu.memref_slice %arg11[%add3A_228, %dma_start3A_229] : memref<128x16xf32, #tpu.memory_space<vmem>> -> memref<1x16xf32, #tpu.memory_space<vmem>>
      %dma_start3A_231 = arith.constant 0 : i32
      %dma_start3A_232 = tpu.memref_slice %arg2[%squeeze3A_224, %dma_start3A_231] : memref<100000x16xf32, #tpu.memory_space<hbm>> -> memref<1x16xf32, #tpu.memory_space<hbm>>
      %dma_start3A_233 = arith.constant 0 : i32
      %dma_start3A_234 = tpu.memref_slice %arg11[%add3A_228, %dma_start3A_233] : memref<128x16xf32, #tpu.memory_space<vmem>> -> memref<1x16xf32, #tpu.memory_space<vmem>>
      %dma_start3A_235 = arith.constant 0 : i32
      %dma_start3A_236 = tpu.memref_slice %arg2[%squeeze3A_224, %dma_start3A_235] : memref<100000x16xf32, #tpu.memory_space<hbm>> -> memref<1x16xf32, #tpu.memory_space<hbm>>
      tpu.enqueue_dma source(%dma_start3A_236 : memref<1x16xf32, #tpu.memory_space<hbm>>) target(%dma_start3A_234 : memref<1x16xf32, #tpu.memory_space<vmem>>) target_semaphore(%arg19 : memref<!tpu.dma_semaphore, #tpu.memory_space<semaphore_mem>>)
      %slice3A_237 = vector.extract_strided_slice %get3A_182 {offsets = [4], sizes = [1], strides = [1]} : vector<16xi32> to vector<1xi32>
      %squeeze3A_238 = vector.extract %slice3A_237[0] : i32 from vector<1xi32>
      %mul3A_239 = arith.constant 16 : i32
      %mul3A_240 = arith.muli %scan3A_176, %mul3A_239 : i32
      %add3A_241 = arith.constant 4 : i32
      %add3A_242 = arith.addi %mul3A_240, %add3A_241 : i32
      %dma_start3A_243 = arith.constant 0 : i32
      %dma_start3A_244 = tpu.memref_slice %arg11[%add3A_242, %dma_start3A_243] : memref<128x16xf32, #tpu.memory_space<vmem>> -> memref<1x16xf32, #tpu.memory_space<vmem>>
      %dma_start3A_245 = arith.constant 0 : i32
      %dma_start3A_246 = tpu.memref_slice %arg2[%squeeze3A_238, %dma_start3A_245] : memref<100000x16xf32, #tpu.memory_space<hbm>> -> memref<1x16xf32, #tpu.memory_space<hbm>>
      %dma_start3A_247 = arith.constant 0 : i32
      %dma_start3A_248 = tpu.memref_slice %arg11[%add3A_242, %dma_start3A_247] : memref<128x16xf32, #tpu.memory_space<vmem>> -> memref<1x16xf32, #tpu.memory_space<vmem>>
      %dma_start3A_249 = arith.constant 0 : i32
      %dma_start3A_250 = tpu.memref_slice %arg2[%squeeze3A_238, %dma_start3A_249] : memref<100000x16xf32, #tpu.memory_space<hbm>> -> memref<1x16xf32, #tpu.memory_space<hbm>>
      tpu.enqueue_dma source(%dma_start3A_250 : memref<1x16xf32, #tpu.memory_space<hbm>>) target(%dma_start3A_248 : memref<1x16xf32, #tpu.memory_space<vmem>>) target_semaphore(%arg19 : memref<!tpu.dma_semaphore, #tpu.memory_space<semaphore_mem>>)
      %slice3A_251 = vector.extract_strided_slice %get3A_182 {offsets = [5], sizes = [1], strides = [1]} : vector<16xi32> to vector<1xi32>
      %squeeze3A_252 = vector.extract %slice3A_251[0] : i32 from vector<1xi32>
      %mul3A_253 = arith.constant 16 : i32
      %mul3A_254 = arith.muli %scan3A_176, %mul3A_253 : i32
      %add3A_255 = arith.constant 5 : i32
      %add3A_256 = arith.addi %mul3A_254, %add3A_255 : i32
      %dma_start3A_257 = arith.constant 0 : i32
      %dma_start3A_258 = tpu.memref_slice %arg11[%add3A_256, %dma_start3A_257] : memref<128x16xf32, #tpu.memory_space<vmem>> -> memref<1x16xf32, #tpu.memory_space<vmem>>
      %dma_start3A_259 = arith.constant 0 : i32
      %dma_start3A_260 = tpu.memref_slice %arg2[%squeeze3A_252, %dma_start3A_259] : memref<100000x16xf32, #tpu.memory_space<hbm>> -> memref<1x16xf32, #tpu.memory_space<hbm>>
      %dma_start3A_261 = arith.constant 0 : i32
      %dma_start3A_262 = tpu.memref_slice %arg11[%add3A_256, %dma_start3A_261] : memref<128x16xf32, #tpu.memory_space<vmem>> -> memref<1x16xf32, #tpu.memory_space<vmem>>
      %dma_start3A_263 = arith.constant 0 : i32
      %dma_start3A_264 = tpu.memref_slice %arg2[%squeeze3A_252, %dma_start3A_263] : memref<100000x16xf32, #tpu.memory_space<hbm>> -> memref<1x16xf32, #tpu.memory_space<hbm>>
      tpu.enqueue_dma source(%dma_start3A_264 : memref<1x16xf32, #tpu.memory_space<hbm>>) target(%dma_start3A_262 : memref<1x16xf32, #tpu.memory_space<vmem>>) target_semaphore(%arg19 : memref<!tpu.dma_semaphore, #tpu.memory_space<semaphore_mem>>)
      %slice3A_265 = vector.extract_strided_slice %get3A_182 {offsets = [6], sizes = [1], strides = [1]} : vector<16xi32> to vector<1xi32>
      %squeeze3A_266 = vector.extract %slice3A_265[0] : i32 from vector<1xi32>
      %mul3A_267 = arith.constant 16 : i32
      %mul3A_268 = arith.muli %scan3A_176, %mul3A_267 : i32
      %add3A_269 = arith.constant 6 : i32
      %add3A_270 = arith.addi %mul3A_268, %add3A_269 : i32
      %dma_start3A_271 = arith.constant 0 : i32
      %dma_start3A_272 = tpu.memref_slice %arg11[%add3A_270, %dma_start3A_271] : memref<128x16xf32, #tpu.memory_space<vmem>> -> memref<1x16xf32, #tpu.memory_space<vmem>>
      %dma_start3A_273 = arith.constant 0 : i32
      %dma_start3A_274 = tpu.memref_slice %arg2[%squeeze3A_266, %dma_start3A_273] : memref<100000x16xf32, #tpu.memory_space<hbm>> -> memref<1x16xf32, #tpu.memory_space<hbm>>
      %dma_start3A_275 = arith.constant 0 : i32
      %dma_start3A_276 = tpu.memref_slice %arg11[%add3A_270, %dma_start3A_275] : memref<128x16xf32, #tpu.memory_space<vmem>> -> memref<1x16xf32, #tpu.memory_space<vmem>>
      %dma_start3A_277 = arith.constant 0 : i32
      %dma_start3A_278 = tpu.memref_slice %arg2[%squeeze3A_266, %dma_start3A_277] : memref<100000x16xf32, #tpu.memory_space<hbm>> -> memref<1x16xf32, #tpu.memory_space<hbm>>
      tpu.enqueue_dma source(%dma_start3A_278 : memref<1x16xf32, #tpu.memory_space<hbm>>) target(%dma_start3A_276 : memref<1x16xf32, #tpu.memory_space<vmem>>) target_semaphore(%arg19 : memref<!tpu.dma_semaphore, #tpu.memory_space<semaphore_mem>>)
      %slice3A_279 = vector.extract_strided_slice %get3A_182 {offsets = [7], sizes = [1], strides = [1]} : vector<16xi32> to vector<1xi32>
      %squeeze3A_280 = vector.extract %slice3A_279[0] : i32 from vector<1xi32>
      %mul3A_281 = arith.constant 16 : i32
      %mul3A_282 = arith.muli %scan3A_176, %mul3A_281 : i32
      %add3A_283 = arith.constant 7 : i32
      %add3A_284 = arith.addi %mul3A_282, %add3A_283 : i32
      %dma_start3A_285 = arith.constant 0 : i32
      %dma_start3A_286 = tpu.memref_slice %arg11[%add3A_284, %dma_start3A_285] : memref<128x16xf32, #tpu.memory_space<vmem>> -> memref<1x16xf32, #tpu.memory_space<vmem>>
      %dma_start3A_287 = arith.constant 0 : i32
      %dma_start3A_288 = tpu.memref_slice %arg2[%squeeze3A_280, %dma_start3A_287] : memref<100000x16xf32, #tpu.memory_space<hbm>> -> memref<1x16xf32, #tpu.memory_space<hbm>>
      %dma_start3A_289 = arith.constant 0 : i32
      %dma_start3A_290 = tpu.memref_slice %arg11[%add3A_284, %dma_start3A_289] : memref<128x16xf32, #tpu.memory_space<vmem>> -> memref<1x16xf32, #tpu.memory_space<vmem>>
      %dma_start3A_291 = arith.constant 0 : i32
      %dma_start3A_292 = tpu.memref_slice %arg2[%squeeze3A_280, %dma_start3A_291] : memref<100000x16xf32, #tpu.memory_space<hbm>> -> memref<1x16xf32, #tpu.memory_space<hbm>>
      tpu.enqueue_dma source(%dma_start3A_292 : memref<1x16xf32, #tpu.memory_space<hbm>>) target(%dma_start3A_290 : memref<1x16xf32, #tpu.memory_space<vmem>>) target_semaphore(%arg19 : memref<!tpu.dma_semaphore, #tpu.memory_space<semaphore_mem>>)
      %slice3A_293 = vector.extract_strided_slice %get3A_182 {offsets = [8], sizes = [1], strides = [1]} : vector<16xi32> to vector<1xi32>
      %squeeze3A_294 = vector.extract %slice3A_293[0] : i32 from vector<1xi32>
      %mul3A_295 = arith.constant 16 : i32
      %mul3A_296 = arith.muli %scan3A_176, %mul3A_295 : i32
      %add3A_297 = arith.constant 8 : i32
      %add3A_298 = arith.addi %mul3A_296, %add3A_297 : i32
      %dma_start3A_299 = arith.constant 0 : i32
      %dma_start3A_300 = tpu.memref_slice %arg11[%add3A_298, %dma_start3A_299] : memref<128x16xf32, #tpu.memory_space<vmem>> -> memref<1x16xf32, #tpu.memory_space<vmem>>
      %dma_start3A_301 = arith.constant 0 : i32
      %dma_start3A_302 = tpu.memref_slice %arg2[%squeeze3A_294, %dma_start3A_301] : memref<100000x16xf32, #tpu.memory_space<hbm>> -> memref<1x16xf32, #tpu.memory_space<hbm>>
      %dma_start3A_303 = arith.constant 0 : i32
      %dma_start3A_304 = tpu.memref_slice %arg11[%add3A_298, %dma_start3A_303] : memref<128x16xf32, #tpu.memory_space<vmem>> -> memref<1x16xf32, #tpu.memory_space<vmem>>
      %dma_start3A_305 = arith.constant 0 : i32
      %dma_start3A_306 = tpu.memref_slice %arg2[%squeeze3A_294, %dma_start3A_305] : memref<100000x16xf32, #tpu.memory_space<hbm>> -> memref<1x16xf32, #tpu.memory_space<hbm>>
      tpu.enqueue_dma source(%dma_start3A_306 : memref<1x16xf32, #tpu.memory_space<hbm>>) target(%dma_start3A_304 : memref<1x16xf32, #tpu.memory_space<vmem>>) target_semaphore(%arg19 : memref<!tpu.dma_semaphore, #tpu.memory_space<semaphore_mem>>)
      %slice3A_307 = vector.extract_strided_slice %get3A_182 {offsets = [9], sizes = [1], strides = [1]} : vector<16xi32> to vector<1xi32>
      %squeeze3A_308 = vector.extract %slice3A_307[0] : i32 from vector<1xi32>
      %mul3A_309 = arith.constant 16 : i32
      %mul3A_310 = arith.muli %scan3A_176, %mul3A_309 : i32
      %add3A_311 = arith.constant 9 : i32
      %add3A_312 = arith.addi %mul3A_310, %add3A_311 : i32
      %dma_start3A_313 = arith.constant 0 : i32
      %dma_start3A_314 = tpu.memref_slice %arg11[%add3A_312, %dma_start3A_313] : memref<128x16xf32, #tpu.memory_space<vmem>> -> memref<1x16xf32, #tpu.memory_space<vmem>>
      %dma_start3A_315 = arith.constant 0 : i32
      %dma_start3A_316 = tpu.memref_slice %arg2[%squeeze3A_308, %dma_start3A_315] : memref<100000x16xf32, #tpu.memory_space<hbm>> -> memref<1x16xf32, #tpu.memory_space<hbm>>
      %dma_start3A_317 = arith.constant 0 : i32
      %dma_start3A_318 = tpu.memref_slice %arg11[%add3A_312, %dma_start3A_317] : memref<128x16xf32, #tpu.memory_space<vmem>> -> memref<1x16xf32, #tpu.memory_space<vmem>>
      %dma_start3A_319 = arith.constant 0 : i32
      %dma_start3A_320 = tpu.memref_slice %arg2[%squeeze3A_308, %dma_start3A_319] : memref<100000x16xf32, #tpu.memory_space<hbm>> -> memref<1x16xf32, #tpu.memory_space<hbm>>
      tpu.enqueue_dma source(%dma_start3A_320 : memref<1x16xf32, #tpu.memory_space<hbm>>) target(%dma_start3A_318 : memref<1x16xf32, #tpu.memory_space<vmem>>) target_semaphore(%arg19 : memref<!tpu.dma_semaphore, #tpu.memory_space<semaphore_mem>>)
      %slice3A_321 = vector.extract_strided_slice %get3A_182 {offsets = [10], sizes = [1], strides = [1]} : vector<16xi32> to vector<1xi32>
      %squeeze3A_322 = vector.extract %slice3A_321[0] : i32 from vector<1xi32>
      %mul3A_323 = arith.constant 16 : i32
      %mul3A_324 = arith.muli %scan3A_176, %mul3A_323 : i32
      %add3A_325 = arith.constant 10 : i32
      %add3A_326 = arith.addi %mul3A_324, %add3A_325 : i32
      %dma_start3A_327 = arith.constant 0 : i32
      %dma_start3A_328 = tpu.memref_slice %arg11[%add3A_326, %dma_start3A_327] : memref<128x16xf32, #tpu.memory_space<vmem>> -> memref<1x16xf32, #tpu.memory_space<vmem>>
      %dma_start3A_329 = arith.constant 0 : i32
      %dma_start3A_330 = tpu.memref_slice %arg2[%squeeze3A_322, %dma_start3A_329] : memref<100000x16xf32, #tpu.memory_space<hbm>> -> memref<1x16xf32, #tpu.memory_space<hbm>>
      %dma_start3A_331 = arith.constant 0 : i32
      %dma_start3A_332 = tpu.memref_slice %arg11[%add3A_326, %dma_start3A_331] : memref<128x16xf32, #tpu.memory_space<vmem>> -> memref<1x16xf32, #tpu.memory_space<vmem>>
      %dma_start3A_333 = arith.constant 0 : i32
      %dma_start3A_334 = tpu.memref_slice %arg2[%squeeze3A_322, %dma_start3A_333] : memref<100000x16xf32, #tpu.memory_space<hbm>> -> memref<1x16xf32, #tpu.memory_space<hbm>>
      tpu.enqueue_dma source(%dma_start3A_334 : memref<1x16xf32, #tpu.memory_space<hbm>>) target(%dma_start3A_332 : memref<1x16xf32, #tpu.memory_space<vmem>>) target_semaphore(%arg19 : memref<!tpu.dma_semaphore, #tpu.memory_space<semaphore_mem>>)
      %slice3A_335 = vector.extract_strided_slice %get3A_182 {offsets = [11], sizes = [1], strides = [1]} : vector<16xi32> to vector<1xi32>
      %squeeze3A_336 = vector.extract %slice3A_335[0] : i32 from vector<1xi32>
      %mul3A_337 = arith.constant 16 : i32
      %mul3A_338 = arith.muli %scan3A_176, %mul3A_337 : i32
      %add3A_339 = arith.constant 11 : i32
      %add3A_340 = arith.addi %mul3A_338, %add3A_339 : i32
      %dma_start3A_341 = arith.constant 0 : i32
      %dma_start3A_342 = tpu.memref_slice %arg11[%add3A_340, %dma_start3A_341] : memref<128x16xf32, #tpu.memory_space<vmem>> -> memref<1x16xf32, #tpu.memory_space<vmem>>
      %dma_start3A_343 = arith.constant 0 : i32
      %dma_start3A_344 = tpu.memref_slice %arg2[%squeeze3A_336, %dma_start3A_343] : memref<100000x16xf32, #tpu.memory_space<hbm>> -> memref<1x16xf32, #tpu.memory_space<hbm>>
      %dma_start3A_345 = arith.constant 0 : i32
      %dma_start3A_346 = tpu.memref_slice %arg11[%add3A_340, %dma_start3A_345] : memref<128x16xf32, #tpu.memory_space<vmem>> -> memref<1x16xf32, #tpu.memory_space<vmem>>
      %dma_start3A_347 = arith.constant 0 : i32
      %dma_start3A_348 = tpu.memref_slice %arg2[%squeeze3A_336, %dma_start3A_347] : memref<100000x16xf32, #tpu.memory_space<hbm>> -> memref<1x16xf32, #tpu.memory_space<hbm>>
      tpu.enqueue_dma source(%dma_start3A_348 : memref<1x16xf32, #tpu.memory_space<hbm>>) target(%dma_start3A_346 : memref<1x16xf32, #tpu.memory_space<vmem>>) target_semaphore(%arg19 : memref<!tpu.dma_semaphore, #tpu.memory_space<semaphore_mem>>)
      %slice3A_349 = vector.extract_strided_slice %get3A_182 {offsets = [12], sizes = [1], strides = [1]} : vector<16xi32> to vector<1xi32>
      %squeeze3A_350 = vector.extract %slice3A_349[0] : i32 from vector<1xi32>
      %mul3A_351 = arith.constant 16 : i32
      %mul3A_352 = arith.muli %scan3A_176, %mul3A_351 : i32
      %add3A_353 = arith.constant 12 : i32
      %add3A_354 = arith.addi %mul3A_352, %add3A_353 : i32
      %dma_start3A_355 = arith.constant 0 : i32
      %dma_start3A_356 = tpu.memref_slice %arg11[%add3A_354, %dma_start3A_355] : memref<128x16xf32, #tpu.memory_space<vmem>> -> memref<1x16xf32, #tpu.memory_space<vmem>>
      %dma_start3A_357 = arith.constant 0 : i32
      %dma_start3A_358 = tpu.memref_slice %arg2[%squeeze3A_350, %dma_start3A_357] : memref<100000x16xf32, #tpu.memory_space<hbm>> -> memref<1x16xf32, #tpu.memory_space<hbm>>
      %dma_start3A_359 = arith.constant 0 : i32
      %dma_start3A_360 = tpu.memref_slice %arg11[%add3A_354, %dma_start3A_359] : memref<128x16xf32, #tpu.memory_space<vmem>> -> memref<1x16xf32, #tpu.memory_space<vmem>>
      %dma_start3A_361 = arith.constant 0 : i32
      %dma_start3A_362 = tpu.memref_slice %arg2[%squeeze3A_350, %dma_start3A_361] : memref<100000x16xf32, #tpu.memory_space<hbm>> -> memref<1x16xf32, #tpu.memory_space<hbm>>
      tpu.enqueue_dma source(%dma_start3A_362 : memref<1x16xf32, #tpu.memory_space<hbm>>) target(%dma_start3A_360 : memref<1x16xf32, #tpu.memory_space<vmem>>) target_semaphore(%arg19 : memref<!tpu.dma_semaphore, #tpu.memory_space<semaphore_mem>>)
      %slice3A_363 = vector.extract_strided_slice %get3A_182 {offsets = [13], sizes = [1], strides = [1]} : vector<16xi32> to vector<1xi32>
      %squeeze3A_364 = vector.extract %slice3A_363[0] : i32 from vector<1xi32>
      %mul3A_365 = arith.constant 16 : i32
      %mul3A_366 = arith.muli %scan3A_176, %mul3A_365 : i32
      %add3A_367 = arith.constant 13 : i32
      %add3A_368 = arith.addi %mul3A_366, %add3A_367 : i32
      %dma_start3A_369 = arith.constant 0 : i32
      %dma_start3A_370 = tpu.memref_slice %arg11[%add3A_368, %dma_start3A_369] : memref<128x16xf32, #tpu.memory_space<vmem>> -> memref<1x16xf32, #tpu.memory_space<vmem>>
      %dma_start3A_371 = arith.constant 0 : i32
      %dma_start3A_372 = tpu.memref_slice %arg2[%squeeze3A_364, %dma_start3A_371] : memref<100000x16xf32, #tpu.memory_space<hbm>> -> memref<1x16xf32, #tpu.memory_space<hbm>>
      %dma_start3A_373 = arith.constant 0 : i32
      %dma_start3A_374 = tpu.memref_slice %arg11[%add3A_368, %dma_start3A_373] : memref<128x16xf32, #tpu.memory_space<vmem>> -> memref<1x16xf32, #tpu.memory_space<vmem>>
      %dma_start3A_375 = arith.constant 0 : i32
      %dma_start3A_376 = tpu.memref_slice %arg2[%squeeze3A_364, %dma_start3A_375] : memref<100000x16xf32, #tpu.memory_space<hbm>> -> memref<1x16xf32, #tpu.memory_space<hbm>>
      tpu.enqueue_dma source(%dma_start3A_376 : memref<1x16xf32, #tpu.memory_space<hbm>>) target(%dma_start3A_374 : memref<1x16xf32, #tpu.memory_space<vmem>>) target_semaphore(%arg19 : memref<!tpu.dma_semaphore, #tpu.memory_space<semaphore_mem>>)
      %slice3A_377 = vector.extract_strided_slice %get3A_182 {offsets = [14], sizes = [1], strides = [1]} : vector<16xi32> to vector<1xi32>
      %squeeze3A_378 = vector.extract %slice3A_377[0] : i32 from vector<1xi32>
      %mul3A_379 = arith.constant 16 : i32
      %mul3A_380 = arith.muli %scan3A_176, %mul3A_379 : i32
      %add3A_381 = arith.constant 14 : i32
      %add3A_382 = arith.addi %mul3A_380, %add3A_381 : i32
      %dma_start3A_383 = arith.constant 0 : i32
      %dma_start3A_384 = tpu.memref_slice %arg11[%add3A_382, %dma_start3A_383] : memref<128x16xf32, #tpu.memory_space<vmem>> -> memref<1x16xf32, #tpu.memory_space<vmem>>
      %dma_start3A_385 = arith.constant 0 : i32
      %dma_start3A_386 = tpu.memref_slice %arg2[%squeeze3A_378, %dma_start3A_385] : memref<100000x16xf32, #tpu.memory_space<hbm>> -> memref<1x16xf32, #tpu.memory_space<hbm>>
      %dma_start3A_387 = arith.constant 0 : i32
      %dma_start3A_388 = tpu.memref_slice %arg11[%add3A_382, %dma_start3A_387] : memref<128x16xf32, #tpu.memory_space<vmem>> -> memref<1x16xf32, #tpu.memory_space<vmem>>
      %dma_start3A_389 = arith.constant 0 : i32
      %dma_start3A_390 = tpu.memref_slice %arg2[%squeeze3A_378, %dma_start3A_389] : memref<100000x16xf32, #tpu.memory_space<hbm>> -> memref<1x16xf32, #tpu.memory_space<hbm>>
      tpu.enqueue_dma source(%dma_start3A_390 : memref<1x16xf32, #tpu.memory_space<hbm>>) target(%dma_start3A_388 : memref<1x16xf32, #tpu.memory_space<vmem>>) target_semaphore(%arg19 : memref<!tpu.dma_semaphore, #tpu.memory_space<semaphore_mem>>)
      %slice3A_391 = vector.extract_strided_slice %get3A_182 {offsets = [15], sizes = [1], strides = [1]} : vector<16xi32> to vector<1xi32>
      %squeeze3A_392 = vector.extract %slice3A_391[0] : i32 from vector<1xi32>
      %mul3A_393 = arith.constant 16 : i32
      %mul3A_394 = arith.muli %scan3A_176, %mul3A_393 : i32
      %add3A_395 = arith.constant 15 : i32
      %add3A_396 = arith.addi %mul3A_394, %add3A_395 : i32
      %dma_start3A_397 = arith.constant 0 : i32
      %dma_start3A_398 = tpu.memref_slice %arg11[%add3A_396, %dma_start3A_397] : memref<128x16xf32, #tpu.memory_space<vmem>> -> memref<1x16xf32, #tpu.memory_space<vmem>>
      %dma_start3A_399 = arith.constant 0 : i32
      %dma_start3A_400 = tpu.memref_slice %arg2[%squeeze3A_392, %dma_start3A_399] : memref<100000x16xf32, #tpu.memory_space<hbm>> -> memref<1x16xf32, #tpu.memory_space<hbm>>
      %dma_start3A_401 = arith.constant 0 : i32
      %dma_start3A_402 = tpu.memref_slice %arg11[%add3A_396, %dma_start3A_401] : memref<128x16xf32, #tpu.memory_space<vmem>> -> memref<1x16xf32, #tpu.memory_space<vmem>>
      %dma_start3A_403 = arith.constant 0 : i32
      %dma_start3A_404 = tpu.memref_slice %arg2[%squeeze3A_392, %dma_start3A_403] : memref<100000x16xf32, #tpu.memory_space<hbm>> -> memref<1x16xf32, #tpu.memory_space<hbm>>
      tpu.enqueue_dma source(%dma_start3A_404 : memref<1x16xf32, #tpu.memory_space<hbm>>) target(%dma_start3A_402 : memref<1x16xf32, #tpu.memory_space<vmem>>) target_semaphore(%arg19 : memref<!tpu.dma_semaphore, #tpu.memory_space<semaphore_mem>>)
      %scan3A_405 = arith.constant 0 : i32
      scf.yield %scan3A_405 : i32
    }
    %scan3A_91 = arith.constant 8 : i32
    %add3A_92 = arith.constant 128 : i32
    %add3A_93 = arith.addi %mul3A_2, %add3A_92 : i32
    %dma_wait3A_94 = arith.constant 0 : i32
    %dma_wait3A_95 = tpu.memref_slice %arg6[%add3A_93, %dma_wait3A_94] : memref<16384x16xf32, #tpu.memory_space<hbm>> -> memref<128x16xf32, #tpu.memory_space<hbm>>
    %dma_wait3A_96 = arith.constant 0 : i32
    %dma_wait3A_97 = tpu.memref_slice %arg6[%add3A_93, %dma_wait3A_96] : memref<16384x16xf32, #tpu.memory_space<hbm>> -> memref<128x16xf32, #tpu.memory_space<hbm>>
    tpu.wait_dma2 semaphore(%arg18 : memref<!tpu.dma_semaphore, #tpu.memory_space<semaphore_mem>>) src(%dma_wait3A_97 : memref<128x16xf32, #tpu.memory_space<hbm>>) dst(%arg12 : memref<128x16xf32, #tpu.memory_space<vmem>>)
    %dma_start3A_98 = arith.constant 0 : i32
    %dma_start3A_99 = tpu.memref_slice %arg6[%add3A_93, %dma_start3A_98] : memref<16384x16xf32, #tpu.memory_space<hbm>> -> memref<128x16xf32, #tpu.memory_space<hbm>>
    %dma_start3A_100 = arith.constant 0 : i32
    %dma_start3A_101 = tpu.memref_slice %arg6[%add3A_93, %dma_start3A_100] : memref<16384x16xf32, #tpu.memory_space<hbm>> -> memref<128x16xf32, #tpu.memory_space<hbm>>
    tpu.enqueue_dma source(%arg12 : memref<128x16xf32, #tpu.memory_space<vmem>>) target(%dma_start3A_101 : memref<128x16xf32, #tpu.memory_space<hbm>>) target_semaphore(%arg20 : memref<!tpu.dma_semaphore, #tpu.memory_space<semaphore_mem>>)
    %add3A_102 = arith.constant 128 : i32
    %add3A_103 = arith.addi %mul3A_2, %add3A_102 : i32
    %dma_wait3A_104 = arith.constant 0 : i32
    %dma_wait3A_105 = tpu.memref_slice %arg7[%add3A_103, %dma_wait3A_104] : memref<16384x16xf32, #tpu.memory_space<hbm>> -> memref<128x16xf32, #tpu.memory_space<hbm>>
    %dma_wait3A_106 = arith.constant 0 : i32
    %dma_wait3A_107 = tpu.memref_slice %arg7[%add3A_103, %dma_wait3A_106] : memref<16384x16xf32, #tpu.memory_space<hbm>> -> memref<128x16xf32, #tpu.memory_space<hbm>>
    tpu.wait_dma2 semaphore(%arg19 : memref<!tpu.dma_semaphore, #tpu.memory_space<semaphore_mem>>) src(%dma_wait3A_107 : memref<128x16xf32, #tpu.memory_space<hbm>>) dst(%arg13 : memref<128x16xf32, #tpu.memory_space<vmem>>)
    %dma_start3A_108 = arith.constant 0 : i32
    %dma_start3A_109 = tpu.memref_slice %arg7[%add3A_103, %dma_start3A_108] : memref<16384x16xf32, #tpu.memory_space<hbm>> -> memref<128x16xf32, #tpu.memory_space<hbm>>
    %dma_start3A_110 = arith.constant 0 : i32
    %dma_start3A_111 = tpu.memref_slice %arg7[%add3A_103, %dma_start3A_110] : memref<16384x16xf32, #tpu.memory_space<hbm>> -> memref<128x16xf32, #tpu.memory_space<hbm>>
    tpu.enqueue_dma source(%arg13 : memref<128x16xf32, #tpu.memory_space<vmem>>) target(%dma_start3A_111 : memref<128x16xf32, #tpu.memory_space<hbm>>) target_semaphore(%arg21 : memref<!tpu.dma_semaphore, #tpu.memory_space<semaphore_mem>>)
    %add3A_112 = arith.constant 256 : i32
    %add3A_113 = arith.addi %mul3A_2, %add3A_112 : i32
    %dma_wait3A_114 = arith.constant 0 : i32
    %dma_wait3A_115 = tpu.memref_slice %arg6[%add3A_113, %dma_wait3A_114] : memref<16384x16xf32, #tpu.memory_space<hbm>> -> memref<128x16xf32, #tpu.memory_space<hbm>>
    %dma_wait3A_116 = arith.constant 0 : i32
    %dma_wait3A_117 = tpu.memref_slice %arg6[%add3A_113, %dma_wait3A_116] : memref<16384x16xf32, #tpu.memory_space<hbm>> -> memref<128x16xf32, #tpu.memory_space<hbm>>
    tpu.wait_dma2 semaphore(%arg18 : memref<!tpu.dma_semaphore, #tpu.memory_space<semaphore_mem>>) src(%dma_wait3A_117 : memref<128x16xf32, #tpu.memory_space<hbm>>) dst(%arg14 : memref<128x16xf32, #tpu.memory_space<vmem>>)
    %dma_start3A_118 = arith.constant 0 : i32
    %dma_start3A_119 = tpu.memref_slice %arg6[%add3A_113, %dma_start3A_118] : memref<16384x16xf32, #tpu.memory_space<hbm>> -> memref<128x16xf32, #tpu.memory_space<hbm>>
    %dma_start3A_120 = arith.constant 0 : i32
    %dma_start3A_121 = tpu.memref_slice %arg6[%add3A_113, %dma_start3A_120] : memref<16384x16xf32, #tpu.memory_space<hbm>> -> memref<128x16xf32, #tpu.memory_space<hbm>>
    tpu.enqueue_dma source(%arg14 : memref<128x16xf32, #tpu.memory_space<vmem>>) target(%dma_start3A_121 : memref<128x16xf32, #tpu.memory_space<hbm>>) target_semaphore(%arg20 : memref<!tpu.dma_semaphore, #tpu.memory_space<semaphore_mem>>)
    %add3A_122 = arith.constant 256 : i32
    %add3A_123 = arith.addi %mul3A_2, %add3A_122 : i32
    %dma_wait3A_124 = arith.constant 0 : i32
    %dma_wait3A_125 = tpu.memref_slice %arg7[%add3A_123, %dma_wait3A_124] : memref<16384x16xf32, #tpu.memory_space<hbm>> -> memref<128x16xf32, #tpu.memory_space<hbm>>
    %dma_wait3A_126 = arith.constant 0 : i32
    %dma_wait3A_127 = tpu.memref_slice %arg7[%add3A_123, %dma_wait3A_126] : memref<16384x16xf32, #tpu.memory_space<hbm>> -> memref<128x16xf32, #tpu.memory_space<hbm>>
    tpu.wait_dma2 semaphore(%arg19 : memref<!tpu.dma_semaphore, #tpu.memory_space<semaphore_mem>>) src(%dma_wait3A_127 : memref<128x16xf32, #tpu.memory_space<hbm>>) dst(%arg15 : memref<128x16xf32, #tpu.memory_space<vmem>>)
    %dma_start3A_128 = arith.constant 0 : i32
    %dma_start3A_129 = tpu.memref_slice %arg7[%add3A_123, %dma_start3A_128] : memref<16384x16xf32, #tpu.memory_space<hbm>> -> memref<128x16xf32, #tpu.memory_space<hbm>>
    %dma_start3A_130 = arith.constant 0 : i32
    %dma_start3A_131 = tpu.memref_slice %arg7[%add3A_123, %dma_start3A_130] : memref<16384x16xf32, #tpu.memory_space<hbm>> -> memref<128x16xf32, #tpu.memory_space<hbm>>
    tpu.enqueue_dma source(%arg15 : memref<128x16xf32, #tpu.memory_space<vmem>>) target(%dma_start3A_131 : memref<128x16xf32, #tpu.memory_space<hbm>>) target_semaphore(%arg21 : memref<!tpu.dma_semaphore, #tpu.memory_space<semaphore_mem>>)
    %add3A_132 = arith.constant 384 : i32
    %add3A_133 = arith.addi %mul3A_2, %add3A_132 : i32
    %dma_wait3A_134 = arith.constant 0 : i32
    %dma_wait3A_135 = tpu.memref_slice %arg6[%add3A_133, %dma_wait3A_134] : memref<16384x16xf32, #tpu.memory_space<hbm>> -> memref<128x16xf32, #tpu.memory_space<hbm>>
    %dma_wait3A_136 = arith.constant 0 : i32
    %dma_wait3A_137 = tpu.memref_slice %arg6[%add3A_133, %dma_wait3A_136] : memref<16384x16xf32, #tpu.memory_space<hbm>> -> memref<128x16xf32, #tpu.memory_space<hbm>>
    tpu.wait_dma2 semaphore(%arg18 : memref<!tpu.dma_semaphore, #tpu.memory_space<semaphore_mem>>) src(%dma_wait3A_137 : memref<128x16xf32, #tpu.memory_space<hbm>>) dst(%arg10 : memref<128x16xf32, #tpu.memory_space<vmem>>)
    %dma_start3A_138 = arith.constant 0 : i32
    %dma_start3A_139 = tpu.memref_slice %arg6[%add3A_133, %dma_start3A_138] : memref<16384x16xf32, #tpu.memory_space<hbm>> -> memref<128x16xf32, #tpu.memory_space<hbm>>
    %dma_start3A_140 = arith.constant 0 : i32
    %dma_start3A_141 = tpu.memref_slice %arg6[%add3A_133, %dma_start3A_140] : memref<16384x16xf32, #tpu.memory_space<hbm>> -> memref<128x16xf32, #tpu.memory_space<hbm>>
    tpu.enqueue_dma source(%arg10 : memref<128x16xf32, #tpu.memory_space<vmem>>) target(%dma_start3A_141 : memref<128x16xf32, #tpu.memory_space<hbm>>) target_semaphore(%arg20 : memref<!tpu.dma_semaphore, #tpu.memory_space<semaphore_mem>>)
    %add3A_142 = arith.constant 384 : i32
    %add3A_143 = arith.addi %mul3A_2, %add3A_142 : i32
    %dma_wait3A_144 = arith.constant 0 : i32
    %dma_wait3A_145 = tpu.memref_slice %arg7[%add3A_143, %dma_wait3A_144] : memref<16384x16xf32, #tpu.memory_space<hbm>> -> memref<128x16xf32, #tpu.memory_space<hbm>>
    %dma_wait3A_146 = arith.constant 0 : i32
    %dma_wait3A_147 = tpu.memref_slice %arg7[%add3A_143, %dma_wait3A_146] : memref<16384x16xf32, #tpu.memory_space<hbm>> -> memref<128x16xf32, #tpu.memory_space<hbm>>
    tpu.wait_dma2 semaphore(%arg19 : memref<!tpu.dma_semaphore, #tpu.memory_space<semaphore_mem>>) src(%dma_wait3A_147 : memref<128x16xf32, #tpu.memory_space<hbm>>) dst(%arg11 : memref<128x16xf32, #tpu.memory_space<vmem>>)
    %dma_start3A_148 = arith.constant 0 : i32
    %dma_start3A_149 = tpu.memref_slice %arg7[%add3A_143, %dma_start3A_148] : memref<16384x16xf32, #tpu.memory_space<hbm>> -> memref<128x16xf32, #tpu.memory_space<hbm>>
    %dma_start3A_150 = arith.constant 0 : i32
    %dma_start3A_151 = tpu.memref_slice %arg7[%add3A_143, %dma_start3A_150] : memref<16384x16xf32, #tpu.memory_space<hbm>> -> memref<128x16xf32, #tpu.memory_space<hbm>>
    tpu.enqueue_dma source(%arg11 : memref<128x16xf32, #tpu.memory_space<vmem>>) target(%dma_start3A_151 : memref<128x16xf32, #tpu.memory_space<hbm>>) target_semaphore(%arg21 : memref<!tpu.dma_semaphore, #tpu.memory_space<semaphore_mem>>)
    %dma_wait3A_152 = arith.constant 0 : i32
    %dma_wait3A_153 = tpu.memref_slice %arg6[%add3A_93, %dma_wait3A_152] : memref<16384x16xf32, #tpu.memory_space<hbm>> -> memref<128x16xf32, #tpu.memory_space<hbm>>
    %dma_wait3A_154 = arith.constant 0 : i32
    %dma_wait3A_155 = tpu.memref_slice %arg6[%add3A_93, %dma_wait3A_154] : memref<16384x16xf32, #tpu.memory_space<hbm>> -> memref<128x16xf32, #tpu.memory_space<hbm>>
    tpu.wait_dma2 semaphore(%arg20 : memref<!tpu.dma_semaphore, #tpu.memory_space<semaphore_mem>>) src(%arg12 : memref<128x16xf32, #tpu.memory_space<vmem>>) dst(%dma_wait3A_155 : memref<128x16xf32, #tpu.memory_space<hbm>>)
    %dma_wait3A_156 = arith.constant 0 : i32
    %dma_wait3A_157 = tpu.memref_slice %arg7[%add3A_103, %dma_wait3A_156] : memref<16384x16xf32, #tpu.memory_space<hbm>> -> memref<128x16xf32, #tpu.memory_space<hbm>>
    %dma_wait3A_158 = arith.constant 0 : i32
    %dma_wait3A_159 = tpu.memref_slice %arg7[%add3A_103, %dma_wait3A_158] : memref<16384x16xf32, #tpu.memory_space<hbm>> -> memref<128x16xf32, #tpu.memory_space<hbm>>
    tpu.wait_dma2 semaphore(%arg21 : memref<!tpu.dma_semaphore, #tpu.memory_space<semaphore_mem>>) src(%arg13 : memref<128x16xf32, #tpu.memory_space<vmem>>) dst(%dma_wait3A_159 : memref<128x16xf32, #tpu.memory_space<hbm>>)
    %dma_wait3A_160 = arith.constant 0 : i32
    %dma_wait3A_161 = tpu.memref_slice %arg6[%add3A_113, %dma_wait3A_160] : memref<16384x16xf32, #tpu.memory_space<hbm>> -> memref<128x16xf32, #tpu.memory_space<hbm>>
    %dma_wait3A_162 = arith.constant 0 : i32
    %dma_wait3A_163 = tpu.memref_slice %arg6[%add3A_113, %dma_wait3A_162] : memref<16384x16xf32, #tpu.memory_space<hbm>> -> memref<128x16xf32, #tpu.memory_space<hbm>>
    tpu.wait_dma2 semaphore(%arg20 : memref<!tpu.dma_semaphore, #tpu.memory_space<semaphore_mem>>) src(%arg14 : memref<128x16xf32, #tpu.memory_space<vmem>>) dst(%dma_wait3A_163 : memref<128x16xf32, #tpu.memory_space<hbm>>)
    %dma_wait3A_164 = arith.constant 0 : i32
    %dma_wait3A_165 = tpu.memref_slice %arg7[%add3A_123, %dma_wait3A_164] : memref<16384x16xf32, #tpu.memory_space<hbm>> -> memref<128x16xf32, #tpu.memory_space<hbm>>
    %dma_wait3A_166 = arith.constant 0 : i32
    %dma_wait3A_167 = tpu.memref_slice %arg7[%add3A_123, %dma_wait3A_166] : memref<16384x16xf32, #tpu.memory_space<hbm>> -> memref<128x16xf32, #tpu.memory_space<hbm>>
    tpu.wait_dma2 semaphore(%arg21 : memref<!tpu.dma_semaphore, #tpu.memory_space<semaphore_mem>>) src(%arg15 : memref<128x16xf32, #tpu.memory_space<vmem>>) dst(%dma_wait3A_167 : memref<128x16xf32, #tpu.memory_space<hbm>>)
    %dma_wait3A_168 = arith.constant 0 : i32
    %dma_wait3A_169 = tpu.memref_slice %arg6[%add3A_133, %dma_wait3A_168] : memref<16384x16xf32, #tpu.memory_space<hbm>> -> memref<128x16xf32, #tpu.memory_space<hbm>>
    %dma_wait3A_170 = arith.constant 0 : i32
    %dma_wait3A_171 = tpu.memref_slice %arg6[%add3A_133, %dma_wait3A_170] : memref<16384x16xf32, #tpu.memory_space<hbm>> -> memref<128x16xf32, #tpu.memory_space<hbm>>
    tpu.wait_dma2 semaphore(%arg20 : memref<!tpu.dma_semaphore, #tpu.memory_space<semaphore_mem>>) src(%arg10 : memref<128x16xf32, #tpu.memory_space<vmem>>) dst(%dma_wait3A_171 : memref<128x16xf32, #tpu.memory_space<hbm>>)
    %dma_wait3A_172 = arith.constant 0 : i32
    %dma_wait3A_173 = tpu.memref_slice %arg7[%add3A_143, %dma_wait3A_172] : memref<16384x16xf32, #tpu.memory_space<hbm>> -> memref<128x16xf32, #tpu.memory_space<hbm>>
    %dma_wait3A_174 = arith.constant 0 : i32
    %dma_wait3A_175 = tpu.memref_slice %arg7[%add3A_143, %dma_wait3A_174] : memref<16384x16xf32, #tpu.memory_space<hbm>> -> memref<128x16xf32, #tpu.memory_space<hbm>>
    tpu.wait_dma2 semaphore(%arg21 : memref<!tpu.dma_semaphore, #tpu.memory_space<semaphore_mem>>) src(%arg11 : memref<128x16xf32, #tpu.memory_space<vmem>>) dst(%dma_wait3A_175 : memref<128x16xf32, #tpu.memory_space<hbm>>)
    return
  }
}

</mosaic_0001>

<sc_bundles>
// kernel: kernel.3.cloned.1.call-start
scs
__scs_entry_jumppad:
0x0: {  	(pc) =	sbr.rel $0x88, $3  }
0x1: {  	(tag) =	ssettag $0x0;
	lr =	simm.s32 $0x1  }
0x2: {  	[smem:$0x3F9D] =	sst lr;
	_ =	strace $0xD0000000  }
0x3: {  	_ = 	snop  }
0x4: {  	_ = 	snop  }
0x5: {  	_ = 	snop  }
0x6: {  	_ = 	snop  }
0x7: {  	_ = 	snop  }
__scs_overlays_trampoline_lowered:
0x8: {  	[smem:$0x3FAC] =	sst s0  }
0x9: {  	[smem:$0x3FAD] =	sst s1  }
0xa: {  	[smem:$0x3FAE] =	sst s2  }
0xb: {  	[smem:$0x3FAF] =	sst s3  }
0xc: {  	[smem:$0x3FB0] =	sst s4  }
0xd: {  	[smem:$0x3FB1] =	sst s5  }
0xe: {  	[smem:$0x3FB2] =	sst s6  }
0xf: {  	[smem:$0x3FB3] =	sst s7  }
0x10: {  	[smem:$0x3FB4] =	sst s8  }
0x11: {  	[smem:$0x3FB5] =	sst s9;
	s0 =	simm.s32 @!p0 $0x0  }
0x12: {  	s1 =	sld [smem:$0x3F9B];
	s0 =	simm.s32 @p0 $0x1  }
0x13: {  	[smem:$0x3FB6] =	sst s0;
	s0 =	simm.s32 @!p1 $0x0  }
0x14: {  	s2 =	sld [smem:$0x3F9A];
	s0 =	simm.s32 @p1 $0x1  }
0x15: {  	[smem:$0x3FB7] =	sst s0;
	s0 =	simm.s32 @!p2 $0x0  }
0x16: {  	s3 =	sld [smem:$0x3FDB];
	s0 =	simm.s32 @p2 $0x1  }
0x17: {  	s4 =	simm.s32 $0x1BF5;
	[smem:$0x3FB9] =	sst s0  }
0x18: {  	s0 =	sld [smem:$0x3F9C];
	_ =	swait.ge [sflag:s4], $0x0  }
0x19: {  	s7 =	sld [smem:$0x3F9D]  }
0x1a: {  	s8 =	sadd.s32 $0xFFFFE003, lr  }
0x1b: {  	s9 =	sadd.s32 $0xFFFFFEF7, lr;
	s5 =	simm.s32 $0xFFFFFFFF;
	p2 =	slt.u32 s8, $0xFFFFF086  }
0x1c: {  	p1 =	slt.u32 s9, $0xF7A;
	s5 =	simm.s32 @!p2 $0x0  }
0x1d: {  	s5 =	simm.s32 @p1 $0x1;
	p0 =	seq.s32 s7, s2  }
0x1e: {  	s7 =	smul.u32 @!p0 $0xF7A, s2;
	p2 =	seq.s32 @!p0 s5, $0x0  }
0x1f: {  	s9 =	smul.u32 $0xF7A, s1;
	s8 =	simm.s32 @!p0 $0x1BF5;
	p2 =	por !p2, p0  }
0x20: {  	[sflag:s8] =	ssyncset.s32 @!p0 $0xFFFFF086;
	s6 =	sadd.s32 @!p0 s3, s7;
	s7 =	simm.s32 @!p0 $0x108  }
0x21: {  	s3 =	sadd.s32 s3, s9;
	s6 =	sadd.s32 @!p0 $0x88, s6;
	s7 =	simm.s32 @p2 $0x1082  }
0x22: {  	[simem:s7], [sflag:s8] =	dma.local @!p0 [hbm:s6], $0xF7A  }
0x23: {  	s9 =	sor.u32 $0xD0000000, s2;
	s6 =	simm.s32 $0x108;
	_ =	swait.ge @!p0 [sflag:s8], $0x0  }
0x24: {  	s3 =	sadd.s32 $0x88, s3;
	s6 =	simm.s32 @!p1 $0x1082;
	[sflag:s4] =	ssyncset.s32 $0xFFFFF086  }
0x25: {  	[simem:s6], [sflag:s4] =	dma.local [hbm:s3], $0xF7A  }
0x26: {  	[smem:$0x3F9D] =	sst s1;
	(tag) =	ssettag s2;
	_ =	strace s9  }
0x27: {  	s1 =	sld [smem:$0x3FAD]  }
0x28: {  	s2 =	sld [smem:$0x3FAE]  }
0x29: {  	s4 =	sld [smem:$0x3FB0]  }
0x2a: {  	p0 =	seq.s32 s5, $0x0;
	s5 =	sld [smem:$0x3FB1]  }
0x2b: {  	s6 =	sld [smem:$0x3FB2]  }
0x2c: {  	s7 =	sld [smem:$0x3FB3]  }
0x2d: {  	s3 =	simm.s32 $0x108;
	s8 =	sld [smem:$0x3FB4]  }
0x2e: {  	s3 =	simm.s32 @!p0 $0x1082;
	s9 =	sld [smem:$0x3FB5]  }
0x2f: {  	lr =	sadd.s32 s0, s3;
	s0 =	sld [smem:$0x3FAC]  }
0x30: {  	s3 =	sld [smem:$0x3FAF]  }
0x31: {  	[smem:$0x3FB8] =	sst s10  }
0x32: {  	s10 =	sld [smem:$0x3FB6];
	_ =	sdelay $0x3  }
0x33: {  	p0 =	seq.s32 s10, $0x1;
	s10 =	sld [smem:$0x3FB8];
	_ =	sdelay $0x3  }
0x34: {  	[smem:$0x3FB8] =	sst s10  }
0x35: {  	s10 =	sld [smem:$0x3FB7];
	_ =	sdelay $0x3  }
0x36: {  	p1 =	seq.s32 s10, $0x1;
	s10 =	sld [smem:$0x3FB8];
	_ =	sdelay $0x3  }
0x37: {  	[smem:$0x3FB8] =	sst s10  }
0x38: {  	s10 =	sld [smem:$0x3FB9]  }
0x39: {  	_ = 	snop;
	(pc) =	sbr.ind lr, $3  }
0x3a: {  	_ = 	snop  }
0x3b: {  	_ = 	snop  }
0x3c: {  	p2 =	seq.s32 s10, $0x1;
	s10 =	sld [smem:$0x3FB8]  }
0x3d: {  	_ =	shalt  }
0x3e: {  	_ =	shalt  }
0x3f: {  	_ =	shalt  }
0x40: {  	_ =	shalt  }
0x41: {  	_ =	shalt  }
0x42: {  	_ =	shalt  }
0x43: {  	_ =	shalt  }
0x44: {  	_ =	shalt  }
0x45: {  	_ =	shalt  }
0x46: {  	_ =	shalt  }
0x47: {  	_ =	shalt  }
0x48: {  	_ =	shalt  }
0x49: {  	_ =	shalt  }
0x4a: {  	_ =	shalt  }
0x4b: {  	_ =	shalt  }
0x4c: {  	_ =	shalt  }
0x4d: {  	_ =	shalt  }
0x4e: {  	_ =	shalt  }
0x4f: {  	_ =	shalt  }
0x50: {  	_ =	shalt  }
0x51: {  	_ =	shalt  }
0x52: {  	_ =	shalt  }
0x53: {  	_ =	shalt  }
0x54: {  	_ =	shalt  }
0x55: {  	_ =	shalt  }
0x56: {  	_ =	shalt  }
0x57: {  	_ =	shalt  }
0x58: {  	_ =	shalt  }
0x59: {  	_ =	shalt  }
0x5a: {  	_ =	shalt  }
0x5b: {  	_ =	shalt  }
0x5c: {  	_ =	shalt  }
0x5d: {  	_ =	shalt  }
0x5e: {  	_ =	shalt  }
0x5f: {  	_ =	shalt  }
0x60: {  	_ =	shalt  }
0x61: {  	_ =	shalt  }
0x62: {  	_ =	shalt  }
0x63: {  	_ =	shalt  }
0x64: {  	_ =	shalt  }
0x65: {  	_ =	shalt  }
0x66: {  	_ =	shalt  }
0x67: {  	_ =	shalt  }
0x68: {  	_ =	shalt  }
0x69: {  	_ =	shalt  }
0x6a: {  	_ =	shalt  }
0x6b: {  	_ =	shalt  }
0x6c: {  	_ =	shalt  }
0x6d: {  	_ =	shalt  }
0x6e: {  	_ =	shalt  }
0x6f: {  	_ =	shalt  }
0x70: {  	_ =	shalt  }
0x71: {  	_ =	shalt  }
0x72: {  	_ =	shalt  }
0x73: {  	_ =	shalt  }
0x74: {  	_ =	shalt  }
0x75: {  	_ =	shalt  }
0x76: {  	_ =	shalt  }
0x77: {  	_ =	shalt  }
0x78: {  	_ =	shalt  }
0x79: {  	_ =	shalt  }
0x7a: {  	_ =	shalt  }
0x7b: {  	_ =	shalt  }
0x7c: {  	_ =	shalt  }
0x7d: {  	_ =	shalt  }
0x7e: {  	_ =	shalt  }
0x7f: {  	_ =	shalt  }
0x80: {  	_ =	shalt  }
0x81: {  	_ =	shalt  }
0x82: {  	_ =	shalt  }
0x83: {  	_ =	shalt  }
0x84: {  	_ =	shalt  }
0x85: {  	_ =	shalt  }
0x86: {  	_ =	shalt  }
0x87: {  	_ =	shalt  }
.Lfunc_end0:
.L_simem_size_0:
called_computation_lowered:
.L_overlay_start_0:
0x88: {  	s2 =	sld [smem:$0x3FD9]  }
0x89: {  	s3 =	sld [smem:$0x3FFE];
	_ =	sdelay $0x1  }
0x8a: {  	s1 =	srdreg.scid  }
0x8b: {  	s0 =	sand.u32 $0x1, s1  }
0x8c: {  	s17 =	sshll.u32 s0, $0xA;
	s2 =	sadd.s32 s3, s2  }
0x8d: {  	s2 =	sadd.s32 s2, s17  }
0x8e: {  	[smem:$0x3FC4] =	sst s2  }
0x8f: {  	_ = 	snop  }
0x90: {  	s2 =	sld [smem:$0x3FC7]  }
0x91: {  	s18 =	sld [smem:$0x3FC6];
	(tm) =	ssettm $0x1  }
0x92: {  	s4 =	sld [smem:$0x3FFB];
	_ =	sdelay $0x3  }
0x93: {  	_ =	strace s4  }
0x94: {  	s4 =	sld [smem:$0x3FFC];
	_ =	sdelay $0x3  }
0x95: {  	_ =	strace s4  }
0x96: {  	s4 =	sld [smem:$0x3FFD];
	_ =	sdelay $0x3  }
0x97: {  	_ =	strace s4  }
0x98: {  	_ =	strace $0x8FFFFFFF  }
0x99: {  	s19 =	sld [smem:$0x3FDB];
	_ =	sdelay $0x1  }
0x9a: {  	s5 =	simm.s32 $_scs_section_size  }
0x9b: {  	s6 =	simm.s32 $_size__tile_overlayer_lowered;
	s7 =	simm.s32 $_tile_overlayer_lowered  }
0x9c: {  	s22 =	simm.s32 $0x1BFF;
	s21 =	sshll.u32 s7, $0x1;
	s4 =	sadd.s32 s5, s19  }
0x9d: {  	s8 =	simm.s32 $0x0;
	s20 =	sshll.u32 s6, $0x1;
	s6 =	sadd.s32 s21, s4  }
0x9e: {  	[timem:s8], [sflag:s22] =	dma.local [hbm:s6], s20  }
0x9f: {  	_ =	swait.ge [sflag:s22], s20  }
0xa0: {  	s5 =	ssub.s32 $0x0, s20;
	[sflag:s22] =	ssyncset.done $0x0  }
0xa1: {  	[sflag:s22] =	ssyncadd.s32 s5;
	_ =	sdelay $0x1  }
0xa2: {  	s23 =	simm.s32 $0x1B8B  }
0xa3: {  	_ =	swait.ge [sflag:s23], $0x1  }
0xa4: {  	[sflag:s23] =	ssyncset.done $0x0  }
0xa5: {  	s25 =	simm.s32 $0x1B8E;
	s24 =	sld [smem:$0x3FFE];
	[sflag:s23] =	ssyncadd.s32 $0xFFFFFFFF  }
0xa6: {  	s26 =	simm.s32 $execute0_lowered;
	[smem:$0x3FD2] =	sst s25  }
0xa7: {  	s6 =	sshll.u32 s26, $0x1;
	_ =	strace $0x80000046;
	[dreg:$0x1] =	wrdreg $0xFFFFFFFF  }
0xa8: {  	s28 =	simm.s32 $_size_execute0_lowered;
	s4 =	sadd.s32 s4, s6;
	[dreg:$0x0] =	wrdreg $0x0  }
0xa9: {  	s6 =	sshll.u32 s28, $0x1;
	[dreg:$0x2] =	wrdreg s4  }
0xaa: {  	[dreg:$0x3] =	wrdreg s6  }
0xab: {  	[dreg:$0x4] =	wrdreg $0xC0  }
0xac: {  	_ =	task [dreg:s8], $0x5FFFF  }
0xad: {  	[dreg:$0x1] =	wrdreg $0xFFFFFFFF  }
0xae: {  	[dreg:$0x0] =	wrdreg $0x60  }
0xaf: {  	[dreg:$0x2] =	wrdreg s24  }
0xb0: {  	[dreg:$0x3] =	wrdreg s2  }
0xb1: {  	[dreg:$0x4] =	wrdreg s18  }
0xb2: {  	[dreg:$0x5] =	wrdreg $0x9  }
0xb3: {  	_ =	task.clear_ibuf [dreg:s8], $0x6FFFF;
	_ =	strace $0x90000046  }
0xb4: {  	s29 =	simm.s32 $0x9;
	_ =	strace $0x80000048  }
0xb5: {  	_ =	swait.ge [sflag:s29], $0x1  }
0xb6: {  	[sflag:s29] =	ssyncadd.s32 $0xFFFFFFFF  }
0xb7: {  	_ =	strace $0x90000048  }
0xb8: {  	_ =	sfence  }
0xb9: {  	s30 =	sld [smem:$0x0];
	_ =	sdelay $0x2  }
0xba: {  	s31 =	sshll.u32 s1, $0xD;
	s1 =	sshrl.u32 s1, $0x2  }
0xbb: {  	s3 =	sand.u32 $0x4000, s31;
	s1 =	sadd.s32 s1, s30  }
0xbc: {  	s0 =	sor.u32 s3, s0;
	s1 =	sshll.u32 s1, $0x11  }
0xbd: {  	s0 =	sor.u32 s1, s0  }
0xbe: {  	s0 =	sadd.s32 $0x8F2B, s0  }
0xbf: {  	[sflag:s0] =	ssyncadd.remote.s32 $0x1  }
0xc0: {  	_ =	sfence.sel $0xFFFF  }
0xc1: {  	[dreg:$0x0] =	wrdreg $0xFFFFFFFF;
	(pc) =	sbr.abs _section_cstart, $3  }
0xc2: {  	[dreg:$0x1] =	wrdreg $0xFFFFFFFF  }
0xc3: {  	_ =	task.clear_ibuf [dreg:s8], $0x2FFFF;
	_ =	strace $0x9FFFFFFF  }
0xc4: {  	(tm) =	ssettm $0x7FFFFFFF  }
0xc5: {  	_ =	shalt  }
tec
execute0_lowered:
.L_overlay_start_1:
0x0: {  	(tag) =	ssettag $0x1  }
0x1: {  	s0 =	rddreg [dreg:$0x0]  }
0x2: {  	s2 =	rddreg [dreg:$0x1]  }
0x3: {  	s5 =	rddreg [dreg:$0x2];
	s1 =	simm.s32 $0x0;
	s4 =	srdreg.scid  }
0x4: {  	s7 =	stileid.u32;
	s17 =	simm.s32 $0x1;
	s6 =	sand.u32 $0x1, s4  }
0x5: {  	[smem:$0x7FF] =	sst s1;
	s7 =	sshll.u32 s7, $0xA;
	s8 =	sshll.u32 s6, $0x9  }
0x6: {  	s3 =	sadd.s32 $0xC00, s0;
	s4 =	sadd.s32 $0x187600, s0;
	s7 =	sor.u32 s8, s7  }
0x7: {  	s13 =	sadd.s32 $0x30E000, s0;
	s0 =	sadd.s32 $0x34E000, s0;
	s9 =	sshrl.u32 s7, $0x3  }
0x8: {  	_ =	strace $0x80000047;
	s6 =	ssub.s32 $0x2, s6;
	s5 =	sadd.s32 s5, s9  }
0x9: {  	s20 =	sshll.u32 s7, $0x4;
	s2 =	sadd.s32 s2, s9;
	[dreg:$0x4] =	wrdreg s5  }
0xa: {  	s19 =	sshrl.u32 s6, $0x1;
	s21 =	sadd.s32 s13, s20;
	[dreg:$0x5] =	wrdreg s2  }
0xb: {  	s6 =	ssub.s32 s6, s19;
	s7 =	sadd.s32 s0, s20;
	[dreg:$0x6] =	wrdreg s21  }
0xc: {  	s22 =	sor.u32 $0x800, s20;
	s31 =	smax.u32 s6, $0x1;
	[dreg:$0x7] =	wrdreg s7  }
0xd: {  	s18 =	simm.s32 $0x2;
	s23 =	sadd.s32 s13, s22;
	[dreg:$0xe] =	wrdreg s31  }
0xe: {  	s24 =	sor.u32 $0x1000, s20;
	s2 =	sadd.s32 s0, s22;
	[dreg:$0x8] =	wrdreg s23  }
0xf: {  	s30 =	simm.s32 $0x0;
	s25 =	sadd.s32 s13, s24;
	[dreg:$0x9] =	wrdreg s2  }
0x10: {  	s26 =	sor.u32 $0x1800, s20;
	s28 =	sadd.s32 s0, s24;
	[dreg:$0xa] =	wrdreg s25  }
0x11: {  	s19 =	simm.s32 $0x3;
	s29 =	sadd.s32 s13, s26;
	[dreg:$0xb] =	wrdreg s28  }
0x12: {  	s0 =	sadd.s32 s0, s26;
	s21 =	simm.s32 $0x5;
	[dreg:$0xc] =	wrdreg s29  }
0x13: {  	s22 =	simm.s32 $0x4;
	s24 =	simm.s32 $0x6;
	[dreg:$0xd] =	wrdreg s0  }
.LBB2_1:
0x14: {  	s0 =	rddreg [dreg:$0x4]  }
0x15: {  	[tilespmem:s1], [sflag:$0x1] =	stream.linear.gather [hbm4b:s0+s1], $0x200, $0x38;
	[tilespmem:$0x18400] =	vst v63  }
0x16: {  	s31 =	rddreg [dreg:$0x5];
	s2 =	simm.s32 $0x200  }
0x17: {  	[tilespmem:s2], [sflag:$0x2] =	stream.linear.gather [hbm4b:s31+s1], $0x200, $0x38;
	[tilespmem:$0x18400] =	vst v63  }
0x18: {  	_ =	swait.ge [sflag:s17], $0x200  }
0x19: {  	[sflag:s17] =	ssyncset.done $0x0  }
0x1a: {  	[sflag:s17] =	ssyncadd.s32 $0xFFFFFE00  }
0x1b: {  	_ =	swait.ge [sflag:s18], $0x200  }
0x1c: {  	[sflag:s18] =	ssyncset.done $0x0  }
0x1d: {  	[sflag:s18] =	ssyncadd.s32 $0xFFFFFE00  }
0x1e: {  	v0 =	vld [tilespmem:s1+$0x0];
	_ =	sdelay $0x4  }
0x1f: {  	v0 =	vshll.u32 v0, $0x4  }
0x20: {  	(v2sf) =	vpush v0, $0x0  }
0x21: {  	(v2sf) =	vpush v0, $0x1  }
0x22: {  	(v2sf) =	vpush v0, $0x2;
	_ =	sdelay $0x1  }
0x23: {  	(v2sf) =	vpush v0, $0x4;
	_ =	sdelay $0x1  }
0x24: {  	(v2sf) =	vpush v0, $0x3  }
0x25: {  	(v2sf) =	vpush v0, $0x5  }
0x26: {  	s16 =	simm.s32 $0x0;
	s0 =	simm.s32 $0x0;
	s2 =	simm.s32 $0x2000;
	(v2sf) =	vpush v0, $0x6  }
.LBB2_2:
0x27: {  	p0 =	sne.s32 s2, $0xE000  }
0x28: {  	s8 =	sadd.s32 $0x480, s0;
	s29 =	sadd.s32 $0x980, s0;
	s25 =	smov.u32 s2  }
0x29: {  	s2 =	sadd.s32 $0x2000, s2;
	s5 =	sadd.s32 $0x780, s0;
	s26 =	sadd.s32 $0xA00, s0;
	(v2sf) =	vpush v0, $0x7  }
0x2a: {  	s7 =	sadd.s32 $0x680, s0;
	s20 =	sadd.s32 $0x800, s0;
	s28 =	sadd.s32 $0xA80, s0  }
0x2b: {  	s9 =	sadd.s32 $0x400, s0;
	s10 =	sadd.s32 $0x600, s0;
	(v2sf) =	vpush v0, $0x8  }
0x2c: {  	s31 =	simm.s32 $0x0;
	s11 =	sadd.s32 $0x700, s0;
	s16 =	sadd.s32 $0x10, s16  }
0x2d: {  	s12 =	sadd.s32 $0x500, s0;
	s23 =	sadd.s32 $0x900, s0;
	s6 =	spop (v2sf);
	(v2sf) =	vpush v0, $0x9  }
0x2e: {  	s13 =	sand.u32 $0x1FFFFFF0, s6;
	s6 =	sadd.s32 $0x880, s0;
	s14 =	spop (v2sf)  }
0x2f: {  	s13 =	sadd.s32 s4, s13;
	s14 =	sand.u32 $0x1FFFFFF0, s14;
	s15 =	spop (v2sf);
	(v2sf) =	vpush v0, $0xA  }
0x30: {  	[tilespmem:s9], [sflag:$0x3] =	stream.linear.gather [hbm4b:s13+s31], $0x80, $0x38;
	[tilespmem:$0x18400] =	vst v63  }
0x31: {  	s9 =	sadd.s32 s4, s14;
	s13 =	sadd.s32 $0x580, s0;
	s14 =	spop (v2sf);
	(v2sf) =	vpush v0, $0xB  }
0x32: {  	[tilespmem:s8], [sflag:$0x3] =	stream.linear.gather [hbm4b:s9+s31], $0x80, $0x38;
	[tilespmem:$0x18400] =	vst v63  }
0x33: {  	s8 =	sand.u32 $0x1FFFFFF0, s15;
	s9 =	sand.u32 $0x1FFFFFF0, s14;
	s14 =	spop (v2sf);
	(v2sf) =	vpush v0, $0xC  }
0x34: {  	s8 =	sadd.s32 s4, s8;
	s14 =	sand.u32 $0x1FFFFFF0, s14;
	s15 =	spop (v2sf)  }
0x35: {  	[tilespmem:s12], [sflag:$0x3] =	stream.linear.gather [hbm4b:s8+s31], $0x80, $0x38;
	(v2sf) =	vpush v0, $0xD;
	[tilespmem:$0x18400] =	vst v63  }
0x36: {  	s8 =	sadd.s32 s4, s14;
	s12 =	sand.u32 $0x1FFFFFF0, s15;
	s14 =	spop (v2sf)  }
0x37: {  	[tilespmem:s13], [sflag:$0x3] =	stream.linear.gather [hbm4b:s8+s31], $0x80, $0x38;
	(v2sf) =	vpush v0, $0xE;
	[tilespmem:$0x18400] =	vst v63  }
0x38: {  	s8 =	sadd.s32 s4, s9;
	s9 =	sand.u32 $0x1FFFFFF0, s14;
	s13 =	spop (v2sf)  }
0x39: {  	[tilespmem:s10], [sflag:$0x3] =	stream.linear.gather [hbm4b:s8+s31], $0x80, $0x38;
	(v2sf) =	vpush v0, $0xF;
	[tilespmem:$0x18400] =	vst v63  }
0x3a: {  	s8 =	sadd.s32 s4, s12;
	s10 =	sand.u32 $0x1FFFFFF0, s13;
	s12 =	spop (v2sf)  }
0x3b: {  	[tilespmem:s7], [sflag:$0x3] =	stream.linear.gather [hbm4b:s8+s31], $0x80, $0x38;
	[tilespmem:$0x18400] =	vst v63  }
0x3c: {  	s7 =	sadd.s32 s4, s9;
	s8 =	sand.u32 $0x1FFFFFF0, s12;
	s9 =	spop (v2sf)  }
0x3d: {  	[tilespmem:s11], [sflag:$0x3] =	stream.linear.gather [hbm4b:s7+s31], $0x80, $0x38;
	[tilespmem:$0x18400] =	vst v63  }
0x3e: {  	s7 =	sadd.s32 s4, s10;
	s9 =	sand.u32 $0x1FFFFFF0, s9;
	s10 =	spop (v2sf)  }
0x3f: {  	[tilespmem:s5], [sflag:$0x3] =	stream.linear.gather [hbm4b:s7+s31], $0x80, $0x38;
	[tilespmem:$0x18400] =	vst v63  }
0x40: {  	s5 =	sadd.s32 s4, s8;
	s7 =	sand.u32 $0x1FFFFFF0, s10;
	s8 =	spop (v2sf)  }
0x41: {  	[tilespmem:s20], [sflag:$0x3] =	stream.linear.gather [hbm4b:s5+s31], $0x80, $0x38;
	[tilespmem:$0x18400] =	vst v63  }
0x42: {  	s5 =	sadd.s32 s4, s9;
	s8 =	sand.u32 $0x1FFFFFF0, s8;
	s9 =	spop (v2sf)  }
0x43: {  	[tilespmem:s6], [sflag:$0x3] =	stream.linear.gather [hbm4b:s5+s31], $0x80, $0x38;
	[tilespmem:$0x18400] =	vst v63  }
0x44: {  	s5 =	sadd.s32 s4, s7;
	s6 =	sand.u32 $0x1FFFFFF0, s9;
	s7 =	spop (v2sf)  }
0x45: {  	[tilespmem:s23], [sflag:$0x3] =	stream.linear.gather [hbm4b:s5+s31], $0x80, $0x38;
	[tilespmem:$0x18400] =	vst v63  }
0x46: {  	s5 =	sadd.s32 s4, s8;
	s7 =	sand.u32 $0x1FFFFFF0, s7;
	s8 =	spop (v2sf)  }
0x47: {  	[tilespmem:s29], [sflag:$0x3] =	stream.linear.gather [hbm4b:s5+s31], $0x80, $0x38;
	[tilespmem:$0x18400] =	vst v63  }
0x48: {  	s5 =	sadd.s32 s4, s6;
	s6 =	sand.u32 $0x1FFFFFF0, s8;
	s8 =	spop (v2sf)  }
0x49: {  	[tilespmem:s26], [sflag:$0x3] =	stream.linear.gather [hbm4b:s5+s31], $0x80, $0x38;
	[tilespmem:$0x18400] =	vst v63  }
0x4a: {  	s5 =	sadd.s32 s4, s7;
	s7 =	sand.u32 $0x1FFFFFF0, s8  }
0x4b: {  	[tilespmem:s28], [sflag:$0x3] =	stream.linear.gather [hbm4b:s5+s31], $0x80, $0x38;
	[tilespmem:$0x18400] =	vst v63  }
0x4c: {  	s6 =	sadd.s32 s4, s6;
	s5 =	sadd.s32 $0xB00, s0  }
0x4d: {  	[tilespmem:s5], [sflag:$0x3] =	stream.linear.gather [hbm4b:s6+s31], $0x80, $0x38;
	[tilespmem:$0x18400] =	vst v63  }
0x4e: {  	s0 =	sadd.s32 $0xB80, s0;
	s5 =	sadd.s32 s4, s7  }
0x4f: {  	[tilespmem:s0], [sflag:$0x3] =	stream.linear.gather [hbm4b:s5+s31], $0x80, $0x38;
	[tilespmem:$0x18400] =	vst v63  }
0x50: {  	v0 =	vld [tilespmem:s16+$0x0];
	_ =	sdelay $0x4  }
0x51: {  	v0 =	vshll.u32 v0, $0x4  }
0x52: {  	(v2sf) =	vpush v0, $0x0  }
0x53: {  	(v2sf) =	vpush v0, $0x1  }
0x54: {  	(v2sf) =	vpush v0, $0x2;
	_ =	sdelay $0x1  }
0x55: {  	(v2sf) =	vpush v0, $0x4  }
.Ltmp0:
0x56: {  	(pc) =	sbr.rel @p0 .LBB2_2-.Ltmp0, $3  }
0x57: {  	(v2sf) =	vpush v0, $0x3  }
0x58: {  	(v2sf) =	vpush v0, $0x5;
	_ =	sdelay $0x1  }
0x59: {  	s0 =	sshra.s32 s25, $0x2;
	(v2sf) =	vpush v0, $0x6  }
0x5a: {  	_ =	sdelay $0x1  }
0x5b: {  	s6 =	sadd.s32 $0x480, s0;
	s16 =	sadd.s32 $0x980, s0  }
0x5c: {  	s7 =	sadd.s32 $0x780, s0;
	s2 =	sadd.s32 $0xA00, s0;
	(v2sf) =	vpush v0, $0x7;
	s8 =	sadd.s32 $0x680, s0  }
0x5d: {  	s9 =	sadd.s32 $0x800, s0;
	s5 =	sadd.s32 $0xA80, s0;
	s10 =	sadd.s32 $0x400, s0  }
0x5e: {  	s11 =	sadd.s32 $0x600, s0;
	s12 =	sadd.s32 $0x700, s0;
	(v2sf) =	vpush v0, $0x8;
	s13 =	spop (v2sf)  }
0x5f: {  	s14 =	sadd.s32 $0x500, s0;
	s13 =	sand.u32 $0x1FFFFFF0, s13;
	s15 =	spop (v2sf)  }
0x60: {  	(v2sf) =	vpush v0, $0x9;
	s13 =	sadd.s32 s4, s13;
	s15 =	sand.u32 $0x1FFFFFF0, s15;
	s20 =	spop (v2sf)  }
0x61: {  	[tilespmem:s10], [sflag:$0x3] =	stream.linear.gather [hbm4b:s13+s31], $0x80, $0x38;
	[tilespmem:$0x18400] =	vst v63  }
0x62: {  	(v2sf) =	vpush v0, $0xA;
	s23 =	sadd.s32 s4, s15;
	s26 =	sand.u32 $0x1FFFFFF0, s20;
	s25 =	spop (v2sf)  }
0x63: {  	[tilespmem:s6], [sflag:$0x3] =	stream.linear.gather [hbm4b:s23+s31], $0x80, $0x38;
	[tilespmem:$0x18400] =	vst v63  }
0x64: {  	s10 =	sadd.s32 $0x900, s0;
	(v2sf) =	vpush v0, $0xB;
	s13 =	sadd.s32 s4, s26;
	s28 =	spop (v2sf)  }
0x65: {  	s6 =	sadd.s32 $0x880, s0;
	s23 =	sadd.s32 $0x580, s0;
	s20 =	sand.u32 $0x1FFFFFF0, s28  }
0x66: {  	(v2sf) =	vpush v0, $0xC;
	[tilespmem:s14], [sflag:$0x3] =	stream.linear.gather [hbm4b:s13+s31], $0x80, $0x38;
	[tilespmem:$0x18400] =	vst v63  }
0x67: {  	s29 =	sand.u32 $0x1FFFFFF0, s25;
	s25 =	spop (v2sf);
	s26 =	sadd.s32 s4, s20  }
0x68: {  	(v2sf) =	vpush v0, $0xD;
	[tilespmem:s23], [sflag:$0x3] =	stream.linear.gather [hbm4b:s26+s31], $0x80, $0x38;
	[tilespmem:$0x18400] =	vst v63  }
0x69: {  	s13 =	sadd.s32 s4, s29;
	s14 =	sand.u32 $0x1FFFFFF0, s25;
	s28 =	spop (v2sf)  }
0x6a: {  	(v2sf) =	vpush v0, $0xE;
	[tilespmem:s11], [sflag:$0x3] =	stream.linear.gather [hbm4b:s13+s31], $0x80, $0x38;
	[tilespmem:$0x18400] =	vst v63  }
0x6b: {  	s14 =	sadd.s32 s4, s14;
	s29 =	sand.u32 $0x1FFFFFF0, s28;
	s15 =	spop (v2sf)  }
0x6c: {  	(v2sf) =	vpush v0, $0xF;
	[tilespmem:s8], [sflag:$0x3] =	stream.linear.gather [hbm4b:s14+s31], $0x80, $0x38;
	[tilespmem:$0x18400] =	vst v63  }
0x6d: {  	s20 =	sand.u32 $0x1FFFFFF0, s15;
	s23 =	spop (v2sf);
	s11 =	sadd.s32 s4, s29  }
0x6e: {  	[tilespmem:s12], [sflag:$0x3] =	stream.linear.gather [hbm4b:s11+s31], $0x80, $0x38;
	[tilespmem:$0x18400] =	vst v63  }
0x6f: {  	s25 =	sand.u32 $0x1FFFFFF0, s23;
	s8 =	sadd.s32 s4, s20;
	s26 =	spop (v2sf)  }
0x70: {  	[tilespmem:s7], [sflag:$0x3] =	stream.linear.gather [hbm4b:s8+s31], $0x80, $0x38;
	[tilespmem:$0x18400] =	vst v63  }
0x71: {  	s11 =	sadd.s32 s4, s25;
	s28 =	sand.u32 $0x1FFFFFF0, s26;
	s29 =	spop (v2sf)  }
0x72: {  	[tilespmem:s9], [sflag:$0x3] =	stream.linear.gather [hbm4b:s11+s31], $0x80, $0x38;
	[tilespmem:$0x18400] =	vst v63  }
0x73: {  	s8 =	sand.u32 $0x1FFFFFF0, s29;
	s7 =	sadd.s32 s4, s28;
	s11 =	spop (v2sf)  }
0x74: {  	[tilespmem:s6], [sflag:$0x3] =	stream.linear.gather [hbm4b:s7+s31], $0x80, $0x38;
	[tilespmem:$0x18400] =	vst v63  }
0x75: {  	s8 =	sadd.s32 s4, s8;
	s12 =	sand.u32 $0x1FFFFFF0, s11;
	s13 =	spop (v2sf)  }
0x76: {  	[tilespmem:s10], [sflag:$0x3] =	stream.linear.gather [hbm4b:s8+s31], $0x80, $0x38;
	[tilespmem:$0x18400] =	vst v63  }
0x77: {  	s6 =	sadd.s32 s4, s12;
	s7 =	sand.u32 $0x1FFFFFF0, s13;
	s14 =	spop (v2sf)  }
0x78: {  	[tilespmem:s16], [sflag:$0x3] =	stream.linear.gather [hbm4b:s6+s31], $0x80, $0x38;
	[tilespmem:$0x18400] =	vst v63  }
0x79: {  	s15 =	sand.u32 $0x1FFFFFF0, s14;
	s7 =	sadd.s32 s4, s7;
	s16 =	spop (v2sf)  }
0x7a: {  	[tilespmem:s2], [sflag:$0x3] =	stream.linear.gather [hbm4b:s7+s31], $0x80, $0x38;
	[tilespmem:$0x18400] =	vst v63  }
0x7b: {  	s6 =	sadd.s32 s4, s15;
	s20 =	sand.u32 $0x1FFFFFF0, s16;
	s23 =	spop (v2sf)  }
0x7c: {  	[tilespmem:s5], [sflag:$0x3] =	stream.linear.gather [hbm4b:s6+s31], $0x80, $0x38;
	[tilespmem:$0x18400] =	vst v63  }
0x7d: {  	s26 =	sadd.s32 $0xB00, s0;
	s25 =	sand.u32 $0x1FFFFFF0, s23;
	s2 =	sadd.s32 s4, s20  }
0x7e: {  	[tilespmem:s26], [sflag:$0x3] =	stream.linear.gather [hbm4b:s2+s31], $0x80, $0x38;
	[tilespmem:$0x18400] =	vst v63  }
0x7f: {  	s28 =	sadd.s32 $0xB80, s0;
	s29 =	sadd.s32 s4, s25;
	s2 =	simm.s32 $0x200  }
0x80: {  	[tilespmem:s28], [sflag:$0x3] =	stream.linear.gather [hbm4b:s29+s31], $0x80, $0x38;
	[tilespmem:$0x18400] =	vst v63  }
0x81: {  	v0 =	vld [tilespmem:s2+$0x0];
	_ =	sdelay $0x4  }
0x82: {  	v0 =	vshll.u32 v0, $0x4  }
0x83: {  	(v2sf) =	vpush v0, $0x0  }
0x84: {  	(v2sf) =	vpush v0, $0x1  }
0x85: {  	(v2sf) =	vpush v0, $0x2;
	_ =	sdelay $0x1  }
0x86: {  	(v2sf) =	vpush v0, $0x4;
	_ =	sdelay $0x1  }
0x87: {  	(v2sf) =	vpush v0, $0x3  }
0x88: {  	(v2sf) =	vpush v0, $0x5  }
0x89: {  	s0 =	simm.s32 $0x0;
	s16 =	simm.s32 $0x2000;
	(v2sf) =	vpush v0, $0x6  }
.LBB2_4:
0x8a: {  	p0 =	sne.s32 s16, $0xE000  }
0x8b: {  	s8 =	sadd.s32 $0x4480, s0;
	s29 =	sadd.s32 $0x4980, s0;
	s25 =	smov.u32 s16  }
0x8c: {  	s16 =	sadd.s32 $0x2000, s16;
	s23 =	sadd.s32 $0x4780, s0;
	s26 =	sadd.s32 $0x4A00, s0;
	(v2sf) =	vpush v0, $0x7  }
0x8d: {  	s7 =	sadd.s32 $0x4680, s0;
	s5 =	sadd.s32 $0x4800, s0;
	s28 =	sadd.s32 $0x4A80, s0  }
0x8e: {  	s9 =	sadd.s32 $0x4400, s0;
	s10 =	sadd.s32 $0x4600, s0;
	(v2sf) =	vpush v0, $0x8  }
0x8f: {  	s11 =	sadd.s32 $0x4700, s0;
	s2 =	sadd.s32 $0x10, s2  }
0x90: {  	s12 =	sadd.s32 $0x4500, s0;
	s20 =	sadd.s32 $0x4900, s0;
	s6 =	spop (v2sf);
	(v2sf) =	vpush v0, $0x9  }
0x91: {  	s13 =	sand.u32 $0x1FFFFFF0, s6;
	s6 =	sadd.s32 $0x4880, s0;
	s14 =	spop (v2sf)  }
0x92: {  	s13 =	sadd.s32 s3, s13;
	s14 =	sand.u32 $0x1FFFFFF0, s14;
	s15 =	spop (v2sf);
	(v2sf) =	vpush v0, $0xA  }
0x93: {  	[tilespmem:s9], [sflag:$0x4] =	stream.linear.gather [hbm4b:s13+s31], $0x80, $0x38;
	[tilespmem:$0x18400] =	vst v63  }
0x94: {  	s9 =	sadd.s32 s3, s14;
	s13 =	sadd.s32 $0x4580, s0;
	s14 =	spop (v2sf);
	(v2sf) =	vpush v0, $0xB  }
0x95: {  	[tilespmem:s8], [sflag:$0x4] =	stream.linear.gather [hbm4b:s9+s31], $0x80, $0x38;
	[tilespmem:$0x18400] =	vst v63  }
0x96: {  	s8 =	sand.u32 $0x1FFFFFF0, s15;
	s9 =	sand.u32 $0x1FFFFFF0, s14;
	s14 =	spop (v2sf);
	(v2sf) =	vpush v0, $0xC  }
0x97: {  	s8 =	sadd.s32 s3, s8;
	s14 =	sand.u32 $0x1FFFFFF0, s14;
	s15 =	spop (v2sf)  }
0x98: {  	[tilespmem:s12], [sflag:$0x4] =	stream.linear.gather [hbm4b:s8+s31], $0x80, $0x38;
	(v2sf) =	vpush v0, $0xD;
	[tilespmem:$0x18400] =	vst v63  }
0x99: {  	s8 =	sadd.s32 s3, s14;
	s12 =	sand.u32 $0x1FFFFFF0, s15;
	s14 =	spop (v2sf)  }
0x9a: {  	[tilespmem:s13], [sflag:$0x4] =	stream.linear.gather [hbm4b:s8+s31], $0x80, $0x38;
	(v2sf) =	vpush v0, $0xE;
	[tilespmem:$0x18400] =	vst v63  }
0x9b: {  	s8 =	sadd.s32 s3, s9;
	s9 =	sand.u32 $0x1FFFFFF0, s14;
	s13 =	spop (v2sf)  }
0x9c: {  	[tilespmem:s10], [sflag:$0x4] =	stream.linear.gather [hbm4b:s8+s31], $0x80, $0x38;
	(v2sf) =	vpush v0, $0xF;
	[tilespmem:$0x18400] =	vst v63  }
0x9d: {  	s8 =	sadd.s32 s3, s12;
	s10 =	sand.u32 $0x1FFFFFF0, s13;
	s12 =	spop (v2sf)  }
0x9e: {  	[tilespmem:s7], [sflag:$0x4] =	stream.linear.gather [hbm4b:s8+s31], $0x80, $0x38;
	[tilespmem:$0x18400] =	vst v63  }
0x9f: {  	s7 =	sadd.s32 s3, s9;
	s8 =	sand.u32 $0x1FFFFFF0, s12;
	s9 =	spop (v2sf)  }
0xa0: {  	[tilespmem:s11], [sflag:$0x4] =	stream.linear.gather [hbm4b:s7+s31], $0x80, $0x38;
	[tilespmem:$0x18400] =	vst v63  }
0xa1: {  	s7 =	sadd.s32 s3, s10;
	s9 =	sand.u32 $0x1FFFFFF0, s9;
	s10 =	spop (v2sf)  }
0xa2: {  	[tilespmem:s23], [sflag:$0x4] =	stream.linear.gather [hbm4b:s7+s31], $0x80, $0x38;
	[tilespmem:$0x18400] =	vst v63  }
0xa3: {  	s7 =	sadd.s32 s3, s8;
	s8 =	sand.u32 $0x1FFFFFF0, s10;
	s10 =	spop (v2sf)  }
0xa4: {  	[tilespmem:s5], [sflag:$0x4] =	stream.linear.gather [hbm4b:s7+s31], $0x80, $0x38;
	[tilespmem:$0x18400] =	vst v63  }
0xa5: {  	s5 =	sadd.s32 s3, s9;
	s7 =	sand.u32 $0x1FFFFFF0, s10;
	s9 =	spop (v2sf)  }
0xa6: {  	[tilespmem:s6], [sflag:$0x4] =	stream.linear.gather [hbm4b:s5+s31], $0x80, $0x38;
	[tilespmem:$0x18400] =	vst v63  }
0xa7: {  	s5 =	sadd.s32 s3, s8;
	s6 =	sand.u32 $0x1FFFFFF0, s9;
	s8 =	spop (v2sf)  }
0xa8: {  	[tilespmem:s20], [sflag:$0x4] =	stream.linear.gather [hbm4b:s5+s31], $0x80, $0x38;
	[tilespmem:$0x18400] =	vst v63  }
0xa9: {  	s5 =	sadd.s32 s3, s7;
	s7 =	sand.u32 $0x1FFFFFF0, s8;
	s8 =	spop (v2sf)  }
0xaa: {  	[tilespmem:s29], [sflag:$0x4] =	stream.linear.gather [hbm4b:s5+s31], $0x80, $0x38;
	[tilespmem:$0x18400] =	vst v63  }
0xab: {  	s5 =	sadd.s32 s3, s6;
	s6 =	sand.u32 $0x1FFFFFF0, s8;
	s8 =	spop (v2sf)  }
0xac: {  	[tilespmem:s26], [sflag:$0x4] =	stream.linear.gather [hbm4b:s5+s31], $0x80, $0x38;
	[tilespmem:$0x18400] =	vst v63  }
0xad: {  	s5 =	sadd.s32 s3, s7;
	s7 =	sand.u32 $0x1FFFFFF0, s8  }
0xae: {  	[tilespmem:s28], [sflag:$0x4] =	stream.linear.gather [hbm4b:s5+s31], $0x80, $0x38;
	[tilespmem:$0x18400] =	vst v63  }
0xaf: {  	s6 =	sadd.s32 s3, s6;
	s5 =	sadd.s32 $0x4B00, s0  }
0xb0: {  	[tilespmem:s5], [sflag:$0x4] =	stream.linear.gather [hbm4b:s6+s31], $0x80, $0x38;
	[tilespmem:$0x18400] =	vst v63  }
0xb1: {  	s0 =	sadd.s32 $0x4B80, s0;
	s5 =	sadd.s32 s3, s7  }
0xb2: {  	[tilespmem:s0], [sflag:$0x4] =	stream.linear.gather [hbm4b:s5+s31], $0x80, $0x38;
	[tilespmem:$0x18400] =	vst v63  }
0xb3: {  	v0 =	vld [tilespmem:s2+$0x0];
	_ =	sdelay $0x4  }
0xb4: {  	v0 =	vshll.u32 v0, $0x4  }
0xb5: {  	(v2sf) =	vpush v0, $0x0  }
0xb6: {  	(v2sf) =	vpush v0, $0x1  }
0xb7: {  	(v2sf) =	vpush v0, $0x2;
	_ =	sdelay $0x1  }
0xb8: {  	(v2sf) =	vpush v0, $0x4  }
.Ltmp1:
0xb9: {  	(pc) =	sbr.rel @p0 .LBB2_4-.Ltmp1, $3  }
0xba: {  	(v2sf) =	vpush v0, $0x3  }
0xbb: {  	(v2sf) =	vpush v0, $0x5;
	_ =	sdelay $0x1  }
0xbc: {  	s0 =	sshra.s32 s25, $0x2;
	(v2sf) =	vpush v0, $0x6  }
0xbd: {  	_ =	sdelay $0x1  }
0xbe: {  	s6 =	sadd.s32 $0x4480, s0;
	s16 =	sadd.s32 $0x4980, s0  }
0xbf: {  	s7 =	sadd.s32 $0x4780, s0;
	s2 =	sadd.s32 $0x4A00, s0;
	(v2sf) =	vpush v0, $0x7;
	s8 =	sadd.s32 $0x4680, s0  }
0xc0: {  	s9 =	sadd.s32 $0x4800, s0;
	s5 =	sadd.s32 $0x4A80, s0;
	s10 =	sadd.s32 $0x4400, s0  }
0xc1: {  	s11 =	sadd.s32 $0x4600, s0;
	s12 =	sadd.s32 $0x4700, s0;
	(v2sf) =	vpush v0, $0x8;
	s13 =	spop (v2sf)  }
0xc2: {  	s14 =	sadd.s32 $0x4500, s0;
	s13 =	sand.u32 $0x1FFFFFF0, s13;
	s15 =	spop (v2sf)  }
0xc3: {  	(v2sf) =	vpush v0, $0x9;
	s13 =	sadd.s32 s3, s13;
	s15 =	sand.u32 $0x1FFFFFF0, s15;
	s20 =	spop (v2sf)  }
0xc4: {  	[tilespmem:s10], [sflag:$0x4] =	stream.linear.gather [hbm4b:s13+s31], $0x80, $0x38;
	[tilespmem:$0x18400] =	vst v63  }
0xc5: {  	(v2sf) =	vpush v0, $0xA;
	s23 =	sadd.s32 s3, s15;
	s26 =	sand.u32 $0x1FFFFFF0, s20;
	s25 =	spop (v2sf)  }
0xc6: {  	[tilespmem:s6], [sflag:$0x4] =	stream.linear.gather [hbm4b:s23+s31], $0x80, $0x38;
	[tilespmem:$0x18400] =	vst v63  }
0xc7: {  	s10 =	sadd.s32 $0x4900, s0;
	(v2sf) =	vpush v0, $0xB;
	s13 =	sadd.s32 s3, s26;
	s28 =	spop (v2sf)  }
0xc8: {  	s6 =	sadd.s32 $0x4880, s0;
	s23 =	sadd.s32 $0x4580, s0;
	s20 =	sand.u32 $0x1FFFFFF0, s28  }
0xc9: {  	(v2sf) =	vpush v0, $0xC;
	[tilespmem:s14], [sflag:$0x4] =	stream.linear.gather [hbm4b:s13+s31], $0x80, $0x38;
	[tilespmem:$0x18400] =	vst v63  }
0xca: {  	s29 =	sand.u32 $0x1FFFFFF0, s25;
	s25 =	spop (v2sf);
	s26 =	sadd.s32 s3, s20  }
0xcb: {  	(v2sf) =	vpush v0, $0xD;
	[tilespmem:s23], [sflag:$0x4] =	stream.linear.gather [hbm4b:s26+s31], $0x80, $0x38;
	[tilespmem:$0x18400] =	vst v63  }
0xcc: {  	s13 =	sadd.s32 s3, s29;
	s14 =	sand.u32 $0x1FFFFFF0, s25;
	s28 =	spop (v2sf)  }
0xcd: {  	(v2sf) =	vpush v0, $0xE;
	[tilespmem:s11], [sflag:$0x4] =	stream.linear.gather [hbm4b:s13+s31], $0x80, $0x38;
	[tilespmem:$0x18400] =	vst v63  }
0xce: {  	s14 =	sadd.s32 s3, s14;
	s29 =	sand.u32 $0x1FFFFFF0, s28;
	s15 =	spop (v2sf)  }
0xcf: {  	(v2sf) =	vpush v0, $0xF;
	[tilespmem:s8], [sflag:$0x4] =	stream.linear.gather [hbm4b:s14+s31], $0x80, $0x38;
	[tilespmem:$0x18400] =	vst v63  }
0xd0: {  	s20 =	sand.u32 $0x1FFFFFF0, s15;
	s23 =	spop (v2sf);
	s11 =	sadd.s32 s3, s29  }
0xd1: {  	[tilespmem:s12], [sflag:$0x4] =	stream.linear.gather [hbm4b:s11+s31], $0x80, $0x38;
	[tilespmem:$0x18400] =	vst v63  }
0xd2: {  	s25 =	sand.u32 $0x1FFFFFF0, s23;
	s8 =	sadd.s32 s3, s20;
	s26 =	spop (v2sf)  }
0xd3: {  	[tilespmem:s7], [sflag:$0x4] =	stream.linear.gather [hbm4b:s8+s31], $0x80, $0x38;
	[tilespmem:$0x18400] =	vst v63  }
0xd4: {  	s11 =	sadd.s32 s3, s25;
	s28 =	sand.u32 $0x1FFFFFF0, s26;
	s29 =	spop (v2sf)  }
0xd5: {  	[tilespmem:s9], [sflag:$0x4] =	stream.linear.gather [hbm4b:s11+s31], $0x80, $0x38;
	[tilespmem:$0x18400] =	vst v63  }
0xd6: {  	s8 =	sand.u32 $0x1FFFFFF0, s29;
	s7 =	sadd.s32 s3, s28;
	s11 =	spop (v2sf)  }
0xd7: {  	[tilespmem:s6], [sflag:$0x4] =	stream.linear.gather [hbm4b:s7+s31], $0x80, $0x38;
	[tilespmem:$0x18400] =	vst v63  }
0xd8: {  	s8 =	sadd.s32 s3, s8;
	s12 =	sand.u32 $0x1FFFFFF0, s11;
	s13 =	spop (v2sf)  }
0xd9: {  	[tilespmem:s10], [sflag:$0x4] =	stream.linear.gather [hbm4b:s8+s31], $0x80, $0x38;
	[tilespmem:$0x18400] =	vst v63  }
0xda: {  	s6 =	sadd.s32 s3, s12;
	s7 =	sand.u32 $0x1FFFFFF0, s13;
	s14 =	spop (v2sf)  }
0xdb: {  	[tilespmem:s16], [sflag:$0x4] =	stream.linear.gather [hbm4b:s6+s31], $0x80, $0x38;
	[tilespmem:$0x18400] =	vst v63  }
0xdc: {  	s15 =	sand.u32 $0x1FFFFFF0, s14;
	s7 =	sadd.s32 s3, s7;
	s16 =	spop (v2sf)  }
0xdd: {  	[tilespmem:s2], [sflag:$0x4] =	stream.linear.gather [hbm4b:s7+s31], $0x80, $0x38;
	[tilespmem:$0x18400] =	vst v63  }
0xde: {  	s6 =	sadd.s32 s3, s15;
	s20 =	sand.u32 $0x1FFFFFF0, s16;
	s23 =	spop (v2sf)  }
0xdf: {  	[tilespmem:s5], [sflag:$0x4] =	stream.linear.gather [hbm4b:s6+s31], $0x80, $0x38;
	[tilespmem:$0x18400] =	vst v63  }
0xe0: {  	s26 =	sadd.s32 $0x4B00, s0;
	s25 =	sand.u32 $0x1FFFFFF0, s23;
	s2 =	sadd.s32 s3, s20  }
0xe1: {  	[tilespmem:s26], [sflag:$0x4] =	stream.linear.gather [hbm4b:s2+s31], $0x80, $0x38;
	[tilespmem:$0x18400] =	vst v63  }
0xe2: {  	s28 =	sadd.s32 $0x4B80, s0;
	s29 =	sadd.s32 s3, s25;
	s2 =	simm.s32 $0x80  }
0xe3: {  	[tilespmem:s28], [sflag:$0x4] =	stream.linear.gather [hbm4b:s29+s31], $0x80, $0x38;
	[tilespmem:$0x18400] =	vst v63  }
0xe4: {  	v0 =	vld [tilespmem:s2+$0x0];
	_ =	sdelay $0x4  }
0xe5: {  	v0 =	vshll.u32 v0, $0x4  }
0xe6: {  	(v2sf) =	vpush v0, $0x0  }
0xe7: {  	(v2sf) =	vpush v0, $0x1  }
0xe8: {  	(v2sf) =	vpush v0, $0x2;
	_ =	sdelay $0x1  }
0xe9: {  	(v2sf) =	vpush v0, $0x4;
	_ =	sdelay $0x1  }
0xea: {  	(v2sf) =	vpush v0, $0x3  }
0xeb: {  	(v2sf) =	vpush v0, $0x5  }
0xec: {  	s0 =	simm.s32 $0x0;
	s16 =	simm.s32 $0x2000;
	(v2sf) =	vpush v0, $0x6  }
.LBB2_6:
0xed: {  	p0 =	sne.s32 s16, $0xE000  }
0xee: {  	s8 =	sadd.s32 $0x8480, s0;
	s29 =	sadd.s32 $0x8980, s0;
	s25 =	smov.u32 s16  }
0xef: {  	s16 =	sadd.s32 $0x2000, s16;
	s5 =	sadd.s32 $0x8780, s0;
	s26 =	sadd.s32 $0x8A00, s0;
	(v2sf) =	vpush v0, $0x7  }
0xf0: {  	s7 =	sadd.s32 $0x8680, s0;
	s20 =	sadd.s32 $0x8800, s0;
	s28 =	sadd.s32 $0x8A80, s0  }
0xf1: {  	s9 =	sadd.s32 $0x8400, s0;
	s10 =	sadd.s32 $0x8600, s0;
	(v2sf) =	vpush v0, $0x8  }
0xf2: {  	s31 =	simm.s32 $0x0;
	s11 =	sadd.s32 $0x8700, s0;
	s2 =	sadd.s32 $0x10, s2  }
0xf3: {  	s12 =	sadd.s32 $0x8500, s0;
	s23 =	sadd.s32 $0x8900, s0;
	s6 =	spop (v2sf);
	(v2sf) =	vpush v0, $0x9  }
0xf4: {  	s13 =	sand.u32 $0x1FFFFFF0, s6;
	s6 =	sadd.s32 $0x8880, s0;
	s14 =	spop (v2sf)  }
0xf5: {  	s13 =	sadd.s32 s4, s13;
	s14 =	sand.u32 $0x1FFFFFF0, s14;
	s15 =	spop (v2sf);
	(v2sf) =	vpush v0, $0xA  }
0xf6: {  	[tilespmem:s9], [sflag:$0x3] =	stream.linear.gather [hbm4b:s13+s31], $0x80, $0x38;
	[tilespmem:$0x18400] =	vst v63  }
0xf7: {  	s9 =	sadd.s32 s4, s14;
	s13 =	sadd.s32 $0x8580, s0;
	s14 =	spop (v2sf);
	(v2sf) =	vpush v0, $0xB  }
0xf8: {  	[tilespmem:s8], [sflag:$0x3] =	stream.linear.gather [hbm4b:s9+s31], $0x80, $0x38;
	[tilespmem:$0x18400] =	vst v63  }
0xf9: {  	s8 =	sand.u32 $0x1FFFFFF0, s15;
	s9 =	sand.u32 $0x1FFFFFF0, s14;
	s14 =	spop (v2sf);
	(v2sf) =	vpush v0, $0xC  }
0xfa: {  	s8 =	sadd.s32 s4, s8;
	s14 =	sand.u32 $0x1FFFFFF0, s14;
	s15 =	spop (v2sf)  }
0xfb: {  	[tilespmem:s12], [sflag:$0x3] =	stream.linear.gather [hbm4b:s8+s31], $0x80, $0x38;
	(v2sf) =	vpush v0, $0xD;
	[tilespmem:$0x18400] =	vst v63  }
0xfc: {  	s8 =	sadd.s32 s4, s14;
	s12 =	sand.u32 $0x1FFFFFF0, s15;
	s14 =	spop (v2sf)  }
0xfd: {  	[tilespmem:s13], [sflag:$0x3] =	stream.linear.gather [hbm4b:s8+s31], $0x80, $0x38;
	(v2sf) =	vpush v0, $0xE;
	[tilespmem:$0x18400] =	vst v63  }
0xfe: {  	s8 =	sadd.s32 s4, s9;
	s9 =	sand.u32 $0x1FFFFFF0, s14;
	s13 =	spop (v2sf)  }
0xff: {  	[tilespmem:s10], [sflag:$0x3] =	stream.linear.gather [hbm4b:s8+s31], $0x80, $0x38;
	(v2sf) =	vpush v0, $0xF;
	[tilespmem:$0x18400] =	vst v63  }
0x100: {  	s8 =	sadd.s32 s4, s12;
	s10 =	sand.u32 $0x1FFFFFF0, s13;
	s12 =	spop (v2sf)  }
0x101: {  	[tilespmem:s7], [sflag:$0x3] =	stream.linear.gather [hbm4b:s8+s31], $0x80, $0x38;
	[tilespmem:$0x18400] =	vst v63  }
0x102: {  	s7 =	sadd.s32 s4, s9;
	s8 =	sand.u32 $0x1FFFFFF0, s12;
	s9 =	spop (v2sf)  }
0x103: {  	[tilespmem:s11], [sflag:$0x3] =	stream.linear.gather [hbm4b:s7+s31], $0x80, $0x38;
	[tilespmem:$0x18400] =	vst v63  }
0x104: {  	s7 =	sadd.s32 s4, s10;
	s9 =	sand.u32 $0x1FFFFFF0, s9;
	s10 =	spop (v2sf)  }
0x105: {  	[tilespmem:s5], [sflag:$0x3] =	stream.linear.gather [hbm4b:s7+s31], $0x80, $0x38;
	[tilespmem:$0x18400] =	vst v63  }
0x106: {  	s5 =	sadd.s32 s4, s8;
	s7 =	sand.u32 $0x1FFFFFF0, s10;
	s8 =	spop (v2sf)  }
0x107: {  	[tilespmem:s20], [sflag:$0x3] =	stream.linear.gather [hbm4b:s5+s31], $0x80, $0x38;
	[tilespmem:$0x18400] =	vst v63  }
0x108: {  	s5 =	sadd.s32 s4, s9;
	s8 =	sand.u32 $0x1FFFFFF0, s8;
	s9 =	spop (v2sf)  }
0x109: {  	[tilespmem:s6], [sflag:$0x3] =	stream.linear.gather [hbm4b:s5+s31], $0x80, $0x38;
	[tilespmem:$0x18400] =	vst v63  }
0x10a: {  	s5 =	sadd.s32 s4, s7;
	s6 =	sand.u32 $0x1FFFFFF0, s9;
	s7 =	spop (v2sf)  }
0x10b: {  	[tilespmem:s23], [sflag:$0x3] =	stream.linear.gather [hbm4b:s5+s31], $0x80, $0x38;
	[tilespmem:$0x18400] =	vst v63  }
0x10c: {  	s5 =	sadd.s32 s4, s8;
	s7 =	sand.u32 $0x1FFFFFF0, s7;
	s8 =	spop (v2sf)  }
0x10d: {  	[tilespmem:s29], [sflag:$0x3] =	stream.linear.gather [hbm4b:s5+s31], $0x80, $0x38;
	[tilespmem:$0x18400] =	vst v63  }
0x10e: {  	s5 =	sadd.s32 s4, s6;
	s6 =	sand.u32 $0x1FFFFFF0, s8;
	s8 =	spop (v2sf)  }
0x10f: {  	[tilespmem:s26], [sflag:$0x3] =	stream.linear.gather [hbm4b:s5+s31], $0x80, $0x38;
	[tilespmem:$0x18400] =	vst v63  }
0x110: {  	s5 =	sadd.s32 s4, s7;
	s7 =	sand.u32 $0x1FFFFFF0, s8  }
0x111: {  	[tilespmem:s28], [sflag:$0x3] =	stream.linear.gather [hbm4b:s5+s31], $0x80, $0x38;
	[tilespmem:$0x18400] =	vst v63  }
0x112: {  	s6 =	sadd.s32 s4, s6;
	s5 =	sadd.s32 $0x8B00, s0  }
0x113: {  	[tilespmem:s5], [sflag:$0x3] =	stream.linear.gather [hbm4b:s6+s31], $0x80, $0x38;
	[tilespmem:$0x18400] =	vst v63  }
0x114: {  	s0 =	sadd.s32 $0x8B80, s0;
	s5 =	sadd.s32 s4, s7  }
0x115: {  	[tilespmem:s0], [sflag:$0x3] =	stream.linear.gather [hbm4b:s5+s31], $0x80, $0x38;
	[tilespmem:$0x18400] =	vst v63  }
0x116: {  	v0 =	vld [tilespmem:s2+$0x0];
	_ =	sdelay $0x4  }
0x117: {  	v0 =	vshll.u32 v0, $0x4  }
0x118: {  	(v2sf) =	vpush v0, $0x0  }
0x119: {  	(v2sf) =	vpush v0, $0x1  }
0x11a: {  	(v2sf) =	vpush v0, $0x2;
	_ =	sdelay $0x1  }
0x11b: {  	(v2sf) =	vpush v0, $0x4  }
.Ltmp2:
0x11c: {  	(pc) =	sbr.rel @p0 .LBB2_6-.Ltmp2, $3  }
0x11d: {  	(v2sf) =	vpush v0, $0x3  }
0x11e: {  	(v2sf) =	vpush v0, $0x5;
	_ =	sdelay $0x1  }
0x11f: {  	s0 =	sshra.s32 s25, $0x2;
	(v2sf) =	vpush v0, $0x6  }
0x120: {  	_ =	sdelay $0x1  }
0x121: {  	s6 =	sadd.s32 $0x8480, s0;
	s16 =	sadd.s32 $0x8980, s0  }
0x122: {  	s7 =	sadd.s32 $0x8780, s0;
	s2 =	sadd.s32 $0x8A00, s0;
	(v2sf) =	vpush v0, $0x7;
	s8 =	sadd.s32 $0x8680, s0  }
0x123: {  	s9 =	sadd.s32 $0x8800, s0;
	s5 =	sadd.s32 $0x8A80, s0;
	s10 =	sadd.s32 $0x8400, s0  }
0x124: {  	s11 =	sadd.s32 $0x8600, s0;
	s12 =	sadd.s32 $0x8700, s0;
	(v2sf) =	vpush v0, $0x8;
	s13 =	spop (v2sf)  }
0x125: {  	s14 =	sadd.s32 $0x8500, s0;
	s13 =	sand.u32 $0x1FFFFFF0, s13;
	s15 =	spop (v2sf)  }
0x126: {  	(v2sf) =	vpush v0, $0x9;
	s13 =	sadd.s32 s4, s13;
	s15 =	sand.u32 $0x1FFFFFF0, s15;
	s20 =	spop (v2sf)  }
0x127: {  	[tilespmem:s10], [sflag:$0x3] =	stream.linear.gather [hbm4b:s13+s31], $0x80, $0x38;
	[tilespmem:$0x18400] =	vst v63  }
0x128: {  	(v2sf) =	vpush v0, $0xA;
	s23 =	sadd.s32 s4, s15;
	s26 =	sand.u32 $0x1FFFFFF0, s20;
	s25 =	spop (v2sf)  }
0x129: {  	[tilespmem:s6], [sflag:$0x3] =	stream.linear.gather [hbm4b:s23+s31], $0x80, $0x38;
	[tilespmem:$0x18400] =	vst v63  }
0x12a: {  	s10 =	sadd.s32 $0x8900, s0;
	(v2sf) =	vpush v0, $0xB;
	s13 =	sadd.s32 s4, s26;
	s28 =	spop (v2sf)  }
0x12b: {  	s6 =	sadd.s32 $0x8880, s0;
	s23 =	sadd.s32 $0x8580, s0;
	s20 =	sand.u32 $0x1FFFFFF0, s28  }
0x12c: {  	(v2sf) =	vpush v0, $0xC;
	[tilespmem:s14], [sflag:$0x3] =	stream.linear.gather [hbm4b:s13+s31], $0x80, $0x38;
	[tilespmem:$0x18400] =	vst v63  }
0x12d: {  	s29 =	sand.u32 $0x1FFFFFF0, s25;
	s25 =	spop (v2sf);
	s26 =	sadd.s32 s4, s20  }
0x12e: {  	(v2sf) =	vpush v0, $0xD;
	[tilespmem:s23], [sflag:$0x3] =	stream.linear.gather [hbm4b:s26+s31], $0x80, $0x38;
	[tilespmem:$0x18400] =	vst v63  }
0x12f: {  	s13 =	sadd.s32 s4, s29;
	s14 =	sand.u32 $0x1FFFFFF0, s25;
	s28 =	spop (v2sf)  }
0x130: {  	(v2sf) =	vpush v0, $0xE;
	[tilespmem:s11], [sflag:$0x3] =	stream.linear.gather [hbm4b:s13+s31], $0x80, $0x38;
	[tilespmem:$0x18400] =	vst v63  }
0x131: {  	s14 =	sadd.s32 s4, s14;
	s29 =	sand.u32 $0x1FFFFFF0, s28;
	s15 =	spop (v2sf)  }
0x132: {  	(v2sf) =	vpush v0, $0xF;
	[tilespmem:s8], [sflag:$0x3] =	stream.linear.gather [hbm4b:s14+s31], $0x80, $0x38;
	[tilespmem:$0x18400] =	vst v63  }
0x133: {  	s20 =	sand.u32 $0x1FFFFFF0, s15;
	s23 =	spop (v2sf);
	s11 =	sadd.s32 s4, s29  }
0x134: {  	[tilespmem:s12], [sflag:$0x3] =	stream.linear.gather [hbm4b:s11+s31], $0x80, $0x38;
	[tilespmem:$0x18400] =	vst v63  }
0x135: {  	s25 =	sand.u32 $0x1FFFFFF0, s23;
	s8 =	sadd.s32 s4, s20;
	s26 =	spop (v2sf)  }
0x136: {  	[tilespmem:s7], [sflag:$0x3] =	stream.linear.gather [hbm4b:s8+s31], $0x80, $0x38;
	[tilespmem:$0x18400] =	vst v63  }
0x137: {  	s11 =	sadd.s32 s4, s25;
	s28 =	sand.u32 $0x1FFFFFF0, s26;
	s29 =	spop (v2sf)  }
0x138: {  	[tilespmem:s9], [sflag:$0x3] =	stream.linear.gather [hbm4b:s11+s31], $0x80, $0x38;
	[tilespmem:$0x18400] =	vst v63  }
0x139: {  	s8 =	sand.u32 $0x1FFFFFF0, s29;
	s7 =	sadd.s32 s4, s28;
	s11 =	spop (v2sf)  }
0x13a: {  	[tilespmem:s6], [sflag:$0x3] =	stream.linear.gather [hbm4b:s7+s31], $0x80, $0x38;
	[tilespmem:$0x18400] =	vst v63  }
0x13b: {  	s8 =	sadd.s32 s4, s8;
	s12 =	sand.u32 $0x1FFFFFF0, s11;
	s13 =	spop (v2sf)  }
0x13c: {  	[tilespmem:s10], [sflag:$0x3] =	stream.linear.gather [hbm4b:s8+s31], $0x80, $0x38;
	[tilespmem:$0x18400] =	vst v63  }
0x13d: {  	s6 =	sadd.s32 s4, s12;
	s7 =	sand.u32 $0x1FFFFFF0, s13;
	s14 =	spop (v2sf)  }
0x13e: {  	[tilespmem:s16], [sflag:$0x3] =	stream.linear.gather [hbm4b:s6+s31], $0x80, $0x38;
	[tilespmem:$0x18400] =	vst v63  }
0x13f: {  	s15 =	sand.u32 $0x1FFFFFF0, s14;
	s7 =	sadd.s32 s4, s7;
	s16 =	spop (v2sf)  }
0x140: {  	[tilespmem:s2], [sflag:$0x3] =	stream.linear.gather [hbm4b:s7+s31], $0x80, $0x38;
	[tilespmem:$0x18400] =	vst v63  }
0x141: {  	s6 =	sadd.s32 s4, s15;
	s20 =	sand.u32 $0x1FFFFFF0, s16;
	s23 =	spop (v2sf)  }
0x142: {  	[tilespmem:s5], [sflag:$0x3] =	stream.linear.gather [hbm4b:s6+s31], $0x80, $0x38;
	[tilespmem:$0x18400] =	vst v63  }
0x143: {  	s26 =	sadd.s32 $0x8B00, s0;
	s25 =	sand.u32 $0x1FFFFFF0, s23;
	s2 =	sadd.s32 s4, s20  }
0x144: {  	[tilespmem:s26], [sflag:$0x3] =	stream.linear.gather [hbm4b:s2+s31], $0x80, $0x38;
	[tilespmem:$0x18400] =	vst v63  }
0x145: {  	s28 =	sadd.s32 $0x8B80, s0;
	s29 =	sadd.s32 s4, s25;
	s2 =	simm.s32 $0x280  }
0x146: {  	[tilespmem:s28], [sflag:$0x3] =	stream.linear.gather [hbm4b:s29+s31], $0x80, $0x38;
	[tilespmem:$0x18400] =	vst v63  }
0x147: {  	v0 =	vld [tilespmem:s2+$0x0];
	_ =	sdelay $0x4  }
0x148: {  	v0 =	vshll.u32 v0, $0x4  }
0x149: {  	(v2sf) =	vpush v0, $0x0  }
0x14a: {  	(v2sf) =	vpush v0, $0x1  }
0x14b: {  	(v2sf) =	vpush v0, $0x2;
	_ =	sdelay $0x1  }
0x14c: {  	(v2sf) =	vpush v0, $0x4;
	_ =	sdelay $0x1  }
0x14d: {  	(v2sf) =	vpush v0, $0x3  }
0x14e: {  	(v2sf) =	vpush v0, $0x5  }
0x14f: {  	s0 =	simm.s32 $0x0;
	s16 =	simm.s32 $0x2000;
	(v2sf) =	vpush v0, $0x6  }
.LBB2_8:
0x150: {  	p0 =	sne.s32 s16, $0xE000  }
0x151: {  	s8 =	sadd.s32 $0xC480, s0;
	s29 =	sadd.s32 $0xC980, s0;
	s25 =	smov.u32 s16  }
0x152: {  	s16 =	sadd.s32 $0x2000, s16;
	s23 =	sadd.s32 $0xC780, s0;
	s26 =	sadd.s32 $0xCA00, s0;
	(v2sf) =	vpush v0, $0x7  }
0x153: {  	s7 =	sadd.s32 $0xC680, s0;
	s5 =	sadd.s32 $0xC800, s0;
	s28 =	sadd.s32 $0xCA80, s0  }
0x154: {  	s9 =	sadd.s32 $0xC400, s0;
	s10 =	sadd.s32 $0xC600, s0;
	(v2sf) =	vpush v0, $0x8  }
0x155: {  	s11 =	sadd.s32 $0xC700, s0;
	s2 =	sadd.s32 $0x10, s2  }
0x156: {  	s12 =	sadd.s32 $0xC500, s0;
	s20 =	sadd.s32 $0xC900, s0;
	s6 =	spop (v2sf);
	(v2sf) =	vpush v0, $0x9  }
0x157: {  	s13 =	sand.u32 $0x1FFFFFF0, s6;
	s6 =	sadd.s32 $0xC880, s0;
	s14 =	spop (v2sf)  }
0x158: {  	s13 =	sadd.s32 s3, s13;
	s14 =	sand.u32 $0x1FFFFFF0, s14;
	s15 =	spop (v2sf);
	(v2sf) =	vpush v0, $0xA  }
0x159: {  	[tilespmem:s9], [sflag:$0x4] =	stream.linear.gather [hbm4b:s13+s31], $0x80, $0x38;
	[tilespmem:$0x18400] =	vst v63  }
0x15a: {  	s9 =	sadd.s32 s3, s14;
	s13 =	sadd.s32 $0xC580, s0;
	s14 =	spop (v2sf);
	(v2sf) =	vpush v0, $0xB  }
0x15b: {  	[tilespmem:s8], [sflag:$0x4] =	stream.linear.gather [hbm4b:s9+s31], $0x80, $0x38;
	[tilespmem:$0x18400] =	vst v63  }
0x15c: {  	s8 =	sand.u32 $0x1FFFFFF0, s15;
	s9 =	sand.u32 $0x1FFFFFF0, s14;
	s14 =	spop (v2sf);
	(v2sf) =	vpush v0, $0xC  }
0x15d: {  	s8 =	sadd.s32 s3, s8;
	s14 =	sand.u32 $0x1FFFFFF0, s14;
	s15 =	spop (v2sf)  }
0x15e: {  	[tilespmem:s12], [sflag:$0x4] =	stream.linear.gather [hbm4b:s8+s31], $0x80, $0x38;
	(v2sf) =	vpush v0, $0xD;
	[tilespmem:$0x18400] =	vst v63  }
0x15f: {  	s8 =	sadd.s32 s3, s14;
	s12 =	sand.u32 $0x1FFFFFF0, s15;
	s14 =	spop (v2sf)  }
0x160: {  	[tilespmem:s13], [sflag:$0x4] =	stream.linear.gather [hbm4b:s8+s31], $0x80, $0x38;
	(v2sf) =	vpush v0, $0xE;
	[tilespmem:$0x18400] =	vst v63  }
0x161: {  	s8 =	sadd.s32 s3, s9;
	s9 =	sand.u32 $0x1FFFFFF0, s14;
	s13 =	spop (v2sf)  }
0x162: {  	[tilespmem:s10], [sflag:$0x4] =	stream.linear.gather [hbm4b:s8+s31], $0x80, $0x38;
	(v2sf) =	vpush v0, $0xF;
	[tilespmem:$0x18400] =	vst v63  }
0x163: {  	s8 =	sadd.s32 s3, s12;
	s10 =	sand.u32 $0x1FFFFFF0, s13;
	s12 =	spop (v2sf)  }
0x164: {  	[tilespmem:s7], [sflag:$0x4] =	stream.linear.gather [hbm4b:s8+s31], $0x80, $0x38;
	[tilespmem:$0x18400] =	vst v63  }
0x165: {  	s7 =	sadd.s32 s3, s9;
	s8 =	sand.u32 $0x1FFFFFF0, s12;
	s9 =	spop (v2sf)  }
0x166: {  	[tilespmem:s11], [sflag:$0x4] =	stream.linear.gather [hbm4b:s7+s31], $0x80, $0x38;
	[tilespmem:$0x18400] =	vst v63  }
0x167: {  	s7 =	sadd.s32 s3, s10;
	s9 =	sand.u32 $0x1FFFFFF0, s9;
	s10 =	spop (v2sf)  }
0x168: {  	[tilespmem:s23], [sflag:$0x4] =	stream.linear.gather [hbm4b:s7+s31], $0x80, $0x38;
	[tilespmem:$0x18400] =	vst v63  }
0x169: {  	s7 =	sadd.s32 s3, s8;
	s8 =	sand.u32 $0x1FFFFFF0, s10;
	s10 =	spop (v2sf)  }
0x16a: {  	[tilespmem:s5], [sflag:$0x4] =	stream.linear.gather [hbm4b:s7+s31], $0x80, $0x38;
	[tilespmem:$0x18400] =	vst v63  }
0x16b: {  	s5 =	sadd.s32 s3, s9;
	s7 =	sand.u32 $0x1FFFFFF0, s10;
	s9 =	spop (v2sf)  }
0x16c: {  	[tilespmem:s6], [sflag:$0x4] =	stream.linear.gather [hbm4b:s5+s31], $0x80, $0x38;
	[tilespmem:$0x18400] =	vst v63  }
0x16d: {  	s5 =	sadd.s32 s3, s8;
	s6 =	sand.u32 $0x1FFFFFF0, s9;
	s8 =	spop (v2sf)  }
0x16e: {  	[tilespmem:s20], [sflag:$0x4] =	stream.linear.gather [hbm4b:s5+s31], $0x80, $0x38;
	[tilespmem:$0x18400] =	vst v63  }
0x16f: {  	s5 =	sadd.s32 s3, s7;
	s7 =	sand.u32 $0x1FFFFFF0, s8;
	s8 =	spop (v2sf)  }
0x170: {  	[tilespmem:s29], [sflag:$0x4] =	stream.linear.gather [hbm4b:s5+s31], $0x80, $0x38;
	[tilespmem:$0x18400] =	vst v63  }
0x171: {  	s5 =	sadd.s32 s3, s6;
	s6 =	sand.u32 $0x1FFFFFF0, s8;
	s8 =	spop (v2sf)  }
0x172: {  	[tilespmem:s26], [sflag:$0x4] =	stream.linear.gather [hbm4b:s5+s31], $0x80, $0x38;
	[tilespmem:$0x18400] =	vst v63  }
0x173: {  	s5 =	sadd.s32 s3, s7;
	s7 =	sand.u32 $0x1FFFFFF0, s8  }
0x174: {  	[tilespmem:s28], [sflag:$0x4] =	stream.linear.gather [hbm4b:s5+s31], $0x80, $0x38;
	[tilespmem:$0x18400] =	vst v63  }
0x175: {  	s6 =	sadd.s32 s3, s6;
	s5 =	sadd.s32 $0xCB00, s0  }
0x176: {  	[tilespmem:s5], [sflag:$0x4] =	stream.linear.gather [hbm4b:s6+s31], $0x80, $0x38;
	[tilespmem:$0x18400] =	vst v63  }
0x177: {  	s0 =	sadd.s32 $0xCB80, s0;
	s5 =	sadd.s32 s3, s7  }
0x178: {  	[tilespmem:s0], [sflag:$0x4] =	stream.linear.gather [hbm4b:s5+s31], $0x80, $0x38;
	[tilespmem:$0x18400] =	vst v63  }
0x179: {  	v0 =	vld [tilespmem:s2+$0x0];
	_ =	sdelay $0x4  }
0x17a: {  	v0 =	vshll.u32 v0, $0x4  }
0x17b: {  	(v2sf) =	vpush v0, $0x0  }
0x17c: {  	(v2sf) =	vpush v0, $0x1  }
0x17d: {  	(v2sf) =	vpush v0, $0x2;
	_ =	sdelay $0x1  }
0x17e: {  	(v2sf) =	vpush v0, $0x4  }
.Ltmp3:
0x17f: {  	(pc) =	sbr.rel @p0 .LBB2_8-.Ltmp3, $3  }
0x180: {  	(v2sf) =	vpush v0, $0x3  }
0x181: {  	(v2sf) =	vpush v0, $0x5;
	_ =	sdelay $0x1  }
0x182: {  	s0 =	sshra.s32 s25, $0x2;
	(v2sf) =	vpush v0, $0x6  }
0x183: {  	_ =	sdelay $0x1  }
0x184: {  	s6 =	sadd.s32 $0xC480, s0;
	s16 =	sadd.s32 $0xC980, s0  }
0x185: {  	s7 =	sadd.s32 $0xC780, s0;
	s2 =	sadd.s32 $0xCA00, s0;
	(v2sf) =	vpush v0, $0x7;
	s8 =	sadd.s32 $0xC680, s0  }
0x186: {  	s9 =	sadd.s32 $0xC800, s0;
	s5 =	sadd.s32 $0xCA80, s0;
	s10 =	sadd.s32 $0xC400, s0  }
0x187: {  	s11 =	sadd.s32 $0xC600, s0;
	s12 =	sadd.s32 $0xC700, s0;
	(v2sf) =	vpush v0, $0x8;
	s13 =	spop (v2sf)  }
0x188: {  	s14 =	sadd.s32 $0xC500, s0;
	s13 =	sand.u32 $0x1FFFFFF0, s13;
	s15 =	spop (v2sf)  }
0x189: {  	(v2sf) =	vpush v0, $0x9;
	s13 =	sadd.s32 s3, s13;
	s15 =	sand.u32 $0x1FFFFFF0, s15;
	s20 =	spop (v2sf)  }
0x18a: {  	[tilespmem:s10], [sflag:$0x4] =	stream.linear.gather [hbm4b:s13+s31], $0x80, $0x38;
	[tilespmem:$0x18400] =	vst v63  }
0x18b: {  	(v2sf) =	vpush v0, $0xA;
	s23 =	sadd.s32 s3, s15;
	s26 =	sand.u32 $0x1FFFFFF0, s20;
	s25 =	spop (v2sf)  }
0x18c: {  	[tilespmem:s6], [sflag:$0x4] =	stream.linear.gather [hbm4b:s23+s31], $0x80, $0x38;
	[tilespmem:$0x18400] =	vst v63  }
0x18d: {  	s10 =	sadd.s32 $0xC900, s0;
	(v2sf) =	vpush v0, $0xB;
	s13 =	sadd.s32 s3, s26;
	s28 =	spop (v2sf)  }
0x18e: {  	s6 =	sadd.s32 $0xC880, s0;
	s23 =	sadd.s32 $0xC580, s0;
	s20 =	sand.u32 $0x1FFFFFF0, s28  }
0x18f: {  	(v2sf) =	vpush v0, $0xC;
	[tilespmem:s14], [sflag:$0x4] =	stream.linear.gather [hbm4b:s13+s31], $0x80, $0x38;
	[tilespmem:$0x18400] =	vst v63  }
0x190: {  	s29 =	sand.u32 $0x1FFFFFF0, s25;
	s25 =	spop (v2sf);
	s26 =	sadd.s32 s3, s20  }
0x191: {  	(v2sf) =	vpush v0, $0xD;
	[tilespmem:s23], [sflag:$0x4] =	stream.linear.gather [hbm4b:s26+s31], $0x80, $0x38;
	[tilespmem:$0x18400] =	vst v63  }
0x192: {  	s13 =	sadd.s32 s3, s29;
	s14 =	sand.u32 $0x1FFFFFF0, s25;
	s28 =	spop (v2sf)  }
0x193: {  	(v2sf) =	vpush v0, $0xE;
	[tilespmem:s11], [sflag:$0x4] =	stream.linear.gather [hbm4b:s13+s31], $0x80, $0x38;
	[tilespmem:$0x18400] =	vst v63  }
0x194: {  	s14 =	sadd.s32 s3, s14;
	s29 =	sand.u32 $0x1FFFFFF0, s28;
	s15 =	spop (v2sf)  }
0x195: {  	(v2sf) =	vpush v0, $0xF;
	[tilespmem:s8], [sflag:$0x4] =	stream.linear.gather [hbm4b:s14+s31], $0x80, $0x38;
	[tilespmem:$0x18400] =	vst v63  }
0x196: {  	s20 =	sand.u32 $0x1FFFFFF0, s15;
	s23 =	spop (v2sf);
	s11 =	sadd.s32 s3, s29  }
0x197: {  	[tilespmem:s12], [sflag:$0x4] =	stream.linear.gather [hbm4b:s11+s31], $0x80, $0x38;
	[tilespmem:$0x18400] =	vst v63  }
0x198: {  	s25 =	sand.u32 $0x1FFFFFF0, s23;
	s8 =	sadd.s32 s3, s20;
	s26 =	spop (v2sf)  }
0x199: {  	[tilespmem:s7], [sflag:$0x4] =	stream.linear.gather [hbm4b:s8+s31], $0x80, $0x38;
	[tilespmem:$0x18400] =	vst v63  }
0x19a: {  	s11 =	sadd.s32 s3, s25;
	s28 =	sand.u32 $0x1FFFFFF0, s26;
	s29 =	spop (v2sf)  }
0x19b: {  	[tilespmem:s9], [sflag:$0x4] =	stream.linear.gather [hbm4b:s11+s31], $0x80, $0x38;
	[tilespmem:$0x18400] =	vst v63  }
0x19c: {  	s8 =	sand.u32 $0x1FFFFFF0, s29;
	s7 =	sadd.s32 s3, s28;
	s11 =	spop (v2sf)  }
0x19d: {  	[tilespmem:s6], [sflag:$0x4] =	stream.linear.gather [hbm4b:s7+s31], $0x80, $0x38;
	[tilespmem:$0x18400] =	vst v63  }
0x19e: {  	s8 =	sadd.s32 s3, s8;
	s12 =	sand.u32 $0x1FFFFFF0, s11;
	s13 =	spop (v2sf)  }
0x19f: {  	[tilespmem:s10], [sflag:$0x4] =	stream.linear.gather [hbm4b:s8+s31], $0x80, $0x38;
	[tilespmem:$0x18400] =	vst v63  }
0x1a0: {  	s6 =	sadd.s32 s3, s12;
	s7 =	sand.u32 $0x1FFFFFF0, s13;
	s14 =	spop (v2sf)  }
0x1a1: {  	[tilespmem:s16], [sflag:$0x4] =	stream.linear.gather [hbm4b:s6+s31], $0x80, $0x38;
	[tilespmem:$0x18400] =	vst v63  }
0x1a2: {  	s15 =	sand.u32 $0x1FFFFFF0, s14;
	s7 =	sadd.s32 s3, s7;
	s16 =	spop (v2sf)  }
0x1a3: {  	[tilespmem:s2], [sflag:$0x4] =	stream.linear.gather [hbm4b:s7+s31], $0x80, $0x38;
	[tilespmem:$0x18400] =	vst v63  }
0x1a4: {  	s6 =	sadd.s32 s3, s15;
	s20 =	sand.u32 $0x1FFFFFF0, s16;
	s23 =	spop (v2sf)  }
0x1a5: {  	[tilespmem:s5], [sflag:$0x4] =	stream.linear.gather [hbm4b:s6+s31], $0x80, $0x38;
	[tilespmem:$0x18400] =	vst v63  }
0x1a6: {  	s26 =	sadd.s32 $0xCB00, s0;
	s25 =	sand.u32 $0x1FFFFFF0, s23;
	s2 =	sadd.s32 s3, s20  }
0x1a7: {  	[tilespmem:s26], [sflag:$0x4] =	stream.linear.gather [hbm4b:s2+s31], $0x80, $0x38;
	[tilespmem:$0x18400] =	vst v63  }
0x1a8: {  	s28 =	sadd.s32 $0xCB80, s0;
	s29 =	sadd.s32 s3, s25;
	s2 =	simm.s32 $0x100  }
0x1a9: {  	[tilespmem:s28], [sflag:$0x4] =	stream.linear.gather [hbm4b:s29+s31], $0x80, $0x38;
	[tilespmem:$0x18400] =	vst v63  }
0x1aa: {  	v0 =	vld [tilespmem:s2+$0x0];
	_ =	sdelay $0x4  }
0x1ab: {  	v0 =	vshll.u32 v0, $0x4  }
0x1ac: {  	(v2sf) =	vpush v0, $0x0  }
0x1ad: {  	(v2sf) =	vpush v0, $0x1  }
0x1ae: {  	(v2sf) =	vpush v0, $0x2;
	_ =	sdelay $0x1  }
0x1af: {  	(v2sf) =	vpush v0, $0x4;
	_ =	sdelay $0x1  }
0x1b0: {  	(v2sf) =	vpush v0, $0x3  }
0x1b1: {  	(v2sf) =	vpush v0, $0x5  }
0x1b2: {  	s0 =	simm.s32 $0x0;
	s16 =	simm.s32 $0x2000;
	(v2sf) =	vpush v0, $0x6  }
.LBB2_10:
0x1b3: {  	p0 =	sne.s32 s16, $0xE000  }
0x1b4: {  	s8 =	sadd.s32 $0x10480, s0;
	s29 =	sadd.s32 $0x10980, s0;
	s25 =	smov.u32 s16  }
0x1b5: {  	s16 =	sadd.s32 $0x2000, s16;
	s5 =	sadd.s32 $0x10780, s0;
	s26 =	sadd.s32 $0x10A00, s0;
	(v2sf) =	vpush v0, $0x7  }
0x1b6: {  	s7 =	sadd.s32 $0x10680, s0;
	s20 =	sadd.s32 $0x10800, s0;
	s28 =	sadd.s32 $0x10A80, s0  }
0x1b7: {  	s9 =	sadd.s32 $0x10400, s0;
	s10 =	sadd.s32 $0x10600, s0;
	(v2sf) =	vpush v0, $0x8  }
0x1b8: {  	s31 =	simm.s32 $0x0;
	s11 =	sadd.s32 $0x10700, s0;
	s2 =	sadd.s32 $0x10, s2  }
0x1b9: {  	s12 =	sadd.s32 $0x10500, s0;
	s23 =	sadd.s32 $0x10900, s0;
	s6 =	spop (v2sf);
	(v2sf) =	vpush v0, $0x9  }
0x1ba: {  	s13 =	sand.u32 $0x1FFFFFF0, s6;
	s6 =	sadd.s32 $0x10880, s0;
	s14 =	spop (v2sf)  }
0x1bb: {  	s13 =	sadd.s32 s4, s13;
	s14 =	sand.u32 $0x1FFFFFF0, s14;
	s15 =	spop (v2sf);
	(v2sf) =	vpush v0, $0xA  }
0x1bc: {  	[tilespmem:s9], [sflag:$0x3] =	stream.linear.gather [hbm4b:s13+s31], $0x80, $0x38;
	[tilespmem:$0x18400] =	vst v63  }
0x1bd: {  	s9 =	sadd.s32 s4, s14;
	s13 =	sadd.s32 $0x10580, s0;
	s14 =	spop (v2sf);
	(v2sf) =	vpush v0, $0xB  }
0x1be: {  	[tilespmem:s8], [sflag:$0x3] =	stream.linear.gather [hbm4b:s9+s31], $0x80, $0x38;
	[tilespmem:$0x18400] =	vst v63  }
0x1bf: {  	s8 =	sand.u32 $0x1FFFFFF0, s15;
	s9 =	sand.u32 $0x1FFFFFF0, s14;
	s14 =	spop (v2sf);
	(v2sf) =	vpush v0, $0xC  }
0x1c0: {  	s8 =	sadd.s32 s4, s8;
	s14 =	sand.u32 $0x1FFFFFF0, s14;
	s15 =	spop (v2sf)  }
0x1c1: {  	[tilespmem:s12], [sflag:$0x3] =	stream.linear.gather [hbm4b:s8+s31], $0x80, $0x38;
	(v2sf) =	vpush v0, $0xD;
	[tilespmem:$0x18400] =	vst v63  }
0x1c2: {  	s8 =	sadd.s32 s4, s14;
	s12 =	sand.u32 $0x1FFFFFF0, s15;
	s14 =	spop (v2sf)  }
0x1c3: {  	[tilespmem:s13], [sflag:$0x3] =	stream.linear.gather [hbm4b:s8+s31], $0x80, $0x38;
	(v2sf) =	vpush v0, $0xE;
	[tilespmem:$0x18400] =	vst v63  }
0x1c4: {  	s8 =	sadd.s32 s4, s9;
	s9 =	sand.u32 $0x1FFFFFF0, s14;
	s13 =	spop (v2sf)  }
0x1c5: {  	[tilespmem:s10], [sflag:$0x3] =	stream.linear.gather [hbm4b:s8+s31], $0x80, $0x38;
	(v2sf) =	vpush v0, $0xF;
	[tilespmem:$0x18400] =	vst v63  }
0x1c6: {  	s8 =	sadd.s32 s4, s12;
	s10 =	sand.u32 $0x1FFFFFF0, s13;
	s12 =	spop (v2sf)  }
0x1c7: {  	[tilespmem:s7], [sflag:$0x3] =	stream.linear.gather [hbm4b:s8+s31], $0x80, $0x38;
	[tilespmem:$0x18400] =	vst v63  }
0x1c8: {  	s7 =	sadd.s32 s4, s9;
	s8 =	sand.u32 $0x1FFFFFF0, s12;
	s9 =	spop (v2sf)  }
0x1c9: {  	[tilespmem:s11], [sflag:$0x3] =	stream.linear.gather [hbm4b:s7+s31], $0x80, $0x38;
	[tilespmem:$0x18400] =	vst v63  }
0x1ca: {  	s7 =	sadd.s32 s4, s10;
	s9 =	sand.u32 $0x1FFFFFF0, s9;
	s10 =	spop (v2sf)  }
0x1cb: {  	[tilespmem:s5], [sflag:$0x3] =	stream.linear.gather [hbm4b:s7+s31], $0x80, $0x38;
	[tilespmem:$0x18400] =	vst v63  }
0x1cc: {  	s5 =	sadd.s32 s4, s8;
	s7 =	sand.u32 $0x1FFFFFF0, s10;
	s8 =	spop (v2sf)  }
0x1cd: {  	[tilespmem:s20], [sflag:$0x3] =	stream.linear.gather [hbm4b:s5+s31], $0x80, $0x38;
	[tilespmem:$0x18400] =	vst v63  }
0x1ce: {  	s5 =	sadd.s32 s4, s9;
	s8 =	sand.u32 $0x1FFFFFF0, s8;
	s9 =	spop (v2sf)  }
0x1cf: {  	[tilespmem:s6], [sflag:$0x3] =	stream.linear.gather [hbm4b:s5+s31], $0x80, $0x38;
	[tilespmem:$0x18400] =	vst v63  }
0x1d0: {  	s5 =	sadd.s32 s4, s7;
	s6 =	sand.u32 $0x1FFFFFF0, s9;
	s7 =	spop (v2sf)  }
0x1d1: {  	[tilespmem:s23], [sflag:$0x3] =	stream.linear.gather [hbm4b:s5+s31], $0x80, $0x38;
	[tilespmem:$0x18400] =	vst v63  }
0x1d2: {  	s5 =	sadd.s32 s4, s8;
	s7 =	sand.u32 $0x1FFFFFF0, s7;
	s8 =	spop (v2sf)  }
0x1d3: {  	[tilespmem:s29], [sflag:$0x3] =	stream.linear.gather [hbm4b:s5+s31], $0x80, $0x38;
	[tilespmem:$0x18400] =	vst v63  }
0x1d4: {  	s5 =	sadd.s32 s4, s6;
	s6 =	sand.u32 $0x1FFFFFF0, s8;
	s8 =	spop (v2sf)  }
0x1d5: {  	[tilespmem:s26], [sflag:$0x3] =	stream.linear.gather [hbm4b:s5+s31], $0x80, $0x38;
	[tilespmem:$0x18400] =	vst v63  }
0x1d6: {  	s5 =	sadd.s32 s4, s7;
	s7 =	sand.u32 $0x1FFFFFF0, s8  }
0x1d7: {  	[tilespmem:s28], [sflag:$0x3] =	stream.linear.gather [hbm4b:s5+s31], $0x80, $0x38;
	[tilespmem:$0x18400] =	vst v63  }
0x1d8: {  	s6 =	sadd.s32 s4, s6;
	s5 =	sadd.s32 $0x10B00, s0  }
0x1d9: {  	[tilespmem:s5], [sflag:$0x3] =	stream.linear.gather [hbm4b:s6+s31], $0x80, $0x38;
	[tilespmem:$0x18400] =	vst v63  }
0x1da: {  	s0 =	sadd.s32 $0x10B80, s0;
	s5 =	sadd.s32 s4, s7  }
0x1db: {  	[tilespmem:s0], [sflag:$0x3] =	stream.linear.gather [hbm4b:s5+s31], $0x80, $0x38;
	[tilespmem:$0x18400] =	vst v63  }
0x1dc: {  	v0 =	vld [tilespmem:s2+$0x0];
	_ =	sdelay $0x4  }
0x1dd: {  	v0 =	vshll.u32 v0, $0x4  }
0x1de: {  	(v2sf) =	vpush v0, $0x0  }
0x1df: {  	(v2sf) =	vpush v0, $0x1  }
0x1e0: {  	(v2sf) =	vpush v0, $0x2;
	_ =	sdelay $0x1  }
0x1e1: {  	(v2sf) =	vpush v0, $0x4  }
.Ltmp4:
0x1e2: {  	(pc) =	sbr.rel @p0 .LBB2_10-.Ltmp4, $3  }
0x1e3: {  	(v2sf) =	vpush v0, $0x3  }
0x1e4: {  	(v2sf) =	vpush v0, $0x5;
	_ =	sdelay $0x1  }
0x1e5: {  	s0 =	sshra.s32 s25, $0x2;
	(v2sf) =	vpush v0, $0x6  }
0x1e6: {  	_ =	sdelay $0x1  }
0x1e7: {  	s6 =	sadd.s32 $0x10480, s0;
	s16 =	sadd.s32 $0x10980, s0  }
0x1e8: {  	s7 =	sadd.s32 $0x10780, s0;
	s2 =	sadd.s32 $0x10A00, s0;
	(v2sf) =	vpush v0, $0x7;
	s8 =	sadd.s32 $0x10680, s0  }
0x1e9: {  	s9 =	sadd.s32 $0x10800, s0;
	s5 =	sadd.s32 $0x10A80, s0;
	s10 =	sadd.s32 $0x10400, s0  }
0x1ea: {  	s11 =	sadd.s32 $0x10600, s0;
	s12 =	sadd.s32 $0x10700, s0;
	(v2sf) =	vpush v0, $0x8;
	s13 =	spop (v2sf)  }
0x1eb: {  	s14 =	sadd.s32 $0x10500, s0;
	s13 =	sand.u32 $0x1FFFFFF0, s13;
	s15 =	spop (v2sf)  }
0x1ec: {  	(v2sf) =	vpush v0, $0x9;
	s13 =	sadd.s32 s4, s13;
	s15 =	sand.u32 $0x1FFFFFF0, s15;
	s20 =	spop (v2sf)  }
0x1ed: {  	[tilespmem:s10], [sflag:$0x3] =	stream.linear.gather [hbm4b:s13+s31], $0x80, $0x38;
	[tilespmem:$0x18400] =	vst v63  }
0x1ee: {  	(v2sf) =	vpush v0, $0xA;
	s23 =	sadd.s32 s4, s15;
	s26 =	sand.u32 $0x1FFFFFF0, s20;
	s25 =	spop (v2sf)  }
0x1ef: {  	[tilespmem:s6], [sflag:$0x3] =	stream.linear.gather [hbm4b:s23+s31], $0x80, $0x38;
	[tilespmem:$0x18400] =	vst v63  }
0x1f0: {  	s10 =	sadd.s32 $0x10900, s0;
	(v2sf) =	vpush v0, $0xB;
	s13 =	sadd.s32 s4, s26;
	s28 =	spop (v2sf)  }
0x1f1: {  	s6 =	sadd.s32 $0x10880, s0;
	s23 =	sadd.s32 $0x10580, s0;
	s20 =	sand.u32 $0x1FFFFFF0, s28  }
0x1f2: {  	(v2sf) =	vpush v0, $0xC;
	[tilespmem:s14], [sflag:$0x3] =	stream.linear.gather [hbm4b:s13+s31], $0x80, $0x38;
	[tilespmem:$0x18400] =	vst v63  }
0x1f3: {  	s29 =	sand.u32 $0x1FFFFFF0, s25;
	s25 =	spop (v2sf);
	s26 =	sadd.s32 s4, s20  }
0x1f4: {  	(v2sf) =	vpush v0, $0xD;
	[tilespmem:s23], [sflag:$0x3] =	stream.linear.gather [hbm4b:s26+s31], $0x80, $0x38;
	[tilespmem:$0x18400] =	vst v63  }
0x1f5: {  	s13 =	sadd.s32 s4, s29;
	s14 =	sand.u32 $0x1FFFFFF0, s25;
	s28 =	spop (v2sf)  }
0x1f6: {  	(v2sf) =	vpush v0, $0xE;
	[tilespmem:s11], [sflag:$0x3] =	stream.linear.gather [hbm4b:s13+s31], $0x80, $0x38;
	[tilespmem:$0x18400] =	vst v63  }
0x1f7: {  	s14 =	sadd.s32 s4, s14;
	s29 =	sand.u32 $0x1FFFFFF0, s28;
	s15 =	spop (v2sf)  }
0x1f8: {  	(v2sf) =	vpush v0, $0xF;
	[tilespmem:s8], [sflag:$0x3] =	stream.linear.gather [hbm4b:s14+s31], $0x80, $0x38;
	[tilespmem:$0x18400] =	vst v63  }
0x1f9: {  	s20 =	sand.u32 $0x1FFFFFF0, s15;
	s23 =	spop (v2sf);
	s11 =	sadd.s32 s4, s29  }
0x1fa: {  	[tilespmem:s12], [sflag:$0x3] =	stream.linear.gather [hbm4b:s11+s31], $0x80, $0x38;
	[tilespmem:$0x18400] =	vst v63  }
0x1fb: {  	s25 =	sand.u32 $0x1FFFFFF0, s23;
	s8 =	sadd.s32 s4, s20;
	s26 =	spop (v2sf)  }
0x1fc: {  	[tilespmem:s7], [sflag:$0x3] =	stream.linear.gather [hbm4b:s8+s31], $0x80, $0x38;
	[tilespmem:$0x18400] =	vst v63  }
0x1fd: {  	s11 =	sadd.s32 s4, s25;
	s28 =	sand.u32 $0x1FFFFFF0, s26;
	s29 =	spop (v2sf)  }
0x1fe: {  	[tilespmem:s9], [sflag:$0x3] =	stream.linear.gather [hbm4b:s11+s31], $0x80, $0x38;
	[tilespmem:$0x18400] =	vst v63  }
0x1ff: {  	s8 =	sand.u32 $0x1FFFFFF0, s29;
	s7 =	sadd.s32 s4, s28;
	s11 =	spop (v2sf)  }
0x200: {  	[tilespmem:s6], [sflag:$0x3] =	stream.linear.gather [hbm4b:s7+s31], $0x80, $0x38;
	[tilespmem:$0x18400] =	vst v63  }
0x201: {  	s8 =	sadd.s32 s4, s8;
	s12 =	sand.u32 $0x1FFFFFF0, s11;
	s13 =	spop (v2sf)  }
0x202: {  	[tilespmem:s10], [sflag:$0x3] =	stream.linear.gather [hbm4b:s8+s31], $0x80, $0x38;
	[tilespmem:$0x18400] =	vst v63  }
0x203: {  	s6 =	sadd.s32 s4, s12;
	s7 =	sand.u32 $0x1FFFFFF0, s13;
	s14 =	spop (v2sf)  }
0x204: {  	[tilespmem:s16], [sflag:$0x3] =	stream.linear.gather [hbm4b:s6+s31], $0x80, $0x38;
	[tilespmem:$0x18400] =	vst v63  }
0x205: {  	s15 =	sand.u32 $0x1FFFFFF0, s14;
	s7 =	sadd.s32 s4, s7;
	s16 =	spop (v2sf)  }
0x206: {  	[tilespmem:s2], [sflag:$0x3] =	stream.linear.gather [hbm4b:s7+s31], $0x80, $0x38;
	[tilespmem:$0x18400] =	vst v63  }
0x207: {  	s6 =	sadd.s32 s4, s15;
	s20 =	sand.u32 $0x1FFFFFF0, s16;
	s23 =	spop (v2sf)  }
0x208: {  	[tilespmem:s5], [sflag:$0x3] =	stream.linear.gather [hbm4b:s6+s31], $0x80, $0x38;
	[tilespmem:$0x18400] =	vst v63  }
0x209: {  	s26 =	sadd.s32 $0x10B00, s0;
	s25 =	sand.u32 $0x1FFFFFF0, s23;
	s2 =	sadd.s32 s4, s20  }
0x20a: {  	[tilespmem:s26], [sflag:$0x3] =	stream.linear.gather [hbm4b:s2+s31], $0x80, $0x38;
	[tilespmem:$0x18400] =	vst v63  }
0x20b: {  	s28 =	sadd.s32 $0x10B80, s0;
	s29 =	sadd.s32 s4, s25;
	s2 =	simm.s32 $0x300  }
0x20c: {  	[tilespmem:s28], [sflag:$0x3] =	stream.linear.gather [hbm4b:s29+s31], $0x80, $0x38;
	[tilespmem:$0x18400] =	vst v63  }
0x20d: {  	v0 =	vld [tilespmem:s2+$0x0];
	_ =	sdelay $0x4  }
0x20e: {  	v0 =	vshll.u32 v0, $0x4  }
0x20f: {  	(v2sf) =	vpush v0, $0x0  }
0x210: {  	(v2sf) =	vpush v0, $0x1  }
0x211: {  	(v2sf) =	vpush v0, $0x2;
	_ =	sdelay $0x1  }
0x212: {  	(v2sf) =	vpush v0, $0x4;
	_ =	sdelay $0x1  }
0x213: {  	(v2sf) =	vpush v0, $0x3  }
0x214: {  	(v2sf) =	vpush v0, $0x5  }
0x215: {  	s0 =	simm.s32 $0x0;
	s16 =	simm.s32 $0x2000;
	(v2sf) =	vpush v0, $0x6  }
.LBB2_12:
0x216: {  	p0 =	sne.s32 s16, $0xE000  }
0x217: {  	s8 =	sadd.s32 $0x14480, s0;
	s29 =	sadd.s32 $0x14980, s0;
	s25 =	smov.u32 s16  }
0x218: {  	s16 =	sadd.s32 $0x2000, s16;
	s23 =	sadd.s32 $0x14780, s0;
	s26 =	sadd.s32 $0x14A00, s0;
	(v2sf) =	vpush v0, $0x7  }
0x219: {  	s7 =	sadd.s32 $0x14680, s0;
	s5 =	sadd.s32 $0x14800, s0;
	s28 =	sadd.s32 $0x14A80, s0  }
0x21a: {  	s9 =	sadd.s32 $0x14400, s0;
	s10 =	sadd.s32 $0x14600, s0;
	(v2sf) =	vpush v0, $0x8  }
0x21b: {  	s11 =	sadd.s32 $0x14700, s0;
	s2 =	sadd.s32 $0x10, s2  }
0x21c: {  	s12 =	sadd.s32 $0x14500, s0;
	s20 =	sadd.s32 $0x14900, s0;
	s6 =	spop (v2sf);
	(v2sf) =	vpush v0, $0x9  }
0x21d: {  	s13 =	sand.u32 $0x1FFFFFF0, s6;
	s6 =	sadd.s32 $0x14880, s0;
	s14 =	spop (v2sf)  }
0x21e: {  	s13 =	sadd.s32 s3, s13;
	s14 =	sand.u32 $0x1FFFFFF0, s14;
	s15 =	spop (v2sf);
	(v2sf) =	vpush v0, $0xA  }
0x21f: {  	[tilespmem:s9], [sflag:$0x4] =	stream.linear.gather [hbm4b:s13+s1], $0x80, $0x38;
	[tilespmem:$0x18400] =	vst v63  }
0x220: {  	s9 =	sadd.s32 s3, s14;
	s13 =	sadd.s32 $0x14580, s0;
	s14 =	spop (v2sf);
	(v2sf) =	vpush v0, $0xB  }
0x221: {  	[tilespmem:s8], [sflag:$0x4] =	stream.linear.gather [hbm4b:s9+s1], $0x80, $0x38;
	[tilespmem:$0x18400] =	vst v63  }
0x222: {  	s8 =	sand.u32 $0x1FFFFFF0, s15;
	s9 =	sand.u32 $0x1FFFFFF0, s14;
	s14 =	spop (v2sf);
	(v2sf) =	vpush v0, $0xC  }
0x223: {  	s8 =	sadd.s32 s3, s8;
	s14 =	sand.u32 $0x1FFFFFF0, s14;
	s15 =	spop (v2sf)  }
0x224: {  	[tilespmem:s12], [sflag:$0x4] =	stream.linear.gather [hbm4b:s8+s1], $0x80, $0x38;
	(v2sf) =	vpush v0, $0xD;
	[tilespmem:$0x18400] =	vst v63  }
0x225: {  	s8 =	sadd.s32 s3, s14;
	s12 =	sand.u32 $0x1FFFFFF0, s15;
	s14 =	spop (v2sf)  }
0x226: {  	[tilespmem:s13], [sflag:$0x4] =	stream.linear.gather [hbm4b:s8+s1], $0x80, $0x38;
	(v2sf) =	vpush v0, $0xE;
	[tilespmem:$0x18400] =	vst v63  }
0x227: {  	s8 =	sadd.s32 s3, s9;
	s9 =	sand.u32 $0x1FFFFFF0, s14;
	s13 =	spop (v2sf)  }
0x228: {  	[tilespmem:s10], [sflag:$0x4] =	stream.linear.gather [hbm4b:s8+s1], $0x80, $0x38;
	(v2sf) =	vpush v0, $0xF;
	[tilespmem:$0x18400] =	vst v63  }
0x229: {  	s8 =	sadd.s32 s3, s12;
	s10 =	sand.u32 $0x1FFFFFF0, s13;
	s12 =	spop (v2sf)  }
0x22a: {  	[tilespmem:s7], [sflag:$0x4] =	stream.linear.gather [hbm4b:s8+s1], $0x80, $0x38;
	[tilespmem:$0x18400] =	vst v63  }
0x22b: {  	s7 =	sadd.s32 s3, s9;
	s8 =	sand.u32 $0x1FFFFFF0, s12;
	s9 =	spop (v2sf)  }
0x22c: {  	[tilespmem:s11], [sflag:$0x4] =	stream.linear.gather [hbm4b:s7+s1], $0x80, $0x38;
	[tilespmem:$0x18400] =	vst v63  }
0x22d: {  	s7 =	sadd.s32 s3, s10;
	s9 =	sand.u32 $0x1FFFFFF0, s9;
	s10 =	spop (v2sf)  }
0x22e: {  	[tilespmem:s23], [sflag:$0x4] =	stream.linear.gather [hbm4b:s7+s1], $0x80, $0x38;
	[tilespmem:$0x18400] =	vst v63  }
0x22f: {  	s7 =	sadd.s32 s3, s8;
	s8 =	sand.u32 $0x1FFFFFF0, s10;
	s10 =	spop (v2sf)  }
0x230: {  	[tilespmem:s5], [sflag:$0x4] =	stream.linear.gather [hbm4b:s7+s1], $0x80, $0x38;
	[tilespmem:$0x18400] =	vst v63  }
0x231: {  	s5 =	sadd.s32 s3, s9;
	s7 =	sand.u32 $0x1FFFFFF0, s10;
	s9 =	spop (v2sf)  }
0x232: {  	[tilespmem:s6], [sflag:$0x4] =	stream.linear.gather [hbm4b:s5+s1], $0x80, $0x38;
	[tilespmem:$0x18400] =	vst v63  }
0x233: {  	s5 =	sadd.s32 s3, s8;
	s6 =	sand.u32 $0x1FFFFFF0, s9;
	s8 =	spop (v2sf)  }
0x234: {  	[tilespmem:s20], [sflag:$0x4] =	stream.linear.gather [hbm4b:s5+s1], $0x80, $0x38;
	[tilespmem:$0x18400] =	vst v63  }
0x235: {  	s5 =	sadd.s32 s3, s7;
	s7 =	sand.u32 $0x1FFFFFF0, s8;
	s8 =	spop (v2sf)  }
0x236: {  	[tilespmem:s29], [sflag:$0x4] =	stream.linear.gather [hbm4b:s5+s1], $0x80, $0x38;
	[tilespmem:$0x18400] =	vst v63  }
0x237: {  	s5 =	sadd.s32 s3, s6;
	s6 =	sand.u32 $0x1FFFFFF0, s8;
	s8 =	spop (v2sf)  }
0x238: {  	[tilespmem:s26], [sflag:$0x4] =	stream.linear.gather [hbm4b:s5+s1], $0x80, $0x38;
	[tilespmem:$0x18400] =	vst v63  }
0x239: {  	s5 =	sadd.s32 s3, s7;
	s7 =	sand.u32 $0x1FFFFFF0, s8  }
0x23a: {  	[tilespmem:s28], [sflag:$0x4] =	stream.linear.gather [hbm4b:s5+s1], $0x80, $0x38;
	[tilespmem:$0x18400] =	vst v63  }
0x23b: {  	s6 =	sadd.s32 s3, s6;
	s5 =	sadd.s32 $0x14B00, s0  }
0x23c: {  	[tilespmem:s5], [sflag:$0x4] =	stream.linear.gather [hbm4b:s6+s1], $0x80, $0x38;
	[tilespmem:$0x18400] =	vst v63  }
0x23d: {  	s0 =	sadd.s32 $0x14B80, s0;
	s5 =	sadd.s32 s3, s7  }
0x23e: {  	[tilespmem:s0], [sflag:$0x4] =	stream.linear.gather [hbm4b:s5+s1], $0x80, $0x38;
	[tilespmem:$0x18400] =	vst v63  }
0x23f: {  	v0 =	vld [tilespmem:s2+$0x0];
	_ =	sdelay $0x4  }
0x240: {  	v0 =	vshll.u32 v0, $0x4  }
0x241: {  	(v2sf) =	vpush v0, $0x0  }
0x242: {  	(v2sf) =	vpush v0, $0x1  }
0x243: {  	(v2sf) =	vpush v0, $0x2;
	_ =	sdelay $0x1  }
0x244: {  	(v2sf) =	vpush v0, $0x4  }
.Ltmp5:
0x245: {  	(pc) =	sbr.rel @p0 .LBB2_12-.Ltmp5, $3  }
0x246: {  	(v2sf) =	vpush v0, $0x3  }
0x247: {  	(v2sf) =	vpush v0, $0x5;
	_ =	sdelay $0x1  }
0x248: {  	s0 =	sshra.s32 s25, $0x2;
	(v2sf) =	vpush v0, $0x6  }
0x249: {  	_ =	sdelay $0x1  }
0x24a: {  	s6 =	sadd.s32 $0x14480, s0;
	s16 =	sadd.s32 $0x14980, s0  }
0x24b: {  	s7 =	sadd.s32 $0x14780, s0;
	s2 =	sadd.s32 $0x14A00, s0;
	(v2sf) =	vpush v0, $0x7;
	s8 =	sadd.s32 $0x14680, s0  }
0x24c: {  	s9 =	sadd.s32 $0x14800, s0;
	s5 =	sadd.s32 $0x14A80, s0;
	s10 =	sadd.s32 $0x14400, s0  }
0x24d: {  	s11 =	sadd.s32 $0x14600, s0;
	s12 =	sadd.s32 $0x14700, s0;
	(v2sf) =	vpush v0, $0x8;
	s13 =	spop (v2sf)  }
0x24e: {  	s14 =	sadd.s32 $0x14500, s0;
	s13 =	sand.u32 $0x1FFFFFF0, s13;
	s15 =	spop (v2sf)  }
0x24f: {  	(v2sf) =	vpush v0, $0x9;
	s13 =	sadd.s32 s3, s13;
	s15 =	sand.u32 $0x1FFFFFF0, s15;
	s20 =	spop (v2sf)  }
0x250: {  	[tilespmem:s10], [sflag:$0x4] =	stream.linear.gather [hbm4b:s13+s1], $0x80, $0x38;
	[tilespmem:$0x18400] =	vst v63  }
0x251: {  	s23 =	sadd.s32 $0x14580, s0;
	(v2sf) =	vpush v0, $0xA;
	s28 =	sadd.s32 s3, s15;
	s29 =	spop (v2sf)  }
0x252: {  	[tilespmem:s6], [sflag:$0x4] =	stream.linear.gather [hbm4b:s28+s1], $0x80, $0x38;
	[tilespmem:$0x18400] =	vst v63  }
0x253: {  	s10 =	sadd.s32 $0x14900, s0;
	s25 =	sand.u32 $0x1FFFFFF0, s20;
	(v2sf) =	vpush v0, $0xB;
	s26 =	spop (v2sf)  }
0x254: {  	s13 =	sadd.s32 s3, s25;
	s6 =	sadd.s32 $0x14880, s0;
	s20 =	sand.u32 $0x1FFFFFF0, s26  }
0x255: {  	(v2sf) =	vpush v0, $0xC;
	[tilespmem:s14], [sflag:$0x4] =	stream.linear.gather [hbm4b:s13+s1], $0x80, $0x38;
	[tilespmem:$0x18400] =	vst v63  }
0x256: {  	s28 =	sand.u32 $0x1FFFFFF0, s29;
	s29 =	spop (v2sf);
	s25 =	sadd.s32 s3, s20  }
0x257: {  	(v2sf) =	vpush v0, $0xD;
	[tilespmem:s23], [sflag:$0x4] =	stream.linear.gather [hbm4b:s25+s1], $0x80, $0x38;
	[tilespmem:$0x18400] =	vst v63  }
0x258: {  	s13 =	sadd.s32 s3, s28;
	s14 =	sand.u32 $0x1FFFFFF0, s29;
	s26 =	spop (v2sf)  }
0x259: {  	(v2sf) =	vpush v0, $0xE;
	[tilespmem:s11], [sflag:$0x4] =	stream.linear.gather [hbm4b:s13+s1], $0x80, $0x38;
	[tilespmem:$0x18400] =	vst v63  }
0x25a: {  	s14 =	sadd.s32 s3, s14;
	s28 =	sand.u32 $0x1FFFFFF0, s26;
	s29 =	spop (v2sf)  }
0x25b: {  	(v2sf) =	vpush v0, $0xF;
	[tilespmem:s8], [sflag:$0x4] =	stream.linear.gather [hbm4b:s14+s1], $0x80, $0x38;
	[tilespmem:$0x18400] =	vst v63  }
0x25c: {  	s15 =	sand.u32 $0x1FFFFFF0, s29;
	s20 =	spop (v2sf);
	s11 =	sadd.s32 s3, s28  }
0x25d: {  	[tilespmem:s12], [sflag:$0x4] =	stream.linear.gather [hbm4b:s11+s1], $0x80, $0x38;
	[tilespmem:$0x18400] =	vst v63  }
0x25e: {  	s23 =	sand.u32 $0x1FFFFFF0, s20;
	s8 =	sadd.s32 s3, s15;
	s25 =	spop (v2sf)  }
0x25f: {  	[tilespmem:s7], [sflag:$0x4] =	stream.linear.gather [hbm4b:s8+s1], $0x80, $0x38;
	[tilespmem:$0x18400] =	vst v63  }
0x260: {  	s11 =	sadd.s32 s3, s23;
	s26 =	sand.u32 $0x1FFFFFF0, s25;
	s28 =	spop (v2sf)  }
0x261: {  	[tilespmem:s9], [sflag:$0x4] =	stream.linear.gather [hbm4b:s11+s1], $0x80, $0x38;
	[tilespmem:$0x18400] =	vst v63  }
0x262: {  	s8 =	sand.u32 $0x1FFFFFF0, s28;
	s7 =	sadd.s32 s3, s26;
	s29 =	spop (v2sf)  }
0x263: {  	[tilespmem:s6], [sflag:$0x4] =	stream.linear.gather [hbm4b:s7+s1], $0x80, $0x38;
	[tilespmem:$0x18400] =	vst v63  }
0x264: {  	s8 =	sadd.s32 s3, s8;
	s9 =	sand.u32 $0x1FFFFFF0, s29;
	s11 =	spop (v2sf)  }
0x265: {  	[tilespmem:s10], [sflag:$0x4] =	stream.linear.gather [hbm4b:s8+s1], $0x80, $0x38;
	[tilespmem:$0x18400] =	vst v63  }
0x266: {  	s6 =	sadd.s32 s3, s9;
	s7 =	sand.u32 $0x1FFFFFF0, s11;
	s12 =	spop (v2sf)  }
0x267: {  	[tilespmem:s16], [sflag:$0x4] =	stream.linear.gather [hbm4b:s6+s1], $0x80, $0x38;
	[tilespmem:$0x18400] =	vst v63  }
0x268: {  	s13 =	sand.u32 $0x1FFFFFF0, s12;
	s7 =	sadd.s32 s3, s7;
	s14 =	spop (v2sf)  }
0x269: {  	[tilespmem:s2], [sflag:$0x4] =	stream.linear.gather [hbm4b:s7+s1], $0x80, $0x38;
	[tilespmem:$0x18400] =	vst v63  }
0x26a: {  	s15 =	sand.u32 $0x1FFFFFF0, s14;
	s16 =	spop (v2sf);
	s6 =	sadd.s32 s3, s13  }
0x26b: {  	[tilespmem:s5], [sflag:$0x4] =	stream.linear.gather [hbm4b:s6+s1], $0x80, $0x38;
	[tilespmem:$0x18400] =	vst v63  }
0x26c: {  	s23 =	sadd.s32 $0x14B00, s0;
	s20 =	sand.u32 $0x1FFFFFF0, s16;
	s2 =	sadd.s32 s3, s15  }
0x26d: {  	[tilespmem:s23], [sflag:$0x4] =	stream.linear.gather [hbm4b:s2+s1], $0x80, $0x38;
	[tilespmem:$0x18400] =	vst v63  }
0x26e: {  	s25 =	sadd.s32 $0x14B80, s0;
	s26 =	sadd.s32 s3, s20  }
0x26f: {  	[tilespmem:s25], [sflag:$0x4] =	stream.linear.gather [hbm4b:s26+s1], $0x80, $0x38;
	[tilespmem:$0x18400] =	vst v63  }
0x270: {  	_ =	swait.ge [sflag:s19], $0x4000  }
0x271: {  	s31 =	simm.s32 $0x400;
	[sflag:s19] =	ssyncset.done $0x0  }
0x272: {  	s28 =	simm.s32 $0x0;
	s29 =	rddreg [dreg:$0x6];
	[sflag:s19] =	ssyncadd.s32 $0xFFFFC000  }
0x273: {  	[hbm4b:s29+s28] =	stream.linear.scatter [tilespmem:s31], [sflag:$0x5], $0x4000, $0x38;
	[tilespmem:$0x18400] =	vst v63  }
0x274: {  	_ =	swait.ge [sflag:s21], $0x4000  }
0x275: {  	[sflag:s21] =	ssyncset.done $0x0  }
0x276: {  	s2 =	simm.s32 $0x180;
	[sflag:s21] =	ssyncadd.s32 $0xFFFFC000  }
0x277: {  	v0 =	vld [tilespmem:s2+$0x0];
	_ =	sdelay $0x4  }
0x278: {  	v0 =	vshll.u32 v0, $0x4  }
0x279: {  	(v2sf) =	vpush v0, $0x0  }
0x27a: {  	(v2sf) =	vpush v0, $0x1  }
0x27b: {  	(v2sf) =	vpush v0, $0x2;
	_ =	sdelay $0x1  }
0x27c: {  	(v2sf) =	vpush v0, $0x4;
	_ =	sdelay $0x1  }
0x27d: {  	(v2sf) =	vpush v0, $0x3  }
0x27e: {  	(v2sf) =	vpush v0, $0x5  }
0x27f: {  	s0 =	simm.s32 $0x0;
	s16 =	simm.s32 $0x2000;
	(v2sf) =	vpush v0, $0x6  }
.LBB2_14:
0x280: {  	p0 =	sne.s32 s16, $0xE000  }
0x281: {  	s8 =	sadd.s32 $0x480, s0;
	s29 =	sadd.s32 $0x980, s0;
	s25 =	smov.u32 s16  }
0x282: {  	s16 =	sadd.s32 $0x2000, s16;
	s23 =	sadd.s32 $0x780, s0;
	s26 =	sadd.s32 $0xA00, s0;
	(v2sf) =	vpush v0, $0x7  }
0x283: {  	s7 =	sadd.s32 $0x680, s0;
	s5 =	sadd.s32 $0x800, s0;
	s28 =	sadd.s32 $0xA80, s0  }
0x284: {  	s9 =	sadd.s32 $0x400, s0;
	s10 =	sadd.s32 $0x600, s0;
	(v2sf) =	vpush v0, $0x8  }
0x285: {  	s11 =	sadd.s32 $0x700, s0;
	s2 =	sadd.s32 $0x10, s2  }
0x286: {  	s12 =	sadd.s32 $0x500, s0;
	s20 =	sadd.s32 $0x900, s0;
	s6 =	spop (v2sf);
	(v2sf) =	vpush v0, $0x9  }
0x287: {  	s13 =	sand.u32 $0x1FFFFFF0, s6;
	s6 =	sadd.s32 $0x880, s0;
	s14 =	spop (v2sf)  }
0x288: {  	s13 =	sadd.s32 s4, s13;
	s14 =	sand.u32 $0x1FFFFFF0, s14;
	s15 =	spop (v2sf);
	(v2sf) =	vpush v0, $0xA  }
0x289: {  	[tilespmem:s9], [sflag:$0x3] =	stream.linear.gather [hbm4b:s13+s1], $0x80, $0x38;
	[tilespmem:$0x18400] =	vst v63  }
0x28a: {  	s9 =	sadd.s32 s4, s14;
	s13 =	sadd.s32 $0x580, s0;
	s14 =	spop (v2sf);
	(v2sf) =	vpush v0, $0xB  }
0x28b: {  	[tilespmem:s8], [sflag:$0x3] =	stream.linear.gather [hbm4b:s9+s1], $0x80, $0x38;
	[tilespmem:$0x18400] =	vst v63  }
0x28c: {  	s8 =	sand.u32 $0x1FFFFFF0, s15;
	s9 =	sand.u32 $0x1FFFFFF0, s14;
	s14 =	spop (v2sf);
	(v2sf) =	vpush v0, $0xC  }
0x28d: {  	s8 =	sadd.s32 s4, s8;
	s14 =	sand.u32 $0x1FFFFFF0, s14;
	s15 =	spop (v2sf)  }
0x28e: {  	[tilespmem:s12], [sflag:$0x3] =	stream.linear.gather [hbm4b:s8+s1], $0x80, $0x38;
	(v2sf) =	vpush v0, $0xD;
	[tilespmem:$0x18400] =	vst v63  }
0x28f: {  	s8 =	sadd.s32 s4, s14;
	s12 =	sand.u32 $0x1FFFFFF0, s15;
	s14 =	spop (v2sf)  }
0x290: {  	[tilespmem:s13], [sflag:$0x3] =	stream.linear.gather [hbm4b:s8+s1], $0x80, $0x38;
	(v2sf) =	vpush v0, $0xE;
	[tilespmem:$0x18400] =	vst v63  }
0x291: {  	s8 =	sadd.s32 s4, s9;
	s9 =	sand.u32 $0x1FFFFFF0, s14;
	s13 =	spop (v2sf)  }
0x292: {  	[tilespmem:s10], [sflag:$0x3] =	stream.linear.gather [hbm4b:s8+s1], $0x80, $0x38;
	(v2sf) =	vpush v0, $0xF;
	[tilespmem:$0x18400] =	vst v63  }
0x293: {  	s8 =	sadd.s32 s4, s12;
	s10 =	sand.u32 $0x1FFFFFF0, s13;
	s12 =	spop (v2sf)  }
0x294: {  	[tilespmem:s7], [sflag:$0x3] =	stream.linear.gather [hbm4b:s8+s1], $0x80, $0x38;
	[tilespmem:$0x18400] =	vst v63  }
0x295: {  	s7 =	sadd.s32 s4, s9;
	s8 =	sand.u32 $0x1FFFFFF0, s12;
	s9 =	spop (v2sf)  }
0x296: {  	[tilespmem:s11], [sflag:$0x3] =	stream.linear.gather [hbm4b:s7+s1], $0x80, $0x38;
	[tilespmem:$0x18400] =	vst v63  }
0x297: {  	s7 =	sadd.s32 s4, s10;
	s9 =	sand.u32 $0x1FFFFFF0, s9;
	s10 =	spop (v2sf)  }
0x298: {  	[tilespmem:s23], [sflag:$0x3] =	stream.linear.gather [hbm4b:s7+s1], $0x80, $0x38;
	[tilespmem:$0x18400] =	vst v63  }
0x299: {  	s7 =	sadd.s32 s4, s8;
	s8 =	sand.u32 $0x1FFFFFF0, s10;
	s10 =	spop (v2sf)  }
0x29a: {  	[tilespmem:s5], [sflag:$0x3] =	stream.linear.gather [hbm4b:s7+s1], $0x80, $0x38;
	[tilespmem:$0x18400] =	vst v63  }
0x29b: {  	s5 =	sadd.s32 s4, s9;
	s7 =	sand.u32 $0x1FFFFFF0, s10;
	s9 =	spop (v2sf)  }
0x29c: {  	[tilespmem:s6], [sflag:$0x3] =	stream.linear.gather [hbm4b:s5+s1], $0x80, $0x38;
	[tilespmem:$0x18400] =	vst v63  }
0x29d: {  	s5 =	sadd.s32 s4, s8;
	s6 =	sand.u32 $0x1FFFFFF0, s9;
	s8 =	spop (v2sf)  }
0x29e: {  	[tilespmem:s20], [sflag:$0x3] =	stream.linear.gather [hbm4b:s5+s1], $0x80, $0x38;
	[tilespmem:$0x18400] =	vst v63  }
0x29f: {  	s5 =	sadd.s32 s4, s7;
	s7 =	sand.u32 $0x1FFFFFF0, s8;
	s8 =	spop (v2sf)  }
0x2a0: {  	[tilespmem:s29], [sflag:$0x3] =	stream.linear.gather [hbm4b:s5+s1], $0x80, $0x38;
	[tilespmem:$0x18400] =	vst v63  }
0x2a1: {  	s5 =	sadd.s32 s4, s6;
	s6 =	sand.u32 $0x1FFFFFF0, s8;
	s8 =	spop (v2sf)  }
0x2a2: {  	[tilespmem:s26], [sflag:$0x3] =	stream.linear.gather [hbm4b:s5+s1], $0x80, $0x38;
	[tilespmem:$0x18400] =	vst v63  }
0x2a3: {  	s5 =	sadd.s32 s4, s7;
	s7 =	sand.u32 $0x1FFFFFF0, s8  }
0x2a4: {  	[tilespmem:s28], [sflag:$0x3] =	stream.linear.gather [hbm4b:s5+s1], $0x80, $0x38;
	[tilespmem:$0x18400] =	vst v63  }
0x2a5: {  	s6 =	sadd.s32 s4, s6;
	s5 =	sadd.s32 $0xB00, s0  }
0x2a6: {  	[tilespmem:s5], [sflag:$0x3] =	stream.linear.gather [hbm4b:s6+s1], $0x80, $0x38;
	[tilespmem:$0x18400] =	vst v63  }
0x2a7: {  	s0 =	sadd.s32 $0xB80, s0;
	s5 =	sadd.s32 s4, s7  }
0x2a8: {  	[tilespmem:s0], [sflag:$0x3] =	stream.linear.gather [hbm4b:s5+s1], $0x80, $0x38;
	[tilespmem:$0x18400] =	vst v63  }
0x2a9: {  	v0 =	vld [tilespmem:s2+$0x0];
	_ =	sdelay $0x4  }
0x2aa: {  	v0 =	vshll.u32 v0, $0x4  }
0x2ab: {  	(v2sf) =	vpush v0, $0x0  }
0x2ac: {  	(v2sf) =	vpush v0, $0x1  }
0x2ad: {  	(v2sf) =	vpush v0, $0x2;
	_ =	sdelay $0x1  }
0x2ae: {  	(v2sf) =	vpush v0, $0x4  }
.Ltmp6:
0x2af: {  	(pc) =	sbr.rel @p0 .LBB2_14-.Ltmp6, $3  }
0x2b0: {  	(v2sf) =	vpush v0, $0x3  }
0x2b1: {  	(v2sf) =	vpush v0, $0x5;
	_ =	sdelay $0x1  }
0x2b2: {  	s0 =	sshra.s32 s25, $0x2;
	(v2sf) =	vpush v0, $0x6  }
0x2b3: {  	_ =	sdelay $0x1  }
0x2b4: {  	s6 =	sadd.s32 $0x480, s0;
	s16 =	sadd.s32 $0x980, s0  }
0x2b5: {  	s7 =	sadd.s32 $0x780, s0;
	s2 =	sadd.s32 $0xA00, s0;
	(v2sf) =	vpush v0, $0x7;
	s8 =	sadd.s32 $0x680, s0  }
0x2b6: {  	s9 =	sadd.s32 $0x800, s0;
	s5 =	sadd.s32 $0xA80, s0;
	s10 =	sadd.s32 $0x400, s0  }
0x2b7: {  	s11 =	sadd.s32 $0x600, s0;
	s12 =	sadd.s32 $0x700, s0;
	(v2sf) =	vpush v0, $0x8;
	s13 =	spop (v2sf)  }
0x2b8: {  	s14 =	sadd.s32 $0x500, s0;
	s13 =	sand.u32 $0x1FFFFFF0, s13;
	s15 =	spop (v2sf)  }
0x2b9: {  	(v2sf) =	vpush v0, $0x9;
	s13 =	sadd.s32 s4, s13;
	s15 =	sand.u32 $0x1FFFFFF0, s15;
	s20 =	spop (v2sf)  }
0x2ba: {  	[tilespmem:s10], [sflag:$0x3] =	stream.linear.gather [hbm4b:s13+s1], $0x80, $0x38;
	[tilespmem:$0x18400] =	vst v63  }
0x2bb: {  	s23 =	sadd.s32 $0x580, s0;
	(v2sf) =	vpush v0, $0xA;
	s28 =	sadd.s32 s4, s15;
	s29 =	spop (v2sf)  }
0x2bc: {  	[tilespmem:s6], [sflag:$0x3] =	stream.linear.gather [hbm4b:s28+s1], $0x80, $0x38;
	[tilespmem:$0x18400] =	vst v63  }
0x2bd: {  	s10 =	sadd.s32 $0x900, s0;
	s25 =	sand.u32 $0x1FFFFFF0, s20;
	(v2sf) =	vpush v0, $0xB;
	s26 =	spop (v2sf)  }
0x2be: {  	s13 =	sadd.s32 s4, s25;
	s6 =	sadd.s32 $0x880, s0;
	s20 =	sand.u32 $0x1FFFFFF0, s26  }
0x2bf: {  	(v2sf) =	vpush v0, $0xC;
	[tilespmem:s14], [sflag:$0x3] =	stream.linear.gather [hbm4b:s13+s1], $0x80, $0x38;
	[tilespmem:$0x18400] =	vst v63  }
0x2c0: {  	s28 =	sand.u32 $0x1FFFFFF0, s29;
	s29 =	spop (v2sf);
	s25 =	sadd.s32 s4, s20  }
0x2c1: {  	(v2sf) =	vpush v0, $0xD;
	[tilespmem:s23], [sflag:$0x3] =	stream.linear.gather [hbm4b:s25+s1], $0x80, $0x38;
	[tilespmem:$0x18400] =	vst v63  }
0x2c2: {  	s13 =	sadd.s32 s4, s28;
	s14 =	sand.u32 $0x1FFFFFF0, s29;
	s26 =	spop (v2sf)  }
0x2c3: {  	(v2sf) =	vpush v0, $0xE;
	[tilespmem:s11], [sflag:$0x3] =	stream.linear.gather [hbm4b:s13+s1], $0x80, $0x38;
	[tilespmem:$0x18400] =	vst v63  }
0x2c4: {  	s14 =	sadd.s32 s4, s14;
	s28 =	sand.u32 $0x1FFFFFF0, s26;
	s29 =	spop (v2sf)  }
0x2c5: {  	(v2sf) =	vpush v0, $0xF;
	[tilespmem:s8], [sflag:$0x3] =	stream.linear.gather [hbm4b:s14+s1], $0x80, $0x38;
	[tilespmem:$0x18400] =	vst v63  }
0x2c6: {  	s15 =	spop (v2sf);
	s11 =	sadd.s32 s4, s28;
	s14 =	sand.u32 $0x1FFFFFF0, s29  }
0x2c7: {  	[tilespmem:s12], [sflag:$0x3] =	stream.linear.gather [hbm4b:s11+s1], $0x80, $0x38;
	[tilespmem:$0x18400] =	vst v63  }
0x2c8: {  	s20 =	sand.u32 $0x1FFFFFF0, s15;
	s8 =	sadd.s32 s4, s14;
	s23 =	spop (v2sf)  }
0x2c9: {  	[tilespmem:s7], [sflag:$0x3] =	stream.linear.gather [hbm4b:s8+s1], $0x80, $0x38;
	[tilespmem:$0x18400] =	vst v63  }
0x2ca: {  	s11 =	sadd.s32 s4, s20;
	s25 =	sand.u32 $0x1FFFFFF0, s23;
	s26 =	spop (v2sf)  }
0x2cb: {  	[tilespmem:s9], [sflag:$0x3] =	stream.linear.gather [hbm4b:s11+s1], $0x80, $0x38;
	[tilespmem:$0x18400] =	vst v63  }
0x2cc: {  	s8 =	sand.u32 $0x1FFFFFF0, s26;
	s7 =	sadd.s32 s4, s25;
	s28 =	spop (v2sf)  }
0x2cd: {  	[tilespmem:s6], [sflag:$0x3] =	stream.linear.gather [hbm4b:s7+s1], $0x80, $0x38;
	[tilespmem:$0x18400] =	vst v63  }
0x2ce: {  	s8 =	sadd.s32 s4, s8;
	s29 =	sand.u32 $0x1FFFFFF0, s28;
	s9 =	spop (v2sf)  }
0x2cf: {  	[tilespmem:s10], [sflag:$0x3] =	stream.linear.gather [hbm4b:s8+s1], $0x80, $0x38;
	[tilespmem:$0x18400] =	vst v63  }
0x2d0: {  	s6 =	sadd.s32 s4, s29;
	s7 =	sand.u32 $0x1FFFFFF0, s9;
	s11 =	spop (v2sf)  }
0x2d1: {  	[tilespmem:s16], [sflag:$0x3] =	stream.linear.gather [hbm4b:s6+s1], $0x80, $0x38;
	[tilespmem:$0x18400] =	vst v63  }
0x2d2: {  	s12 =	sand.u32 $0x1FFFFFF0, s11;
	s7 =	sadd.s32 s4, s7;
	s13 =	spop (v2sf)  }
0x2d3: {  	[tilespmem:s2], [sflag:$0x3] =	stream.linear.gather [hbm4b:s7+s1], $0x80, $0x38;
	[tilespmem:$0x18400] =	vst v63  }
0x2d4: {  	s14 =	sand.u32 $0x1FFFFFF0, s13;
	s15 =	spop (v2sf);
	s6 =	sadd.s32 s4, s12  }
0x2d5: {  	[tilespmem:s5], [sflag:$0x3] =	stream.linear.gather [hbm4b:s6+s1], $0x80, $0x38;
	[tilespmem:$0x18400] =	vst v63  }
0x2d6: {  	s20 =	sadd.s32 $0xB00, s0;
	s16 =	sand.u32 $0x1FFFFFF0, s15;
	s2 =	sadd.s32 s4, s14  }
0x2d7: {  	[tilespmem:s20], [sflag:$0x3] =	stream.linear.gather [hbm4b:s2+s1], $0x80, $0x38;
	[tilespmem:$0x18400] =	vst v63  }
0x2d8: {  	s23 =	sadd.s32 $0xB80, s0;
	s25 =	sadd.s32 s4, s16  }
0x2d9: {  	[tilespmem:s23], [sflag:$0x3] =	stream.linear.gather [hbm4b:s25+s1], $0x80, $0x38;
	[tilespmem:$0x18400] =	vst v63  }
0x2da: {  	_ =	swait.ge [sflag:s22], $0x4000  }
0x2db: {  	s26 =	simm.s32 $0x0;
	[sflag:s22] =	ssyncset.done $0x0  }
0x2dc: {  	s29 =	simm.s32 $0x4400;
	s28 =	rddreg [dreg:$0x7];
	[sflag:s22] =	ssyncadd.s32 $0xFFFFC000  }
0x2dd: {  	[hbm4b:s28+s26] =	stream.linear.scatter [tilespmem:s29], [sflag:$0x6], $0x4000, $0x38;
	[tilespmem:$0x18400] =	vst v63  }
0x2de: {  	_ =	swait.ge [sflag:s24], $0x4000  }
0x2df: {  	[sflag:s24] =	ssyncset.done $0x0  }
0x2e0: {  	s2 =	simm.s32 $0x380;
	[sflag:s24] =	ssyncadd.s32 $0xFFFFC000  }
0x2e1: {  	v0 =	vld [tilespmem:s2+$0x0];
	_ =	sdelay $0x4  }
0x2e2: {  	v0 =	vshll.u32 v0, $0x4  }
0x2e3: {  	(v2sf) =	vpush v0, $0x0  }
0x2e4: {  	(v2sf) =	vpush v0, $0x1  }
0x2e5: {  	(v2sf) =	vpush v0, $0x2;
	_ =	sdelay $0x1  }
0x2e6: {  	(v2sf) =	vpush v0, $0x4;
	_ =	sdelay $0x1  }
0x2e7: {  	(v2sf) =	vpush v0, $0x3  }
0x2e8: {  	(v2sf) =	vpush v0, $0x5  }
0x2e9: {  	s0 =	simm.s32 $0x0;
	s16 =	simm.s32 $0x2000;
	(v2sf) =	vpush v0, $0x6  }
.LBB2_16:
0x2ea: {  	p0 =	sne.s32 s16, $0xE000  }
0x2eb: {  	s8 =	sadd.s32 $0x4480, s0;
	s29 =	sadd.s32 $0x4980, s0;
	s25 =	smov.u32 s16  }
0x2ec: {  	s16 =	sadd.s32 $0x2000, s16;
	s23 =	sadd.s32 $0x4780, s0;
	s26 =	sadd.s32 $0x4A00, s0;
	(v2sf) =	vpush v0, $0x7  }
0x2ed: {  	s7 =	sadd.s32 $0x4680, s0;
	s5 =	sadd.s32 $0x4800, s0;
	s28 =	sadd.s32 $0x4A80, s0  }
0x2ee: {  	s9 =	sadd.s32 $0x4400, s0;
	s10 =	sadd.s32 $0x4600, s0;
	(v2sf) =	vpush v0, $0x8  }
0x2ef: {  	s11 =	sadd.s32 $0x4700, s0;
	s2 =	sadd.s32 $0x10, s2  }
0x2f0: {  	s12 =	sadd.s32 $0x4500, s0;
	s20 =	sadd.s32 $0x4900, s0;
	s6 =	spop (v2sf);
	(v2sf) =	vpush v0, $0x9  }
0x2f1: {  	s13 =	sand.u32 $0x1FFFFFF0, s6;
	s6 =	sadd.s32 $0x4880, s0;
	s14 =	spop (v2sf)  }
0x2f2: {  	s13 =	sadd.s32 s3, s13;
	s14 =	sand.u32 $0x1FFFFFF0, s14;
	s15 =	spop (v2sf);
	(v2sf) =	vpush v0, $0xA  }
0x2f3: {  	[tilespmem:s9], [sflag:$0x4] =	stream.linear.gather [hbm4b:s13+s1], $0x80, $0x38;
	[tilespmem:$0x18400] =	vst v63  }
0x2f4: {  	s9 =	sadd.s32 s3, s14;
	s13 =	sadd.s32 $0x4580, s0;
	s14 =	spop (v2sf);
	(v2sf) =	vpush v0, $0xB  }
0x2f5: {  	[tilespmem:s8], [sflag:$0x4] =	stream.linear.gather [hbm4b:s9+s1], $0x80, $0x38;
	[tilespmem:$0x18400] =	vst v63  }
0x2f6: {  	s8 =	sand.u32 $0x1FFFFFF0, s15;
	s9 =	sand.u32 $0x1FFFFFF0, s14;
	s14 =	spop (v2sf);
	(v2sf) =	vpush v0, $0xC  }
0x2f7: {  	s8 =	sadd.s32 s3, s8;
	s14 =	sand.u32 $0x1FFFFFF0, s14;
	s15 =	spop (v2sf)  }
0x2f8: {  	[tilespmem:s12], [sflag:$0x4] =	stream.linear.gather [hbm4b:s8+s1], $0x80, $0x38;
	(v2sf) =	vpush v0, $0xD;
	[tilespmem:$0x18400] =	vst v63  }
0x2f9: {  	s8 =	sadd.s32 s3, s14;
	s12 =	sand.u32 $0x1FFFFFF0, s15;
	s14 =	spop (v2sf)  }
0x2fa: {  	[tilespmem:s13], [sflag:$0x4] =	stream.linear.gather [hbm4b:s8+s1], $0x80, $0x38;
	(v2sf) =	vpush v0, $0xE;
	[tilespmem:$0x18400] =	vst v63  }
0x2fb: {  	s8 =	sadd.s32 s3, s9;
	s9 =	sand.u32 $0x1FFFFFF0, s14;
	s13 =	spop (v2sf)  }
0x2fc: {  	[tilespmem:s10], [sflag:$0x4] =	stream.linear.gather [hbm4b:s8+s1], $0x80, $0x38;
	(v2sf) =	vpush v0, $0xF;
	[tilespmem:$0x18400] =	vst v63  }
0x2fd: {  	s8 =	sadd.s32 s3, s12;
	s10 =	sand.u32 $0x1FFFFFF0, s13;
	s12 =	spop (v2sf)  }
0x2fe: {  	[tilespmem:s7], [sflag:$0x4] =	stream.linear.gather [hbm4b:s8+s1], $0x80, $0x38;
	[tilespmem:$0x18400] =	vst v63  }
0x2ff: {  	s7 =	sadd.s32 s3, s9;
	s8 =	sand.u32 $0x1FFFFFF0, s12;
	s9 =	spop (v2sf)  }
0x300: {  	[tilespmem:s11], [sflag:$0x4] =	stream.linear.gather [hbm4b:s7+s1], $0x80, $0x38;
	[tilespmem:$0x18400] =	vst v63  }
0x301: {  	s7 =	sadd.s32 s3, s10;
	s9 =	sand.u32 $0x1FFFFFF0, s9;
	s10 =	spop (v2sf)  }
0x302: {  	[tilespmem:s23], [sflag:$0x4] =	stream.linear.gather [hbm4b:s7+s1], $0x80, $0x38;
	[tilespmem:$0x18400] =	vst v63  }
0x303: {  	s7 =	sadd.s32 s3, s8;
	s8 =	sand.u32 $0x1FFFFFF0, s10;
	s10 =	spop (v2sf)  }
0x304: {  	[tilespmem:s5], [sflag:$0x4] =	stream.linear.gather [hbm4b:s7+s1], $0x80, $0x38;
	[tilespmem:$0x18400] =	vst v63  }
0x305: {  	s5 =	sadd.s32 s3, s9;
	s7 =	sand.u32 $0x1FFFFFF0, s10;
	s9 =	spop (v2sf)  }
0x306: {  	[tilespmem:s6], [sflag:$0x4] =	stream.linear.gather [hbm4b:s5+s1], $0x80, $0x38;
	[tilespmem:$0x18400] =	vst v63  }
0x307: {  	s5 =	sadd.s32 s3, s8;
	s6 =	sand.u32 $0x1FFFFFF0, s9;
	s8 =	spop (v2sf)  }
0x308: {  	[tilespmem:s20], [sflag:$0x4] =	stream.linear.gather [hbm4b:s5+s1], $0x80, $0x38;
	[tilespmem:$0x18400] =	vst v63  }
0x309: {  	s5 =	sadd.s32 s3, s7;
	s7 =	sand.u32 $0x1FFFFFF0, s8;
	s8 =	spop (v2sf)  }
0x30a: {  	[tilespmem:s29], [sflag:$0x4] =	stream.linear.gather [hbm4b:s5+s1], $0x80, $0x38;
	[tilespmem:$0x18400] =	vst v63  }
0x30b: {  	s5 =	sadd.s32 s3, s6;
	s6 =	sand.u32 $0x1FFFFFF0, s8;
	s8 =	spop (v2sf)  }
0x30c: {  	[tilespmem:s26], [sflag:$0x4] =	stream.linear.gather [hbm4b:s5+s1], $0x80, $0x38;
	[tilespmem:$0x18400] =	vst v63  }
0x30d: {  	s5 =	sadd.s32 s3, s7;
	s7 =	sand.u32 $0x1FFFFFF0, s8  }
0x30e: {  	[tilespmem:s28], [sflag:$0x4] =	stream.linear.gather [hbm4b:s5+s1], $0x80, $0x38;
	[tilespmem:$0x18400] =	vst v63  }
0x30f: {  	s6 =	sadd.s32 s3, s6;
	s5 =	sadd.s32 $0x4B00, s0  }
0x310: {  	[tilespmem:s5], [sflag:$0x4] =	stream.linear.gather [hbm4b:s6+s1], $0x80, $0x38;
	[tilespmem:$0x18400] =	vst v63  }
0x311: {  	s0 =	sadd.s32 $0x4B80, s0;
	s5 =	sadd.s32 s3, s7  }
0x312: {  	[tilespmem:s0], [sflag:$0x4] =	stream.linear.gather [hbm4b:s5+s1], $0x80, $0x38;
	[tilespmem:$0x18400] =	vst v63  }
0x313: {  	v0 =	vld [tilespmem:s2+$0x0];
	_ =	sdelay $0x4  }
0x314: {  	v0 =	vshll.u32 v0, $0x4  }
0x315: {  	(v2sf) =	vpush v0, $0x0  }
0x316: {  	(v2sf) =	vpush v0, $0x1  }
0x317: {  	(v2sf) =	vpush v0, $0x2;
	_ =	sdelay $0x1  }
0x318: {  	(v2sf) =	vpush v0, $0x4  }
.Ltmp7:
0x319: {  	(pc) =	sbr.rel @p0 .LBB2_16-.Ltmp7, $3  }
0x31a: {  	(v2sf) =	vpush v0, $0x3  }
0x31b: {  	(v2sf) =	vpush v0, $0x5;
	_ =	sdelay $0x1  }
0x31c: {  	s0 =	sshra.s32 s25, $0x2;
	(v2sf) =	vpush v0, $0x6  }
0x31d: {  	_ =	sdelay $0x5  }
0x31e: {  	s2 =	spop (v2sf)  }
0x31f: {  	s5 =	spop (v2sf)  }
0x320: {  	s20 =	spop (v2sf)  }
0x321: {  	s26 =	spop (v2sf);
	(v2sf) =	vpush v0, $0x7  }
0x322: {  	s2 =	sand.u32 $0x1FFFFFF0, s2  }
0x323: {  	s6 =	sadd.s32 $0x4400, s0;
	s2 =	sadd.s32 s3, s2  }
0x324: {  	[tilespmem:s6], [sflag:$0x4] =	stream.linear.gather [hbm4b:s2+s1], $0x80, $0x38;
	[tilespmem:$0x18400] =	vst v63  }
0x325: {  	s5 =	sand.u32 $0x1FFFFFF0, s5;
	s28 =	spop (v2sf);
	(v2sf) =	vpush v0, $0x8  }
0x326: {  	s16 =	sadd.s32 $0x4480, s0;
	s5 =	sadd.s32 s3, s5  }
0x327: {  	[tilespmem:s16], [sflag:$0x4] =	stream.linear.gather [hbm4b:s5+s1], $0x80, $0x38;
	[tilespmem:$0x18400] =	vst v63  }
0x328: {  	s23 =	sand.u32 $0x1FFFFFF0, s20;
	s7 =	spop (v2sf);
	(v2sf) =	vpush v0, $0x9  }
0x329: {  	s25 =	sadd.s32 $0x4500, s0;
	s2 =	sadd.s32 s3, s23  }
0x32a: {  	[tilespmem:s25], [sflag:$0x4] =	stream.linear.gather [hbm4b:s2+s1], $0x80, $0x38;
	[tilespmem:$0x18400] =	vst v63  }
0x32b: {  	s2 =	sand.u32 $0x1FFFFFF0, s28;
	s9 =	spop (v2sf);
	(v2sf) =	vpush v0, $0xA  }
0x32c: {  	s29 =	sadd.s32 $0x4580, s0;
	s5 =	sand.u32 $0x1FFFFFF0, s26;
	s2 =	sadd.s32 s3, s2  }
0x32d: {  	[tilespmem:s29], [sflag:$0x4] =	stream.linear.gather [hbm4b:s2+s1], $0x80, $0x38;
	[tilespmem:$0x18400] =	vst v63  }
0x32e: {  	s6 =	sadd.s32 $0x4600, s0;
	s2 =	sadd.s32 s3, s5  }
0x32f: {  	[tilespmem:s6], [sflag:$0x4] =	stream.linear.gather [hbm4b:s2+s1], $0x80, $0x38;
	[tilespmem:$0x18400] =	vst v63  }
0x330: {  	s2 =	sand.u32 $0x1FFFFFF0, s7;
	s11 =	spop (v2sf);
	(v2sf) =	vpush v0, $0xB  }
0x331: {  	s8 =	sadd.s32 $0x4680, s0;
	s2 =	sadd.s32 s3, s2  }
0x332: {  	[tilespmem:s8], [sflag:$0x4] =	stream.linear.gather [hbm4b:s2+s1], $0x80, $0x38;
	[tilespmem:$0x18400] =	vst v63  }
0x333: {  	s2 =	sand.u32 $0x1FFFFFF0, s9  }
0x334: {  	s10 =	sadd.s32 $0x4700, s0;
	s2 =	sadd.s32 s3, s2;
	s13 =	spop (v2sf);
	(v2sf) =	vpush v0, $0xC  }
0x335: {  	[tilespmem:s10], [sflag:$0x4] =	stream.linear.gather [hbm4b:s2+s1], $0x80, $0x38;
	[tilespmem:$0x18400] =	vst v63  }
0x336: {  	s2 =	sand.u32 $0x1FFFFFF0, s11  }
0x337: {  	s12 =	sadd.s32 $0x4780, s0;
	s2 =	sadd.s32 s3, s2;
	s15 =	spop (v2sf);
	(v2sf) =	vpush v0, $0xD  }
0x338: {  	[tilespmem:s12], [sflag:$0x4] =	stream.linear.gather [hbm4b:s2+s1], $0x80, $0x38;
	[tilespmem:$0x18400] =	vst v63  }
0x339: {  	s2 =	sand.u32 $0x1FFFFFF0, s13  }
0x33a: {  	s14 =	sadd.s32 $0x4800, s0;
	s2 =	sadd.s32 s3, s2;
	s20 =	spop (v2sf);
	(v2sf) =	vpush v0, $0xE  }
0x33b: {  	[tilespmem:s14], [sflag:$0x4] =	stream.linear.gather [hbm4b:s2+s1], $0x80, $0x38;
	[tilespmem:$0x18400] =	vst v63  }
0x33c: {  	s2 =	sand.u32 $0x1FFFFFF0, s15  }
0x33d: {  	s16 =	sadd.s32 $0x4880, s0;
	s2 =	sadd.s32 s3, s2  }
0x33e: {  	[tilespmem:s16], [sflag:$0x4] =	stream.linear.gather [hbm4b:s2+s1], $0x80, $0x38;
	[tilespmem:$0x18400] =	vst v63  }
0x33f: {  	s2 =	sand.u32 $0x1FFFFFF0, s20;
	s25 =	spop (v2sf);
	(v2sf) =	vpush v0, $0xF  }
0x340: {  	s23 =	sadd.s32 $0x4900, s0;
	s2 =	sadd.s32 s3, s2  }
0x341: {  	[tilespmem:s23], [sflag:$0x4] =	stream.linear.gather [hbm4b:s2+s1], $0x80, $0x38;
	[tilespmem:$0x18400] =	vst v63  }
0x342: {  	s2 =	sand.u32 $0x1FFFFFF0, s25  }
0x343: {  	s26 =	sadd.s32 $0x4980, s0;
	s2 =	sadd.s32 s3, s2;
	s28 =	spop (v2sf)  }
0x344: {  	[tilespmem:s26], [sflag:$0x4] =	stream.linear.gather [hbm4b:s2+s1], $0x80, $0x38;
	[tilespmem:$0x18400] =	vst v63  }
0x345: {  	s2 =	sand.u32 $0x1FFFFFF0, s28  }
0x346: {  	s29 =	sadd.s32 $0x4A00, s0;
	s6 =	spop (v2sf);
	s2 =	sadd.s32 s3, s2  }
0x347: {  	[tilespmem:s29], [sflag:$0x4] =	stream.linear.gather [hbm4b:s2+s1], $0x80, $0x38;
	[tilespmem:$0x18400] =	vst v63  }
0x348: {  	s2 =	sand.u32 $0x1FFFFFF0, s6  }
0x349: {  	s7 =	sadd.s32 $0x4A80, s0;
	s8 =	spop (v2sf);
	s2 =	sadd.s32 s3, s2  }
0x34a: {  	[tilespmem:s7], [sflag:$0x4] =	stream.linear.gather [hbm4b:s2+s1], $0x80, $0x38;
	[tilespmem:$0x18400] =	vst v63  }
0x34b: {  	s2 =	sand.u32 $0x1FFFFFF0, s8  }
0x34c: {  	s9 =	sadd.s32 $0x4B00, s0;
	s2 =	sadd.s32 s3, s2  }
0x34d: {  	[tilespmem:s9], [sflag:$0x4] =	stream.linear.gather [hbm4b:s2+s1], $0x80, $0x38;
	[tilespmem:$0x18400] =	vst v63  }
0x34e: {  	s10 =	spop (v2sf)  }
0x34f: {  	s2 =	sand.u32 $0x1FFFFFF0, s10  }
0x350: {  	s11 =	sadd.s32 $0x4B80, s0;
	s2 =	sadd.s32 s3, s2  }
0x351: {  	[tilespmem:s11], [sflag:$0x4] =	stream.linear.gather [hbm4b:s2+s1], $0x80, $0x38;
	[tilespmem:$0x18400] =	vst v63  }
0x352: {  	_ =	swait.ge [sflag:s19], $0x4000  }
0x353: {  	[sflag:s19] =	ssyncset.done $0x0  }
0x354: {  	s13 =	simm.s32 $0x8400;
	s12 =	rddreg [dreg:$0x8];
	[sflag:s19] =	ssyncadd.s32 $0xFFFFC000  }
0x355: {  	[hbm4b:s12+s1] =	stream.linear.scatter [tilespmem:s13], [sflag:$0x5], $0x4000, $0x38;
	[tilespmem:$0x18400] =	vst v63  }
0x356: {  	_ =	swait.ge [sflag:s22], $0x4000  }
0x357: {  	[sflag:s22] =	ssyncset.done $0x0  }
0x358: {  	s15 =	simm.s32 $0xC400;
	s14 =	rddreg [dreg:$0x9];
	[sflag:s22] =	ssyncadd.s32 $0xFFFFC000  }
0x359: {  	[hbm4b:s14+s1] =	stream.linear.scatter [tilespmem:s15], [sflag:$0x6], $0x4000, $0x38;
	[tilespmem:$0x18400] =	vst v63  }
0x35a: {  	_ =	swait.ge [sflag:s19], $0x4000  }
0x35b: {  	[sflag:s19] =	ssyncset.done $0x0  }
0x35c: {  	s20 =	simm.s32 $0x10400;
	s16 =	rddreg [dreg:$0xa];
	[sflag:s19] =	ssyncadd.s32 $0xFFFFC000  }
0x35d: {  	[hbm4b:s16+s1] =	stream.linear.scatter [tilespmem:s20], [sflag:$0x5], $0x4000, $0x38;
	[tilespmem:$0x18400] =	vst v63  }
0x35e: {  	_ =	swait.ge [sflag:s22], $0x4000  }
0x35f: {  	[sflag:s22] =	ssyncset.done $0x0  }
0x360: {  	s25 =	simm.s32 $0x14400;
	s23 =	rddreg [dreg:$0xb];
	[sflag:s22] =	ssyncadd.s32 $0xFFFFC000  }
0x361: {  	[hbm4b:s23+s1] =	stream.linear.scatter [tilespmem:s25], [sflag:$0x6], $0x4000, $0x38;
	[tilespmem:$0x18400] =	vst v63  }
0x362: {  	_ =	swait.ge [sflag:s19], $0x4000  }
0x363: {  	[sflag:s19] =	ssyncset.done $0x0  }
0x364: {  	s26 =	rddreg [dreg:$0xc];
	[sflag:s19] =	ssyncadd.s32 $0xFFFFC000  }
0x365: {  	[hbm4b:s26+s1] =	stream.linear.scatter [tilespmem:s31], [sflag:$0x5], $0x4000, $0x38;
	[tilespmem:$0x18400] =	vst v63  }
0x366: {  	_ =	swait.ge [sflag:s22], $0x4000  }
0x367: {  	[sflag:s22] =	ssyncset.done $0x0  }
0x368: {  	s29 =	simm.s32 $0x4400;
	s28 =	rddreg [dreg:$0xd];
	[sflag:s22] =	ssyncadd.s32 $0xFFFFC000  }
0x369: {  	[hbm4b:s28+s1] =	stream.linear.scatter [tilespmem:s29], [sflag:$0x6], $0x4000, $0x38;
	[tilespmem:$0x18400] =	vst v63  }
0x36a: {  	_ =	swait.ge [sflag:s21], $0x4000  }
0x36b: {  	[sflag:s21] =	ssyncset.done $0x0  }
0x36c: {  	[sflag:s21] =	ssyncadd.s32 $0xFFFFC000  }
0x36d: {  	_ =	swait.ge [sflag:s24], $0x4000  }
0x36e: {  	[sflag:s24] =	ssyncset.done $0x0  }
0x36f: {  	[sflag:s24] =	ssyncadd.s32 $0xFFFFC000  }
0x370: {  	_ =	swait.ge [sflag:s21], $0x4000  }
0x371: {  	[sflag:s21] =	ssyncset.done $0x0  }
0x372: {  	[sflag:s21] =	ssyncadd.s32 $0xFFFFC000  }
0x373: {  	_ =	swait.ge [sflag:s24], $0x4000  }
0x374: {  	[sflag:s24] =	ssyncset.done $0x0  }
0x375: {  	[sflag:s24] =	ssyncadd.s32 $0xFFFFC000  }
0x376: {  	_ =	swait.ge [sflag:s21], $0x4000  }
0x377: {  	[sflag:s21] =	ssyncset.done $0x0  }
0x378: {  	[sflag:s21] =	ssyncadd.s32 $0xFFFFC000  }
0x379: {  	_ =	swait.ge [sflag:s24], $0x4000  }
0x37a: {  	s30 =	sadd.s32 $0x1, s30;
	s31 =	rddreg [dreg:$0xe]  }
0x37b: {  	p0 =	sne.s32 s30, s31  }
.Ltmp8:
0x37c: {  	_ = 	snop;
	(pc) =	sbr.rel @p0 .LBB2_1-.Ltmp8, $3  }
0x37d: {  	_ =	sdelay $0x1  }
0x37e: {  	[sflag:s24] =	ssyncset.done $0x0  }
0x37f: {  	[sflag:s24] =	ssyncadd.s32 $0xFFFFC000  }
0x380: {  	_ =	sfence.sel $0x180000  }
0x381: {  	[bflag:$0x0] =	sbarrier.arrive $0xFFFF  }
0x382: {  	_ =	strace $0x90000047  }
0x383: {  	s0 =	stileid.u32;
	[bflag:$0x2] =	sbarrier.arrive $0xFFFF  }
0x384: {  	p0 =	sne.s32 s0, $0x0;
	s0 =	rddreg [dreg:$0x3]  }
0x385: {  	s0 =	sadd.s32 @!p0 $0x100000, s0  }
0x386: {  	[sflag:s0] =	ssyncadd.tile.s32 @!p0 $0x1;
	_ =	shalt  }
.Lfunc_end2:
_tile_overlayer_lowered:
.L_overlay_start_2:
0x387: {  	(tag) =	ssettag $0x2  }
0x388: {  	s0 =	rddreg [dreg:$0x0];
	s2 =	stileid.u32  }
0x389: {  	s1 =	rddreg [dreg:$0x1];
	p0 =	sne.s32 s2, $0x0  }
0x38a: {  	s3 =	rddreg [dreg:$0x2];
	[bflag:$0x3] =	sbarrier.arrive $0xFFFF;
	s2 =	simm.s32 @!p0 $0x1C07  }
0x38b: {  	[timem:s3], [sflag:s2] =	dma.local @!p0 [hbm:s0], s1  }
0x38c: {  	s0 =	simm.s32 @!p0 $0x7  }
0x38d: {  	_ =	swait.ge @!p0 [sflag:s0], s1  }
0x38e: {  	s1 =	ssub.s32 @!p0 $0x0, s1;
	[sflag:s0] =	ssyncset.done @!p0 $0x0  }
0x38f: {  	[sflag:s0] =	ssyncadd.s32 @!p0 s1  }
0x390: {  	[bflag:$0x3] =	sbarrier.arrive $0xFFFF  }
0x391: {  	_ =	shalt  }

</sc_bundles>
